<compile_context>
chip_gen: v7x
topology: tpu7x:2x2x1
jax: 0.10.2.dev20260603
libtpu: 0.0.44.dev20260713+nightly
codegen_flags: <defaults>
</compile_context>

<pallas_src>
import functools

import jax
import jax.numpy as jnp
from jax import lax
from jax.experimental import pallas as pl
from jax.experimental.pallas import tpu as pltpu
from jax.experimental.pallas import tpu_sc as plsc

N = 10000
E = 60000
B = 64
IN = 1280
ED = 16
HID = 256

EP = 61440
EPH = EP // 2
GW = 120
SW = 128
BN = 400
BE1 = 512
BE4 = 1024

_f32 = jnp.float32



def _make_gather(d, mesh, dtype=_f32, gw=GW):
    chunk = EPH // 32
    nwin = chunk // gw

    @functools.partial(
        pl.kernel,
        out_type=jax.ShapeDtypeStruct((EPH, d), dtype),
        mesh=mesh,
        scratch_types=[
            pltpu.VMEM((nwin, gw), jnp.int32),
            pltpu.VMEM((gw, d), dtype),
            pltpu.SemaphoreType.DMA,
        ],
    )
    def gk(tbl_hbm, src3_hbm, out_hbm, idx_v, rows_v, sem):
        c = lax.axis_index("c")
        s = lax.axis_index("s")
        wid = s * 2 + c
        ebase = wid * chunk
        pltpu.sync_copy(src3_hbm.at[wid], idx_v)

        def body(g, carry):
            pltpu.async_copy(tbl_hbm.at[idx_v.at[g]], rows_v, sem).wait()
            pltpu.sync_copy(rows_v, out_hbm.at[pl.ds(ebase + g * gw, gw)])
            return carry

        lax.fori_loop(0, nwin, body, 0)

    return gk


NROW = 10112
ZR = NROW // 16
HC = HID // 2


def _make_scatter(mesh):
    nwin = EPH // 16 // SW

    @functools.partial(
        pl.kernel,
        out_type=jax.ShapeDtypeStruct((NROW, HID), _f32),
        mesh=mesh,
        scratch_types=[
            pltpu.VMEM((nwin, SW), jnp.int32),
            pltpu.VMEM((nwin, SW), jnp.int32),
            pltpu.VMEM((SW, HC), _f32),
            pltpu.VMEM_SHARED((NROW, HC), _f32),
        ],
    )
    def _scatter_kernel(msga_hbm, msgb_hbm, dsta_hbm, dstb_hbm, zero_hbm,
                        agg_hbm, idxa, idxb, updbuf, acc):
        c = lax.axis_index("c")
        s = lax.axis_index("s")
        ebase = s * (EPH // 16)
        col = c * HC
        pltpu.sync_copy(dsta_hbm.at[s], idxa)
        pltpu.sync_copy(dstb_hbm.at[s], idxb)
        pltpu.sync_copy(zero_hbm, acc.at[pl.ds(s * ZR, ZR)])
        plsc.subcore_barrier()

        def slab(msg_hbm, idxbuf):
            def body(g, carry):
                pltpu.sync_copy(
                    msg_hbm.at[pl.ds(ebase + g * SW, SW), pl.ds(col, HC)],
                    updbuf)
                pltpu.sync_copy(updbuf, acc.at[idxbuf.at[g]], add=True)
                return carry
            lax.fori_loop(0, nwin, body, 0)

        slab(msga_hbm, idxa)
        slab(msgb_hbm, idxb)
        plsc.subcore_barrier()
        pltpu.sync_copy(
            acc.at[pl.ds(s * ZR, ZR)],
            agg_hbm.at[pl.ds(s * ZR, ZR), pl.ds(col, HC)])

    return _scatter_kernel


@functools.lru_cache(maxsize=1)
def _sc_kernels():
    mesh = plsc.VectorSubcoreMesh(core_axis_name="c", subcore_axis_name="s")
    return (_make_gather(IN // 2, mesh, jnp.int32, GW),
            _make_gather(HID, mesh, _f32, GW),
            _make_scatter(mesh))



def _sel_block(batch_ref, pos_ref, center_ref):
    b = batch_ref[0, 0, :][None, :]
    p = pos_ref[0, 0, :][None, :]
    ci = center_ref[:, 0:1]
    ii = lax.broadcasted_iota(jnp.int32, (B, BN), 0)
    return ((b == ii) & (p == ci)).astype(_f32)


def _edge0_body(xg_ref, ea_ref, wea_ref, web_ref, bea_ref, beb_ref,
                w1a_ref, w1b_ref, m_ref):
    v = xg_ref[...]
    a = lax.bitcast_convert_type(v << 16, _f32)
    b = lax.bitcast_convert_type(v & jnp.int32(-65536), _f32)
    ea = ea_ref[...]
    ta = jnp.maximum(
        a + jnp.dot(ea, wea_ref[...], preferred_element_type=_f32)
        + bea_ref[...], 0.0)
    tb = jnp.maximum(
        b + jnp.dot(ea, web_ref[...], preferred_element_type=_f32)
        + beb_ref[...], 0.0)
    m_ref[...] = (jnp.dot(ta, w1a_ref[...], preferred_element_type=_f32)
                  + jnp.dot(tb, w1b_ref[...], preferred_element_type=_f32))


def _edge0(xg, ea, wea, web, bea, beb, w1a, w1b):
    half = pl.BlockSpec((ED, IN // 2), lambda i: (0, 0))
    vec = pl.BlockSpec((1, IN // 2), lambda i: (0, 0))
    mat = pl.BlockSpec((IN // 2, HID), lambda i: (0, 0))
    ne = xg.shape[0]
    return pl.pallas_call(
        _edge0_body,
        grid=(ne // BE1,),
        in_specs=[
            pl.BlockSpec((BE1, IN // 2), lambda i: (i, 0)),
            pl.BlockSpec((BE1, ED), lambda i: (i, 0)),
            half, half, vec, vec, mat, mat,
        ],
        out_specs=pl.BlockSpec((BE1, HID), lambda i: (i, 0)),
        out_shape=jax.ShapeDtypeStruct((ne, HID), _f32),
    )(xg, ea, wea, web, bea, beb, w1a, w1b)


def _edge_body(hg_ref, ea_ref, we_ref, be_ref, m_ref):
    emb = jnp.dot(ea_ref[...], we_ref[...], preferred_element_type=_f32)
    m_ref[...] = jnp.maximum(hg_ref[...] + emb + be_ref[...], 0.0)


def _edge(hg, ea, we, be_):
    ne = hg.shape[0]
    return pl.pallas_call(
        _edge_body,
        grid=(ne // BE4,),
        in_specs=[
            pl.BlockSpec((BE4, HID), lambda i: (i, 0)),
            pl.BlockSpec((BE4, ED), lambda i: (i, 0)),
            pl.BlockSpec((ED, HID), lambda i: (0, 0)),
            pl.BlockSpec((1, HID), lambda i: (0, 0)),
        ],
        out_specs=pl.BlockSpec((BE4, HID), lambda i: (i, 0)),
        out_shape=jax.ShapeDtypeStruct((ne, HID), _f32),
    )(hg, ea, we, be_)


def _xw1_esm_body(x_ref, w1_ref, batch_ref, pos_ref, center_ref,
                  xw_ref, esm_ref):
    i = pl.program_id(0)
    xb = x_ref[...]
    xw_ref[...] = jnp.dot(xb, w1_ref[...], preferred_element_type=_f32)
    sel = _sel_block(batch_ref, pos_ref, center_ref)

    @pl.when(i == 0)
    def _():
        esm_ref[...] = jnp.zeros_like(esm_ref)

    esm_ref[...] += jnp.dot(sel, xb, preferred_element_type=_f32)


def _xw1_esm(x, w1, batch3, pos3, center2d):
    return pl.pallas_call(
        _xw1_esm_body,
        grid=(N // BN,),
        in_specs=[
            pl.BlockSpec((BN, IN), lambda i: (i, 0)),
            pl.BlockSpec((IN, HID), lambda i: (0, 0)),
            pl.BlockSpec((1, 1, BN), lambda i: (i, 0, 0)),
            pl.BlockSpec((1, 1, BN), lambda i: (i, 0, 0)),
            pl.BlockSpec((B, 128), lambda i: (0, 0)),
        ],
        out_specs=[
            pl.BlockSpec((BN, HID), lambda i: (i, 0)),
            pl.BlockSpec((B, IN), lambda i: (0, 0)),
        ],
        out_shape=[
            jax.ShapeDtypeStruct((N, HID), _f32),
            jax.ShapeDtypeStruct((B, IN), _f32),
        ],
    )(x, w1, batch3, pos3, center2d)


def _mlp_ln_tail(u, w2_ref, b2_ref, g_ref, bb_ref, out_ref):
    v = jnp.dot(u, w2_ref[...], preferred_element_type=_f32) + b2_ref[...]
    r = jnp.maximum(v, 0.0)
    mu = jnp.mean(r, axis=1, keepdims=True)
    var = jnp.mean((r - mu) * (r - mu), axis=1, keepdims=True)
    out_ref[...] = (r - mu) * lax.rsqrt(var + 1e-5) * g_ref[...] + bb_ref[...]


def _node0_body(xw_ref, agg_ref, b1_ref, w2_ref, b2_ref, g_ref, bb_ref,
                out_ref):
    u = jnp.maximum(xw_ref[...] + agg_ref[...] + b1_ref[...], 0.0)
    _mlp_ln_tail(u, w2_ref, b2_ref, g_ref, bb_ref, out_ref)


def _node0(xw, agg, b1, w2, b2, g, bb):
    vec = pl.BlockSpec((1, HID), lambda i: (0, 0))
    return pl.pallas_call(
        _node0_body,
        grid=(N // BN,),
        in_specs=[
            pl.BlockSpec((BN, HID), lambda i: (i, 0)),
            pl.BlockSpec((BN, HID), lambda i: (i, 0)),
            vec, pl.BlockSpec((HID, HID), lambda i: (0, 0)), vec, vec, vec,
        ],
        out_specs=pl.BlockSpec((BN, HID), lambda i: (i, 0)),
        out_shape=jax.ShapeDtypeStruct((N, HID), _f32),
    )(xw, agg, b1, w2, b2, g, bb)


def _node_body(h_ref, agg_ref, w1_ref, b1_ref, w2_ref, b2_ref, g_ref, bb_ref,
               out_ref):
    z = h_ref[...] + agg_ref[...]
    u = jnp.maximum(
        jnp.dot(z, w1_ref[...], preferred_element_type=_f32) + b1_ref[...],
        0.0)
    _mlp_ln_tail(u, w2_ref, b2_ref, g_ref, bb_ref, out_ref)


def _node(h, agg, w1, b1, w2, b2, g, bb):
    vec = pl.BlockSpec((1, HID), lambda i: (0, 0))
    mat = pl.BlockSpec((HID, HID), lambda i: (0, 0))
    return pl.pallas_call(
        _node_body,
        grid=(N // BN,),
        in_specs=[
            pl.BlockSpec((BN, HID), lambda i: (i, 0)),
            pl.BlockSpec((BN, HID), lambda i: (i, 0)),
            mat, vec, mat, vec, vec, vec,
        ],
        out_specs=pl.BlockSpec((BN, HID), lambda i: (i, 0)),
        out_shape=jax.ShapeDtypeStruct((N, HID), _f32),
    )(h, agg, w1, b1, w2, b2, g, bb)


def _head_body(h_ref, batch_ref, pos_ref, center_ref, esm_ref,
               wg_ref, we_ref, bf1_ref, wf2_ref, bf2_ref,
               out_ref, acc_ref):
    i = pl.program_id(0)
    sel = _sel_block(batch_ref, pos_ref, center_ref)

    @pl.when(i == 0)
    def _():
        acc_ref[...] = jnp.zeros_like(acc_ref)

    acc_ref[...] += jnp.dot(sel, h_ref[...], preferred_element_type=_f32)

    @pl.when(i == N // BN - 1)
    def _():
        g = (jnp.dot(acc_ref[...], wg_ref[...], preferred_element_type=_f32)
             + jnp.dot(esm_ref[...], we_ref[...], preferred_element_type=_f32)
             + bf1_ref[...])
        r = jnp.maximum(g, 0.0)
        out_ref[...] = (jnp.dot(r, wf2_ref[...], preferred_element_type=_f32)
                        + bf2_ref[...])


def _head(h3, batch3, pos3, center2d, esm, wf1g, wf1e, bf1, wf2p, bf2p):
    return pl.pallas_call(
        _head_body,
        grid=(N // BN,),
        in_specs=[
            pl.BlockSpec((BN, HID), lambda i: (i, 0)),
            pl.BlockSpec((1, 1, BN), lambda i: (i, 0, 0)),
            pl.BlockSpec((1, 1, BN), lambda i: (i, 0, 0)),
            pl.BlockSpec((B, 128), lambda i: (0, 0)),
            pl.BlockSpec((B, IN), lambda i: (0, 0)),
            pl.BlockSpec((HID, HID), lambda i: (0, 0)),
            pl.BlockSpec((IN, HID), lambda i: (0, 0)),
            pl.BlockSpec((1, HID), lambda i: (0, 0)),
            pl.BlockSpec((HID, 128), lambda i: (0, 0)),
            pl.BlockSpec((1, 128), lambda i: (0, 0)),
        ],
        out_specs=pl.BlockSpec((B, 128), lambda i: (0, 0)),
        out_shape=jax.ShapeDtypeStruct((B, 128), _f32),
        scratch_shapes=[pltpu.VMEM((B, HID), _f32)],
    )(h3, batch3, pos3, center2d, esm, wf1g, wf1e, bf1, wf2p, bf2p)



def kernel(x, edge_index, edge_attr, batch, pos_idx, center_idx, params):
    pad = EP - E
    src = edge_index[0]
    dst = edge_index[1]
    src_pad = jnp.concatenate([src, jnp.zeros((pad,), jnp.int32)])
    srcA = src_pad[:EPH].reshape(32, EPH // 32 // GW, GW)
    srcB = src_pad[EPH:].reshape(32, EPH // 32 // GW, GW)
    dst_pad = jnp.concatenate(
        [dst, N + (jnp.arange(pad, dtype=jnp.int32) & 7)])
    dstA = dst_pad[:EPH].reshape(16, EPH // 16 // SW, SW)
    dstB = dst_pad[EPH:].reshape(16, EPH // 16 // SW, SW)
    zrows = jnp.zeros((ZR, HC), _f32)
    ea_pad = jnp.concatenate([edge_attr, jnp.zeros((pad, ED), _f32)])
    eaA, eaB = ea_pad[:EPH], ea_pad[EPH:]
    batch3 = batch.reshape(N // BN, 1, BN)
    pos3 = pos_idx.reshape(N // BN, 1, BN)
    center2d = jnp.broadcast_to(center_idx[:, None], (B, 128))

    L = params['layers']
    r1 = lambda a: a.reshape(1, -1)
    _gather_x, _gather_h, _scatter_add = _sc_kernels()

    H2 = IN // 2
    xi = lax.bitcast_convert_type(x, jnp.int32) + jnp.int32(0x8000)
    xpk = (lax.shift_right_logical(xi[:, :H2], 16)
           | (xi[:, H2:] & jnp.int32(-65536)))
    We0, be0, W10 = L[0]['We'], L[0]['be'], L[0]['W1']
    ew0 = (We0[:, :H2], We0[:, H2:], r1(be0[:H2]), r1(be0[H2:]),
           W10[:H2], W10[H2:])
    xgA = _gather_x(xpk, srcA)
    m0A = _edge0(xgA, eaA, *ew0)
    xgB = _gather_x(xpk, srcB)
    m0B = _edge0(xgB, eaB, *ew0)
    agg = _scatter_add(m0A, m0B, dstA, dstB, zrows)[:N]
    xw, esm = _xw1_esm(x, L[0]['W1'], batch3, pos3, center2d)
    h = _node0(xw, agg, r1(L[0]['b1']), L[0]['W2'], r1(L[0]['b2']),
               r1(L[0]['gamma']), r1(L[0]['beta']))

    for p in L[1:]:
        hgA = _gather_h(h, srcA)
        mA = _edge(hgA, eaA, p['We'], r1(p['be']))
        hgB = _gather_h(h, srcB)
        mB = _edge(hgB, eaB, p['We'], r1(p['be']))
        agg = _scatter_add(mA, mB, dstA, dstB, zrows)[:N]
        h = _node(h, agg, p['W1'], r1(p['b1']), p['W2'], r1(p['b2']),
                  r1(p['gamma']), r1(p['beta']))

    wf2p = jnp.pad(params['Wf2'], ((0, 0), (0, 126)))
    bf2p = jnp.pad(params['bf2'], (0, 126)).reshape(1, 128)
    out = _head(h, batch3, pos3, center2d, esm,
                params['Wf1'][:HID], params['Wf1'][HID:],
                r1(params['bf1']), wf2p, bf2p)
    return out[:, :2]

# --- scband reference (transcript-rebuilt; emitter-appended) ---
"""Pipeline reference for scband-public-model-44710609551768 (READ-ONLY COPY).

The authoritative reference and input builder live on the scoring server;
editing this copy changes nothing except your own understanding.
"""

import jax, jax.numpy as jnp
import numpy as np

N = 10000
E = 60000
B = 64
IN = 1280
ED = 16
HID = 256
LAYERS = 3


def _layer_norm(x, g, b):
    mu = jnp.mean(x, axis=-1, keepdims=True)
    var = jnp.var(x, axis=-1, keepdims=True)
    return (x - mu) / jnp.sqrt(var + 1e-5) * g + b


def _make_params(key):
    ks = iter(jax.random.split(key, 64))
    dims = [IN, HID, HID]
    layers = []
    for d in dims:
        p = {
            'We': jax.random.normal(next(ks), (ED, d), jnp.float32) / np.sqrt(ED),
            'be': jnp.zeros((d,), jnp.float32),
            'W1': jax.random.normal(next(ks), (d, HID), jnp.float32) / np.sqrt(d),
            'b1': jnp.zeros((HID,), jnp.float32),
            'W2': jax.random.normal(next(ks), (HID, HID), jnp.float32) / np.sqrt(HID),
            'b2': jnp.zeros((HID,), jnp.float32),
            'gamma': jnp.ones((HID,), jnp.float32),
            'beta': jnp.zeros((HID,), jnp.float32),
        }
        layers.append(p)
    return {
        'layers': layers,
        'Wf1': jax.random.normal(next(ks), (HID + IN, HID), jnp.float32) / np.sqrt(HID + IN),
        'bf1': jnp.zeros((HID,), jnp.float32),
        'Wf2': jax.random.normal(next(ks), (HID, 2), jnp.float32) / np.sqrt(HID),
        'bf2': jnp.zeros((2,), jnp.float32),
    }


def setup_inputs(seed: int = 0):
    key = jax.random.key(seed)
    k = jax.random.split(key, 8)
    x = jax.random.normal(k[0], (N, IN), jnp.float32)
    edge_index = jax.random.randint(k[1], (2, E), 0, N, dtype=jnp.int32)
    edge_attr = jax.random.normal(k[2], (E, ED), jnp.float32)
    batch = jnp.sort(jax.random.randint(k[3], (N,), 0, B, dtype=jnp.int32))
    pos_idx = jax.random.randint(k[4], (N,), 0, 200, dtype=jnp.int32)
    center_idx = jax.random.randint(k[5], (B,), 0, 200, dtype=jnp.int32)
    params = _make_params(k[6])
    return {'x': x, 'edge_index': edge_index, 'edge_attr': edge_attr,
            'batch': batch, 'pos_idx': pos_idx, 'center_idx': center_idx,
            'params': params}


def _forward(x, edge_attr, params, edge_index, batch, pos_idx, center_idx):
    src = edge_index[0]
    dst = edge_index[1]
    # center mask: pos_idx == center_idx[batch]
    center = center_idx[batch]
    mask = (pos_idx == center).astype(x.dtype)[:, None]
    # center ESM embedding via masked global_add_pool
    center_esm = jax.ops.segment_sum(x[:, :1280] * mask, batch, num_segments=B)
    # GNN encoder: stacked GINEConv -> ReLU -> LayerNorm
    h = x
    for p in params['layers']:
        edge_emb = edge_attr @ p['We'] + p['be']            # edge_dim -> in_channels
        msg = jax.nn.relu(h[src] + edge_emb)                # GINE message
        agg = jax.ops.segment_sum(msg, dst, num_segments=N) # scatter-add aggregation
        z = h + agg                                         # (1 + eps) * x_i + agg, eps = 0
        z = jax.nn.relu(z @ p['W1'] + p['b1']) @ p['W2'] + p['b2']  # GINE nn MLP
        h = _layer_norm(jax.nn.relu(z), p['gamma'], p['beta'])
    center_gnn = jax.ops.segment_sum(h * mask, batch, num_segments=B)
    fused = jnp.concatenate([center_gnn, center_esm], axis=-1)
    return jax.nn.relu(fused @ params['Wf1'] + params['bf1']) @ params['Wf2'] + params['bf2']


def reference(x, edge_index, edge_attr, batch, pos_idx, center_idx, params):
    return _forward(x, edge_attr, params, edge_index, batch, pos_idx, center_idx)

if __name__ == "__main__":
    import jax
    _d = setup_inputs()
    print(jax.jit(kernel)(*tuple(_d.values())))

</pallas_src>

<mosaic_0001>
#map = affine_map<(d0, d1) -> (0, 0)>
#map1 = affine_map<(d0, d1) -> (0, 0, 0)>
module attributes {stable_mosaic.version = 14 : i64} {
  func.func @gk(%arg0: i32, %arg1: i32, %arg2: memref<10000x640xi32, #tpu.memory_space<hbm>>, %arg3: memref<32x8x120xi32, #tpu.memory_space<hbm>>, %arg4: memref<30720x640xi32, #tpu.memory_space<hbm>>, %arg5: memref<8x120xi32, #tpu.memory_space<vmem>>, %arg6: memref<120x640xi32, #tpu.memory_space<vmem>>, %arg7: memref<!tpu.dma_semaphore, #tpu.memory_space<semaphore_mem>>) attributes {dimension_semantics = [#tpu.dimension_semantics<core_parallel>, #tpu.dimension_semantics<subcore_parallel>], iteration_bounds = array<i64: 2, 16>, scalar_prefetch = 0 : i64, scratch_operands = 3 : i64, tpu.core_type = #tpu.core_type<sc_vector_subcore>, window_params = [{transform_indices = #map}, {transform_indices = #map1}, {transform_indices = #map}]} {
    %mul3A = arith.constant 2 : i32
    %mul3A_0 = arith.muli %arg1, %mul3A : i32
    %add3A = arith.addi %mul3A_0, %arg0 : i32
    %mul3A_1 = arith.constant 960 : i32
    %mul3A_2 = arith.muli %add3A, %mul3A_1 : i32
    "tpu.region"() ({
      %run_scoped3A = tpu.sem_alloc : memref<!tpu.dma_semaphore, #tpu.memory_space<semaphore_mem>>
      %dma_start3A = arith.constant 0 : i32
      %dma_start3A_8 = arith.constant 0 : i32
      %dma_start3A_9 = tpu.memref_slice %arg3[%add3A, %dma_start3A, %dma_start3A_8] : memref<32x8x120xi32, #tpu.memory_space<hbm>> -> memref<1x8x120xi32, #tpu.memory_space<hbm>>
      %dma_start3A_10 = tpu.memref_squeeze %dma_start3A_9 : memref<1x8x120xi32, #tpu.memory_space<hbm>> -> memref<8x120xi32, #tpu.memory_space<hbm>>
      %dma_start3A_11 = arith.constant 0 : i32
      %dma_start3A_12 = arith.constant 0 : i32
      %dma_start3A_13 = tpu.memref_slice %arg3[%add3A, %dma_start3A_11, %dma_start3A_12] : memref<32x8x120xi32, #tpu.memory_space<hbm>> -> memref<1x8x120xi32, #tpu.memory_space<hbm>>
      %dma_start3A_14 = tpu.memref_squeeze %dma_start3A_13 : memref<1x8x120xi32, #tpu.memory_space<hbm>> -> memref<8x120xi32, #tpu.memory_space<hbm>>
      tpu.enqueue_dma source(%dma_start3A_14 : memref<8x120xi32, #tpu.memory_space<hbm>>) target(%arg5 : memref<8x120xi32, #tpu.memory_space<vmem>>) target_semaphore(%run_scoped3A : memref<!tpu.dma_semaphore, #tpu.memory_space<semaphore_mem>>)
      %dma_wait3A = arith.constant 0 : i32
      %dma_wait3A_15 = arith.constant 0 : i32
      %dma_wait3A_16 = tpu.memref_slice %arg3[%add3A, %dma_wait3A, %dma_wait3A_15] : memref<32x8x120xi32, #tpu.memory_space<hbm>> -> memref<1x8x120xi32, #tpu.memory_space<hbm>>
      %dma_wait3A_17 = tpu.memref_squeeze %dma_wait3A_16 : memref<1x8x120xi32, #tpu.memory_space<hbm>> -> memref<8x120xi32, #tpu.memory_space<hbm>>
      %dma_wait3A_18 = arith.constant 0 : i32
      %dma_wait3A_19 = arith.constant 0 : i32
      %dma_wait3A_20 = tpu.memref_slice %arg3[%add3A, %dma_wait3A_18, %dma_wait3A_19] : memref<32x8x120xi32, #tpu.memory_space<hbm>> -> memref<1x8x120xi32, #tpu.memory_space<hbm>>
      %dma_wait3A_21 = tpu.memref_squeeze %dma_wait3A_20 : memref<1x8x120xi32, #tpu.memory_space<hbm>> -> memref<8x120xi32, #tpu.memory_space<hbm>>
      tpu.wait_dma2 semaphore(%run_scoped3A : memref<!tpu.dma_semaphore, #tpu.memory_space<semaphore_mem>>) src(%dma_wait3A_21 : memref<8x120xi32, #tpu.memory_space<hbm>>) dst(%arg5 : memref<8x120xi32, #tpu.memory_space<vmem>>)
      tpu.yield
    }) : () -> ()
    %scan3A = arith.constant 0 : i32
    %scan3A_3 = arith.constant 0 : i32
    %scan3A_4 = arith.constant 8 : i32
    %scan3A_5 = arith.addi %scan3A_3, %scan3A_4 : i32
    %scan3A_6 = arith.constant 1 : i32
    scf.for %scan3A_8 = %scan3A_3 to %scan3A_5 step %scan3A_6  : i32 {
      %dma_start3A = arith.constant 0 : i32
      %dma_start3A_9 = tpu.memref_slice %arg5[%scan3A_8, %dma_start3A] : memref<8x120xi32, #tpu.memory_space<vmem>> -> memref<1x120xi32, #tpu.memory_space<vmem>>
      %dma_start3A_10 = tpu.memref_squeeze %dma_start3A_9 : memref<1x120xi32, #tpu.memory_space<vmem>> -> memref<120xi32, #tpu.memory_space<vmem>>
      %dma_start3A_11 = arith.constant 0 : i32
      %dma_start3A_12 = arith.constant 0 : i32
      %dma_start3A_13 = tpu.memref_slice %arg2[%dma_start3A_11, %dma_start3A_12] : memref<10000x640xi32, #tpu.memory_space<hbm>> -> memref<10000x640xi32, #tpu.memory_space<hbm>>
      tpu.enqueue_indirect_dma source(%dma_start3A_13 : memref<10000x640xi32, #tpu.memory_space<hbm>>) target(%arg6 : memref<120x640xi32, #tpu.memory_space<vmem>>) offsets(%dma_start3A_10 : memref<120xi32, #tpu.memory_space<vmem>>) semaphore(%arg7 : memref<!tpu.dma_semaphore, #tpu.memory_space<semaphore_mem>>)
      %dma_wait3A = arith.constant 0 : i32
      %dma_wait3A_14 = tpu.memref_slice %arg5[%scan3A_8, %dma_wait3A] : memref<8x120xi32, #tpu.memory_space<vmem>> -> memref<1x120xi32, #tpu.memory_space<vmem>>
      %dma_wait3A_15 = tpu.memref_squeeze %dma_wait3A_14 : memref<1x120xi32, #tpu.memory_space<vmem>> -> memref<120xi32, #tpu.memory_space<vmem>>
      %dma_wait3A_16 = arith.constant 0 : i32
      %dma_wait3A_17 = arith.constant 0 : i32
      %dma_wait3A_18 = tpu.memref_slice %arg2[%dma_wait3A_16, %dma_wait3A_17] : memref<10000x640xi32, #tpu.memory_space<hbm>> -> memref<10000x640xi32, #tpu.memory_space<hbm>>
      tpu.wait_indirect_dma semaphore(%arg7 : memref<!tpu.dma_semaphore, #tpu.memory_space<semaphore_mem>>) src(%dma_wait3A_18 : memref<10000x640xi32, #tpu.memory_space<hbm>>) dst(%arg6 : memref<120x640xi32, #tpu.memory_space<vmem>>)
      %mul3A_19 = arith.constant 120 : i32
      %mul3A_20 = arith.muli %scan3A_8, %mul3A_19 : i32
      %add3A_21 = arith.addi %mul3A_2, %mul3A_20 : i32
      "tpu.region"() ({
        %run_scoped3A = tpu.sem_alloc : memref<!tpu.dma_semaphore, #tpu.memory_space<semaphore_mem>>
        %dma_start3A_22 = arith.constant 0 : i32
        %dma_start3A_23 = tpu.memref_slice %arg4[%add3A_21, %dma_start3A_22] : memref<30720x640xi32, #tpu.memory_space<hbm>> -> memref<120x640xi32, #tpu.memory_space<hbm>>
        %dma_start3A_24 = arith.constant 0 : i32
        %dma_start3A_25 = tpu.memref_slice %arg4[%add3A_21, %dma_start3A_24] : memref<30720x640xi32, #tpu.memory_space<hbm>> -> memref<120x640xi32, #tpu.memory_space<hbm>>
        tpu.enqueue_dma source(%arg6 : memref<120x640xi32, #tpu.memory_space<vmem>>) target(%dma_start3A_25 : memref<120x640xi32, #tpu.memory_space<hbm>>) target_semaphore(%run_scoped3A : memref<!tpu.dma_semaphore, #tpu.memory_space<semaphore_mem>>)
        %dma_wait3A_26 = arith.constant 0 : i32
        %dma_wait3A_27 = tpu.memref_slice %arg4[%add3A_21, %dma_wait3A_26] : memref<30720x640xi32, #tpu.memory_space<hbm>> -> memref<120x640xi32, #tpu.memory_space<hbm>>
        %dma_wait3A_28 = arith.constant 0 : i32
        %dma_wait3A_29 = tpu.memref_slice %arg4[%add3A_21, %dma_wait3A_28] : memref<30720x640xi32, #tpu.memory_space<hbm>> -> memref<120x640xi32, #tpu.memory_space<hbm>>
        tpu.wait_dma2 semaphore(%run_scoped3A : memref<!tpu.dma_semaphore, #tpu.memory_space<semaphore_mem>>) src(%arg6 : memref<120x640xi32, #tpu.memory_space<vmem>>) dst(%dma_wait3A_29 : memref<120x640xi32, #tpu.memory_space<hbm>>)
        tpu.yield
      }) : () -> ()
    }
    %scan3A_7 = arith.constant 8 : i32
    return
  }
}

#map = affine_map<(d0, d1) -> (0, 0)>
#map1 = affine_map<(d0, d1) -> (0, 0, 0)>
module attributes {stable_mosaic.version = 14 : i64} {
  func.func @_scatter_kernel(%arg0: i32, %arg1: i32, %arg2: memref<30720x256xf32, #tpu.memory_space<hbm>>, %arg3: memref<30720x256xf32, #tpu.memory_space<hbm>>, %arg4: memref<16x15x128xi32, #tpu.memory_space<hbm>>, %arg5: memref<16x15x128xi32, #tpu.memory_space<hbm>>, %arg6: memref<632x128xf32, #tpu.memory_space<hbm>>, %arg7: memref<10112x256xf32, #tpu.memory_space<hbm>>, %arg8: memref<15x128xi32, #tpu.memory_space<vmem>>, %arg9: memref<15x128xi32, #tpu.memory_space<vmem>>, %arg10: memref<128x128xf32, #tpu.memory_space<vmem>>, %arg11: memref<10112x128xf32, #tpu.memory_space<vmem_shared>>) attributes {dimension_semantics = [#tpu.dimension_semantics<core_parallel>, #tpu.dimension_semantics<subcore_parallel>], iteration_bounds = array<i64: 2, 16>, scalar_prefetch = 0 : i64, scratch_operands = 4 : i64, tpu.core_type = #tpu.core_type<sc_vector_subcore>, window_params = [{transform_indices = #map}, {transform_indices = #map}, {transform_indices = #map1}, {transform_indices = #map1}, {transform_indices = #map}, {transform_indices = #map}]} {
    %mul3A = arith.constant 1920 : i32
    %mul3A_0 = arith.muli %arg1, %mul3A : i32
    %mul3A_1 = arith.constant 128 : i32
    %mul3A_2 = arith.muli %arg0, %mul3A_1 : i32
    "tpu.region"() ({
      %run_scoped3A = tpu.sem_alloc : memref<!tpu.dma_semaphore, #tpu.memory_space<semaphore_mem>>
      %dma_start3A = arith.constant 0 : i32
      %dma_start3A_21 = arith.constant 0 : i32
      %dma_start3A_22 = tpu.memref_slice %arg4[%arg1, %dma_start3A, %dma_start3A_21] : memref<16x15x128xi32, #tpu.memory_space<hbm>> -> memref<1x15x128xi32, #tpu.memory_space<hbm>>
      %dma_start3A_23 = tpu.memref_squeeze %dma_start3A_22 : memref<1x15x128xi32, #tpu.memory_space<hbm>> -> memref<15x128xi32, #tpu.memory_space<hbm>>
      %dma_start3A_24 = arith.constant 0 : i32
      %dma_start3A_25 = arith.constant 0 : i32
      %dma_start3A_26 = tpu.memref_slice %arg4[%arg1, %dma_start3A_24, %dma_start3A_25] : memref<16x15x128xi32, #tpu.memory_space<hbm>> -> memref<1x15x128xi32, #tpu.memory_space<hbm>>
      %dma_start3A_27 = tpu.memref_squeeze %dma_start3A_26 : memref<1x15x128xi32, #tpu.memory_space<hbm>> -> memref<15x128xi32, #tpu.memory_space<hbm>>
      tpu.enqueue_dma source(%dma_start3A_27 : memref<15x128xi32, #tpu.memory_space<hbm>>) target(%arg8 : memref<15x128xi32, #tpu.memory_space<vmem>>) target_semaphore(%run_scoped3A : memref<!tpu.dma_semaphore, #tpu.memory_space<semaphore_mem>>)
      %dma_wait3A = arith.constant 0 : i32
      %dma_wait3A_28 = arith.constant 0 : i32
      %dma_wait3A_29 = tpu.memref_slice %arg4[%arg1, %dma_wait3A, %dma_wait3A_28] : memref<16x15x128xi32, #tpu.memory_space<hbm>> -> memref<1x15x128xi32, #tpu.memory_space<hbm>>
      %dma_wait3A_30 = tpu.memref_squeeze %dma_wait3A_29 : memref<1x15x128xi32, #tpu.memory_space<hbm>> -> memref<15x128xi32, #tpu.memory_space<hbm>>
      %dma_wait3A_31 = arith.constant 0 : i32
      %dma_wait3A_32 = arith.constant 0 : i32
      %dma_wait3A_33 = tpu.memref_slice %arg4[%arg1, %dma_wait3A_31, %dma_wait3A_32] : memref<16x15x128xi32, #tpu.memory_space<hbm>> -> memref<1x15x128xi32, #tpu.memory_space<hbm>>
      %dma_wait3A_34 = tpu.memref_squeeze %dma_wait3A_33 : memref<1x15x128xi32, #tpu.memory_space<hbm>> -> memref<15x128xi32, #tpu.memory_space<hbm>>
      tpu.wait_dma2 semaphore(%run_scoped3A : memref<!tpu.dma_semaphore, #tpu.memory_space<semaphore_mem>>) src(%dma_wait3A_34 : memref<15x128xi32, #tpu.memory_space<hbm>>) dst(%arg8 : memref<15x128xi32, #tpu.memory_space<vmem>>)
      tpu.yield
    }) : () -> ()
    "tpu.region"() ({
      %run_scoped3A = tpu.sem_alloc : memref<!tpu.dma_semaphore, #tpu.memory_space<semaphore_mem>>
      %dma_start3A = arith.constant 0 : i32
      %dma_start3A_21 = arith.constant 0 : i32
      %dma_start3A_22 = tpu.memref_slice %arg5[%arg1, %dma_start3A, %dma_start3A_21] : memref<16x15x128xi32, #tpu.memory_space<hbm>> -> memref<1x15x128xi32, #tpu.memory_space<hbm>>
      %dma_start3A_23 = tpu.memref_squeeze %dma_start3A_22 : memref<1x15x128xi32, #tpu.memory_space<hbm>> -> memref<15x128xi32, #tpu.memory_space<hbm>>
      %dma_start3A_24 = arith.constant 0 : i32
      %dma_start3A_25 = arith.constant 0 : i32
      %dma_start3A_26 = tpu.memref_slice %arg5[%arg1, %dma_start3A_24, %dma_start3A_25] : memref<16x15x128xi32, #tpu.memory_space<hbm>> -> memref<1x15x128xi32, #tpu.memory_space<hbm>>
      %dma_start3A_27 = tpu.memref_squeeze %dma_start3A_26 : memref<1x15x128xi32, #tpu.memory_space<hbm>> -> memref<15x128xi32, #tpu.memory_space<hbm>>
      tpu.enqueue_dma source(%dma_start3A_27 : memref<15x128xi32, #tpu.memory_space<hbm>>) target(%arg9 : memref<15x128xi32, #tpu.memory_space<vmem>>) target_semaphore(%run_scoped3A : memref<!tpu.dma_semaphore, #tpu.memory_space<semaphore_mem>>)
      %dma_wait3A = arith.constant 0 : i32
      %dma_wait3A_28 = arith.constant 0 : i32
      %dma_wait3A_29 = tpu.memref_slice %arg5[%arg1, %dma_wait3A, %dma_wait3A_28] : memref<16x15x128xi32, #tpu.memory_space<hbm>> -> memref<1x15x128xi32, #tpu.memory_space<hbm>>
      %dma_wait3A_30 = tpu.memref_squeeze %dma_wait3A_29 : memref<1x15x128xi32, #tpu.memory_space<hbm>> -> memref<15x128xi32, #tpu.memory_space<hbm>>
      %dma_wait3A_31 = arith.constant 0 : i32
      %dma_wait3A_32 = arith.constant 0 : i32
      %dma_wait3A_33 = tpu.memref_slice %arg5[%arg1, %dma_wait3A_31, %dma_wait3A_32] : memref<16x15x128xi32, #tpu.memory_space<hbm>> -> memref<1x15x128xi32, #tpu.memory_space<hbm>>
      %dma_wait3A_34 = tpu.memref_squeeze %dma_wait3A_33 : memref<1x15x128xi32, #tpu.memory_space<hbm>> -> memref<15x128xi32, #tpu.memory_space<hbm>>
      tpu.wait_dma2 semaphore(%run_scoped3A : memref<!tpu.dma_semaphore, #tpu.memory_space<semaphore_mem>>) src(%dma_wait3A_34 : memref<15x128xi32, #tpu.memory_space<hbm>>) dst(%arg9 : memref<15x128xi32, #tpu.memory_space<vmem>>)
      tpu.yield
    }) : () -> ()
    %mul3A_3 = arith.constant 632 : i32
    %mul3A_4 = arith.muli %arg1, %mul3A_3 : i32
    "tpu.region"() ({
      %run_scoped3A = tpu.sem_alloc : memref<!tpu.dma_semaphore, #tpu.memory_space<semaphore_mem>>
      %dma_start3A = arith.constant 0 : i32
      %dma_start3A_21 = tpu.memref_slice %arg11[%mul3A_4, %dma_start3A] : memref<10112x128xf32, #tpu.memory_space<vmem_shared>> -> memref<632x128xf32, #tpu.memory_space<vmem_shared>>
      tpu.enqueue_dma source(%arg6 : memref<632x128xf32, #tpu.memory_space<hbm>>) target(%dma_start3A_21 : memref<632x128xf32, #tpu.memory_space<vmem_shared>>) target_semaphore(%run_scoped3A : memref<!tpu.dma_semaphore, #tpu.memory_space<semaphore_mem>>)
      %dma_wait3A = arith.constant 0 : i32
      %dma_wait3A_22 = tpu.memref_slice %arg11[%mul3A_4, %dma_wait3A] : memref<10112x128xf32, #tpu.memory_space<vmem_shared>> -> memref<632x128xf32, #tpu.memory_space<vmem_shared>>
      tpu.wait_dma2 semaphore(%run_scoped3A : memref<!tpu.dma_semaphore, #tpu.memory_space<semaphore_mem>>) src(%arg6 : memref<632x128xf32, #tpu.memory_space<hbm>>) dst(%dma_wait3A_22 : memref<632x128xf32, #tpu.memory_space<vmem_shared>>)
      tpu.yield
    }) : () -> ()
    %barrier3A = arith.constant 0 : index
    tpu.barrier barrier_id(%barrier3A)
    %scan3A = arith.constant 0 : i32
    %scan3A_5 = arith.constant 0 : i32
    %scan3A_6 = arith.constant 15 : i32
    %scan3A_7 = arith.addi %scan3A_5, %scan3A_6 : i32
    %scan3A_8 = arith.constant 1 : i32
    scf.for %scan3A_21 = %scan3A_5 to %scan3A_7 step %scan3A_8  : i32 {
      %mul3A_22 = arith.constant 128 : i32
      %mul3A_23 = arith.muli %scan3A_21, %mul3A_22 : i32
      %add3A = arith.addi %mul3A_0, %mul3A_23 : i32
      "tpu.region"() ({
        %run_scoped3A = tpu.sem_alloc : memref<!tpu.dma_semaphore, #tpu.memory_space<semaphore_mem>>
        %dma_start3A = tpu.memref_slice %arg2[%add3A, %mul3A_2] : memref<30720x256xf32, #tpu.memory_space<hbm>> -> memref<128x128xf32, #tpu.memory_space<hbm>>
        %dma_start3A_24 = tpu.memref_slice %arg2[%add3A, %mul3A_2] : memref<30720x256xf32, #tpu.memory_space<hbm>> -> memref<128x128xf32, #tpu.memory_space<hbm>>
        tpu.enqueue_dma source(%dma_start3A_24 : memref<128x128xf32, #tpu.memory_space<hbm>>) target(%arg10 : memref<128x128xf32, #tpu.memory_space<vmem>>) target_semaphore(%run_scoped3A : memref<!tpu.dma_semaphore, #tpu.memory_space<semaphore_mem>>)
        %dma_wait3A = tpu.memref_slice %arg2[%add3A, %mul3A_2] : memref<30720x256xf32, #tpu.memory_space<hbm>> -> memref<128x128xf32, #tpu.memory_space<hbm>>
        %dma_wait3A_25 = tpu.memref_slice %arg2[%add3A, %mul3A_2] : memref<30720x256xf32, #tpu.memory_space<hbm>> -> memref<128x128xf32, #tpu.memory_space<hbm>>
        tpu.wait_dma2 semaphore(%run_scoped3A : memref<!tpu.dma_semaphore, #tpu.memory_space<semaphore_mem>>) src(%dma_wait3A_25 : memref<128x128xf32, #tpu.memory_space<hbm>>) dst(%arg10 : memref<128x128xf32, #tpu.memory_space<vmem>>)
        tpu.yield
      }) : () -> ()
      "tpu.region"() ({
        %run_scoped3A = tpu.sem_alloc : memref<!tpu.dma_semaphore, #tpu.memory_space<semaphore_mem>>
        %dma_start3A = arith.constant 0 : i32
        %dma_start3A_24 = tpu.memref_slice %arg8[%scan3A_21, %dma_start3A] : memref<15x128xi32, #tpu.memory_space<vmem>> -> memref<1x128xi32, #tpu.memory_space<vmem>>
        %dma_start3A_25 = tpu.memref_squeeze %dma_start3A_24 : memref<1x128xi32, #tpu.memory_space<vmem>> -> memref<128xi32, #tpu.memory_space<vmem>>
        %dma_start3A_26 = arith.constant 0 : i32
        %dma_start3A_27 = arith.constant 0 : i32
        %dma_start3A_28 = tpu.memref_slice %arg11[%dma_start3A_26, %dma_start3A_27] : memref<10112x128xf32, #tpu.memory_space<vmem_shared>> -> memref<10112x128xf32, #tpu.memory_space<vmem_shared>>
        tpu.enqueue_indirect_dma source(%arg10 : memref<128x128xf32, #tpu.memory_space<vmem>>) target(%dma_start3A_28 : memref<10112x128xf32, #tpu.memory_space<vmem_shared>>) offsets(%dma_start3A_25 : memref<128xi32, #tpu.memory_space<vmem>>) semaphore(%run_scoped3A : memref<!tpu.dma_semaphore, #tpu.memory_space<semaphore_mem>>) {add = true}
        %dma_wait3A = arith.constant 0 : i32
        %dma_wait3A_29 = tpu.memref_slice %arg8[%scan3A_21, %dma_wait3A] : memref<15x128xi32, #tpu.memory_space<vmem>> -> memref<1x128xi32, #tpu.memory_space<vmem>>
        %dma_wait3A_30 = tpu.memref_squeeze %dma_wait3A_29 : memref<1x128xi32, #tpu.memory_space<vmem>> -> memref<128xi32, #tpu.memory_space<vmem>>
        %dma_wait3A_31 = arith.constant 0 : i32
        %dma_wait3A_32 = arith.constant 0 : i32
        %dma_wait3A_33 = tpu.memref_slice %arg11[%dma_wait3A_31, %dma_wait3A_32] : memref<10112x128xf32, #tpu.memory_space<vmem_shared>> -> memref<10112x128xf32, #tpu.memory_space<vmem_shared>>
        tpu.wait_indirect_dma semaphore(%run_scoped3A : memref<!tpu.dma_semaphore, #tpu.memory_space<semaphore_mem>>) src(%arg10 : memref<128x128xf32, #tpu.memory_space<vmem>>) dst(%dma_wait3A_33 : memref<10112x128xf32, #tpu.memory_space<vmem_shared>>)
        tpu.yield
      }) : () -> ()
    }
    %scan3A_9 = arith.constant 15 : i32
    %scan3A_10 = arith.constant 0 : i32
    %scan3A_11 = arith.constant 0 : i32
    %scan3A_12 = arith.constant 15 : i32
    %scan3A_13 = arith.addi %scan3A_11, %scan3A_12 : i32
    %scan3A_14 = arith.constant 1 : i32
    scf.for %scan3A_21 = %scan3A_11 to %scan3A_13 step %scan3A_14  : i32 {
      %mul3A_22 = arith.constant 128 : i32
      %mul3A_23 = arith.muli %scan3A_21, %mul3A_22 : i32
      %add3A = arith.addi %mul3A_0, %mul3A_23 : i32
      "tpu.region"() ({
        %run_scoped3A = tpu.sem_alloc : memref<!tpu.dma_semaphore, #tpu.memory_space<semaphore_mem>>
        %dma_start3A = tpu.memref_slice %arg3[%add3A, %mul3A_2] : memref<30720x256xf32, #tpu.memory_space<hbm>> -> memref<128x128xf32, #tpu.memory_space<hbm>>
        %dma_start3A_24 = tpu.memref_slice %arg3[%add3A, %mul3A_2] : memref<30720x256xf32, #tpu.memory_space<hbm>> -> memref<128x128xf32, #tpu.memory_space<hbm>>
        tpu.enqueue_dma source(%dma_start3A_24 : memref<128x128xf32, #tpu.memory_space<hbm>>) target(%arg10 : memref<128x128xf32, #tpu.memory_space<vmem>>) target_semaphore(%run_scoped3A : memref<!tpu.dma_semaphore, #tpu.memory_space<semaphore_mem>>)
        %dma_wait3A = tpu.memref_slice %arg3[%add3A, %mul3A_2] : memref<30720x256xf32, #tpu.memory_space<hbm>> -> memref<128x128xf32, #tpu.memory_space<hbm>>
        %dma_wait3A_25 = tpu.memref_slice %arg3[%add3A, %mul3A_2] : memref<30720x256xf32, #tpu.memory_space<hbm>> -> memref<128x128xf32, #tpu.memory_space<hbm>>
        tpu.wait_dma2 semaphore(%run_scoped3A : memref<!tpu.dma_semaphore, #tpu.memory_space<semaphore_mem>>) src(%dma_wait3A_25 : memref<128x128xf32, #tpu.memory_space<hbm>>) dst(%arg10 : memref<128x128xf32, #tpu.memory_space<vmem>>)
        tpu.yield
      }) : () -> ()
      "tpu.region"() ({
        %run_scoped3A = tpu.sem_alloc : memref<!tpu.dma_semaphore, #tpu.memory_space<semaphore_mem>>
        %dma_start3A = arith.constant 0 : i32
        %dma_start3A_24 = tpu.memref_slice %arg9[%scan3A_21, %dma_start3A] : memref<15x128xi32, #tpu.memory_space<vmem>> -> memref<1x128xi32, #tpu.memory_space<vmem>>
        %dma_start3A_25 = tpu.memref_squeeze %dma_start3A_24 : memref<1x128xi32, #tpu.memory_space<vmem>> -> memref<128xi32, #tpu.memory_space<vmem>>
        %dma_start3A_26 = arith.constant 0 : i32
        %dma_start3A_27 = arith.constant 0 : i32
        %dma_start3A_28 = tpu.memref_slice %arg11[%dma_start3A_26, %dma_start3A_27] : memref<10112x128xf32, #tpu.memory_space<vmem_shared>> -> memref<10112x128xf32, #tpu.memory_space<vmem_shared>>
        tpu.enqueue_indirect_dma source(%arg10 : memref<128x128xf32, #tpu.memory_space<vmem>>) target(%dma_start3A_28 : memref<10112x128xf32, #tpu.memory_space<vmem_shared>>) offsets(%dma_start3A_25 : memref<128xi32, #tpu.memory_space<vmem>>) semaphore(%run_scoped3A : memref<!tpu.dma_semaphore, #tpu.memory_space<semaphore_mem>>) {add = true}
        %dma_wait3A = arith.constant 0 : i32
        %dma_wait3A_29 = tpu.memref_slice %arg9[%scan3A_21, %dma_wait3A] : memref<15x128xi32, #tpu.memory_space<vmem>> -> memref<1x128xi32, #tpu.memory_space<vmem>>
        %dma_wait3A_30 = tpu.memref_squeeze %dma_wait3A_29 : memref<1x128xi32, #tpu.memory_space<vmem>> -> memref<128xi32, #tpu.memory_space<vmem>>
        %dma_wait3A_31 = arith.constant 0 : i32
        %dma_wait3A_32 = arith.constant 0 : i32
        %dma_wait3A_33 = tpu.memref_slice %arg11[%dma_wait3A_31, %dma_wait3A_32] : memref<10112x128xf32, #tpu.memory_space<vmem_shared>> -> memref<10112x128xf32, #tpu.memory_space<vmem_shared>>
        tpu.wait_indirect_dma semaphore(%run_scoped3A : memref<!tpu.dma_semaphore, #tpu.memory_space<semaphore_mem>>) src(%arg10 : memref<128x128xf32, #tpu.memory_space<vmem>>) dst(%dma_wait3A_33 : memref<10112x128xf32, #tpu.memory_space<vmem_shared>>)
        tpu.yield
      }) : () -> ()
    }
    %scan3A_15 = arith.constant 15 : i32
    %barrier3A_16 = arith.constant 0 : index
    tpu.barrier barrier_id(%barrier3A_16)
    %mul3A_17 = arith.constant 632 : i32
    %mul3A_18 = arith.muli %arg1, %mul3A_17 : i32
    %mul3A_19 = arith.constant 632 : i32
    %mul3A_20 = arith.muli %arg1, %mul3A_19 : i32
    "tpu.region"() ({
      %run_scoped3A = tpu.sem_alloc : memref<!tpu.dma_semaphore, #tpu.memory_space<semaphore_mem>>
      %dma_start3A = tpu.memref_slice %arg7[%mul3A_20, %mul3A_2] : memref<10112x256xf32, #tpu.memory_space<hbm>> -> memref<632x128xf32, #tpu.memory_space<hbm>>
      %dma_start3A_21 = arith.constant 0 : i32
      %dma_start3A_22 = tpu.memref_slice %arg11[%mul3A_18, %dma_start3A_21] : memref<10112x128xf32, #tpu.memory_space<vmem_shared>> -> memref<632x128xf32, #tpu.memory_space<vmem_shared>>
      tpu.enqueue_dma source(%dma_start3A_22 : memref<632x128xf32, #tpu.memory_space<vmem_shared>>) target(%dma_start3A : memref<632x128xf32, #tpu.memory_space<hbm>>) target_semaphore(%run_scoped3A : memref<!tpu.dma_semaphore, #tpu.memory_space<semaphore_mem>>)
      %dma_wait3A = tpu.memref_slice %arg7[%mul3A_20, %mul3A_2] : memref<10112x256xf32, #tpu.memory_space<hbm>> -> memref<632x128xf32, #tpu.memory_space<hbm>>
      %dma_wait3A_23 = arith.constant 0 : i32
      %dma_wait3A_24 = tpu.memref_slice %arg11[%mul3A_18, %dma_wait3A_23] : memref<10112x128xf32, #tpu.memory_space<vmem_shared>> -> memref<632x128xf32, #tpu.memory_space<vmem_shared>>
      tpu.wait_dma2 semaphore(%run_scoped3A : memref<!tpu.dma_semaphore, #tpu.memory_space<semaphore_mem>>) src(%dma_wait3A_24 : memref<632x128xf32, #tpu.memory_space<vmem_shared>>) dst(%dma_wait3A : memref<632x128xf32, #tpu.memory_space<hbm>>)
      tpu.yield
    }) : () -> ()
    return
  }
}

#map = affine_map<(d0, d1) -> (0, 0)>
#map1 = affine_map<(d0, d1) -> (0, 0, 0)>
module attributes {stable_mosaic.version = 14 : i64} {
  func.func @gk(%arg0: i32, %arg1: i32, %arg2: memref<10000x256xf32, #tpu.memory_space<hbm>>, %arg3: memref<32x8x120xi32, #tpu.memory_space<hbm>>, %arg4: memref<30720x256xf32, #tpu.memory_space<hbm>>, %arg5: memref<8x120xi32, #tpu.memory_space<vmem>>, %arg6: memref<120x256xf32, #tpu.memory_space<vmem>>, %arg7: memref<!tpu.dma_semaphore, #tpu.memory_space<semaphore_mem>>) attributes {dimension_semantics = [#tpu.dimension_semantics<core_parallel>, #tpu.dimension_semantics<subcore_parallel>], iteration_bounds = array<i64: 2, 16>, scalar_prefetch = 0 : i64, scratch_operands = 3 : i64, tpu.core_type = #tpu.core_type<sc_vector_subcore>, window_params = [{transform_indices = #map}, {transform_indices = #map1}, {transform_indices = #map}]} {
    %mul3A = arith.constant 2 : i32
    %mul3A_0 = arith.muli %arg1, %mul3A : i32
    %add3A = arith.addi %mul3A_0, %arg0 : i32
    %mul3A_1 = arith.constant 960 : i32
    %mul3A_2 = arith.muli %add3A, %mul3A_1 : i32
    "tpu.region"() ({
      %run_scoped3A = tpu.sem_alloc : memref<!tpu.dma_semaphore, #tpu.memory_space<semaphore_mem>>
      %dma_start3A = arith.constant 0 : i32
      %dma_start3A_8 = arith.constant 0 : i32
      %dma_start3A_9 = tpu.memref_slice %arg3[%add3A, %dma_start3A, %dma_start3A_8] : memref<32x8x120xi32, #tpu.memory_space<hbm>> -> memref<1x8x120xi32, #tpu.memory_space<hbm>>
      %dma_start3A_10 = tpu.memref_squeeze %dma_start3A_9 : memref<1x8x120xi32, #tpu.memory_space<hbm>> -> memref<8x120xi32, #tpu.memory_space<hbm>>
      %dma_start3A_11 = arith.constant 0 : i32
      %dma_start3A_12 = arith.constant 0 : i32
      %dma_start3A_13 = tpu.memref_slice %arg3[%add3A, %dma_start3A_11, %dma_start3A_12] : memref<32x8x120xi32, #tpu.memory_space<hbm>> -> memref<1x8x120xi32, #tpu.memory_space<hbm>>
      %dma_start3A_14 = tpu.memref_squeeze %dma_start3A_13 : memref<1x8x120xi32, #tpu.memory_space<hbm>> -> memref<8x120xi32, #tpu.memory_space<hbm>>
      tpu.enqueue_dma source(%dma_start3A_14 : memref<8x120xi32, #tpu.memory_space<hbm>>) target(%arg5 : memref<8x120xi32, #tpu.memory_space<vmem>>) target_semaphore(%run_scoped3A : memref<!tpu.dma_semaphore, #tpu.memory_space<semaphore_mem>>)
      %dma_wait3A = arith.constant 0 : i32
      %dma_wait3A_15 = arith.constant 0 : i32
      %dma_wait3A_16 = tpu.memref_slice %arg3[%add3A, %dma_wait3A, %dma_wait3A_15] : memref<32x8x120xi32, #tpu.memory_space<hbm>> -> memref<1x8x120xi32, #tpu.memory_space<hbm>>
      %dma_wait3A_17 = tpu.memref_squeeze %dma_wait3A_16 : memref<1x8x120xi32, #tpu.memory_space<hbm>> -> memref<8x120xi32, #tpu.memory_space<hbm>>
      %dma_wait3A_18 = arith.constant 0 : i32
      %dma_wait3A_19 = arith.constant 0 : i32
      %dma_wait3A_20 = tpu.memref_slice %arg3[%add3A, %dma_wait3A_18, %dma_wait3A_19] : memref<32x8x120xi32, #tpu.memory_space<hbm>> -> memref<1x8x120xi32, #tpu.memory_space<hbm>>
      %dma_wait3A_21 = tpu.memref_squeeze %dma_wait3A_20 : memref<1x8x120xi32, #tpu.memory_space<hbm>> -> memref<8x120xi32, #tpu.memory_space<hbm>>
      tpu.wait_dma2 semaphore(%run_scoped3A : memref<!tpu.dma_semaphore, #tpu.memory_space<semaphore_mem>>) src(%dma_wait3A_21 : memref<8x120xi32, #tpu.memory_space<hbm>>) dst(%arg5 : memref<8x120xi32, #tpu.memory_space<vmem>>)
      tpu.yield
    }) : () -> ()
    %scan3A = arith.constant 0 : i32
    %scan3A_3 = arith.constant 0 : i32
    %scan3A_4 = arith.constant 8 : i32
    %scan3A_5 = arith.addi %scan3A_3, %scan3A_4 : i32
    %scan3A_6 = arith.constant 1 : i32
    scf.for %scan3A_8 = %scan3A_3 to %scan3A_5 step %scan3A_6  : i32 {
      %dma_start3A = arith.constant 0 : i32
      %dma_start3A_9 = tpu.memref_slice %arg5[%scan3A_8, %dma_start3A] : memref<8x120xi32, #tpu.memory_space<vmem>> -> memref<1x120xi32, #tpu.memory_space<vmem>>
      %dma_start3A_10 = tpu.memref_squeeze %dma_start3A_9 : memref<1x120xi32, #tpu.memory_space<vmem>> -> memref<120xi32, #tpu.memory_space<vmem>>
      %dma_start3A_11 = arith.constant 0 : i32
      %dma_start3A_12 = arith.constant 0 : i32
      %dma_start3A_13 = tpu.memref_slice %arg2[%dma_start3A_11, %dma_start3A_12] : memref<10000x256xf32, #tpu.memory_space<hbm>> -> memref<10000x256xf32, #tpu.memory_space<hbm>>
      tpu.enqueue_indirect_dma source(%dma_start3A_13 : memref<10000x256xf32, #tpu.memory_space<hbm>>) target(%arg6 : memref<120x256xf32, #tpu.memory_space<vmem>>) offsets(%dma_start3A_10 : memref<120xi32, #tpu.memory_space<vmem>>) semaphore(%arg7 : memref<!tpu.dma_semaphore, #tpu.memory_space<semaphore_mem>>)
      %dma_wait3A = arith.constant 0 : i32
      %dma_wait3A_14 = tpu.memref_slice %arg5[%scan3A_8, %dma_wait3A] : memref<8x120xi32, #tpu.memory_space<vmem>> -> memref<1x120xi32, #tpu.memory_space<vmem>>
      %dma_wait3A_15 = tpu.memref_squeeze %dma_wait3A_14 : memref<1x120xi32, #tpu.memory_space<vmem>> -> memref<120xi32, #tpu.memory_space<vmem>>
      %dma_wait3A_16 = arith.constant 0 : i32
      %dma_wait3A_17 = arith.constant 0 : i32
      %dma_wait3A_18 = tpu.memref_slice %arg2[%dma_wait3A_16, %dma_wait3A_17] : memref<10000x256xf32, #tpu.memory_space<hbm>> -> memref<10000x256xf32, #tpu.memory_space<hbm>>
      tpu.wait_indirect_dma semaphore(%arg7 : memref<!tpu.dma_semaphore, #tpu.memory_space<semaphore_mem>>) src(%dma_wait3A_18 : memref<10000x256xf32, #tpu.memory_space<hbm>>) dst(%arg6 : memref<120x256xf32, #tpu.memory_space<vmem>>)
      %mul3A_19 = arith.constant 120 : i32
      %mul3A_20 = arith.muli %scan3A_8, %mul3A_19 : i32
      %add3A_21 = arith.addi %mul3A_2, %mul3A_20 : i32
      "tpu.region"() ({
        %run_scoped3A = tpu.sem_alloc : memref<!tpu.dma_semaphore, #tpu.memory_space<semaphore_mem>>
        %dma_start3A_22 = arith.constant 0 : i32
        %dma_start3A_23 = tpu.memref_slice %arg4[%add3A_21, %dma_start3A_22] : memref<30720x256xf32, #tpu.memory_space<hbm>> -> memref<120x256xf32, #tpu.memory_space<hbm>>
        %dma_start3A_24 = arith.constant 0 : i32
        %dma_start3A_25 = tpu.memref_slice %arg4[%add3A_21, %dma_start3A_24] : memref<30720x256xf32, #tpu.memory_space<hbm>> -> memref<120x256xf32, #tpu.memory_space<hbm>>
        tpu.enqueue_dma source(%arg6 : memref<120x256xf32, #tpu.memory_space<vmem>>) target(%dma_start3A_25 : memref<120x256xf32, #tpu.memory_space<hbm>>) target_semaphore(%run_scoped3A : memref<!tpu.dma_semaphore, #tpu.memory_space<semaphore_mem>>)
        %dma_wait3A_26 = arith.constant 0 : i32
        %dma_wait3A_27 = tpu.memref_slice %arg4[%add3A_21, %dma_wait3A_26] : memref<30720x256xf32, #tpu.memory_space<hbm>> -> memref<120x256xf32, #tpu.memory_space<hbm>>
        %dma_wait3A_28 = arith.constant 0 : i32
        %dma_wait3A_29 = tpu.memref_slice %arg4[%add3A_21, %dma_wait3A_28] : memref<30720x256xf32, #tpu.memory_space<hbm>> -> memref<120x256xf32, #tpu.memory_space<hbm>>
        tpu.wait_dma2 semaphore(%run_scoped3A : memref<!tpu.dma_semaphore, #tpu.memory_space<semaphore_mem>>) src(%arg6 : memref<120x256xf32, #tpu.memory_space<vmem>>) dst(%dma_wait3A_29 : memref<120x256xf32, #tpu.memory_space<hbm>>)
        tpu.yield
      }) : () -> ()
    }
    %scan3A_7 = arith.constant 8 : i32
    return
  }
}

#map = affine_map<(d0, d1) -> (0, 0)>
#map1 = affine_map<(d0, d1) -> (0, 0, 0)>
module attributes {stable_mosaic.version = 14 : i64} {
  func.func @gk(%arg0: i32, %arg1: i32, %arg2: memref<10000x640xi32, #tpu.memory_space<hbm>>, %arg3: memref<32x8x120xi32, #tpu.memory_space<hbm>>, %arg4: memref<30720x640xi32, #tpu.memory_space<hbm>>, %arg5: memref<8x120xi32, #tpu.memory_space<vmem>>, %arg6: memref<120x640xi32, #tpu.memory_space<vmem>>, %arg7: memref<!tpu.dma_semaphore, #tpu.memory_space<semaphore_mem>>) attributes {dimension_semantics = [#tpu.dimension_semantics<core_parallel>, #tpu.dimension_semantics<subcore_parallel>], iteration_bounds = array<i64: 2, 16>, scalar_prefetch = 0 : i64, scratch_operands = 3 : i64, tpu.core_type = #tpu.core_type<sc_vector_subcore>, window_params = [{transform_indices = #map}, {transform_indices = #map1}, {transform_indices = #map}]} {
    %mul3A = arith.constant 2 : i32
    %mul3A_0 = arith.muli %arg1, %mul3A : i32
    %add3A = arith.addi %mul3A_0, %arg0 : i32
    %mul3A_1 = arith.constant 960 : i32
    %mul3A_2 = arith.muli %add3A, %mul3A_1 : i32
    "tpu.region"() ({
      %run_scoped3A = tpu.sem_alloc : memref<!tpu.dma_semaphore, #tpu.memory_space<semaphore_mem>>
      %dma_start3A = arith.constant 0 : i32
      %dma_start3A_8 = arith.constant 0 : i32
      %dma_start3A_9 = tpu.memref_slice %arg3[%add3A, %dma_start3A, %dma_start3A_8] : memref<32x8x120xi32, #tpu.memory_space<hbm>> -> memref<1x8x120xi32, #tpu.memory_space<hbm>>
      %dma_start3A_10 = tpu.memref_squeeze %dma_start3A_9 : memref<1x8x120xi32, #tpu.memory_space<hbm>> -> memref<8x120xi32, #tpu.memory_space<hbm>>
      %dma_start3A_11 = arith.constant 0 : i32
      %dma_start3A_12 = arith.constant 0 : i32
      %dma_start3A_13 = tpu.memref_slice %arg3[%add3A, %dma_start3A_11, %dma_start3A_12] : memref<32x8x120xi32, #tpu.memory_space<hbm>> -> memref<1x8x120xi32, #tpu.memory_space<hbm>>
      %dma_start3A_14 = tpu.memref_squeeze %dma_start3A_13 : memref<1x8x120xi32, #tpu.memory_space<hbm>> -> memref<8x120xi32, #tpu.memory_space<hbm>>
      tpu.enqueue_dma source(%dma_start3A_14 : memref<8x120xi32, #tpu.memory_space<hbm>>) target(%arg5 : memref<8x120xi32, #tpu.memory_space<vmem>>) target_semaphore(%run_scoped3A : memref<!tpu.dma_semaphore, #tpu.memory_space<semaphore_mem>>)
      %dma_wait3A = arith.constant 0 : i32
      %dma_wait3A_15 = arith.constant 0 : i32
      %dma_wait3A_16 = tpu.memref_slice %arg3[%add3A, %dma_wait3A, %dma_wait3A_15] : memref<32x8x120xi32, #tpu.memory_space<hbm>> -> memref<1x8x120xi32, #tpu.memory_space<hbm>>
      %dma_wait3A_17 = tpu.memref_squeeze %dma_wait3A_16 : memref<1x8x120xi32, #tpu.memory_space<hbm>> -> memref<8x120xi32, #tpu.memory_space<hbm>>
      %dma_wait3A_18 = arith.constant 0 : i32
      %dma_wait3A_19 = arith.constant 0 : i32
      %dma_wait3A_20 = tpu.memref_slice %arg3[%add3A, %dma_wait3A_18, %dma_wait3A_19] : memref<32x8x120xi32, #tpu.memory_space<hbm>> -> memref<1x8x120xi32, #tpu.memory_space<hbm>>
      %dma_wait3A_21 = tpu.memref_squeeze %dma_wait3A_20 : memref<1x8x120xi32, #tpu.memory_space<hbm>> -> memref<8x120xi32, #tpu.memory_space<hbm>>
      tpu.wait_dma2 semaphore(%run_scoped3A : memref<!tpu.dma_semaphore, #tpu.memory_space<semaphore_mem>>) src(%dma_wait3A_21 : memref<8x120xi32, #tpu.memory_space<hbm>>) dst(%arg5 : memref<8x120xi32, #tpu.memory_space<vmem>>)
      tpu.yield
    }) : () -> ()
    %scan3A = arith.constant 0 : i32
    %scan3A_3 = arith.constant 0 : i32
    %scan3A_4 = arith.constant 8 : i32
    %scan3A_5 = arith.addi %scan3A_3, %scan3A_4 : i32
    %scan3A_6 = arith.constant 1 : i32
    scf.for %scan3A_8 = %scan3A_3 to %scan3A_5 step %scan3A_6  : i32 {
      %dma_start3A = arith.constant 0 : i32
      %dma_start3A_9 = tpu.memref_slice %arg5[%scan3A_8, %dma_start3A] : memref<8x120xi32, #tpu.memory_space<vmem>> -> memref<1x120xi32, #tpu.memory_space<vmem>>
      %dma_start3A_10 = tpu.memref_squeeze %dma_start3A_9 : memref<1x120xi32, #tpu.memory_space<vmem>> -> memref<120xi32, #tpu.memory_space<vmem>>
      %dma_start3A_11 = arith.constant 0 : i32
      %dma_start3A_12 = arith.constant 0 : i32
      %dma_start3A_13 = tpu.memref_slice %arg2[%dma_start3A_11, %dma_start3A_12] : memref<10000x640xi32, #tpu.memory_space<hbm>> -> memref<10000x640xi32, #tpu.memory_space<hbm>>
      tpu.enqueue_indirect_dma source(%dma_start3A_13 : memref<10000x640xi32, #tpu.memory_space<hbm>>) target(%arg6 : memref<120x640xi32, #tpu.memory_space<vmem>>) offsets(%dma_start3A_10 : memref<120xi32, #tpu.memory_space<vmem>>) semaphore(%arg7 : memref<!tpu.dma_semaphore, #tpu.memory_space<semaphore_mem>>)
      %dma_wait3A = arith.constant 0 : i32
      %dma_wait3A_14 = tpu.memref_slice %arg5[%scan3A_8, %dma_wait3A] : memref<8x120xi32, #tpu.memory_space<vmem>> -> memref<1x120xi32, #tpu.memory_space<vmem>>
      %dma_wait3A_15 = tpu.memref_squeeze %dma_wait3A_14 : memref<1x120xi32, #tpu.memory_space<vmem>> -> memref<120xi32, #tpu.memory_space<vmem>>
      %dma_wait3A_16 = arith.constant 0 : i32
      %dma_wait3A_17 = arith.constant 0 : i32
      %dma_wait3A_18 = tpu.memref_slice %arg2[%dma_wait3A_16, %dma_wait3A_17] : memref<10000x640xi32, #tpu.memory_space<hbm>> -> memref<10000x640xi32, #tpu.memory_space<hbm>>
      tpu.wait_indirect_dma semaphore(%arg7 : memref<!tpu.dma_semaphore, #tpu.memory_space<semaphore_mem>>) src(%dma_wait3A_18 : memref<10000x640xi32, #tpu.memory_space<hbm>>) dst(%arg6 : memref<120x640xi32, #tpu.memory_space<vmem>>)
      %mul3A_19 = arith.constant 120 : i32
      %mul3A_20 = arith.muli %scan3A_8, %mul3A_19 : i32
      %add3A_21 = arith.addi %mul3A_2, %mul3A_20 : i32
      "tpu.region"() ({
        %run_scoped3A = tpu.sem_alloc : memref<!tpu.dma_semaphore, #tpu.memory_space<semaphore_mem>>
        %dma_start3A_22 = arith.constant 0 : i32
        %dma_start3A_23 = tpu.memref_slice %arg4[%add3A_21, %dma_start3A_22] : memref<30720x640xi32, #tpu.memory_space<hbm>> -> memref<120x640xi32, #tpu.memory_space<hbm>>
        %dma_start3A_24 = arith.constant 0 : i32
        %dma_start3A_25 = tpu.memref_slice %arg4[%add3A_21, %dma_start3A_24] : memref<30720x640xi32, #tpu.memory_space<hbm>> -> memref<120x640xi32, #tpu.memory_space<hbm>>
        tpu.enqueue_dma source(%arg6 : memref<120x640xi32, #tpu.memory_space<vmem>>) target(%dma_start3A_25 : memref<120x640xi32, #tpu.memory_space<hbm>>) target_semaphore(%run_scoped3A : memref<!tpu.dma_semaphore, #tpu.memory_space<semaphore_mem>>)
        %dma_wait3A_26 = arith.constant 0 : i32
        %dma_wait3A_27 = tpu.memref_slice %arg4[%add3A_21, %dma_wait3A_26] : memref<30720x640xi32, #tpu.memory_space<hbm>> -> memref<120x640xi32, #tpu.memory_space<hbm>>
        %dma_wait3A_28 = arith.constant 0 : i32
        %dma_wait3A_29 = tpu.memref_slice %arg4[%add3A_21, %dma_wait3A_28] : memref<30720x640xi32, #tpu.memory_space<hbm>> -> memref<120x640xi32, #tpu.memory_space<hbm>>
        tpu.wait_dma2 semaphore(%run_scoped3A : memref<!tpu.dma_semaphore, #tpu.memory_space<semaphore_mem>>) src(%arg6 : memref<120x640xi32, #tpu.memory_space<vmem>>) dst(%dma_wait3A_29 : memref<120x640xi32, #tpu.memory_space<hbm>>)
        tpu.yield
      }) : () -> ()
    }
    %scan3A_7 = arith.constant 8 : i32
    return
  }
}

#map = affine_map<(d0, d1) -> (0, 0)>
#map1 = affine_map<(d0, d1) -> (0, 0, 0)>
module attributes {stable_mosaic.version = 14 : i64} {
  func.func @gk(%arg0: i32, %arg1: i32, %arg2: memref<10000x256xf32, #tpu.memory_space<hbm>>, %arg3: memref<32x8x120xi32, #tpu.memory_space<hbm>>, %arg4: memref<30720x256xf32, #tpu.memory_space<hbm>>, %arg5: memref<8x120xi32, #tpu.memory_space<vmem>>, %arg6: memref<120x256xf32, #tpu.memory_space<vmem>>, %arg7: memref<!tpu.dma_semaphore, #tpu.memory_space<semaphore_mem>>) attributes {dimension_semantics = [#tpu.dimension_semantics<core_parallel>, #tpu.dimension_semantics<subcore_parallel>], iteration_bounds = array<i64: 2, 16>, scalar_prefetch = 0 : i64, scratch_operands = 3 : i64, tpu.core_type = #tpu.core_type<sc_vector_subcore>, window_params = [{transform_indices = #map}, {transform_indices = #map1}, {transform_indices = #map}]} {
    %mul3A = arith.constant 2 : i32
    %mul3A_0 = arith.muli %arg1, %mul3A : i32
    %add3A = arith.addi %mul3A_0, %arg0 : i32
    %mul3A_1 = arith.constant 960 : i32
    %mul3A_2 = arith.muli %add3A, %mul3A_1 : i32
    "tpu.region"() ({
      %run_scoped3A = tpu.sem_alloc : memref<!tpu.dma_semaphore, #tpu.memory_space<semaphore_mem>>
      %dma_start3A = arith.constant 0 : i32
      %dma_start3A_8 = arith.constant 0 : i32
      %dma_start3A_9 = tpu.memref_slice %arg3[%add3A, %dma_start3A, %dma_start3A_8] : memref<32x8x120xi32, #tpu.memory_space<hbm>> -> memref<1x8x120xi32, #tpu.memory_space<hbm>>
      %dma_start3A_10 = tpu.memref_squeeze %dma_start3A_9 : memref<1x8x120xi32, #tpu.memory_space<hbm>> -> memref<8x120xi32, #tpu.memory_space<hbm>>
      %dma_start3A_11 = arith.constant 0 : i32
      %dma_start3A_12 = arith.constant 0 : i32
      %dma_start3A_13 = tpu.memref_slice %arg3[%add3A, %dma_start3A_11, %dma_start3A_12] : memref<32x8x120xi32, #tpu.memory_space<hbm>> -> memref<1x8x120xi32, #tpu.memory_space<hbm>>
      %dma_start3A_14 = tpu.memref_squeeze %dma_start3A_13 : memref<1x8x120xi32, #tpu.memory_space<hbm>> -> memref<8x120xi32, #tpu.memory_space<hbm>>
      tpu.enqueue_dma source(%dma_start3A_14 : memref<8x120xi32, #tpu.memory_space<hbm>>) target(%arg5 : memref<8x120xi32, #tpu.memory_space<vmem>>) target_semaphore(%run_scoped3A : memref<!tpu.dma_semaphore, #tpu.memory_space<semaphore_mem>>)
      %dma_wait3A = arith.constant 0 : i32
      %dma_wait3A_15 = arith.constant 0 : i32
      %dma_wait3A_16 = tpu.memref_slice %arg3[%add3A, %dma_wait3A, %dma_wait3A_15] : memref<32x8x120xi32, #tpu.memory_space<hbm>> -> memref<1x8x120xi32, #tpu.memory_space<hbm>>
      %dma_wait3A_17 = tpu.memref_squeeze %dma_wait3A_16 : memref<1x8x120xi32, #tpu.memory_space<hbm>> -> memref<8x120xi32, #tpu.memory_space<hbm>>
      %dma_wait3A_18 = arith.constant 0 : i32
      %dma_wait3A_19 = arith.constant 0 : i32
      %dma_wait3A_20 = tpu.memref_slice %arg3[%add3A, %dma_wait3A_18, %dma_wait3A_19] : memref<32x8x120xi32, #tpu.memory_space<hbm>> -> memref<1x8x120xi32, #tpu.memory_space<hbm>>
      %dma_wait3A_21 = tpu.memref_squeeze %dma_wait3A_20 : memref<1x8x120xi32, #tpu.memory_space<hbm>> -> memref<8x120xi32, #tpu.memory_space<hbm>>
      tpu.wait_dma2 semaphore(%run_scoped3A : memref<!tpu.dma_semaphore, #tpu.memory_space<semaphore_mem>>) src(%dma_wait3A_21 : memref<8x120xi32, #tpu.memory_space<hbm>>) dst(%arg5 : memref<8x120xi32, #tpu.memory_space<vmem>>)
      tpu.yield
    }) : () -> ()
    %scan3A = arith.constant 0 : i32
    %scan3A_3 = arith.constant 0 : i32
    %scan3A_4 = arith.constant 8 : i32
    %scan3A_5 = arith.addi %scan3A_3, %scan3A_4 : i32
    %scan3A_6 = arith.constant 1 : i32
    scf.for %scan3A_8 = %scan3A_3 to %scan3A_5 step %scan3A_6  : i32 {
      %dma_start3A = arith.constant 0 : i32
      %dma_start3A_9 = tpu.memref_slice %arg5[%scan3A_8, %dma_start3A] : memref<8x120xi32, #tpu.memory_space<vmem>> -> memref<1x120xi32, #tpu.memory_space<vmem>>
      %dma_start3A_10 = tpu.memref_squeeze %dma_start3A_9 : memref<1x120xi32, #tpu.memory_space<vmem>> -> memref<120xi32, #tpu.memory_space<vmem>>
      %dma_start3A_11 = arith.constant 0 : i32
      %dma_start3A_12 = arith.constant 0 : i32
      %dma_start3A_13 = tpu.memref_slice %arg2[%dma_start3A_11, %dma_start3A_12] : memref<10000x256xf32, #tpu.memory_space<hbm>> -> memref<10000x256xf32, #tpu.memory_space<hbm>>
      tpu.enqueue_indirect_dma source(%dma_start3A_13 : memref<10000x256xf32, #tpu.memory_space<hbm>>) target(%arg6 : memref<120x256xf32, #tpu.memory_space<vmem>>) offsets(%dma_start3A_10 : memref<120xi32, #tpu.memory_space<vmem>>) semaphore(%arg7 : memref<!tpu.dma_semaphore, #tpu.memory_space<semaphore_mem>>)
      %dma_wait3A = arith.constant 0 : i32
      %dma_wait3A_14 = tpu.memref_slice %arg5[%scan3A_8, %dma_wait3A] : memref<8x120xi32, #tpu.memory_space<vmem>> -> memref<1x120xi32, #tpu.memory_space<vmem>>
      %dma_wait3A_15 = tpu.memref_squeeze %dma_wait3A_14 : memref<1x120xi32, #tpu.memory_space<vmem>> -> memref<120xi32, #tpu.memory_space<vmem>>
      %dma_wait3A_16 = arith.constant 0 : i32
      %dma_wait3A_17 = arith.constant 0 : i32
      %dma_wait3A_18 = tpu.memref_slice %arg2[%dma_wait3A_16, %dma_wait3A_17] : memref<10000x256xf32, #tpu.memory_space<hbm>> -> memref<10000x256xf32, #tpu.memory_space<hbm>>
      tpu.wait_indirect_dma semaphore(%arg7 : memref<!tpu.dma_semaphore, #tpu.memory_space<semaphore_mem>>) src(%dma_wait3A_18 : memref<10000x256xf32, #tpu.memory_space<hbm>>) dst(%arg6 : memref<120x256xf32, #tpu.memory_space<vmem>>)
      %mul3A_19 = arith.constant 120 : i32
      %mul3A_20 = arith.muli %scan3A_8, %mul3A_19 : i32
      %add3A_21 = arith.addi %mul3A_2, %mul3A_20 : i32
      "tpu.region"() ({
        %run_scoped3A = tpu.sem_alloc : memref<!tpu.dma_semaphore, #tpu.memory_space<semaphore_mem>>
        %dma_start3A_22 = arith.constant 0 : i32
        %dma_start3A_23 = tpu.memref_slice %arg4[%add3A_21, %dma_start3A_22] : memref<30720x256xf32, #tpu.memory_space<hbm>> -> memref<120x256xf32, #tpu.memory_space<hbm>>
        %dma_start3A_24 = arith.constant 0 : i32
        %dma_start3A_25 = tpu.memref_slice %arg4[%add3A_21, %dma_start3A_24] : memref<30720x256xf32, #tpu.memory_space<hbm>> -> memref<120x256xf32, #tpu.memory_space<hbm>>
        tpu.enqueue_dma source(%arg6 : memref<120x256xf32, #tpu.memory_space<vmem>>) target(%dma_start3A_25 : memref<120x256xf32, #tpu.memory_space<hbm>>) target_semaphore(%run_scoped3A : memref<!tpu.dma_semaphore, #tpu.memory_space<semaphore_mem>>)
        %dma_wait3A_26 = arith.constant 0 : i32
        %dma_wait3A_27 = tpu.memref_slice %arg4[%add3A_21, %dma_wait3A_26] : memref<30720x256xf32, #tpu.memory_space<hbm>> -> memref<120x256xf32, #tpu.memory_space<hbm>>
        %dma_wait3A_28 = arith.constant 0 : i32
        %dma_wait3A_29 = tpu.memref_slice %arg4[%add3A_21, %dma_wait3A_28] : memref<30720x256xf32, #tpu.memory_space<hbm>> -> memref<120x256xf32, #tpu.memory_space<hbm>>
        tpu.wait_dma2 semaphore(%run_scoped3A : memref<!tpu.dma_semaphore, #tpu.memory_space<semaphore_mem>>) src(%arg6 : memref<120x256xf32, #tpu.memory_space<vmem>>) dst(%dma_wait3A_29 : memref<120x256xf32, #tpu.memory_space<hbm>>)
        tpu.yield
      }) : () -> ()
    }
    %scan3A_7 = arith.constant 8 : i32
    return
  }
}

#map = affine_map<(d0, d1) -> (0, 0)>
#map1 = affine_map<(d0, d1) -> (0, 0, 0)>
module attributes {stable_mosaic.version = 14 : i64} {
  func.func @_scatter_kernel(%arg0: i32, %arg1: i32, %arg2: memref<30720x256xf32, #tpu.memory_space<hbm>>, %arg3: memref<30720x256xf32, #tpu.memory_space<hbm>>, %arg4: memref<16x15x128xi32, #tpu.memory_space<hbm>>, %arg5: memref<16x15x128xi32, #tpu.memory_space<hbm>>, %arg6: memref<632x128xf32, #tpu.memory_space<hbm>>, %arg7: memref<10112x256xf32, #tpu.memory_space<hbm>>, %arg8: memref<15x128xi32, #tpu.memory_space<vmem>>, %arg9: memref<15x128xi32, #tpu.memory_space<vmem>>, %arg10: memref<128x128xf32, #tpu.memory_space<vmem>>, %arg11: memref<10112x128xf32, #tpu.memory_space<vmem_shared>>) attributes {dimension_semantics = [#tpu.dimension_semantics<core_parallel>, #tpu.dimension_semantics<subcore_parallel>], iteration_bounds = array<i64: 2, 16>, scalar_prefetch = 0 : i64, scratch_operands = 4 : i64, tpu.core_type = #tpu.core_type<sc_vector_subcore>, window_params = [{transform_indices = #map}, {transform_indices = #map}, {transform_indices = #map1}, {transform_indices = #map1}, {transform_indices = #map}, {transform_indices = #map}]} {
    %mul3A = arith.constant 1920 : i32
    %mul3A_0 = arith.muli %arg1, %mul3A : i32
    %mul3A_1 = arith.constant 128 : i32
    %mul3A_2 = arith.muli %arg0, %mul3A_1 : i32
    "tpu.region"() ({
      %run_scoped3A = tpu.sem_alloc : memref<!tpu.dma_semaphore, #tpu.memory_space<semaphore_mem>>
      %dma_start3A = arith.constant 0 : i32
      %dma_start3A_21 = arith.constant 0 : i32
      %dma_start3A_22 = tpu.memref_slice %arg4[%arg1, %dma_start3A, %dma_start3A_21] : memref<16x15x128xi32, #tpu.memory_space<hbm>> -> memref<1x15x128xi32, #tpu.memory_space<hbm>>
      %dma_start3A_23 = tpu.memref_squeeze %dma_start3A_22 : memref<1x15x128xi32, #tpu.memory_space<hbm>> -> memref<15x128xi32, #tpu.memory_space<hbm>>
      %dma_start3A_24 = arith.constant 0 : i32
      %dma_start3A_25 = arith.constant 0 : i32
      %dma_start3A_26 = tpu.memref_slice %arg4[%arg1, %dma_start3A_24, %dma_start3A_25] : memref<16x15x128xi32, #tpu.memory_space<hbm>> -> memref<1x15x128xi32, #tpu.memory_space<hbm>>
      %dma_start3A_27 = tpu.memref_squeeze %dma_start3A_26 : memref<1x15x128xi32, #tpu.memory_space<hbm>> -> memref<15x128xi32, #tpu.memory_space<hbm>>
      tpu.enqueue_dma source(%dma_start3A_27 : memref<15x128xi32, #tpu.memory_space<hbm>>) target(%arg8 : memref<15x128xi32, #tpu.memory_space<vmem>>) target_semaphore(%run_scoped3A : memref<!tpu.dma_semaphore, #tpu.memory_space<semaphore_mem>>)
      %dma_wait3A = arith.constant 0 : i32
      %dma_wait3A_28 = arith.constant 0 : i32
      %dma_wait3A_29 = tpu.memref_slice %arg4[%arg1, %dma_wait3A, %dma_wait3A_28] : memref<16x15x128xi32, #tpu.memory_space<hbm>> -> memref<1x15x128xi32, #tpu.memory_space<hbm>>
      %dma_wait3A_30 = tpu.memref_squeeze %dma_wait3A_29 : memref<1x15x128xi32, #tpu.memory_space<hbm>> -> memref<15x128xi32, #tpu.memory_space<hbm>>
      %dma_wait3A_31 = arith.constant 0 : i32
      %dma_wait3A_32 = arith.constant 0 : i32
      %dma_wait3A_33 = tpu.memref_slice %arg4[%arg1, %dma_wait3A_31, %dma_wait3A_32] : memref<16x15x128xi32, #tpu.memory_space<hbm>> -> memref<1x15x128xi32, #tpu.memory_space<hbm>>
      %dma_wait3A_34 = tpu.memref_squeeze %dma_wait3A_33 : memref<1x15x128xi32, #tpu.memory_space<hbm>> -> memref<15x128xi32, #tpu.memory_space<hbm>>
      tpu.wait_dma2 semaphore(%run_scoped3A : memref<!tpu.dma_semaphore, #tpu.memory_space<semaphore_mem>>) src(%dma_wait3A_34 : memref<15x128xi32, #tpu.memory_space<hbm>>) dst(%arg8 : memref<15x128xi32, #tpu.memory_space<vmem>>)
      tpu.yield
    }) : () -> ()
    "tpu.region"() ({
      %run_scoped3A = tpu.sem_alloc : memref<!tpu.dma_semaphore, #tpu.memory_space<semaphore_mem>>
      %dma_start3A = arith.constant 0 : i32
      %dma_start3A_21 = arith.constant 0 : i32
      %dma_start3A_22 = tpu.memref_slice %arg5[%arg1, %dma_start3A, %dma_start3A_21] : memref<16x15x128xi32, #tpu.memory_space<hbm>> -> memref<1x15x128xi32, #tpu.memory_space<hbm>>
      %dma_start3A_23 = tpu.memref_squeeze %dma_start3A_22 : memref<1x15x128xi32, #tpu.memory_space<hbm>> -> memref<15x128xi32, #tpu.memory_space<hbm>>
      %dma_start3A_24 = arith.constant 0 : i32
      %dma_start3A_25 = arith.constant 0 : i32
      %dma_start3A_26 = tpu.memref_slice %arg5[%arg1, %dma_start3A_24, %dma_start3A_25] : memref<16x15x128xi32, #tpu.memory_space<hbm>> -> memref<1x15x128xi32, #tpu.memory_space<hbm>>
      %dma_start3A_27 = tpu.memref_squeeze %dma_start3A_26 : memref<1x15x128xi32, #tpu.memory_space<hbm>> -> memref<15x128xi32, #tpu.memory_space<hbm>>
      tpu.enqueue_dma source(%dma_start3A_27 : memref<15x128xi32, #tpu.memory_space<hbm>>) target(%arg9 : memref<15x128xi32, #tpu.memory_space<vmem>>) target_semaphore(%run_scoped3A : memref<!tpu.dma_semaphore, #tpu.memory_space<semaphore_mem>>)
      %dma_wait3A = arith.constant 0 : i32
      %dma_wait3A_28 = arith.constant 0 : i32
      %dma_wait3A_29 = tpu.memref_slice %arg5[%arg1, %dma_wait3A, %dma_wait3A_28] : memref<16x15x128xi32, #tpu.memory_space<hbm>> -> memref<1x15x128xi32, #tpu.memory_space<hbm>>
      %dma_wait3A_30 = tpu.memref_squeeze %dma_wait3A_29 : memref<1x15x128xi32, #tpu.memory_space<hbm>> -> memref<15x128xi32, #tpu.memory_space<hbm>>
      %dma_wait3A_31 = arith.constant 0 : i32
      %dma_wait3A_32 = arith.constant 0 : i32
      %dma_wait3A_33 = tpu.memref_slice %arg5[%arg1, %dma_wait3A_31, %dma_wait3A_32] : memref<16x15x128xi32, #tpu.memory_space<hbm>> -> memref<1x15x128xi32, #tpu.memory_space<hbm>>
      %dma_wait3A_34 = tpu.memref_squeeze %dma_wait3A_33 : memref<1x15x128xi32, #tpu.memory_space<hbm>> -> memref<15x128xi32, #tpu.memory_space<hbm>>
      tpu.wait_dma2 semaphore(%run_scoped3A : memref<!tpu.dma_semaphore, #tpu.memory_space<semaphore_mem>>) src(%dma_wait3A_34 : memref<15x128xi32, #tpu.memory_space<hbm>>) dst(%arg9 : memref<15x128xi32, #tpu.memory_space<vmem>>)
      tpu.yield
    }) : () -> ()
    %mul3A_3 = arith.constant 632 : i32
    %mul3A_4 = arith.muli %arg1, %mul3A_3 : i32
    "tpu.region"() ({
      %run_scoped3A = tpu.sem_alloc : memref<!tpu.dma_semaphore, #tpu.memory_space<semaphore_mem>>
      %dma_start3A = arith.constant 0 : i32
      %dma_start3A_21 = tpu.memref_slice %arg11[%mul3A_4, %dma_start3A] : memref<10112x128xf32, #tpu.memory_space<vmem_shared>> -> memref<632x128xf32, #tpu.memory_space<vmem_shared>>
      tpu.enqueue_dma source(%arg6 : memref<632x128xf32, #tpu.memory_space<hbm>>) target(%dma_start3A_21 : memref<632x128xf32, #tpu.memory_space<vmem_shared>>) target_semaphore(%run_scoped3A : memref<!tpu.dma_semaphore, #tpu.memory_space<semaphore_mem>>)
      %dma_wait3A = arith.constant 0 : i32
      %dma_wait3A_22 = tpu.memref_slice %arg11[%mul3A_4, %dma_wait3A] : memref<10112x128xf32, #tpu.memory_space<vmem_shared>> -> memref<632x128xf32, #tpu.memory_space<vmem_shared>>
      tpu.wait_dma2 semaphore(%run_scoped3A : memref<!tpu.dma_semaphore, #tpu.memory_space<semaphore_mem>>) src(%arg6 : memref<632x128xf32, #tpu.memory_space<hbm>>) dst(%dma_wait3A_22 : memref<632x128xf32, #tpu.memory_space<vmem_shared>>)
      tpu.yield
    }) : () -> ()
    %barrier3A = arith.constant 0 : index
    tpu.barrier barrier_id(%barrier3A)
    %scan3A = arith.constant 0 : i32
    %scan3A_5 = arith.constant 0 : i32
    %scan3A_6 = arith.constant 15 : i32
    %scan3A_7 = arith.addi %scan3A_5, %scan3A_6 : i32
    %scan3A_8 = arith.constant 1 : i32
    scf.for %scan3A_21 = %scan3A_5 to %scan3A_7 step %scan3A_8  : i32 {
      %mul3A_22 = arith.constant 128 : i32
      %mul3A_23 = arith.muli %scan3A_21, %mul3A_22 : i32
      %add3A = arith.addi %mul3A_0, %mul3A_23 : i32
      "tpu.region"() ({
        %run_scoped3A = tpu.sem_alloc : memref<!tpu.dma_semaphore, #tpu.memory_space<semaphore_mem>>
        %dma_start3A = tpu.memref_slice %arg2[%add3A, %mul3A_2] : memref<30720x256xf32, #tpu.memory_space<hbm>> -> memref<128x128xf32, #tpu.memory_space<hbm>>
        %dma_start3A_24 = tpu.memref_slice %arg2[%add3A, %mul3A_2] : memref<30720x256xf32, #tpu.memory_space<hbm>> -> memref<128x128xf32, #tpu.memory_space<hbm>>
        tpu.enqueue_dma source(%dma_start3A_24 : memref<128x128xf32, #tpu.memory_space<hbm>>) target(%arg10 : memref<128x128xf32, #tpu.memory_space<vmem>>) target_semaphore(%run_scoped3A : memref<!tpu.dma_semaphore, #tpu.memory_space<semaphore_mem>>)
        %dma_wait3A = tpu.memref_slice %arg2[%add3A, %mul3A_2] : memref<30720x256xf32, #tpu.memory_space<hbm>> -> memref<128x128xf32, #tpu.memory_space<hbm>>
        %dma_wait3A_25 = tpu.memref_slice %arg2[%add3A, %mul3A_2] : memref<30720x256xf32, #tpu.memory_space<hbm>> -> memref<128x128xf32, #tpu.memory_space<hbm>>
        tpu.wait_dma2 semaphore(%run_scoped3A : memref<!tpu.dma_semaphore, #tpu.memory_space<semaphore_mem>>) src(%dma_wait3A_25 : memref<128x128xf32, #tpu.memory_space<hbm>>) dst(%arg10 : memref<128x128xf32, #tpu.memory_space<vmem>>)
        tpu.yield
      }) : () -> ()
      "tpu.region"() ({
        %run_scoped3A = tpu.sem_alloc : memref<!tpu.dma_semaphore, #tpu.memory_space<semaphore_mem>>
        %dma_start3A = arith.constant 0 : i32
        %dma_start3A_24 = tpu.memref_slice %arg8[%scan3A_21, %dma_start3A] : memref<15x128xi32, #tpu.memory_space<vmem>> -> memref<1x128xi32, #tpu.memory_space<vmem>>
        %dma_start3A_25 = tpu.memref_squeeze %dma_start3A_24 : memref<1x128xi32, #tpu.memory_space<vmem>> -> memref<128xi32, #tpu.memory_space<vmem>>
        %dma_start3A_26 = arith.constant 0 : i32
        %dma_start3A_27 = arith.constant 0 : i32
        %dma_start3A_28 = tpu.memref_slice %arg11[%dma_start3A_26, %dma_start3A_27] : memref<10112x128xf32, #tpu.memory_space<vmem_shared>> -> memref<10112x128xf32, #tpu.memory_space<vmem_shared>>
        tpu.enqueue_indirect_dma source(%arg10 : memref<128x128xf32, #tpu.memory_space<vmem>>) target(%dma_start3A_28 : memref<10112x128xf32, #tpu.memory_space<vmem_shared>>) offsets(%dma_start3A_25 : memref<128xi32, #tpu.memory_space<vmem>>) semaphore(%run_scoped3A : memref<!tpu.dma_semaphore, #tpu.memory_space<semaphore_mem>>) {add = true}
        %dma_wait3A = arith.constant 0 : i32
        %dma_wait3A_29 = tpu.memref_slice %arg8[%scan3A_21, %dma_wait3A] : memref<15x128xi32, #tpu.memory_space<vmem>> -> memref<1x128xi32, #tpu.memory_space<vmem>>
        %dma_wait3A_30 = tpu.memref_squeeze %dma_wait3A_29 : memref<1x128xi32, #tpu.memory_space<vmem>> -> memref<128xi32, #tpu.memory_space<vmem>>
        %dma_wait3A_31 = arith.constant 0 : i32
        %dma_wait3A_32 = arith.constant 0 : i32
        %dma_wait3A_33 = tpu.memref_slice %arg11[%dma_wait3A_31, %dma_wait3A_32] : memref<10112x128xf32, #tpu.memory_space<vmem_shared>> -> memref<10112x128xf32, #tpu.memory_space<vmem_shared>>
        tpu.wait_indirect_dma semaphore(%run_scoped3A : memref<!tpu.dma_semaphore, #tpu.memory_space<semaphore_mem>>) src(%arg10 : memref<128x128xf32, #tpu.memory_space<vmem>>) dst(%dma_wait3A_33 : memref<10112x128xf32, #tpu.memory_space<vmem_shared>>)
        tpu.yield
      }) : () -> ()
    }
    %scan3A_9 = arith.constant 15 : i32
    %scan3A_10 = arith.constant 0 : i32
    %scan3A_11 = arith.constant 0 : i32
    %scan3A_12 = arith.constant 15 : i32
    %scan3A_13 = arith.addi %scan3A_11, %scan3A_12 : i32
    %scan3A_14 = arith.constant 1 : i32
    scf.for %scan3A_21 = %scan3A_11 to %scan3A_13 step %scan3A_14  : i32 {
      %mul3A_22 = arith.constant 128 : i32
      %mul3A_23 = arith.muli %scan3A_21, %mul3A_22 : i32
      %add3A = arith.addi %mul3A_0, %mul3A_23 : i32
      "tpu.region"() ({
        %run_scoped3A = tpu.sem_alloc : memref<!tpu.dma_semaphore, #tpu.memory_space<semaphore_mem>>
        %dma_start3A = tpu.memref_slice %arg3[%add3A, %mul3A_2] : memref<30720x256xf32, #tpu.memory_space<hbm>> -> memref<128x128xf32, #tpu.memory_space<hbm>>
        %dma_start3A_24 = tpu.memref_slice %arg3[%add3A, %mul3A_2] : memref<30720x256xf32, #tpu.memory_space<hbm>> -> memref<128x128xf32, #tpu.memory_space<hbm>>
        tpu.enqueue_dma source(%dma_start3A_24 : memref<128x128xf32, #tpu.memory_space<hbm>>) target(%arg10 : memref<128x128xf32, #tpu.memory_space<vmem>>) target_semaphore(%run_scoped3A : memref<!tpu.dma_semaphore, #tpu.memory_space<semaphore_mem>>)
        %dma_wait3A = tpu.memref_slice %arg3[%add3A, %mul3A_2] : memref<30720x256xf32, #tpu.memory_space<hbm>> -> memref<128x128xf32, #tpu.memory_space<hbm>>
        %dma_wait3A_25 = tpu.memref_slice %arg3[%add3A, %mul3A_2] : memref<30720x256xf32, #tpu.memory_space<hbm>> -> memref<128x128xf32, #tpu.memory_space<hbm>>
        tpu.wait_dma2 semaphore(%run_scoped3A : memref<!tpu.dma_semaphore, #tpu.memory_space<semaphore_mem>>) src(%dma_wait3A_25 : memref<128x128xf32, #tpu.memory_space<hbm>>) dst(%arg10 : memref<128x128xf32, #tpu.memory_space<vmem>>)
        tpu.yield
      }) : () -> ()
      "tpu.region"() ({
        %run_scoped3A = tpu.sem_alloc : memref<!tpu.dma_semaphore, #tpu.memory_space<semaphore_mem>>
        %dma_start3A = arith.constant 0 : i32
        %dma_start3A_24 = tpu.memref_slice %arg9[%scan3A_21, %dma_start3A] : memref<15x128xi32, #tpu.memory_space<vmem>> -> memref<1x128xi32, #tpu.memory_space<vmem>>
        %dma_start3A_25 = tpu.memref_squeeze %dma_start3A_24 : memref<1x128xi32, #tpu.memory_space<vmem>> -> memref<128xi32, #tpu.memory_space<vmem>>
        %dma_start3A_26 = arith.constant 0 : i32
        %dma_start3A_27 = arith.constant 0 : i32
        %dma_start3A_28 = tpu.memref_slice %arg11[%dma_start3A_26, %dma_start3A_27] : memref<10112x128xf32, #tpu.memory_space<vmem_shared>> -> memref<10112x128xf32, #tpu.memory_space<vmem_shared>>
        tpu.enqueue_indirect_dma source(%arg10 : memref<128x128xf32, #tpu.memory_space<vmem>>) target(%dma_start3A_28 : memref<10112x128xf32, #tpu.memory_space<vmem_shared>>) offsets(%dma_start3A_25 : memref<128xi32, #tpu.memory_space<vmem>>) semaphore(%run_scoped3A : memref<!tpu.dma_semaphore, #tpu.memory_space<semaphore_mem>>) {add = true}
        %dma_wait3A = arith.constant 0 : i32
        %dma_wait3A_29 = tpu.memref_slice %arg9[%scan3A_21, %dma_wait3A] : memref<15x128xi32, #tpu.memory_space<vmem>> -> memref<1x128xi32, #tpu.memory_space<vmem>>
        %dma_wait3A_30 = tpu.memref_squeeze %dma_wait3A_29 : memref<1x128xi32, #tpu.memory_space<vmem>> -> memref<128xi32, #tpu.memory_space<vmem>>
        %dma_wait3A_31 = arith.constant 0 : i32
        %dma_wait3A_32 = arith.constant 0 : i32
        %dma_wait3A_33 = tpu.memref_slice %arg11[%dma_wait3A_31, %dma_wait3A_32] : memref<10112x128xf32, #tpu.memory_space<vmem_shared>> -> memref<10112x128xf32, #tpu.memory_space<vmem_shared>>
        tpu.wait_indirect_dma semaphore(%run_scoped3A : memref<!tpu.dma_semaphore, #tpu.memory_space<semaphore_mem>>) src(%arg10 : memref<128x128xf32, #tpu.memory_space<vmem>>) dst(%dma_wait3A_33 : memref<10112x128xf32, #tpu.memory_space<vmem_shared>>)
        tpu.yield
      }) : () -> ()
    }
    %scan3A_15 = arith.constant 15 : i32
    %barrier3A_16 = arith.constant 0 : index
    tpu.barrier barrier_id(%barrier3A_16)
    %mul3A_17 = arith.constant 632 : i32
    %mul3A_18 = arith.muli %arg1, %mul3A_17 : i32
    %mul3A_19 = arith.constant 632 : i32
    %mul3A_20 = arith.muli %arg1, %mul3A_19 : i32
    "tpu.region"() ({
      %run_scoped3A = tpu.sem_alloc : memref<!tpu.dma_semaphore, #tpu.memory_space<semaphore_mem>>
      %dma_start3A = tpu.memref_slice %arg7[%mul3A_20, %mul3A_2] : memref<10112x256xf32, #tpu.memory_space<hbm>> -> memref<632x128xf32, #tpu.memory_space<hbm>>
      %dma_start3A_21 = arith.constant 0 : i32
      %dma_start3A_22 = tpu.memref_slice %arg11[%mul3A_18, %dma_start3A_21] : memref<10112x128xf32, #tpu.memory_space<vmem_shared>> -> memref<632x128xf32, #tpu.memory_space<vmem_shared>>
      tpu.enqueue_dma source(%dma_start3A_22 : memref<632x128xf32, #tpu.memory_space<vmem_shared>>) target(%dma_start3A : memref<632x128xf32, #tpu.memory_space<hbm>>) target_semaphore(%run_scoped3A : memref<!tpu.dma_semaphore, #tpu.memory_space<semaphore_mem>>)
      %dma_wait3A = tpu.memref_slice %arg7[%mul3A_20, %mul3A_2] : memref<10112x256xf32, #tpu.memory_space<hbm>> -> memref<632x128xf32, #tpu.memory_space<hbm>>
      %dma_wait3A_23 = arith.constant 0 : i32
      %dma_wait3A_24 = tpu.memref_slice %arg11[%mul3A_18, %dma_wait3A_23] : memref<10112x128xf32, #tpu.memory_space<vmem_shared>> -> memref<632x128xf32, #tpu.memory_space<vmem_shared>>
      tpu.wait_dma2 semaphore(%run_scoped3A : memref<!tpu.dma_semaphore, #tpu.memory_space<semaphore_mem>>) src(%dma_wait3A_24 : memref<632x128xf32, #tpu.memory_space<vmem_shared>>) dst(%dma_wait3A : memref<632x128xf32, #tpu.memory_space<hbm>>)
      tpu.yield
    }) : () -> ()
    return
  }
}

#map = affine_map<(d0, d1) -> (0, 0)>
#map1 = affine_map<(d0, d1) -> (0, 0, 0)>
module attributes {stable_mosaic.version = 14 : i64} {
  func.func @gk(%arg0: i32, %arg1: i32, %arg2: memref<10000x256xf32, #tpu.memory_space<hbm>>, %arg3: memref<32x8x120xi32, #tpu.memory_space<hbm>>, %arg4: memref<30720x256xf32, #tpu.memory_space<hbm>>, %arg5: memref<8x120xi32, #tpu.memory_space<vmem>>, %arg6: memref<120x256xf32, #tpu.memory_space<vmem>>, %arg7: memref<!tpu.dma_semaphore, #tpu.memory_space<semaphore_mem>>) attributes {dimension_semantics = [#tpu.dimension_semantics<core_parallel>, #tpu.dimension_semantics<subcore_parallel>], iteration_bounds = array<i64: 2, 16>, scalar_prefetch = 0 : i64, scratch_operands = 3 : i64, tpu.core_type = #tpu.core_type<sc_vector_subcore>, window_params = [{transform_indices = #map}, {transform_indices = #map1}, {transform_indices = #map}]} {
    %mul3A = arith.constant 2 : i32
    %mul3A_0 = arith.muli %arg1, %mul3A : i32
    %add3A = arith.addi %mul3A_0, %arg0 : i32
    %mul3A_1 = arith.constant 960 : i32
    %mul3A_2 = arith.muli %add3A, %mul3A_1 : i32
    "tpu.region"() ({
      %run_scoped3A = tpu.sem_alloc : memref<!tpu.dma_semaphore, #tpu.memory_space<semaphore_mem>>
      %dma_start3A = arith.constant 0 : i32
      %dma_start3A_8 = arith.constant 0 : i32
      %dma_start3A_9 = tpu.memref_slice %arg3[%add3A, %dma_start3A, %dma_start3A_8] : memref<32x8x120xi32, #tpu.memory_space<hbm>> -> memref<1x8x120xi32, #tpu.memory_space<hbm>>
      %dma_start3A_10 = tpu.memref_squeeze %dma_start3A_9 : memref<1x8x120xi32, #tpu.memory_space<hbm>> -> memref<8x120xi32, #tpu.memory_space<hbm>>
      %dma_start3A_11 = arith.constant 0 : i32
      %dma_start3A_12 = arith.constant 0 : i32
      %dma_start3A_13 = tpu.memref_slice %arg3[%add3A, %dma_start3A_11, %dma_start3A_12] : memref<32x8x120xi32, #tpu.memory_space<hbm>> -> memref<1x8x120xi32, #tpu.memory_space<hbm>>
      %dma_start3A_14 = tpu.memref_squeeze %dma_start3A_13 : memref<1x8x120xi32, #tpu.memory_space<hbm>> -> memref<8x120xi32, #tpu.memory_space<hbm>>
      tpu.enqueue_dma source(%dma_start3A_14 : memref<8x120xi32, #tpu.memory_space<hbm>>) target(%arg5 : memref<8x120xi32, #tpu.memory_space<vmem>>) target_semaphore(%run_scoped3A : memref<!tpu.dma_semaphore, #tpu.memory_space<semaphore_mem>>)
      %dma_wait3A = arith.constant 0 : i32
      %dma_wait3A_15 = arith.constant 0 : i32
      %dma_wait3A_16 = tpu.memref_slice %arg3[%add3A, %dma_wait3A, %dma_wait3A_15] : memref<32x8x120xi32, #tpu.memory_space<hbm>> -> memref<1x8x120xi32, #tpu.memory_space<hbm>>
      %dma_wait3A_17 = tpu.memref_squeeze %dma_wait3A_16 : memref<1x8x120xi32, #tpu.memory_space<hbm>> -> memref<8x120xi32, #tpu.memory_space<hbm>>
      %dma_wait3A_18 = arith.constant 0 : i32
      %dma_wait3A_19 = arith.constant 0 : i32
      %dma_wait3A_20 = tpu.memref_slice %arg3[%add3A, %dma_wait3A_18, %dma_wait3A_19] : memref<32x8x120xi32, #tpu.memory_space<hbm>> -> memref<1x8x120xi32, #tpu.memory_space<hbm>>
      %dma_wait3A_21 = tpu.memref_squeeze %dma_wait3A_20 : memref<1x8x120xi32, #tpu.memory_space<hbm>> -> memref<8x120xi32, #tpu.memory_space<hbm>>
      tpu.wait_dma2 semaphore(%run_scoped3A : memref<!tpu.dma_semaphore, #tpu.memory_space<semaphore_mem>>) src(%dma_wait3A_21 : memref<8x120xi32, #tpu.memory_space<hbm>>) dst(%arg5 : memref<8x120xi32, #tpu.memory_space<vmem>>)
      tpu.yield
    }) : () -> ()
    %scan3A = arith.constant 0 : i32
    %scan3A_3 = arith.constant 0 : i32
    %scan3A_4 = arith.constant 8 : i32
    %scan3A_5 = arith.addi %scan3A_3, %scan3A_4 : i32
    %scan3A_6 = arith.constant 1 : i32
    scf.for %scan3A_8 = %scan3A_3 to %scan3A_5 step %scan3A_6  : i32 {
      %dma_start3A = arith.constant 0 : i32
      %dma_start3A_9 = tpu.memref_slice %arg5[%scan3A_8, %dma_start3A] : memref<8x120xi32, #tpu.memory_space<vmem>> -> memref<1x120xi32, #tpu.memory_space<vmem>>
      %dma_start3A_10 = tpu.memref_squeeze %dma_start3A_9 : memref<1x120xi32, #tpu.memory_space<vmem>> -> memref<120xi32, #tpu.memory_space<vmem>>
      %dma_start3A_11 = arith.constant 0 : i32
      %dma_start3A_12 = arith.constant 0 : i32
      %dma_start3A_13 = tpu.memref_slice %arg2[%dma_start3A_11, %dma_start3A_12] : memref<10000x256xf32, #tpu.memory_space<hbm>> -> memref<10000x256xf32, #tpu.memory_space<hbm>>
      tpu.enqueue_indirect_dma source(%dma_start3A_13 : memref<10000x256xf32, #tpu.memory_space<hbm>>) target(%arg6 : memref<120x256xf32, #tpu.memory_space<vmem>>) offsets(%dma_start3A_10 : memref<120xi32, #tpu.memory_space<vmem>>) semaphore(%arg7 : memref<!tpu.dma_semaphore, #tpu.memory_space<semaphore_mem>>)
      %dma_wait3A = arith.constant 0 : i32
      %dma_wait3A_14 = tpu.memref_slice %arg5[%scan3A_8, %dma_wait3A] : memref<8x120xi32, #tpu.memory_space<vmem>> -> memref<1x120xi32, #tpu.memory_space<vmem>>
      %dma_wait3A_15 = tpu.memref_squeeze %dma_wait3A_14 : memref<1x120xi32, #tpu.memory_space<vmem>> -> memref<120xi32, #tpu.memory_space<vmem>>
      %dma_wait3A_16 = arith.constant 0 : i32
      %dma_wait3A_17 = arith.constant 0 : i32
      %dma_wait3A_18 = tpu.memref_slice %arg2[%dma_wait3A_16, %dma_wait3A_17] : memref<10000x256xf32, #tpu.memory_space<hbm>> -> memref<10000x256xf32, #tpu.memory_space<hbm>>
      tpu.wait_indirect_dma semaphore(%arg7 : memref<!tpu.dma_semaphore, #tpu.memory_space<semaphore_mem>>) src(%dma_wait3A_18 : memref<10000x256xf32, #tpu.memory_space<hbm>>) dst(%arg6 : memref<120x256xf32, #tpu.memory_space<vmem>>)
      %mul3A_19 = arith.constant 120 : i32
      %mul3A_20 = arith.muli %scan3A_8, %mul3A_19 : i32
      %add3A_21 = arith.addi %mul3A_2, %mul3A_20 : i32
      "tpu.region"() ({
        %run_scoped3A = tpu.sem_alloc : memref<!tpu.dma_semaphore, #tpu.memory_space<semaphore_mem>>
        %dma_start3A_22 = arith.constant 0 : i32
        %dma_start3A_23 = tpu.memref_slice %arg4[%add3A_21, %dma_start3A_22] : memref<30720x256xf32, #tpu.memory_space<hbm>> -> memref<120x256xf32, #tpu.memory_space<hbm>>
        %dma_start3A_24 = arith.constant 0 : i32
        %dma_start3A_25 = tpu.memref_slice %arg4[%add3A_21, %dma_start3A_24] : memref<30720x256xf32, #tpu.memory_space<hbm>> -> memref<120x256xf32, #tpu.memory_space<hbm>>
        tpu.enqueue_dma source(%arg6 : memref<120x256xf32, #tpu.memory_space<vmem>>) target(%dma_start3A_25 : memref<120x256xf32, #tpu.memory_space<hbm>>) target_semaphore(%run_scoped3A : memref<!tpu.dma_semaphore, #tpu.memory_space<semaphore_mem>>)
        %dma_wait3A_26 = arith.constant 0 : i32
        %dma_wait3A_27 = tpu.memref_slice %arg4[%add3A_21, %dma_wait3A_26] : memref<30720x256xf32, #tpu.memory_space<hbm>> -> memref<120x256xf32, #tpu.memory_space<hbm>>
        %dma_wait3A_28 = arith.constant 0 : i32
        %dma_wait3A_29 = tpu.memref_slice %arg4[%add3A_21, %dma_wait3A_28] : memref<30720x256xf32, #tpu.memory_space<hbm>> -> memref<120x256xf32, #tpu.memory_space<hbm>>
        tpu.wait_dma2 semaphore(%run_scoped3A : memref<!tpu.dma_semaphore, #tpu.memory_space<semaphore_mem>>) src(%arg6 : memref<120x256xf32, #tpu.memory_space<vmem>>) dst(%dma_wait3A_29 : memref<120x256xf32, #tpu.memory_space<hbm>>)
        tpu.yield
      }) : () -> ()
    }
    %scan3A_7 = arith.constant 8 : i32
    return
  }
}

#map = affine_map<(d0, d1) -> (0, 0)>
#map1 = affine_map<(d0, d1) -> (0, 0, 0)>
module attributes {stable_mosaic.version = 14 : i64} {
  func.func @gk(%arg0: i32, %arg1: i32, %arg2: memref<10000x256xf32, #tpu.memory_space<hbm>>, %arg3: memref<32x8x120xi32, #tpu.memory_space<hbm>>, %arg4: memref<30720x256xf32, #tpu.memory_space<hbm>>, %arg5: memref<8x120xi32, #tpu.memory_space<vmem>>, %arg6: memref<120x256xf32, #tpu.memory_space<vmem>>, %arg7: memref<!tpu.dma_semaphore, #tpu.memory_space<semaphore_mem>>) attributes {dimension_semantics = [#tpu.dimension_semantics<core_parallel>, #tpu.dimension_semantics<subcore_parallel>], iteration_bounds = array<i64: 2, 16>, scalar_prefetch = 0 : i64, scratch_operands = 3 : i64, tpu.core_type = #tpu.core_type<sc_vector_subcore>, window_params = [{transform_indices = #map}, {transform_indices = #map1}, {transform_indices = #map}]} {
    %mul3A = arith.constant 2 : i32
    %mul3A_0 = arith.muli %arg1, %mul3A : i32
    %add3A = arith.addi %mul3A_0, %arg0 : i32
    %mul3A_1 = arith.constant 960 : i32
    %mul3A_2 = arith.muli %add3A, %mul3A_1 : i32
    "tpu.region"() ({
      %run_scoped3A = tpu.sem_alloc : memref<!tpu.dma_semaphore, #tpu.memory_space<semaphore_mem>>
      %dma_start3A = arith.constant 0 : i32
      %dma_start3A_8 = arith.constant 0 : i32
      %dma_start3A_9 = tpu.memref_slice %arg3[%add3A, %dma_start3A, %dma_start3A_8] : memref<32x8x120xi32, #tpu.memory_space<hbm>> -> memref<1x8x120xi32, #tpu.memory_space<hbm>>
      %dma_start3A_10 = tpu.memref_squeeze %dma_start3A_9 : memref<1x8x120xi32, #tpu.memory_space<hbm>> -> memref<8x120xi32, #tpu.memory_space<hbm>>
      %dma_start3A_11 = arith.constant 0 : i32
      %dma_start3A_12 = arith.constant 0 : i32
      %dma_start3A_13 = tpu.memref_slice %arg3[%add3A, %dma_start3A_11, %dma_start3A_12] : memref<32x8x120xi32, #tpu.memory_space<hbm>> -> memref<1x8x120xi32, #tpu.memory_space<hbm>>
      %dma_start3A_14 = tpu.memref_squeeze %dma_start3A_13 : memref<1x8x120xi32, #tpu.memory_space<hbm>> -> memref<8x120xi32, #tpu.memory_space<hbm>>
      tpu.enqueue_dma source(%dma_start3A_14 : memref<8x120xi32, #tpu.memory_space<hbm>>) target(%arg5 : memref<8x120xi32, #tpu.memory_space<vmem>>) target_semaphore(%run_scoped3A : memref<!tpu.dma_semaphore, #tpu.memory_space<semaphore_mem>>)
      %dma_wait3A = arith.constant 0 : i32
      %dma_wait3A_15 = arith.constant 0 : i32
      %dma_wait3A_16 = tpu.memref_slice %arg3[%add3A, %dma_wait3A, %dma_wait3A_15] : memref<32x8x120xi32, #tpu.memory_space<hbm>> -> memref<1x8x120xi32, #tpu.memory_space<hbm>>
      %dma_wait3A_17 = tpu.memref_squeeze %dma_wait3A_16 : memref<1x8x120xi32, #tpu.memory_space<hbm>> -> memref<8x120xi32, #tpu.memory_space<hbm>>
      %dma_wait3A_18 = arith.constant 0 : i32
      %dma_wait3A_19 = arith.constant 0 : i32
      %dma_wait3A_20 = tpu.memref_slice %arg3[%add3A, %dma_wait3A_18, %dma_wait3A_19] : memref<32x8x120xi32, #tpu.memory_space<hbm>> -> memref<1x8x120xi32, #tpu.memory_space<hbm>>
      %dma_wait3A_21 = tpu.memref_squeeze %dma_wait3A_20 : memref<1x8x120xi32, #tpu.memory_space<hbm>> -> memref<8x120xi32, #tpu.memory_space<hbm>>
      tpu.wait_dma2 semaphore(%run_scoped3A : memref<!tpu.dma_semaphore, #tpu.memory_space<semaphore_mem>>) src(%dma_wait3A_21 : memref<8x120xi32, #tpu.memory_space<hbm>>) dst(%arg5 : memref<8x120xi32, #tpu.memory_space<vmem>>)
      tpu.yield
    }) : () -> ()
    %scan3A = arith.constant 0 : i32
    %scan3A_3 = arith.constant 0 : i32
    %scan3A_4 = arith.constant 8 : i32
    %scan3A_5 = arith.addi %scan3A_3, %scan3A_4 : i32
    %scan3A_6 = arith.constant 1 : i32
    scf.for %scan3A_8 = %scan3A_3 to %scan3A_5 step %scan3A_6  : i32 {
      %dma_start3A = arith.constant 0 : i32
      %dma_start3A_9 = tpu.memref_slice %arg5[%scan3A_8, %dma_start3A] : memref<8x120xi32, #tpu.memory_space<vmem>> -> memref<1x120xi32, #tpu.memory_space<vmem>>
      %dma_start3A_10 = tpu.memref_squeeze %dma_start3A_9 : memref<1x120xi32, #tpu.memory_space<vmem>> -> memref<120xi32, #tpu.memory_space<vmem>>
      %dma_start3A_11 = arith.constant 0 : i32
      %dma_start3A_12 = arith.constant 0 : i32
      %dma_start3A_13 = tpu.memref_slice %arg2[%dma_start3A_11, %dma_start3A_12] : memref<10000x256xf32, #tpu.memory_space<hbm>> -> memref<10000x256xf32, #tpu.memory_space<hbm>>
      tpu.enqueue_indirect_dma source(%dma_start3A_13 : memref<10000x256xf32, #tpu.memory_space<hbm>>) target(%arg6 : memref<120x256xf32, #tpu.memory_space<vmem>>) offsets(%dma_start3A_10 : memref<120xi32, #tpu.memory_space<vmem>>) semaphore(%arg7 : memref<!tpu.dma_semaphore, #tpu.memory_space<semaphore_mem>>)
      %dma_wait3A = arith.constant 0 : i32
      %dma_wait3A_14 = tpu.memref_slice %arg5[%scan3A_8, %dma_wait3A] : memref<8x120xi32, #tpu.memory_space<vmem>> -> memref<1x120xi32, #tpu.memory_space<vmem>>
      %dma_wait3A_15 = tpu.memref_squeeze %dma_wait3A_14 : memref<1x120xi32, #tpu.memory_space<vmem>> -> memref<120xi32, #tpu.memory_space<vmem>>
      %dma_wait3A_16 = arith.constant 0 : i32
      %dma_wait3A_17 = arith.constant 0 : i32
      %dma_wait3A_18 = tpu.memref_slice %arg2[%dma_wait3A_16, %dma_wait3A_17] : memref<10000x256xf32, #tpu.memory_space<hbm>> -> memref<10000x256xf32, #tpu.memory_space<hbm>>
      tpu.wait_indirect_dma semaphore(%arg7 : memref<!tpu.dma_semaphore, #tpu.memory_space<semaphore_mem>>) src(%dma_wait3A_18 : memref<10000x256xf32, #tpu.memory_space<hbm>>) dst(%arg6 : memref<120x256xf32, #tpu.memory_space<vmem>>)
      %mul3A_19 = arith.constant 120 : i32
      %mul3A_20 = arith.muli %scan3A_8, %mul3A_19 : i32
      %add3A_21 = arith.addi %mul3A_2, %mul3A_20 : i32
      "tpu.region"() ({
        %run_scoped3A = tpu.sem_alloc : memref<!tpu.dma_semaphore, #tpu.memory_space<semaphore_mem>>
        %dma_start3A_22 = arith.constant 0 : i32
        %dma_start3A_23 = tpu.memref_slice %arg4[%add3A_21, %dma_start3A_22] : memref<30720x256xf32, #tpu.memory_space<hbm>> -> memref<120x256xf32, #tpu.memory_space<hbm>>
        %dma_start3A_24 = arith.constant 0 : i32
        %dma_start3A_25 = tpu.memref_slice %arg4[%add3A_21, %dma_start3A_24] : memref<30720x256xf32, #tpu.memory_space<hbm>> -> memref<120x256xf32, #tpu.memory_space<hbm>>
        tpu.enqueue_dma source(%arg6 : memref<120x256xf32, #tpu.memory_space<vmem>>) target(%dma_start3A_25 : memref<120x256xf32, #tpu.memory_space<hbm>>) target_semaphore(%run_scoped3A : memref<!tpu.dma_semaphore, #tpu.memory_space<semaphore_mem>>)
        %dma_wait3A_26 = arith.constant 0 : i32
        %dma_wait3A_27 = tpu.memref_slice %arg4[%add3A_21, %dma_wait3A_26] : memref<30720x256xf32, #tpu.memory_space<hbm>> -> memref<120x256xf32, #tpu.memory_space<hbm>>
        %dma_wait3A_28 = arith.constant 0 : i32
        %dma_wait3A_29 = tpu.memref_slice %arg4[%add3A_21, %dma_wait3A_28] : memref<30720x256xf32, #tpu.memory_space<hbm>> -> memref<120x256xf32, #tpu.memory_space<hbm>>
        tpu.wait_dma2 semaphore(%run_scoped3A : memref<!tpu.dma_semaphore, #tpu.memory_space<semaphore_mem>>) src(%arg6 : memref<120x256xf32, #tpu.memory_space<vmem>>) dst(%dma_wait3A_29 : memref<120x256xf32, #tpu.memory_space<hbm>>)
        tpu.yield
      }) : () -> ()
    }
    %scan3A_7 = arith.constant 8 : i32
    return
  }
}

#map = affine_map<(d0, d1) -> (0, 0)>
#map1 = affine_map<(d0, d1) -> (0, 0, 0)>
module attributes {stable_mosaic.version = 14 : i64} {
  func.func @_scatter_kernel(%arg0: i32, %arg1: i32, %arg2: memref<30720x256xf32, #tpu.memory_space<hbm>>, %arg3: memref<30720x256xf32, #tpu.memory_space<hbm>>, %arg4: memref<16x15x128xi32, #tpu.memory_space<hbm>>, %arg5: memref<16x15x128xi32, #tpu.memory_space<hbm>>, %arg6: memref<632x128xf32, #tpu.memory_space<hbm>>, %arg7: memref<10112x256xf32, #tpu.memory_space<hbm>>, %arg8: memref<15x128xi32, #tpu.memory_space<vmem>>, %arg9: memref<15x128xi32, #tpu.memory_space<vmem>>, %arg10: memref<128x128xf32, #tpu.memory_space<vmem>>, %arg11: memref<10112x128xf32, #tpu.memory_space<vmem_shared>>) attributes {dimension_semantics = [#tpu.dimension_semantics<core_parallel>, #tpu.dimension_semantics<subcore_parallel>], iteration_bounds = array<i64: 2, 16>, scalar_prefetch = 0 : i64, scratch_operands = 4 : i64, tpu.core_type = #tpu.core_type<sc_vector_subcore>, window_params = [{transform_indices = #map}, {transform_indices = #map}, {transform_indices = #map1}, {transform_indices = #map1}, {transform_indices = #map}, {transform_indices = #map}]} {
    %mul3A = arith.constant 1920 : i32
    %mul3A_0 = arith.muli %arg1, %mul3A : i32
    %mul3A_1 = arith.constant 128 : i32
    %mul3A_2 = arith.muli %arg0, %mul3A_1 : i32
    "tpu.region"() ({
      %run_scoped3A = tpu.sem_alloc : memref<!tpu.dma_semaphore, #tpu.memory_space<semaphore_mem>>
      %dma_start3A = arith.constant 0 : i32
      %dma_start3A_21 = arith.constant 0 : i32
      %dma_start3A_22 = tpu.memref_slice %arg4[%arg1, %dma_start3A, %dma_start3A_21] : memref<16x15x128xi32, #tpu.memory_space<hbm>> -> memref<1x15x128xi32, #tpu.memory_space<hbm>>
      %dma_start3A_23 = tpu.memref_squeeze %dma_start3A_22 : memref<1x15x128xi32, #tpu.memory_space<hbm>> -> memref<15x128xi32, #tpu.memory_space<hbm>>
      %dma_start3A_24 = arith.constant 0 : i32
      %dma_start3A_25 = arith.constant 0 : i32
      %dma_start3A_26 = tpu.memref_slice %arg4[%arg1, %dma_start3A_24, %dma_start3A_25] : memref<16x15x128xi32, #tpu.memory_space<hbm>> -> memref<1x15x128xi32, #tpu.memory_space<hbm>>
      %dma_start3A_27 = tpu.memref_squeeze %dma_start3A_26 : memref<1x15x128xi32, #tpu.memory_space<hbm>> -> memref<15x128xi32, #tpu.memory_space<hbm>>
      tpu.enqueue_dma source(%dma_start3A_27 : memref<15x128xi32, #tpu.memory_space<hbm>>) target(%arg8 : memref<15x128xi32, #tpu.memory_space<vmem>>) target_semaphore(%run_scoped3A : memref<!tpu.dma_semaphore, #tpu.memory_space<semaphore_mem>>)
      %dma_wait3A = arith.constant 0 : i32
      %dma_wait3A_28 = arith.constant 0 : i32
      %dma_wait3A_29 = tpu.memref_slice %arg4[%arg1, %dma_wait3A, %dma_wait3A_28] : memref<16x15x128xi32, #tpu.memory_space<hbm>> -> memref<1x15x128xi32, #tpu.memory_space<hbm>>
      %dma_wait3A_30 = tpu.memref_squeeze %dma_wait3A_29 : memref<1x15x128xi32, #tpu.memory_space<hbm>> -> memref<15x128xi32, #tpu.memory_space<hbm>>
      %dma_wait3A_31 = arith.constant 0 : i32
      %dma_wait3A_32 = arith.constant 0 : i32
      %dma_wait3A_33 = tpu.memref_slice %arg4[%arg1, %dma_wait3A_31, %dma_wait3A_32] : memref<16x15x128xi32, #tpu.memory_space<hbm>> -> memref<1x15x128xi32, #tpu.memory_space<hbm>>
      %dma_wait3A_34 = tpu.memref_squeeze %dma_wait3A_33 : memref<1x15x128xi32, #tpu.memory_space<hbm>> -> memref<15x128xi32, #tpu.memory_space<hbm>>
      tpu.wait_dma2 semaphore(%run_scoped3A : memref<!tpu.dma_semaphore, #tpu.memory_space<semaphore_mem>>) src(%dma_wait3A_34 : memref<15x128xi32, #tpu.memory_space<hbm>>) dst(%arg8 : memref<15x128xi32, #tpu.memory_space<vmem>>)
      tpu.yield
    }) : () -> ()
    "tpu.region"() ({
      %run_scoped3A = tpu.sem_alloc : memref<!tpu.dma_semaphore, #tpu.memory_space<semaphore_mem>>
      %dma_start3A = arith.constant 0 : i32
      %dma_start3A_21 = arith.constant 0 : i32
      %dma_start3A_22 = tpu.memref_slice %arg5[%arg1, %dma_start3A, %dma_start3A_21] : memref<16x15x128xi32, #tpu.memory_space<hbm>> -> memref<1x15x128xi32, #tpu.memory_space<hbm>>
      %dma_start3A_23 = tpu.memref_squeeze %dma_start3A_22 : memref<1x15x128xi32, #tpu.memory_space<hbm>> -> memref<15x128xi32, #tpu.memory_space<hbm>>
      %dma_start3A_24 = arith.constant 0 : i32
      %dma_start3A_25 = arith.constant 0 : i32
      %dma_start3A_26 = tpu.memref_slice %arg5[%arg1, %dma_start3A_24, %dma_start3A_25] : memref<16x15x128xi32, #tpu.memory_space<hbm>> -> memref<1x15x128xi32, #tpu.memory_space<hbm>>
      %dma_start3A_27 = tpu.memref_squeeze %dma_start3A_26 : memref<1x15x128xi32, #tpu.memory_space<hbm>> -> memref<15x128xi32, #tpu.memory_space<hbm>>
      tpu.enqueue_dma source(%dma_start3A_27 : memref<15x128xi32, #tpu.memory_space<hbm>>) target(%arg9 : memref<15x128xi32, #tpu.memory_space<vmem>>) target_semaphore(%run_scoped3A : memref<!tpu.dma_semaphore, #tpu.memory_space<semaphore_mem>>)
      %dma_wait3A = arith.constant 0 : i32
      %dma_wait3A_28 = arith.constant 0 : i32
      %dma_wait3A_29 = tpu.memref_slice %arg5[%arg1, %dma_wait3A, %dma_wait3A_28] : memref<16x15x128xi32, #tpu.memory_space<hbm>> -> memref<1x15x128xi32, #tpu.memory_space<hbm>>
      %dma_wait3A_30 = tpu.memref_squeeze %dma_wait3A_29 : memref<1x15x128xi32, #tpu.memory_space<hbm>> -> memref<15x128xi32, #tpu.memory_space<hbm>>
      %dma_wait3A_31 = arith.constant 0 : i32
      %dma_wait3A_32 = arith.constant 0 : i32
      %dma_wait3A_33 = tpu.memref_slice %arg5[%arg1, %dma_wait3A_31, %dma_wait3A_32] : memref<16x15x128xi32, #tpu.memory_space<hbm>> -> memref<1x15x128xi32, #tpu.memory_space<hbm>>
      %dma_wait3A_34 = tpu.memref_squeeze %dma_wait3A_33 : memref<1x15x128xi32, #tpu.memory_space<hbm>> -> memref<15x128xi32, #tpu.memory_space<hbm>>
      tpu.wait_dma2 semaphore(%run_scoped3A : memref<!tpu.dma_semaphore, #tpu.memory_space<semaphore_mem>>) src(%dma_wait3A_34 : memref<15x128xi32, #tpu.memory_space<hbm>>) dst(%arg9 : memref<15x128xi32, #tpu.memory_space<vmem>>)
      tpu.yield
    }) : () -> ()
    %mul3A_3 = arith.constant 632 : i32
    %mul3A_4 = arith.muli %arg1, %mul3A_3 : i32
    "tpu.region"() ({
      %run_scoped3A = tpu.sem_alloc : memref<!tpu.dma_semaphore, #tpu.memory_space<semaphore_mem>>
      %dma_start3A = arith.constant 0 : i32
      %dma_start3A_21 = tpu.memref_slice %arg11[%mul3A_4, %dma_start3A] : memref<10112x128xf32, #tpu.memory_space<vmem_shared>> -> memref<632x128xf32, #tpu.memory_space<vmem_shared>>
      tpu.enqueue_dma source(%arg6 : memref<632x128xf32, #tpu.memory_space<hbm>>) target(%dma_start3A_21 : memref<632x128xf32, #tpu.memory_space<vmem_shared>>) target_semaphore(%run_scoped3A : memref<!tpu.dma_semaphore, #tpu.memory_space<semaphore_mem>>)
      %dma_wait3A = arith.constant 0 : i32
      %dma_wait3A_22 = tpu.memref_slice %arg11[%mul3A_4, %dma_wait3A] : memref<10112x128xf32, #tpu.memory_space<vmem_shared>> -> memref<632x128xf32, #tpu.memory_space<vmem_shared>>
      tpu.wait_dma2 semaphore(%run_scoped3A : memref<!tpu.dma_semaphore, #tpu.memory_space<semaphore_mem>>) src(%arg6 : memref<632x128xf32, #tpu.memory_space<hbm>>) dst(%dma_wait3A_22 : memref<632x128xf32, #tpu.memory_space<vmem_shared>>)
      tpu.yield
    }) : () -> ()
    %barrier3A = arith.constant 0 : index
    tpu.barrier barrier_id(%barrier3A)
    %scan3A = arith.constant 0 : i32
    %scan3A_5 = arith.constant 0 : i32
    %scan3A_6 = arith.constant 15 : i32
    %scan3A_7 = arith.addi %scan3A_5, %scan3A_6 : i32
    %scan3A_8 = arith.constant 1 : i32
    scf.for %scan3A_21 = %scan3A_5 to %scan3A_7 step %scan3A_8  : i32 {
      %mul3A_22 = arith.constant 128 : i32
      %mul3A_23 = arith.muli %scan3A_21, %mul3A_22 : i32
      %add3A = arith.addi %mul3A_0, %mul3A_23 : i32
      "tpu.region"() ({
        %run_scoped3A = tpu.sem_alloc : memref<!tpu.dma_semaphore, #tpu.memory_space<semaphore_mem>>
        %dma_start3A = tpu.memref_slice %arg2[%add3A, %mul3A_2] : memref<30720x256xf32, #tpu.memory_space<hbm>> -> memref<128x128xf32, #tpu.memory_space<hbm>>
        %dma_start3A_24 = tpu.memref_slice %arg2[%add3A, %mul3A_2] : memref<30720x256xf32, #tpu.memory_space<hbm>> -> memref<128x128xf32, #tpu.memory_space<hbm>>
        tpu.enqueue_dma source(%dma_start3A_24 : memref<128x128xf32, #tpu.memory_space<hbm>>) target(%arg10 : memref<128x128xf32, #tpu.memory_space<vmem>>) target_semaphore(%run_scoped3A : memref<!tpu.dma_semaphore, #tpu.memory_space<semaphore_mem>>)
        %dma_wait3A = tpu.memref_slice %arg2[%add3A, %mul3A_2] : memref<30720x256xf32, #tpu.memory_space<hbm>> -> memref<128x128xf32, #tpu.memory_space<hbm>>
        %dma_wait3A_25 = tpu.memref_slice %arg2[%add3A, %mul3A_2] : memref<30720x256xf32, #tpu.memory_space<hbm>> -> memref<128x128xf32, #tpu.memory_space<hbm>>
        tpu.wait_dma2 semaphore(%run_scoped3A : memref<!tpu.dma_semaphore, #tpu.memory_space<semaphore_mem>>) src(%dma_wait3A_25 : memref<128x128xf32, #tpu.memory_space<hbm>>) dst(%arg10 : memref<128x128xf32, #tpu.memory_space<vmem>>)
        tpu.yield
      }) : () -> ()
      "tpu.region"() ({
        %run_scoped3A = tpu.sem_alloc : memref<!tpu.dma_semaphore, #tpu.memory_space<semaphore_mem>>
        %dma_start3A = arith.constant 0 : i32
        %dma_start3A_24 = tpu.memref_slice %arg8[%scan3A_21, %dma_start3A] : memref<15x128xi32, #tpu.memory_space<vmem>> -> memref<1x128xi32, #tpu.memory_space<vmem>>
        %dma_start3A_25 = tpu.memref_squeeze %dma_start3A_24 : memref<1x128xi32, #tpu.memory_space<vmem>> -> memref<128xi32, #tpu.memory_space<vmem>>
        %dma_start3A_26 = arith.constant 0 : i32
        %dma_start3A_27 = arith.constant 0 : i32
        %dma_start3A_28 = tpu.memref_slice %arg11[%dma_start3A_26, %dma_start3A_27] : memref<10112x128xf32, #tpu.memory_space<vmem_shared>> -> memref<10112x128xf32, #tpu.memory_space<vmem_shared>>
        tpu.enqueue_indirect_dma source(%arg10 : memref<128x128xf32, #tpu.memory_space<vmem>>) target(%dma_start3A_28 : memref<10112x128xf32, #tpu.memory_space<vmem_shared>>) offsets(%dma_start3A_25 : memref<128xi32, #tpu.memory_space<vmem>>) semaphore(%run_scoped3A : memref<!tpu.dma_semaphore, #tpu.memory_space<semaphore_mem>>) {add = true}
        %dma_wait3A = arith.constant 0 : i32
        %dma_wait3A_29 = tpu.memref_slice %arg8[%scan3A_21, %dma_wait3A] : memref<15x128xi32, #tpu.memory_space<vmem>> -> memref<1x128xi32, #tpu.memory_space<vmem>>
        %dma_wait3A_30 = tpu.memref_squeeze %dma_wait3A_29 : memref<1x128xi32, #tpu.memory_space<vmem>> -> memref<128xi32, #tpu.memory_space<vmem>>
        %dma_wait3A_31 = arith.constant 0 : i32
        %dma_wait3A_32 = arith.constant 0 : i32
        %dma_wait3A_33 = tpu.memref_slice %arg11[%dma_wait3A_31, %dma_wait3A_32] : memref<10112x128xf32, #tpu.memory_space<vmem_shared>> -> memref<10112x128xf32, #tpu.memory_space<vmem_shared>>
        tpu.wait_indirect_dma semaphore(%run_scoped3A : memref<!tpu.dma_semaphore, #tpu.memory_space<semaphore_mem>>) src(%arg10 : memref<128x128xf32, #tpu.memory_space<vmem>>) dst(%dma_wait3A_33 : memref<10112x128xf32, #tpu.memory_space<vmem_shared>>)
        tpu.yield
      }) : () -> ()
    }
    %scan3A_9 = arith.constant 15 : i32
    %scan3A_10 = arith.constant 0 : i32
    %scan3A_11 = arith.constant 0 : i32
    %scan3A_12 = arith.constant 15 : i32
    %scan3A_13 = arith.addi %scan3A_11, %scan3A_12 : i32
    %scan3A_14 = arith.constant 1 : i32
    scf.for %scan3A_21 = %scan3A_11 to %scan3A_13 step %scan3A_14  : i32 {
      %mul3A_22 = arith.constant 128 : i32
      %mul3A_23 = arith.muli %scan3A_21, %mul3A_22 : i32
      %add3A = arith.addi %mul3A_0, %mul3A_23 : i32
      "tpu.region"() ({
        %run_scoped3A = tpu.sem_alloc : memref<!tpu.dma_semaphore, #tpu.memory_space<semaphore_mem>>
        %dma_start3A = tpu.memref_slice %arg3[%add3A, %mul3A_2] : memref<30720x256xf32, #tpu.memory_space<hbm>> -> memref<128x128xf32, #tpu.memory_space<hbm>>
        %dma_start3A_24 = tpu.memref_slice %arg3[%add3A, %mul3A_2] : memref<30720x256xf32, #tpu.memory_space<hbm>> -> memref<128x128xf32, #tpu.memory_space<hbm>>
        tpu.enqueue_dma source(%dma_start3A_24 : memref<128x128xf32, #tpu.memory_space<hbm>>) target(%arg10 : memref<128x128xf32, #tpu.memory_space<vmem>>) target_semaphore(%run_scoped3A : memref<!tpu.dma_semaphore, #tpu.memory_space<semaphore_mem>>)
        %dma_wait3A = tpu.memref_slice %arg3[%add3A, %mul3A_2] : memref<30720x256xf32, #tpu.memory_space<hbm>> -> memref<128x128xf32, #tpu.memory_space<hbm>>
        %dma_wait3A_25 = tpu.memref_slice %arg3[%add3A, %mul3A_2] : memref<30720x256xf32, #tpu.memory_space<hbm>> -> memref<128x128xf32, #tpu.memory_space<hbm>>
        tpu.wait_dma2 semaphore(%run_scoped3A : memref<!tpu.dma_semaphore, #tpu.memory_space<semaphore_mem>>) src(%dma_wait3A_25 : memref<128x128xf32, #tpu.memory_space<hbm>>) dst(%arg10 : memref<128x128xf32, #tpu.memory_space<vmem>>)
        tpu.yield
      }) : () -> ()
      "tpu.region"() ({
        %run_scoped3A = tpu.sem_alloc : memref<!tpu.dma_semaphore, #tpu.memory_space<semaphore_mem>>
        %dma_start3A = arith.constant 0 : i32
        %dma_start3A_24 = tpu.memref_slice %arg9[%scan3A_21, %dma_start3A] : memref<15x128xi32, #tpu.memory_space<vmem>> -> memref<1x128xi32, #tpu.memory_space<vmem>>
        %dma_start3A_25 = tpu.memref_squeeze %dma_start3A_24 : memref<1x128xi32, #tpu.memory_space<vmem>> -> memref<128xi32, #tpu.memory_space<vmem>>
        %dma_start3A_26 = arith.constant 0 : i32
        %dma_start3A_27 = arith.constant 0 : i32
        %dma_start3A_28 = tpu.memref_slice %arg11[%dma_start3A_26, %dma_start3A_27] : memref<10112x128xf32, #tpu.memory_space<vmem_shared>> -> memref<10112x128xf32, #tpu.memory_space<vmem_shared>>
        tpu.enqueue_indirect_dma source(%arg10 : memref<128x128xf32, #tpu.memory_space<vmem>>) target(%dma_start3A_28 : memref<10112x128xf32, #tpu.memory_space<vmem_shared>>) offsets(%dma_start3A_25 : memref<128xi32, #tpu.memory_space<vmem>>) semaphore(%run_scoped3A : memref<!tpu.dma_semaphore, #tpu.memory_space<semaphore_mem>>) {add = true}
        %dma_wait3A = arith.constant 0 : i32
        %dma_wait3A_29 = tpu.memref_slice %arg9[%scan3A_21, %dma_wait3A] : memref<15x128xi32, #tpu.memory_space<vmem>> -> memref<1x128xi32, #tpu.memory_space<vmem>>
        %dma_wait3A_30 = tpu.memref_squeeze %dma_wait3A_29 : memref<1x128xi32, #tpu.memory_space<vmem>> -> memref<128xi32, #tpu.memory_space<vmem>>
        %dma_wait3A_31 = arith.constant 0 : i32
        %dma_wait3A_32 = arith.constant 0 : i32
        %dma_wait3A_33 = tpu.memref_slice %arg11[%dma_wait3A_31, %dma_wait3A_32] : memref<10112x128xf32, #tpu.memory_space<vmem_shared>> -> memref<10112x128xf32, #tpu.memory_space<vmem_shared>>
        tpu.wait_indirect_dma semaphore(%run_scoped3A : memref<!tpu.dma_semaphore, #tpu.memory_space<semaphore_mem>>) src(%arg10 : memref<128x128xf32, #tpu.memory_space<vmem>>) dst(%dma_wait3A_33 : memref<10112x128xf32, #tpu.memory_space<vmem_shared>>)
        tpu.yield
      }) : () -> ()
    }
    %scan3A_15 = arith.constant 15 : i32
    %barrier3A_16 = arith.constant 0 : index
    tpu.barrier barrier_id(%barrier3A_16)
    %mul3A_17 = arith.constant 632 : i32
    %mul3A_18 = arith.muli %arg1, %mul3A_17 : i32
    %mul3A_19 = arith.constant 632 : i32
    %mul3A_20 = arith.muli %arg1, %mul3A_19 : i32
    "tpu.region"() ({
      %run_scoped3A = tpu.sem_alloc : memref<!tpu.dma_semaphore, #tpu.memory_space<semaphore_mem>>
      %dma_start3A = tpu.memref_slice %arg7[%mul3A_20, %mul3A_2] : memref<10112x256xf32, #tpu.memory_space<hbm>> -> memref<632x128xf32, #tpu.memory_space<hbm>>
      %dma_start3A_21 = arith.constant 0 : i32
      %dma_start3A_22 = tpu.memref_slice %arg11[%mul3A_18, %dma_start3A_21] : memref<10112x128xf32, #tpu.memory_space<vmem_shared>> -> memref<632x128xf32, #tpu.memory_space<vmem_shared>>
      tpu.enqueue_dma source(%dma_start3A_22 : memref<632x128xf32, #tpu.memory_space<vmem_shared>>) target(%dma_start3A : memref<632x128xf32, #tpu.memory_space<hbm>>) target_semaphore(%run_scoped3A : memref<!tpu.dma_semaphore, #tpu.memory_space<semaphore_mem>>)
      %dma_wait3A = tpu.memref_slice %arg7[%mul3A_20, %mul3A_2] : memref<10112x256xf32, #tpu.memory_space<hbm>> -> memref<632x128xf32, #tpu.memory_space<hbm>>
      %dma_wait3A_23 = arith.constant 0 : i32
      %dma_wait3A_24 = tpu.memref_slice %arg11[%mul3A_18, %dma_wait3A_23] : memref<10112x128xf32, #tpu.memory_space<vmem_shared>> -> memref<632x128xf32, #tpu.memory_space<vmem_shared>>
      tpu.wait_dma2 semaphore(%run_scoped3A : memref<!tpu.dma_semaphore, #tpu.memory_space<semaphore_mem>>) src(%dma_wait3A_24 : memref<632x128xf32, #tpu.memory_space<vmem_shared>>) dst(%dma_wait3A : memref<632x128xf32, #tpu.memory_space<hbm>>)
      tpu.yield
    }) : () -> ()
    return
  }
}

module attributes {stable_mosaic.version = 14 : i64} {
  func.func @_edge0_body(%arg0: i32, %arg1: memref<512x640xi32, #tpu.memory_space<vmem>>, %arg2: memref<512x16xf32, #tpu.memory_space<vmem>>, %arg3: memref<16x640xf32, #tpu.memory_space<vmem>>, %arg4: memref<16x640xf32, #tpu.memory_space<vmem>>, %arg5: memref<1x640xf32, #tpu.memory_space<vmem>>, %arg6: memref<1x640xf32, #tpu.memory_space<vmem>>, %arg7: memref<640x256xf32, #tpu.memory_space<vmem>>, %arg8: memref<640x256xf32, #tpu.memory_space<vmem>>, %arg9: memref<512x256xf32, #tpu.memory_space<vmem>>) attributes {dimension_semantics = [#tpu.dimension_semantics<arbitrary>], iteration_bounds = array<i64: 60>, scalar_prefetch = 0 : i64, scratch_operands = 0 : i64, tpu.core_type = #tpu.core_type<tc>, window_params = [{transform_indices = @transform_0, window_bounds = array<i64: 512, 640>}, {transform_indices = @transform_1, window_bounds = array<i64: 512, 16>}, {pipeline_mode = #tpu.pipeline_mode<synchronous>, transform_indices = @transform_2, window_bounds = array<i64: 16, 640>}, {pipeline_mode = #tpu.pipeline_mode<synchronous>, transform_indices = @transform_3, window_bounds = array<i64: 16, 640>}, {pipeline_mode = #tpu.pipeline_mode<synchronous>, transform_indices = @transform_4, window_bounds = array<i64: 1, 640>}, {pipeline_mode = #tpu.pipeline_mode<synchronous>, transform_indices = @transform_5, window_bounds = array<i64: 1, 640>}, {pipeline_mode = #tpu.pipeline_mode<synchronous>, transform_indices = @transform_6, window_bounds = array<i64: 640, 256>}, {pipeline_mode = #tpu.pipeline_mode<synchronous>, transform_indices = @transform_7, window_bounds = array<i64: 640, 256>}, {transform_indices = @transform_8, window_bounds = array<i64: 512, 256>}]} {
    %get3A = arith.constant 0 : index
    %get3A_0 = arith.constant 0 : index
    %get3A_1 = vector.load %arg1[%get3A, %get3A_0] : memref<512x640xi32, #tpu.memory_space<vmem>>, vector<512x640xi32>
    %shift_left3A = arith.constant 16 : i32
    %shift_left3A_2 = vector.broadcast %shift_left3A : i32 to vector<512x640xi32>
    %shift_left3A_3 = arith.shli %get3A_1, %shift_left3A_2 : vector<512x640xi32>
    %bitcast_convert_type3A = tpu.bitcast %shift_left3A_3 : vector<512x640xi32> -> vector<512x640xf32>
    %and3A = arith.constant -65536 : i32
    %and3A_4 = vector.broadcast %and3A : i32 to vector<512x640xi32>
    %and3A_5 = arith.andi %get3A_1, %and3A_4 : vector<512x640xi32>
    %bitcast_convert_type3A_6 = tpu.bitcast %and3A_5 : vector<512x640xi32> -> vector<512x640xf32>
    %get3A_7 = arith.constant 0 : index
    %get3A_8 = arith.constant 0 : index
    %get3A_9 = vector.load %arg2[%get3A_7, %get3A_8] : memref<512x16xf32, #tpu.memory_space<vmem>>, vector<512x16xf32>
    %get3A_10 = arith.constant 0 : index
    %get3A_11 = arith.constant 0 : index
    %get3A_12 = vector.load %arg3[%get3A_10, %get3A_11] : memref<16x640xf32, #tpu.memory_space<vmem>>, vector<16x640xf32>
    %dot_general3A = arith.constant dense<0.000000e+00> : vector<512x640xf32>
    %dot_general3A_13 = tpu.matmul %get3A_9, %get3A_12, %dot_general3A {dimension_numbers = #tpu.dot_dimension_numbers<[1], [0], [0], [1], [0, 0, 1, 1], [], []>, transpose_lhs_hint = false} : vector<512x16xf32>, vector<16x640xf32>, vector<512x640xf32> -> vector<512x640xf32>
    %add3A = arith.addf %bitcast_convert_type3A, %dot_general3A_13 : vector<512x640xf32>
    %get3A_14 = arith.constant 0 : index
    %get3A_15 = arith.constant 0 : index
    %get3A_16 = vector.load %arg5[%get3A_14, %get3A_15] : memref<1x640xf32, #tpu.memory_space<vmem>>, vector<1x640xf32>
    %add3A_17 = vector.broadcast %get3A_16 : vector<1x640xf32> to vector<512x640xf32>
    %add3A_18 = arith.addf %add3A, %add3A_17 : vector<512x640xf32>
    %max3A = arith.constant 0.000000e+00 : f32
    %max3A_19 = vector.broadcast %max3A : f32 to vector<512x640xf32>
    %max3A_20 = arith.maximumf %add3A_18, %max3A_19 : vector<512x640xf32>
    %get3A_21 = arith.constant 0 : index
    %get3A_22 = arith.constant 0 : index
    %get3A_23 = vector.load %arg4[%get3A_21, %get3A_22] : memref<16x640xf32, #tpu.memory_space<vmem>>, vector<16x640xf32>
    %dot_general3A_24 = arith.constant dense<0.000000e+00> : vector<512x640xf32>
    %dot_general3A_25 = tpu.matmul %get3A_9, %get3A_23, %dot_general3A_24 {dimension_numbers = #tpu.dot_dimension_numbers<[1], [0], [0], [1], [0, 0, 1, 1], [], []>, transpose_lhs_hint = false} : vector<512x16xf32>, vector<16x640xf32>, vector<512x640xf32> -> vector<512x640xf32>
    %add3A_26 = arith.addf %bitcast_convert_type3A_6, %dot_general3A_25 : vector<512x640xf32>
    %get3A_27 = arith.constant 0 : index
    %get3A_28 = arith.constant 0 : index
    %get3A_29 = vector.load %arg6[%get3A_27, %get3A_28] : memref<1x640xf32, #tpu.memory_space<vmem>>, vector<1x640xf32>
    %add3A_30 = vector.broadcast %get3A_29 : vector<1x640xf32> to vector<512x640xf32>
    %add3A_31 = arith.addf %add3A_26, %add3A_30 : vector<512x640xf32>
    %max3A_32 = arith.constant 0.000000e+00 : f32
    %max3A_33 = vector.broadcast %max3A_32 : f32 to vector<512x640xf32>
    %max3A_34 = arith.maximumf %add3A_31, %max3A_33 : vector<512x640xf32>
    %get3A_35 = arith.constant 0 : index
    %get3A_36 = arith.constant 0 : index
    %get3A_37 = vector.load %arg7[%get3A_35, %get3A_36] : memref<640x256xf32, #tpu.memory_space<vmem>>, vector<640x256xf32>
    %dot_general3A_38 = arith.constant dense<0.000000e+00> : vector<512x256xf32>
    %dot_general3A_39 = tpu.matmul %max3A_20, %get3A_37, %dot_general3A_38 {dimension_numbers = #tpu.dot_dimension_numbers<[1], [0], [0], [1], [0, 0, 1, 1], [], []>, transpose_lhs_hint = false} : vector<512x640xf32>, vector<640x256xf32>, vector<512x256xf32> -> vector<512x256xf32>
    %get3A_40 = arith.constant 0 : index
    %get3A_41 = arith.constant 0 : index
    %get3A_42 = vector.load %arg8[%get3A_40, %get3A_41] : memref<640x256xf32, #tpu.memory_space<vmem>>, vector<640x256xf32>
    %dot_general3A_43 = arith.constant dense<0.000000e+00> : vector<512x256xf32>
    %dot_general3A_44 = tpu.matmul %max3A_34, %get3A_42, %dot_general3A_43 {dimension_numbers = #tpu.dot_dimension_numbers<[1], [0], [0], [1], [0, 0, 1, 1], [], []>, transpose_lhs_hint = false} : vector<512x640xf32>, vector<640x256xf32>, vector<512x256xf32> -> vector<512x256xf32>
    %add3A_45 = arith.addf %dot_general3A_39, %dot_general3A_44 : vector<512x256xf32>
    %swap3A = arith.constant 0 : index
    %swap3A_46 = arith.constant 0 : index
    %swap3A_47 = vector.load %arg9[%swap3A, %swap3A_46] : memref<512x256xf32, #tpu.memory_space<vmem>>, vector<512x256xf32>
    tpu.vector_store %arg9[%swap3A, %swap3A_46], %add3A_45 {strides = array<i32>} : memref<512x256xf32, #tpu.memory_space<vmem>>, vector<512x256xf32>,
    return
  }
  func.func @transform_0(%arg0: i32) -> (i32, i32) {
    %c0_i32 = arith.constant 0 : i32
    %c0_i32_0 = arith.constant 0 : i32
    return %arg0, %c0_i32 : i32, i32
  }
  func.func @transform_1(%arg0: i32) -> (i32, i32) {
    %c0_i32 = arith.constant 0 : i32
    %c0_i32_0 = arith.constant 0 : i32
    return %arg0, %c0_i32 : i32, i32
  }
  func.func @transform_2(%arg0: i32) -> (i32, i32) {
    %c0_i32 = arith.constant 0 : i32
    %c0_i32_0 = arith.constant 0 : i32
    %c0_i32_1 = arith.constant 0 : i32
    return %c0_i32, %c0_i32_0 : i32, i32
  }
  func.func @transform_3(%arg0: i32) -> (i32, i32) {
    %c0_i32 = arith.constant 0 : i32
    %c0_i32_0 = arith.constant 0 : i32
    %c0_i32_1 = arith.constant 0 : i32
    return %c0_i32, %c0_i32_0 : i32, i32
  }
  func.func @transform_4(%arg0: i32) -> (i32, i32) {
    %c0_i32 = arith.constant 0 : i32
    %c0_i32_0 = arith.constant 0 : i32
    %c0_i32_1 = arith.constant 0 : i32
    return %c0_i32, %c0_i32_0 : i32, i32
  }
  func.func @transform_5(%arg0: i32) -> (i32, i32) {
    %c0_i32 = arith.constant 0 : i32
    %c0_i32_0 = arith.constant 0 : i32
    %c0_i32_1 = arith.constant 0 : i32
    return %c0_i32, %c0_i32_0 : i32, i32
  }
  func.func @transform_6(%arg0: i32) -> (i32, i32) {
    %c0_i32 = arith.constant 0 : i32
    %c0_i32_0 = arith.constant 0 : i32
    %c0_i32_1 = arith.constant 0 : i32
    return %c0_i32, %c0_i32_0 : i32, i32
  }
  func.func @transform_7(%arg0: i32) -> (i32, i32) {
    %c0_i32 = arith.constant 0 : i32
    %c0_i32_0 = arith.constant 0 : i32
    %c0_i32_1 = arith.constant 0 : i32
    return %c0_i32, %c0_i32_0 : i32, i32
  }
  func.func @transform_8(%arg0: i32) -> (i32, i32) {
    %c0_i32 = arith.constant 0 : i32
    %c0_i32_0 = arith.constant 0 : i32
    return %arg0, %c0_i32 : i32, i32
  }
}

module attributes {stable_mosaic.version = 14 : i64} {
  func.func @_xw1_esm_body(%arg0: i32, %arg1: memref<400x1280xf32, #tpu.memory_space<vmem>>, %arg2: memref<1280x256xf32, #tpu.memory_space<vmem>>, %arg3: memref<1x1x400xi32, #tpu.memory_space<vmem>>, %arg4: memref<1x1x400xi32, #tpu.memory_space<vmem>>, %arg5: memref<64x128xi32, #tpu.memory_space<vmem>>, %arg6: memref<400x256xf32, #tpu.memory_space<vmem>>, %arg7: memref<64x1280xf32, #tpu.memory_space<vmem>>) attributes {dimension_semantics = [#tpu.dimension_semantics<arbitrary>], iteration_bounds = array<i64: 25>, scalar_prefetch = 0 : i64, scratch_operands = 0 : i64, tpu.core_type = #tpu.core_type<tc>, window_params = [{transform_indices = @transform_0, window_bounds = array<i64: 400, 1280>}, {pipeline_mode = #tpu.pipeline_mode<synchronous>, transform_indices = @transform_1, window_bounds = array<i64: 1280, 256>}, {transform_indices = @transform_2, window_bounds = array<i64: 1, 1, 400>}, {transform_indices = @transform_3, window_bounds = array<i64: 1, 1, 400>}, {pipeline_mode = #tpu.pipeline_mode<synchronous>, transform_indices = @transform_4, window_bounds = array<i64: 64, 128>}, {transform_indices = @transform_5, window_bounds = array<i64: 400, 256>}, {pipeline_mode = #tpu.pipeline_mode<synchronous>, transform_indices = @transform_6, window_bounds = array<i64: 64, 1280>}]} {
    %get3A = arith.constant 0 : index
    %get3A_0 = arith.constant 0 : index
    %get3A_1 = vector.load %arg1[%get3A, %get3A_0] : memref<400x1280xf32, #tpu.memory_space<vmem>>, vector<400x1280xf32>
    %get3A_2 = arith.constant 0 : index
    %get3A_3 = arith.constant 0 : index
    %get3A_4 = vector.load %arg2[%get3A_2, %get3A_3] : memref<1280x256xf32, #tpu.memory_space<vmem>>, vector<1280x256xf32>
    %dot_general3A = arith.constant dense<0.000000e+00> : vector<400x256xf32>
    %dot_general3A_5 = tpu.matmul %get3A_1, %get3A_4, %dot_general3A {dimension_numbers = #tpu.dot_dimension_numbers<[1], [0], [0], [1], [0, 0, 1, 1], [], []>, transpose_lhs_hint = false} : vector<400x1280xf32>, vector<1280x256xf32>, vector<400x256xf32> -> vector<400x256xf32>
    %swap3A = arith.constant 0 : index
    %swap3A_6 = arith.constant 0 : index
    %swap3A_7 = vector.load %arg6[%swap3A, %swap3A_6] : memref<400x256xf32, #tpu.memory_space<vmem>>, vector<400x256xf32>
    tpu.vector_store %arg6[%swap3A, %swap3A_6], %dot_general3A_5 {strides = array<i32>} : memref<400x256xf32, #tpu.memory_space<vmem>>, vector<400x256xf32>,
    %get3A_8 = arith.constant 0 : index
    %get3A_9 = arith.constant 0 : index
    %get3A_10 = arith.constant 0 : index
    %get3A_11 = vector.load %arg3[%get3A_8, %get3A_9, %get3A_10] : memref<1x1x400xi32, #tpu.memory_space<vmem>>, vector<1x1x400xi32>
    %get3A_12 = vector.shape_cast %get3A_11 : vector<1x1x400xi32> to vector<400xi32>
    %broadcast_in_dim3A = vector.shape_cast %get3A_12 : vector<400xi32> to vector<1x400xi32>
    %get3A_13 = arith.constant 0 : index
    %get3A_14 = arith.constant 0 : index
    %get3A_15 = arith.constant 0 : index
    %get3A_16 = vector.load %arg4[%get3A_13, %get3A_14, %get3A_15] : memref<1x1x400xi32, #tpu.memory_space<vmem>>, vector<1x1x400xi32>
    %get3A_17 = vector.shape_cast %get3A_16 : vector<1x1x400xi32> to vector<400xi32>
    %broadcast_in_dim3A_18 = vector.shape_cast %get3A_17 : vector<400xi32> to vector<1x400xi32>
    %get3A_19 = arith.constant 0 : index
    %get3A_20 = arith.constant 0 : index
    %get3A_21 = vector.load %arg5[%get3A_19, %get3A_20] : memref<64x128xi32, #tpu.memory_space<vmem>>, vector<64x1xi32>
    %iota3A = tpu.iota {dimensions = array<i32: 0>} : vector<64x400xi32>
    %eq3A = vector.broadcast %broadcast_in_dim3A : vector<1x400xi32> to vector<64x400xi32>
    %eq3A_22 = arith.cmpi eq, %eq3A, %iota3A : vector<64x400xi32>
    %eq3A_23 = vector.broadcast %broadcast_in_dim3A_18 : vector<1x400xi32> to vector<64x400xi32>
    %eq3A_24 = vector.broadcast %get3A_21 : vector<64x1xi32> to vector<64x400xi32>
    %eq3A_25 = arith.cmpi eq, %eq3A_23, %eq3A_24 : vector<64x400xi32>
    %and3A = arith.andi %eq3A_22, %eq3A_25 : vector<64x400xi1>
    %convert_element_type3A = arith.extui %and3A : vector<64x400xi1> to vector<64x400xi32>
    %convert_element_type3A_26 = arith.sitofp %convert_element_type3A : vector<64x400xi32> to vector<64x400xf32>
    %eq3A_27 = arith.constant 0 : i32
    %eq3A_28 = arith.cmpi eq, %arg0, %eq3A_27 : i32
    %convert_element_type3A_29 = arith.extui %eq3A_28 : i1 to i32
    %cond3A = arith.constant 0 : i32
    %cond3A_30 = arith.cmpi ne, %convert_element_type3A_29, %cond3A : i32
    scf.if %cond3A_30 {
      %broadcast_in_dim3A_39 = arith.constant 0.000000e+00 : f32
      %broadcast_in_dim3A_40 = vector.broadcast %broadcast_in_dim3A_39 : f32 to vector<64x1280xf32>
      %swap3A_41 = arith.constant 0 : index
      %swap3A_42 = arith.constant 0 : index
      %swap3A_43 = vector.load %arg7[%swap3A_41, %swap3A_42] : memref<64x1280xf32, #tpu.memory_space<vmem>>, vector<64x1280xf32>
      tpu.vector_store %arg7[%swap3A_41, %swap3A_42], %broadcast_in_dim3A_40 {strides = array<i32>} : memref<64x1280xf32, #tpu.memory_space<vmem>>, vector<64x1280xf32>,
    } else {
    }
    %get3A_31 = arith.constant 0 : index
    %get3A_32 = arith.constant 0 : index
    %get3A_33 = vector.load %arg7[%get3A_31, %get3A_32] : memref<64x1280xf32, #tpu.memory_space<vmem>>, vector<64x1280xf32>
    %dot_general3A_34 = arith.constant dense<0.000000e+00> : vector<64x1280xf32>
    %dot_general3A_35 = tpu.matmul %convert_element_type3A_26, %get3A_1, %dot_general3A_34 {dimension_numbers = #tpu.dot_dimension_numbers<[1], [0], [0], [1], [0, 0, 1, 1], [], []>, transpose_lhs_hint = false} : vector<64x400xf32>, vector<400x1280xf32>, vector<64x1280xf32> -> vector<64x1280xf32>
    %add3A = arith.addf %get3A_33, %dot_general3A_35 : vector<64x1280xf32>
    %swap3A_36 = arith.constant 0 : index
    %swap3A_37 = arith.constant 0 : index
    %swap3A_38 = vector.load %arg7[%swap3A_36, %swap3A_37] : memref<64x1280xf32, #tpu.memory_space<vmem>>, vector<64x1280xf32>
    tpu.vector_store %arg7[%swap3A_36, %swap3A_37], %add3A {strides = array<i32>} : memref<64x1280xf32, #tpu.memory_space<vmem>>, vector<64x1280xf32>,
    return
  }
  func.func @transform_0(%arg0: i32) -> (i32, i32) {
    %c0_i32 = arith.constant 0 : i32
    %c0_i32_0 = arith.constant 0 : i32
    return %arg0, %c0_i32 : i32, i32
  }
  func.func @transform_1(%arg0: i32) -> (i32, i32) {
    %c0_i32 = arith.constant 0 : i32
    %c0_i32_0 = arith.constant 0 : i32
    %c0_i32_1 = arith.constant 0 : i32
    return %c0_i32, %c0_i32_0 : i32, i32
  }
  func.func @transform_2(%arg0: i32) -> (i32, i32, i32) {
    %c0_i32 = arith.constant 0 : i32
    %c0_i32_0 = arith.constant 0 : i32
    %c0_i32_1 = arith.constant 0 : i32
    return %arg0, %c0_i32, %c0_i32_0 : i32, i32, i32
  }
  func.func @transform_3(%arg0: i32) -> (i32, i32, i32) {
    %c0_i32 = arith.constant 0 : i32
    %c0_i32_0 = arith.constant 0 : i32
    %c0_i32_1 = arith.constant 0 : i32
    return %arg0, %c0_i32, %c0_i32_0 : i32, i32, i32
  }
  func.func @transform_4(%arg0: i32) -> (i32, i32) {
    %c0_i32 = arith.constant 0 : i32
    %c0_i32_0 = arith.constant 0 : i32
    %c0_i32_1 = arith.constant 0 : i32
    return %c0_i32, %c0_i32_0 : i32, i32
  }
  func.func @transform_5(%arg0: i32) -> (i32, i32) {
    %c0_i32 = arith.constant 0 : i32
    %c0_i32_0 = arith.constant 0 : i32
    return %arg0, %c0_i32 : i32, i32
  }
  func.func @transform_6(%arg0: i32) -> (i32, i32) {
    %c0_i32 = arith.constant 0 : i32
    %c0_i32_0 = arith.constant 0 : i32
    %c0_i32_1 = arith.constant 0 : i32
    return %c0_i32, %c0_i32_0 : i32, i32
  }
}

module attributes {stable_mosaic.version = 14 : i64} {
  func.func @_node0_body(%arg0: i32, %arg1: memref<400x256xf32, #tpu.memory_space<vmem>>, %arg2: memref<400x256xf32, #tpu.memory_space<vmem>>, %arg3: memref<1x256xf32, #tpu.memory_space<vmem>>, %arg4: memref<256x256xf32, #tpu.memory_space<vmem>>, %arg5: memref<1x256xf32, #tpu.memory_space<vmem>>, %arg6: memref<1x256xf32, #tpu.memory_space<vmem>>, %arg7: memref<1x256xf32, #tpu.memory_space<vmem>>, %arg8: memref<400x256xf32, #tpu.memory_space<vmem>>) attributes {dimension_semantics = [#tpu.dimension_semantics<arbitrary>], iteration_bounds = array<i64: 25>, scalar_prefetch = 0 : i64, scratch_operands = 0 : i64, tpu.core_type = #tpu.core_type<tc>, window_params = [{transform_indices = @transform_0, window_bounds = array<i64: 400, 256>}, {transform_indices = @transform_1, window_bounds = array<i64: 400, 256>}, {pipeline_mode = #tpu.pipeline_mode<synchronous>, transform_indices = @transform_2, window_bounds = array<i64: 1, 256>}, {pipeline_mode = #tpu.pipeline_mode<synchronous>, transform_indices = @transform_3, window_bounds = array<i64: 256, 256>}, {pipeline_mode = #tpu.pipeline_mode<synchronous>, transform_indices = @transform_4, window_bounds = array<i64: 1, 256>}, {pipeline_mode = #tpu.pipeline_mode<synchronous>, transform_indices = @transform_5, window_bounds = array<i64: 1, 256>}, {pipeline_mode = #tpu.pipeline_mode<synchronous>, transform_indices = @transform_6, window_bounds = array<i64: 1, 256>}, {transform_indices = @transform_7, window_bounds = array<i64: 400, 256>}]} {
    %get3A = arith.constant 0 : index
    %get3A_0 = arith.constant 0 : index
    %get3A_1 = vector.load %arg1[%get3A, %get3A_0] : memref<400x256xf32, #tpu.memory_space<vmem>>, vector<400x256xf32>
    %get3A_2 = arith.constant 0 : index
    %get3A_3 = arith.constant 0 : index
    %get3A_4 = vector.load %arg2[%get3A_2, %get3A_3] : memref<400x256xf32, #tpu.memory_space<vmem>>, vector<400x256xf32>
    %add3A = arith.addf %get3A_1, %get3A_4 : vector<400x256xf32>
    %get3A_5 = arith.constant 0 : index
    %get3A_6 = arith.constant 0 : index
    %get3A_7 = vector.load %arg3[%get3A_5, %get3A_6] : memref<1x256xf32, #tpu.memory_space<vmem>>, vector<1x256xf32>
    %add3A_8 = vector.broadcast %get3A_7 : vector<1x256xf32> to vector<400x256xf32>
    %add3A_9 = arith.addf %add3A, %add3A_8 : vector<400x256xf32>
    %max3A = arith.constant 0.000000e+00 : f32
    %max3A_10 = vector.broadcast %max3A : f32 to vector<400x256xf32>
    %max3A_11 = arith.maximumf %add3A_9, %max3A_10 : vector<400x256xf32>
    %get3A_12 = arith.constant 0 : index
    %get3A_13 = arith.constant 0 : index
    %get3A_14 = vector.load %arg4[%get3A_12, %get3A_13] : memref<256x256xf32, #tpu.memory_space<vmem>>, vector<256x256xf32>
    %dot_general3A = arith.constant dense<0.000000e+00> : vector<400x256xf32>
    %dot_general3A_15 = tpu.matmul %max3A_11, %get3A_14, %dot_general3A {dimension_numbers = #tpu.dot_dimension_numbers<[1], [0], [0], [1], [0, 0, 1, 1], [], []>, transpose_lhs_hint = false} : vector<400x256xf32>, vector<256x256xf32>, vector<400x256xf32> -> vector<400x256xf32>
    %get3A_16 = arith.constant 0 : index
    %get3A_17 = arith.constant 0 : index
    %get3A_18 = vector.load %arg5[%get3A_16, %get3A_17] : memref<1x256xf32, #tpu.memory_space<vmem>>, vector<1x256xf32>
    %add3A_19 = vector.broadcast %get3A_18 : vector<1x256xf32> to vector<400x256xf32>
    %add3A_20 = arith.addf %dot_general3A_15, %add3A_19 : vector<400x256xf32>
    %max3A_21 = arith.constant 0.000000e+00 : f32
    %max3A_22 = vector.broadcast %max3A_21 : f32 to vector<400x256xf32>
    %max3A_23 = arith.maximumf %add3A_20, %max3A_22 : vector<400x256xf32>
    %reduce_sum3A = arith.constant dense<0.000000e+00> : vector<400xf32>
    %reduce_sum3A_24 = vector.multi_reduction <add>, %max3A_23, %reduce_sum3A [1] : vector<400x256xf32> to vector<400xf32>
    %broadcast_in_dim3A = vector.shape_cast %reduce_sum3A_24 : vector<400xf32> to vector<400x1xf32>
    %div3A = arith.constant 2.560000e+02 : f32
    %div3A_25 = vector.broadcast %div3A : f32 to vector<400x1xf32>
    %div3A_26 = arith.divf %broadcast_in_dim3A, %div3A_25 : vector<400x1xf32>
    %sub3A = vector.broadcast %div3A_26 : vector<400x1xf32> to vector<400x256xf32>
    %sub3A_27 = arith.subf %max3A_23, %sub3A : vector<400x256xf32>
    %sub3A_28 = vector.broadcast %div3A_26 : vector<400x1xf32> to vector<400x256xf32>
    %sub3A_29 = arith.subf %max3A_23, %sub3A_28 : vector<400x256xf32>
    %mul3A = arith.mulf %sub3A_27, %sub3A_29 : vector<400x256xf32>
    %reduce_sum3A_30 = arith.constant dense<0.000000e+00> : vector<400xf32>
    %reduce_sum3A_31 = vector.multi_reduction <add>, %mul3A, %reduce_sum3A_30 [1] : vector<400x256xf32> to vector<400xf32>
    %broadcast_in_dim3A_32 = vector.shape_cast %reduce_sum3A_31 : vector<400xf32> to vector<400x1xf32>
    %div3A_33 = arith.constant 2.560000e+02 : f32
    %div3A_34 = vector.broadcast %div3A_33 : f32 to vector<400x1xf32>
    %div3A_35 = arith.divf %broadcast_in_dim3A_32, %div3A_34 : vector<400x1xf32>
    %sub3A_36 = vector.broadcast %div3A_26 : vector<400x1xf32> to vector<400x256xf32>
    %sub3A_37 = arith.subf %max3A_23, %sub3A_36 : vector<400x256xf32>
    %add3A_38 = arith.constant 9.99999974E-6 : f32
    %add3A_39 = vector.broadcast %add3A_38 : f32 to vector<400x1xf32>
    %add3A_40 = arith.addf %div3A_35, %add3A_39 : vector<400x1xf32>
    %rsqrt3A = math.rsqrt %add3A_40 : vector<400x1xf32>
    %mul3A_41 = vector.broadcast %rsqrt3A : vector<400x1xf32> to vector<400x256xf32>
    %mul3A_42 = arith.mulf %sub3A_37, %mul3A_41 : vector<400x256xf32>
    %get3A_43 = arith.constant 0 : index
    %get3A_44 = arith.constant 0 : index
    %get3A_45 = vector.load %arg6[%get3A_43, %get3A_44] : memref<1x256xf32, #tpu.memory_space<vmem>>, vector<1x256xf32>
    %mul3A_46 = vector.broadcast %get3A_45 : vector<1x256xf32> to vector<400x256xf32>
    %mul3A_47 = arith.mulf %mul3A_42, %mul3A_46 : vector<400x256xf32>
    %get3A_48 = arith.constant 0 : index
    %get3A_49 = arith.constant 0 : index
    %get3A_50 = vector.load %arg7[%get3A_48, %get3A_49] : memref<1x256xf32, #tpu.memory_space<vmem>>, vector<1x256xf32>
    %add3A_51 = vector.broadcast %get3A_50 : vector<1x256xf32> to vector<400x256xf32>
    %add3A_52 = arith.addf %mul3A_47, %add3A_51 : vector<400x256xf32>
    %swap3A = arith.constant 0 : index
    %swap3A_53 = arith.constant 0 : index
    %swap3A_54 = vector.load %arg8[%swap3A, %swap3A_53] : memref<400x256xf32, #tpu.memory_space<vmem>>, vector<400x256xf32>
    tpu.vector_store %arg8[%swap3A, %swap3A_53], %add3A_52 {strides = array<i32>} : memref<400x256xf32, #tpu.memory_space<vmem>>, vector<400x256xf32>,
    return
  }
  func.func @transform_0(%arg0: i32) -> (i32, i32) {
    %c0_i32 = arith.constant 0 : i32
    %c0_i32_0 = arith.constant 0 : i32
    return %arg0, %c0_i32 : i32, i32
  }
  func.func @transform_1(%arg0: i32) -> (i32, i32) {
    %c0_i32 = arith.constant 0 : i32
    %c0_i32_0 = arith.constant 0 : i32
    return %arg0, %c0_i32 : i32, i32
  }
  func.func @transform_2(%arg0: i32) -> (i32, i32) {
    %c0_i32 = arith.constant 0 : i32
    %c0_i32_0 = arith.constant 0 : i32
    %c0_i32_1 = arith.constant 0 : i32
    return %c0_i32, %c0_i32_0 : i32, i32
  }
  func.func @transform_3(%arg0: i32) -> (i32, i32) {
    %c0_i32 = arith.constant 0 : i32
    %c0_i32_0 = arith.constant 0 : i32
    %c0_i32_1 = arith.constant 0 : i32
    return %c0_i32, %c0_i32_0 : i32, i32
  }
  func.func @transform_4(%arg0: i32) -> (i32, i32) {
    %c0_i32 = arith.constant 0 : i32
    %c0_i32_0 = arith.constant 0 : i32
    %c0_i32_1 = arith.constant 0 : i32
    return %c0_i32, %c0_i32_0 : i32, i32
  }
  func.func @transform_5(%arg0: i32) -> (i32, i32) {
    %c0_i32 = arith.constant 0 : i32
    %c0_i32_0 = arith.constant 0 : i32
    %c0_i32_1 = arith.constant 0 : i32
    return %c0_i32, %c0_i32_0 : i32, i32
  }
  func.func @transform_6(%arg0: i32) -> (i32, i32) {
    %c0_i32 = arith.constant 0 : i32
    %c0_i32_0 = arith.constant 0 : i32
    %c0_i32_1 = arith.constant 0 : i32
    return %c0_i32, %c0_i32_0 : i32, i32
  }
  func.func @transform_7(%arg0: i32) -> (i32, i32) {
    %c0_i32 = arith.constant 0 : i32
    %c0_i32_0 = arith.constant 0 : i32
    return %arg0, %c0_i32 : i32, i32
  }
}

module attributes {stable_mosaic.version = 14 : i64} {
  func.func @_edge_body(%arg0: i32, %arg1: memref<1024x256xf32, #tpu.memory_space<vmem>>, %arg2: memref<1024x16xf32, #tpu.memory_space<vmem>>, %arg3: memref<16x256xf32, #tpu.memory_space<vmem>>, %arg4: memref<1x256xf32, #tpu.memory_space<vmem>>, %arg5: memref<1024x256xf32, #tpu.memory_space<vmem>>) attributes {dimension_semantics = [#tpu.dimension_semantics<arbitrary>], iteration_bounds = array<i64: 30>, scalar_prefetch = 0 : i64, scratch_operands = 0 : i64, tpu.core_type = #tpu.core_type<tc>, window_params = [{transform_indices = @transform_0, window_bounds = array<i64: 1024, 256>}, {transform_indices = @transform_1, window_bounds = array<i64: 1024, 16>}, {pipeline_mode = #tpu.pipeline_mode<synchronous>, transform_indices = @transform_2, window_bounds = array<i64: 16, 256>}, {pipeline_mode = #tpu.pipeline_mode<synchronous>, transform_indices = @transform_3, window_bounds = array<i64: 1, 256>}, {transform_indices = @transform_4, window_bounds = array<i64: 1024, 256>}]} {
    %get3A = arith.constant 0 : index
    %get3A_0 = arith.constant 0 : index
    %get3A_1 = vector.load %arg2[%get3A, %get3A_0] : memref<1024x16xf32, #tpu.memory_space<vmem>>, vector<1024x16xf32>
    %get3A_2 = arith.constant 0 : index
    %get3A_3 = arith.constant 0 : index
    %get3A_4 = vector.load %arg3[%get3A_2, %get3A_3] : memref<16x256xf32, #tpu.memory_space<vmem>>, vector<16x256xf32>
    %dot_general3A = arith.constant dense<0.000000e+00> : vector<1024x256xf32>
    %dot_general3A_5 = tpu.matmul %get3A_1, %get3A_4, %dot_general3A {dimension_numbers = #tpu.dot_dimension_numbers<[1], [0], [0], [1], [0, 0, 1, 1], [], []>, transpose_lhs_hint = false} : vector<1024x16xf32>, vector<16x256xf32>, vector<1024x256xf32> -> vector<1024x256xf32>
    %get3A_6 = arith.constant 0 : index
    %get3A_7 = arith.constant 0 : index
    %get3A_8 = vector.load %arg1[%get3A_6, %get3A_7] : memref<1024x256xf32, #tpu.memory_space<vmem>>, vector<1024x256xf32>
    %add3A = arith.addf %get3A_8, %dot_general3A_5 : vector<1024x256xf32>
    %get3A_9 = arith.constant 0 : index
    %get3A_10 = arith.constant 0 : index
    %get3A_11 = vector.load %arg4[%get3A_9, %get3A_10] : memref<1x256xf32, #tpu.memory_space<vmem>>, vector<1x256xf32>
    %add3A_12 = vector.broadcast %get3A_11 : vector<1x256xf32> to vector<1024x256xf32>
    %add3A_13 = arith.addf %add3A, %add3A_12 : vector<1024x256xf32>
    %max3A = arith.constant 0.000000e+00 : f32
    %max3A_14 = vector.broadcast %max3A : f32 to vector<1024x256xf32>
    %max3A_15 = arith.maximumf %add3A_13, %max3A_14 : vector<1024x256xf32>
    %swap3A = arith.constant 0 : index
    %swap3A_16 = arith.constant 0 : index
    %swap3A_17 = vector.load %arg5[%swap3A, %swap3A_16] : memref<1024x256xf32, #tpu.memory_space<vmem>>, vector<1024x256xf32>
    tpu.vector_store %arg5[%swap3A, %swap3A_16], %max3A_15 {strides = array<i32>} : memref<1024x256xf32, #tpu.memory_space<vmem>>, vector<1024x256xf32>,
    return
  }
  func.func @transform_0(%arg0: i32) -> (i32, i32) {
    %c0_i32 = arith.constant 0 : i32
    %c0_i32_0 = arith.constant 0 : i32
    return %arg0, %c0_i32 : i32, i32
  }
  func.func @transform_1(%arg0: i32) -> (i32, i32) {
    %c0_i32 = arith.constant 0 : i32
    %c0_i32_0 = arith.constant 0 : i32
    return %arg0, %c0_i32 : i32, i32
  }
  func.func @transform_2(%arg0: i32) -> (i32, i32) {
    %c0_i32 = arith.constant 0 : i32
    %c0_i32_0 = arith.constant 0 : i32
    %c0_i32_1 = arith.constant 0 : i32
    return %c0_i32, %c0_i32_0 : i32, i32
  }
  func.func @transform_3(%arg0: i32) -> (i32, i32) {
    %c0_i32 = arith.constant 0 : i32
    %c0_i32_0 = arith.constant 0 : i32
    %c0_i32_1 = arith.constant 0 : i32
    return %c0_i32, %c0_i32_0 : i32, i32
  }
  func.func @transform_4(%arg0: i32) -> (i32, i32) {
    %c0_i32 = arith.constant 0 : i32
    %c0_i32_0 = arith.constant 0 : i32
    return %arg0, %c0_i32 : i32, i32
  }
}

module attributes {stable_mosaic.version = 14 : i64} {
  func.func @_node_body(%arg0: i32, %arg1: memref<400x256xf32, #tpu.memory_space<vmem>>, %arg2: memref<400x256xf32, #tpu.memory_space<vmem>>, %arg3: memref<256x256xf32, #tpu.memory_space<vmem>>, %arg4: memref<1x256xf32, #tpu.memory_space<vmem>>, %arg5: memref<256x256xf32, #tpu.memory_space<vmem>>, %arg6: memref<1x256xf32, #tpu.memory_space<vmem>>, %arg7: memref<1x256xf32, #tpu.memory_space<vmem>>, %arg8: memref<1x256xf32, #tpu.memory_space<vmem>>, %arg9: memref<400x256xf32, #tpu.memory_space<vmem>>) attributes {dimension_semantics = [#tpu.dimension_semantics<arbitrary>], iteration_bounds = array<i64: 25>, scalar_prefetch = 0 : i64, scratch_operands = 0 : i64, tpu.core_type = #tpu.core_type<tc>, window_params = [{transform_indices = @transform_0, window_bounds = array<i64: 400, 256>}, {transform_indices = @transform_1, window_bounds = array<i64: 400, 256>}, {pipeline_mode = #tpu.pipeline_mode<synchronous>, transform_indices = @transform_2, window_bounds = array<i64: 256, 256>}, {pipeline_mode = #tpu.pipeline_mode<synchronous>, transform_indices = @transform_3, window_bounds = array<i64: 1, 256>}, {pipeline_mode = #tpu.pipeline_mode<synchronous>, transform_indices = @transform_4, window_bounds = array<i64: 256, 256>}, {pipeline_mode = #tpu.pipeline_mode<synchronous>, transform_indices = @transform_5, window_bounds = array<i64: 1, 256>}, {pipeline_mode = #tpu.pipeline_mode<synchronous>, transform_indices = @transform_6, window_bounds = array<i64: 1, 256>}, {pipeline_mode = #tpu.pipeline_mode<synchronous>, transform_indices = @transform_7, window_bounds = array<i64: 1, 256>}, {transform_indices = @transform_8, window_bounds = array<i64: 400, 256>}]} {
    %get3A = arith.constant 0 : index
    %get3A_0 = arith.constant 0 : index
    %get3A_1 = vector.load %arg1[%get3A, %get3A_0] : memref<400x256xf32, #tpu.memory_space<vmem>>, vector<400x256xf32>
    %get3A_2 = arith.constant 0 : index
    %get3A_3 = arith.constant 0 : index
    %get3A_4 = vector.load %arg2[%get3A_2, %get3A_3] : memref<400x256xf32, #tpu.memory_space<vmem>>, vector<400x256xf32>
    %add3A = arith.addf %get3A_1, %get3A_4 : vector<400x256xf32>
    %get3A_5 = arith.constant 0 : index
    %get3A_6 = arith.constant 0 : index
    %get3A_7 = vector.load %arg3[%get3A_5, %get3A_6] : memref<256x256xf32, #tpu.memory_space<vmem>>, vector<256x256xf32>
    %dot_general3A = arith.constant dense<0.000000e+00> : vector<400x256xf32>
    %dot_general3A_8 = tpu.matmul %add3A, %get3A_7, %dot_general3A {dimension_numbers = #tpu.dot_dimension_numbers<[1], [0], [0], [1], [0, 0, 1, 1], [], []>, transpose_lhs_hint = false} : vector<400x256xf32>, vector<256x256xf32>, vector<400x256xf32> -> vector<400x256xf32>
    %get3A_9 = arith.constant 0 : index
    %get3A_10 = arith.constant 0 : index
    %get3A_11 = vector.load %arg4[%get3A_9, %get3A_10] : memref<1x256xf32, #tpu.memory_space<vmem>>, vector<1x256xf32>
    %add3A_12 = vector.broadcast %get3A_11 : vector<1x256xf32> to vector<400x256xf32>
    %add3A_13 = arith.addf %dot_general3A_8, %add3A_12 : vector<400x256xf32>
    %max3A = arith.constant 0.000000e+00 : f32
    %max3A_14 = vector.broadcast %max3A : f32 to vector<400x256xf32>
    %max3A_15 = arith.maximumf %add3A_13, %max3A_14 : vector<400x256xf32>
    %get3A_16 = arith.constant 0 : index
    %get3A_17 = arith.constant 0 : index
    %get3A_18 = vector.load %arg5[%get3A_16, %get3A_17] : memref<256x256xf32, #tpu.memory_space<vmem>>, vector<256x256xf32>
    %dot_general3A_19 = arith.constant dense<0.000000e+00> : vector<400x256xf32>
    %dot_general3A_20 = tpu.matmul %max3A_15, %get3A_18, %dot_general3A_19 {dimension_numbers = #tpu.dot_dimension_numbers<[1], [0], [0], [1], [0, 0, 1, 1], [], []>, transpose_lhs_hint = false} : vector<400x256xf32>, vector<256x256xf32>, vector<400x256xf32> -> vector<400x256xf32>
    %get3A_21 = arith.constant 0 : index
    %get3A_22 = arith.constant 0 : index
    %get3A_23 = vector.load %arg6[%get3A_21, %get3A_22] : memref<1x256xf32, #tpu.memory_space<vmem>>, vector<1x256xf32>
    %add3A_24 = vector.broadcast %get3A_23 : vector<1x256xf32> to vector<400x256xf32>
    %add3A_25 = arith.addf %dot_general3A_20, %add3A_24 : vector<400x256xf32>
    %max3A_26 = arith.constant 0.000000e+00 : f32
    %max3A_27 = vector.broadcast %max3A_26 : f32 to vector<400x256xf32>
    %max3A_28 = arith.maximumf %add3A_25, %max3A_27 : vector<400x256xf32>
    %reduce_sum3A = arith.constant dense<0.000000e+00> : vector<400xf32>
    %reduce_sum3A_29 = vector.multi_reduction <add>, %max3A_28, %reduce_sum3A [1] : vector<400x256xf32> to vector<400xf32>
    %broadcast_in_dim3A = vector.shape_cast %reduce_sum3A_29 : vector<400xf32> to vector<400x1xf32>
    %div3A = arith.constant 2.560000e+02 : f32
    %div3A_30 = vector.broadcast %div3A : f32 to vector<400x1xf32>
    %div3A_31 = arith.divf %broadcast_in_dim3A, %div3A_30 : vector<400x1xf32>
    %sub3A = vector.broadcast %div3A_31 : vector<400x1xf32> to vector<400x256xf32>
    %sub3A_32 = arith.subf %max3A_28, %sub3A : vector<400x256xf32>
    %sub3A_33 = vector.broadcast %div3A_31 : vector<400x1xf32> to vector<400x256xf32>
    %sub3A_34 = arith.subf %max3A_28, %sub3A_33 : vector<400x256xf32>
    %mul3A = arith.mulf %sub3A_32, %sub3A_34 : vector<400x256xf32>
    %reduce_sum3A_35 = arith.constant dense<0.000000e+00> : vector<400xf32>
    %reduce_sum3A_36 = vector.multi_reduction <add>, %mul3A, %reduce_sum3A_35 [1] : vector<400x256xf32> to vector<400xf32>
    %broadcast_in_dim3A_37 = vector.shape_cast %reduce_sum3A_36 : vector<400xf32> to vector<400x1xf32>
    %div3A_38 = arith.constant 2.560000e+02 : f32
    %div3A_39 = vector.broadcast %div3A_38 : f32 to vector<400x1xf32>
    %div3A_40 = arith.divf %broadcast_in_dim3A_37, %div3A_39 : vector<400x1xf32>
    %sub3A_41 = vector.broadcast %div3A_31 : vector<400x1xf32> to vector<400x256xf32>
    %sub3A_42 = arith.subf %max3A_28, %sub3A_41 : vector<400x256xf32>
    %add3A_43 = arith.constant 9.99999974E-6 : f32
    %add3A_44 = vector.broadcast %add3A_43 : f32 to vector<400x1xf32>
    %add3A_45 = arith.addf %div3A_40, %add3A_44 : vector<400x1xf32>
    %rsqrt3A = math.rsqrt %add3A_45 : vector<400x1xf32>
    %mul3A_46 = vector.broadcast %rsqrt3A : vector<400x1xf32> to vector<400x256xf32>
    %mul3A_47 = arith.mulf %sub3A_42, %mul3A_46 : vector<400x256xf32>
    %get3A_48 = arith.constant 0 : index
    %get3A_49 = arith.constant 0 : index
    %get3A_50 = vector.load %arg7[%get3A_48, %get3A_49] : memref<1x256xf32, #tpu.memory_space<vmem>>, vector<1x256xf32>
    %mul3A_51 = vector.broadcast %get3A_50 : vector<1x256xf32> to vector<400x256xf32>
    %mul3A_52 = arith.mulf %mul3A_47, %mul3A_51 : vector<400x256xf32>
    %get3A_53 = arith.constant 0 : index
    %get3A_54 = arith.constant 0 : index
    %get3A_55 = vector.load %arg8[%get3A_53, %get3A_54] : memref<1x256xf32, #tpu.memory_space<vmem>>, vector<1x256xf32>
    %add3A_56 = vector.broadcast %get3A_55 : vector<1x256xf32> to vector<400x256xf32>
    %add3A_57 = arith.addf %mul3A_52, %add3A_56 : vector<400x256xf32>
    %swap3A = arith.constant 0 : index
    %swap3A_58 = arith.constant 0 : index
    %swap3A_59 = vector.load %arg9[%swap3A, %swap3A_58] : memref<400x256xf32, #tpu.memory_space<vmem>>, vector<400x256xf32>
    tpu.vector_store %arg9[%swap3A, %swap3A_58], %add3A_57 {strides = array<i32>} : memref<400x256xf32, #tpu.memory_space<vmem>>, vector<400x256xf32>,
    return
  }
  func.func @transform_0(%arg0: i32) -> (i32, i32) {
    %c0_i32 = arith.constant 0 : i32
    %c0_i32_0 = arith.constant 0 : i32
    return %arg0, %c0_i32 : i32, i32
  }
  func.func @transform_1(%arg0: i32) -> (i32, i32) {
    %c0_i32 = arith.constant 0 : i32
    %c0_i32_0 = arith.constant 0 : i32
    return %arg0, %c0_i32 : i32, i32
  }
  func.func @transform_2(%arg0: i32) -> (i32, i32) {
    %c0_i32 = arith.constant 0 : i32
    %c0_i32_0 = arith.constant 0 : i32
    %c0_i32_1 = arith.constant 0 : i32
    return %c0_i32, %c0_i32_0 : i32, i32
  }
  func.func @transform_3(%arg0: i32) -> (i32, i32) {
    %c0_i32 = arith.constant 0 : i32
    %c0_i32_0 = arith.constant 0 : i32
    %c0_i32_1 = arith.constant 0 : i32
    return %c0_i32, %c0_i32_0 : i32, i32
  }
  func.func @transform_4(%arg0: i32) -> (i32, i32) {
    %c0_i32 = arith.constant 0 : i32
    %c0_i32_0 = arith.constant 0 : i32
    %c0_i32_1 = arith.constant 0 : i32
    return %c0_i32, %c0_i32_0 : i32, i32
  }
  func.func @transform_5(%arg0: i32) -> (i32, i32) {
    %c0_i32 = arith.constant 0 : i32
    %c0_i32_0 = arith.constant 0 : i32
    %c0_i32_1 = arith.constant 0 : i32
    return %c0_i32, %c0_i32_0 : i32, i32
  }
  func.func @transform_6(%arg0: i32) -> (i32, i32) {
    %c0_i32 = arith.constant 0 : i32
    %c0_i32_0 = arith.constant 0 : i32
    %c0_i32_1 = arith.constant 0 : i32
    return %c0_i32, %c0_i32_0 : i32, i32
  }
  func.func @transform_7(%arg0: i32) -> (i32, i32) {
    %c0_i32 = arith.constant 0 : i32
    %c0_i32_0 = arith.constant 0 : i32
    %c0_i32_1 = arith.constant 0 : i32
    return %c0_i32, %c0_i32_0 : i32, i32
  }
  func.func @transform_8(%arg0: i32) -> (i32, i32) {
    %c0_i32 = arith.constant 0 : i32
    %c0_i32_0 = arith.constant 0 : i32
    return %arg0, %c0_i32 : i32, i32
  }
}

module attributes {stable_mosaic.version = 14 : i64} {
  func.func @_head_body(%arg0: i32, %arg1: memref<400x256xf32, #tpu.memory_space<vmem>>, %arg2: memref<1x1x400xi32, #tpu.memory_space<vmem>>, %arg3: memref<1x1x400xi32, #tpu.memory_space<vmem>>, %arg4: memref<64x128xi32, #tpu.memory_space<vmem>>, %arg5: memref<64x1280xf32, #tpu.memory_space<vmem>>, %arg6: memref<256x256xf32, #tpu.memory_space<vmem>>, %arg7: memref<1280x256xf32, #tpu.memory_space<vmem>>, %arg8: memref<1x256xf32, #tpu.memory_space<vmem>>, %arg9: memref<256x128xf32, #tpu.memory_space<vmem>>, %arg10: memref<1x128xf32, #tpu.memory_space<vmem>>, %arg11: memref<64x128xf32, #tpu.memory_space<vmem>>, %arg12: memref<64x256xf32, #tpu.memory_space<vmem>>) attributes {dimension_semantics = [#tpu.dimension_semantics<arbitrary>], iteration_bounds = array<i64: 25>, scalar_prefetch = 0 : i64, scratch_operands = 1 : i64, tpu.core_type = #tpu.core_type<tc>, window_params = [{transform_indices = @transform_0, window_bounds = array<i64: 400, 256>}, {transform_indices = @transform_1, window_bounds = array<i64: 1, 1, 400>}, {transform_indices = @transform_2, window_bounds = array<i64: 1, 1, 400>}, {pipeline_mode = #tpu.pipeline_mode<synchronous>, transform_indices = @transform_3, window_bounds = array<i64: 64, 128>}, {pipeline_mode = #tpu.pipeline_mode<synchronous>, transform_indices = @transform_4, window_bounds = array<i64: 64, 1280>}, {pipeline_mode = #tpu.pipeline_mode<synchronous>, transform_indices = @transform_5, window_bounds = array<i64: 256, 256>}, {pipeline_mode = #tpu.pipeline_mode<synchronous>, transform_indices = @transform_6, window_bounds = array<i64: 1280, 256>}, {pipeline_mode = #tpu.pipeline_mode<synchronous>, transform_indices = @transform_7, window_bounds = array<i64: 1, 256>}, {pipeline_mode = #tpu.pipeline_mode<synchronous>, transform_indices = @transform_8, window_bounds = array<i64: 256, 128>}, {pipeline_mode = #tpu.pipeline_mode<synchronous>, transform_indices = @transform_9, window_bounds = array<i64: 1, 128>}, {pipeline_mode = #tpu.pipeline_mode<synchronous>, transform_indices = @transform_10, window_bounds = array<i64: 64, 128>}]} {
    %get3A = arith.constant 0 : index
    %get3A_0 = arith.constant 0 : index
    %get3A_1 = arith.constant 0 : index
    %get3A_2 = vector.load %arg2[%get3A, %get3A_0, %get3A_1] : memref<1x1x400xi32, #tpu.memory_space<vmem>>, vector<1x1x400xi32>
    %get3A_3 = vector.shape_cast %get3A_2 : vector<1x1x400xi32> to vector<400xi32>
    %broadcast_in_dim3A = vector.shape_cast %get3A_3 : vector<400xi32> to vector<1x400xi32>
    %get3A_4 = arith.constant 0 : index
    %get3A_5 = arith.constant 0 : index
    %get3A_6 = arith.constant 0 : index
    %get3A_7 = vector.load %arg3[%get3A_4, %get3A_5, %get3A_6] : memref<1x1x400xi32, #tpu.memory_space<vmem>>, vector<1x1x400xi32>
    %get3A_8 = vector.shape_cast %get3A_7 : vector<1x1x400xi32> to vector<400xi32>
    %broadcast_in_dim3A_9 = vector.shape_cast %get3A_8 : vector<400xi32> to vector<1x400xi32>
    %get3A_10 = arith.constant 0 : index
    %get3A_11 = arith.constant 0 : index
    %get3A_12 = vector.load %arg4[%get3A_10, %get3A_11] : memref<64x128xi32, #tpu.memory_space<vmem>>, vector<64x1xi32>
    %iota3A = tpu.iota {dimensions = array<i32: 0>} : vector<64x400xi32>
    %eq3A = vector.broadcast %broadcast_in_dim3A : vector<1x400xi32> to vector<64x400xi32>
    %eq3A_13 = arith.cmpi eq, %eq3A, %iota3A : vector<64x400xi32>
    %eq3A_14 = vector.broadcast %broadcast_in_dim3A_9 : vector<1x400xi32> to vector<64x400xi32>
    %eq3A_15 = vector.broadcast %get3A_12 : vector<64x1xi32> to vector<64x400xi32>
    %eq3A_16 = arith.cmpi eq, %eq3A_14, %eq3A_15 : vector<64x400xi32>
    %and3A = arith.andi %eq3A_13, %eq3A_16 : vector<64x400xi1>
    %convert_element_type3A = arith.extui %and3A : vector<64x400xi1> to vector<64x400xi32>
    %convert_element_type3A_17 = arith.sitofp %convert_element_type3A : vector<64x400xi32> to vector<64x400xf32>
    %eq3A_18 = arith.constant 0 : i32
    %eq3A_19 = arith.cmpi eq, %arg0, %eq3A_18 : i32
    %convert_element_type3A_20 = arith.extui %eq3A_19 : i1 to i32
    %cond3A = arith.constant 0 : i32
    %cond3A_21 = arith.cmpi ne, %convert_element_type3A_20, %cond3A : i32
    scf.if %cond3A_21 {
      %broadcast_in_dim3A_36 = arith.constant 0.000000e+00 : f32
      %broadcast_in_dim3A_37 = vector.broadcast %broadcast_in_dim3A_36 : f32 to vector<64x256xf32>
      %swap3A_38 = arith.constant 0 : index
      %swap3A_39 = arith.constant 0 : index
      %swap3A_40 = vector.load %arg12[%swap3A_38, %swap3A_39] : memref<64x256xf32, #tpu.memory_space<vmem>>, vector<64x256xf32>
      tpu.vector_store %arg12[%swap3A_38, %swap3A_39], %broadcast_in_dim3A_37 {strides = array<i32>} : memref<64x256xf32, #tpu.memory_space<vmem>>, vector<64x256xf32>,
    } else {
    }
    %get3A_22 = arith.constant 0 : index
    %get3A_23 = arith.constant 0 : index
    %get3A_24 = vector.load %arg12[%get3A_22, %get3A_23] : memref<64x256xf32, #tpu.memory_space<vmem>>, vector<64x256xf32>
    %get3A_25 = arith.constant 0 : index
    %get3A_26 = arith.constant 0 : index
    %get3A_27 = vector.load %arg1[%get3A_25, %get3A_26] : memref<400x256xf32, #tpu.memory_space<vmem>>, vector<400x256xf32>
    %dot_general3A = arith.constant dense<0.000000e+00> : vector<64x256xf32>
    %dot_general3A_28 = tpu.matmul %convert_element_type3A_17, %get3A_27, %dot_general3A {dimension_numbers = #tpu.dot_dimension_numbers<[1], [0], [0], [1], [0, 0, 1, 1], [], []>, transpose_lhs_hint = false} : vector<64x400xf32>, vector<400x256xf32>, vector<64x256xf32> -> vector<64x256xf32>
    %add3A = arith.addf %get3A_24, %dot_general3A_28 : vector<64x256xf32>
    %swap3A = arith.constant 0 : index
    %swap3A_29 = arith.constant 0 : index
    %swap3A_30 = vector.load %arg12[%swap3A, %swap3A_29] : memref<64x256xf32, #tpu.memory_space<vmem>>, vector<64x256xf32>
    tpu.vector_store %arg12[%swap3A, %swap3A_29], %add3A {strides = array<i32>} : memref<64x256xf32, #tpu.memory_space<vmem>>, vector<64x256xf32>,
    %eq3A_31 = arith.constant 24 : i32
    %eq3A_32 = arith.cmpi eq, %arg0, %eq3A_31 : i32
    %convert_element_type3A_33 = arith.extui %eq3A_32 : i1 to i32
    %cond3A_34 = arith.constant 0 : i32
    %cond3A_35 = arith.cmpi ne, %convert_element_type3A_33, %cond3A_34 : i32
    scf.if %cond3A_35 {
      %get3A_36 = arith.constant 0 : index
      %get3A_37 = arith.constant 0 : index
      %get3A_38 = vector.load %arg12[%get3A_36, %get3A_37] : memref<64x256xf32, #tpu.memory_space<vmem>>, vector<64x256xf32>
      %get3A_39 = arith.constant 0 : index
      %get3A_40 = arith.constant 0 : index
      %get3A_41 = vector.load %arg6[%get3A_39, %get3A_40] : memref<256x256xf32, #tpu.memory_space<vmem>>, vector<256x256xf32>
      %dot_general3A_42 = arith.constant dense<0.000000e+00> : vector<64x256xf32>
      %dot_general3A_43 = tpu.matmul %get3A_38, %get3A_41, %dot_general3A_42 {dimension_numbers = #tpu.dot_dimension_numbers<[1], [0], [0], [1], [0, 0, 1, 1], [], []>, transpose_lhs_hint = false} : vector<64x256xf32>, vector<256x256xf32>, vector<64x256xf32> -> vector<64x256xf32>
      %get3A_44 = arith.constant 0 : index
      %get3A_45 = arith.constant 0 : index
      %get3A_46 = vector.load %arg5[%get3A_44, %get3A_45] : memref<64x1280xf32, #tpu.memory_space<vmem>>, vector<64x1280xf32>
      %get3A_47 = arith.constant 0 : index
      %get3A_48 = arith.constant 0 : index
      %get3A_49 = vector.load %arg7[%get3A_47, %get3A_48] : memref<1280x256xf32, #tpu.memory_space<vmem>>, vector<1280x256xf32>
      %dot_general3A_50 = arith.constant dense<0.000000e+00> : vector<64x256xf32>
      %dot_general3A_51 = tpu.matmul %get3A_46, %get3A_49, %dot_general3A_50 {dimension_numbers = #tpu.dot_dimension_numbers<[1], [0], [0], [1], [0, 0, 1, 1], [], []>, transpose_lhs_hint = false} : vector<64x1280xf32>, vector<1280x256xf32>, vector<64x256xf32> -> vector<64x256xf32>
      %add3A_52 = arith.addf %dot_general3A_43, %dot_general3A_51 : vector<64x256xf32>
      %get3A_53 = arith.constant 0 : index
      %get3A_54 = arith.constant 0 : index
      %get3A_55 = vector.load %arg8[%get3A_53, %get3A_54] : memref<1x256xf32, #tpu.memory_space<vmem>>, vector<1x256xf32>
      %add3A_56 = vector.broadcast %get3A_55 : vector<1x256xf32> to vector<64x256xf32>
      %add3A_57 = arith.addf %add3A_52, %add3A_56 : vector<64x256xf32>
      %max3A = arith.constant 0.000000e+00 : f32
      %max3A_58 = vector.broadcast %max3A : f32 to vector<64x256xf32>
      %max3A_59 = arith.maximumf %add3A_57, %max3A_58 : vector<64x256xf32>
      %get3A_60 = arith.constant 0 : index
      %get3A_61 = arith.constant 0 : index
      %get3A_62 = vector.load %arg9[%get3A_60, %get3A_61] : memref<256x128xf32, #tpu.memory_space<vmem>>, vector<256x128xf32>
      %dot_general3A_63 = arith.constant dense<0.000000e+00> : vector<64x128xf32>
      %dot_general3A_64 = tpu.matmul %max3A_59, %get3A_62, %dot_general3A_63 {dimension_numbers = #tpu.dot_dimension_numbers<[1], [0], [0], [1], [0, 0, 1, 1], [], []>, transpose_lhs_hint = false} : vector<64x256xf32>, vector<256x128xf32>, vector<64x128xf32> -> vector<64x128xf32>
      %get3A_65 = arith.constant 0 : index
      %get3A_66 = arith.constant 0 : index
      %get3A_67 = vector.load %arg10[%get3A_65, %get3A_66] : memref<1x128xf32, #tpu.memory_space<vmem>>, vector<1x128xf32>
      %add3A_68 = vector.broadcast %get3A_67 : vector<1x128xf32> to vector<64x128xf32>
      %add3A_69 = arith.addf %dot_general3A_64, %add3A_68 : vector<64x128xf32>
      %swap3A_70 = arith.constant 0 : index
      %swap3A_71 = arith.constant 0 : index
      %swap3A_72 = vector.load %arg11[%swap3A_70, %swap3A_71] : memref<64x128xf32, #tpu.memory_space<vmem>>, vector<64x128xf32>
      tpu.vector_store %arg11[%swap3A_70, %swap3A_71], %add3A_69 {strides = array<i32>} : memref<64x128xf32, #tpu.memory_space<vmem>>, vector<64x128xf32>,
    } else {
    }
    return
  }
  func.func @transform_0(%arg0: i32) -> (i32, i32) {
    %c0_i32 = arith.constant 0 : i32
    %c0_i32_0 = arith.constant 0 : i32
    return %arg0, %c0_i32 : i32, i32
  }
  func.func @transform_1(%arg0: i32) -> (i32, i32, i32) {
    %c0_i32 = arith.constant 0 : i32
    %c0_i32_0 = arith.constant 0 : i32
    %c0_i32_1 = arith.constant 0 : i32
    return %arg0, %c0_i32, %c0_i32_0 : i32, i32, i32
  }
  func.func @transform_2(%arg0: i32) -> (i32, i32, i32) {
    %c0_i32 = arith.constant 0 : i32
    %c0_i32_0 = arith.constant 0 : i32
    %c0_i32_1 = arith.constant 0 : i32
    return %arg0, %c0_i32, %c0_i32_0 : i32, i32, i32
  }
  func.func @transform_3(%arg0: i32) -> (i32, i32) {
    %c0_i32 = arith.constant 0 : i32
    %c0_i32_0 = arith.constant 0 : i32
    %c0_i32_1 = arith.constant 0 : i32
    return %c0_i32, %c0_i32_0 : i32, i32
  }
  func.func @transform_4(%arg0: i32) -> (i32, i32) {
    %c0_i32 = arith.constant 0 : i32
    %c0_i32_0 = arith.constant 0 : i32
    %c0_i32_1 = arith.constant 0 : i32
    return %c0_i32, %c0_i32_0 : i32, i32
  }
  func.func @transform_5(%arg0: i32) -> (i32, i32) {
    %c0_i32 = arith.constant 0 : i32
    %c0_i32_0 = arith.constant 0 : i32
    %c0_i32_1 = arith.constant 0 : i32
    return %c0_i32, %c0_i32_0 : i32, i32
  }
  func.func @transform_6(%arg0: i32) -> (i32, i32) {
    %c0_i32 = arith.constant 0 : i32
    %c0_i32_0 = arith.constant 0 : i32
    %c0_i32_1 = arith.constant 0 : i32
    return %c0_i32, %c0_i32_0 : i32, i32
  }
  func.func @transform_7(%arg0: i32) -> (i32, i32) {
    %c0_i32 = arith.constant 0 : i32
    %c0_i32_0 = arith.constant 0 : i32
    %c0_i32_1 = arith.constant 0 : i32
    return %c0_i32, %c0_i32_0 : i32, i32
  }
  func.func @transform_8(%arg0: i32) -> (i32, i32) {
    %c0_i32 = arith.constant 0 : i32
    %c0_i32_0 = arith.constant 0 : i32
    %c0_i32_1 = arith.constant 0 : i32
    return %c0_i32, %c0_i32_0 : i32, i32
  }
  func.func @transform_9(%arg0: i32) -> (i32, i32) {
    %c0_i32 = arith.constant 0 : i32
    %c0_i32_0 = arith.constant 0 : i32
    %c0_i32_1 = arith.constant 0 : i32
    return %c0_i32, %c0_i32_0 : i32, i32
  }
  func.func @transform_10(%arg0: i32) -> (i32, i32) {
    %c0_i32 = arith.constant 0 : i32
    %c0_i32_0 = arith.constant 0 : i32
    %c0_i32_1 = arith.constant 0 : i32
    return %c0_i32, %c0_i32_0 : i32, i32
  }
}

</mosaic_0001>

<sc_bundles>
// kernel: kernel.22.cloned.1.call-start
scs
__scs_entry_jumppad:
0x0: {  	(pc) =	sbr.rel $0x88, $3  }
0x1: {  	(tag) =	ssettag $0x0;
	lr =	simm.s32 $0x1  }
0x2: {  	[smem:$0x3F7F] =	sst lr;
	_ =	strace $0xD0000000  }
0x3: {  	_ = 	snop  }
0x4: {  	_ = 	snop  }
0x5: {  	_ = 	snop  }
0x6: {  	_ = 	snop  }
0x7: {  	_ = 	snop  }
__scs_overlays_trampoline_lowered:
0x8: {  	[smem:$0x3F8E] =	sst s0  }
0x9: {  	[smem:$0x3F8F] =	sst s1  }
0xa: {  	[smem:$0x3F90] =	sst s2  }
0xb: {  	[smem:$0x3F91] =	sst s3  }
0xc: {  	[smem:$0x3F92] =	sst s4  }
0xd: {  	[smem:$0x3F93] =	sst s5  }
0xe: {  	[smem:$0x3F94] =	sst s6  }
0xf: {  	[smem:$0x3F95] =	sst s7  }
0x10: {  	[smem:$0x3F96] =	sst s8  }
0x11: {  	[smem:$0x3F97] =	sst s9;
	s0 =	simm.s32 @!p0 $0x0  }
0x12: {  	s1 =	sld [smem:$0x3F7D];
	s0 =	simm.s32 @p0 $0x1  }
0x13: {  	[smem:$0x3F98] =	sst s0;
	s0 =	simm.s32 @!p1 $0x0  }
0x14: {  	s2 =	sld [smem:$0x3F7C];
	s0 =	simm.s32 @p1 $0x1  }
0x15: {  	[smem:$0x3F99] =	sst s0;
	s0 =	simm.s32 @!p2 $0x0  }
0x16: {  	s3 =	sld [smem:$0x3FDB];
	s0 =	simm.s32 @p2 $0x1  }
0x17: {  	s4 =	simm.s32 $0x1BF5;
	[smem:$0x3F9B] =	sst s0  }
0x18: {  	s0 =	sld [smem:$0x3F7E];
	_ =	swait.ge [sflag:s4], $0x0  }
0x19: {  	s7 =	sld [smem:$0x3F7F]  }
0x1a: {  	s8 =	sadd.s32 $0xFFFFE003, lr  }
0x1b: {  	s9 =	sadd.s32 $0xFFFFFEF7, lr;
	s5 =	simm.s32 $0xFFFFFFFF;
	p2 =	slt.u32 s8, $0xFFFFF086  }
0x1c: {  	p1 =	slt.u32 s9, $0xF7A;
	s5 =	simm.s32 @!p2 $0x0  }
0x1d: {  	s5 =	simm.s32 @p1 $0x1;
	p0 =	seq.s32 s7, s2  }
0x1e: {  	s7 =	smul.u32 @!p0 $0xF7A, s2;
	p2 =	seq.s32 @!p0 s5, $0x0  }
0x1f: {  	s9 =	smul.u32 $0xF7A, s1;
	s8 =	simm.s32 @!p0 $0x1BF5;
	p2 =	por !p2, p0  }
0x20: {  	[sflag:s8] =	ssyncset.s32 @!p0 $0xFFFFF086;
	s6 =	sadd.s32 @!p0 s3, s7;
	s7 =	simm.s32 @!p0 $0x108  }
0x21: {  	s3 =	sadd.s32 s3, s9;
	s6 =	sadd.s32 @!p0 $0x88, s6;
	s7 =	simm.s32 @p2 $0x1082  }
0x22: {  	[simem:s7], [sflag:s8] =	dma.local @!p0 [hbm:s6], $0xF7A  }
0x23: {  	s9 =	sor.u32 $0xD0000000, s2;
	s6 =	simm.s32 $0x108;
	_ =	swait.ge @!p0 [sflag:s8], $0x0  }
0x24: {  	s3 =	sadd.s32 $0x88, s3;
	s6 =	simm.s32 @!p1 $0x1082;
	[sflag:s4] =	ssyncset.s32 $0xFFFFF086  }
0x25: {  	[simem:s6], [sflag:s4] =	dma.local [hbm:s3], $0xF7A  }
0x26: {  	[smem:$0x3F7F] =	sst s1;
	(tag) =	ssettag s2;
	_ =	strace s9  }
0x27: {  	s1 =	sld [smem:$0x3F8F]  }
0x28: {  	s2 =	sld [smem:$0x3F90]  }
0x29: {  	s4 =	sld [smem:$0x3F92]  }
0x2a: {  	p0 =	seq.s32 s5, $0x0;
	s5 =	sld [smem:$0x3F93]  }
0x2b: {  	s6 =	sld [smem:$0x3F94]  }
0x2c: {  	s7 =	sld [smem:$0x3F95]  }
0x2d: {  	s3 =	simm.s32 $0x108;
	s8 =	sld [smem:$0x3F96]  }
0x2e: {  	s3 =	simm.s32 @!p0 $0x1082;
	s9 =	sld [smem:$0x3F97]  }
0x2f: {  	lr =	sadd.s32 s0, s3;
	s0 =	sld [smem:$0x3F8E]  }
0x30: {  	s3 =	sld [smem:$0x3F91]  }
0x31: {  	[smem:$0x3F9A] =	sst s10  }
0x32: {  	s10 =	sld [smem:$0x3F98];
	_ =	sdelay $0x3  }
0x33: {  	p0 =	seq.s32 s10, $0x1;
	s10 =	sld [smem:$0x3F9A];
	_ =	sdelay $0x3  }
0x34: {  	[smem:$0x3F9A] =	sst s10  }
0x35: {  	s10 =	sld [smem:$0x3F99];
	_ =	sdelay $0x3  }
0x36: {  	p1 =	seq.s32 s10, $0x1;
	s10 =	sld [smem:$0x3F9A];
	_ =	sdelay $0x3  }
0x37: {  	[smem:$0x3F9A] =	sst s10  }
0x38: {  	s10 =	sld [smem:$0x3F9B]  }
0x39: {  	_ = 	snop;
	(pc) =	sbr.ind lr, $3  }
0x3a: {  	_ = 	snop  }
0x3b: {  	_ = 	snop  }
0x3c: {  	p2 =	seq.s32 s10, $0x1;
	s10 =	sld [smem:$0x3F9A]  }
0x3d: {  	_ =	shalt  }
0x3e: {  	_ =	shalt  }
0x3f: {  	_ =	shalt  }
0x40: {  	_ =	shalt  }
0x41: {  	_ =	shalt  }
0x42: {  	_ =	shalt  }
0x43: {  	_ =	shalt  }
0x44: {  	_ =	shalt  }
0x45: {  	_ =	shalt  }
0x46: {  	_ =	shalt  }
0x47: {  	_ =	shalt  }
0x48: {  	_ =	shalt  }
0x49: {  	_ =	shalt  }
0x4a: {  	_ =	shalt  }
0x4b: {  	_ =	shalt  }
0x4c: {  	_ =	shalt  }
0x4d: {  	_ =	shalt  }
0x4e: {  	_ =	shalt  }
0x4f: {  	_ =	shalt  }
0x50: {  	_ =	shalt  }
0x51: {  	_ =	shalt  }
0x52: {  	_ =	shalt  }
0x53: {  	_ =	shalt  }
0x54: {  	_ =	shalt  }
0x55: {  	_ =	shalt  }
0x56: {  	_ =	shalt  }
0x57: {  	_ =	shalt  }
0x58: {  	_ =	shalt  }
0x59: {  	_ =	shalt  }
0x5a: {  	_ =	shalt  }
0x5b: {  	_ =	shalt  }
0x5c: {  	_ =	shalt  }
0x5d: {  	_ =	shalt  }
0x5e: {  	_ =	shalt  }
0x5f: {  	_ =	shalt  }
0x60: {  	_ =	shalt  }
0x61: {  	_ =	shalt  }
0x62: {  	_ =	shalt  }
0x63: {  	_ =	shalt  }
0x64: {  	_ =	shalt  }
0x65: {  	_ =	shalt  }
0x66: {  	_ =	shalt  }
0x67: {  	_ =	shalt  }
0x68: {  	_ =	shalt  }
0x69: {  	_ =	shalt  }
0x6a: {  	_ =	shalt  }
0x6b: {  	_ =	shalt  }
0x6c: {  	_ =	shalt  }
0x6d: {  	_ =	shalt  }
0x6e: {  	_ =	shalt  }
0x6f: {  	_ =	shalt  }
0x70: {  	_ =	shalt  }
0x71: {  	_ =	shalt  }
0x72: {  	_ =	shalt  }
0x73: {  	_ =	shalt  }
0x74: {  	_ =	shalt  }
0x75: {  	_ =	shalt  }
0x76: {  	_ =	shalt  }
0x77: {  	_ =	shalt  }
0x78: {  	_ =	shalt  }
0x79: {  	_ =	shalt  }
0x7a: {  	_ =	shalt  }
0x7b: {  	_ =	shalt  }
0x7c: {  	_ =	shalt  }
0x7d: {  	_ =	shalt  }
0x7e: {  	_ =	shalt  }
0x7f: {  	_ =	shalt  }
0x80: {  	_ =	shalt  }
0x81: {  	_ =	shalt  }
0x82: {  	_ =	shalt  }
0x83: {  	_ =	shalt  }
0x84: {  	_ =	shalt  }
0x85: {  	_ =	shalt  }
0x86: {  	_ =	shalt  }
0x87: {  	_ =	shalt  }
.Lfunc_end0:
.L_simem_size_0:
called_computation_lowered:
.L_overlay_start_0:
0x88: {  	s2 =	sld [smem:$0x3FD9]  }
0x89: {  	s3 =	sld [smem:$0x3FFE];
	_ =	sdelay $0x1  }
0x8a: {  	s1 =	srdreg.scid  }
0x8b: {  	s0 =	sand.u32 $0x1, s1  }
0x8c: {  	s17 =	sshll.u32 s0, $0xA;
	s2 =	sadd.s32 s3, s2  }
0x8d: {  	s2 =	sadd.s32 s2, s17  }
0x8e: {  	[smem:$0x3FA6] =	sst s2  }
0x8f: {  	_ = 	snop  }
0x90: {  	(tm) =	ssettm $0x1  }
0x91: {  	s18 =	sld [smem:$0x3FFB];
	_ =	sdelay $0x3  }
0x92: {  	_ =	strace s18  }
0x93: {  	s2 =	sld [smem:$0x3FFC];
	_ =	sdelay $0x3  }
0x94: {  	_ =	strace s2  }
0x95: {  	s2 =	sld [smem:$0x3FFD];
	_ =	sdelay $0x3  }
0x96: {  	_ =	strace s2  }
0x97: {  	_ =	strace $0x8FFFFFFF  }
0x98: {  	s19 =	sld [smem:$0x3FDB];
	_ =	sdelay $0x1  }
0x99: {  	s20 =	simm.s32 $_scs_section_size  }
0x9a: {  	s4 =	simm.s32 $_size__tile_overlayer_lowered;
	s5 =	simm.s32 $_tile_overlayer_lowered  }
0x9b: {  	s6 =	simm.s32 $0x1BFF;
	s21 =	sshll.u32 s5, $0x1;
	s3 =	sadd.s32 s20, s19  }
0x9c: {  	s22 =	simm.s32 $0x0;
	s4 =	sshll.u32 s4, $0x1;
	s5 =	sadd.s32 s21, s3  }
0x9d: {  	[timem:s22], [sflag:s6] =	dma.local [hbm:s5], s4  }
0x9e: {  	_ =	swait.ge [sflag:s6], s4  }
0x9f: {  	s4 =	ssub.s32 $0x0, s4;
	[sflag:s6] =	ssyncset.done $0x0  }
0xa0: {  	[sflag:s6] =	ssyncadd.s32 s4;
	_ =	sdelay $0x1  }
0xa1: {  	s23 =	simm.s32 $0x1B8B  }
0xa2: {  	_ =	swait.ge [sflag:s23], $0x1  }
0xa3: {  	[sflag:s23] =	ssyncset.done $0x0  }
0xa4: {  	[sflag:s23] =	ssyncadd.s32 $0xFFFFFFFF  }
0xa5: {  	s4 =	sld [smem:$0x0]  }
0xa6: {  	s5 =	sand.u32 $0xFFFFFFFE, s1  }
0xa7: {  	p0 =	sne.s32 s1, s5  }
0xa8: {  	s5 =	sshll.u32 @p0 s5, $0xE  }
0xa9: {  	s5 =	sadd.s32 @p0 $0x11B8D, s5;
	s6 =	sshll.u32 @p0 s4, $0x11  }
0xaa: {  	s5 =	sor.u32 @p0 s6, s5  }
0xab: {  	[sflag:s5] =	ssyncadd.remote.s32 @p0 $0x1;
	_ =	sdelay $0x1  }
0xac: {  	s5 =	simm.s32 @p0 $0x1B8D  }
0xad: {  	_ =	swait.eq @p0 [sflag:s5], $0x1  }
0xae: {  	[sflag:s5] =	ssyncadd.s32 @p0 $0xFFFFFFFF  }
0xaf: {  	s6 =	sshll.u32 @!p0 s1, $0xE  }
0xb0: {  	s6 =	sor.u32 @!p0 $0x4000, s6;
	s5 =	simm.s32 @!p0 $0x1B8D  }
0xb1: {  	s4 =	sshll.u32 @!p0 s4, $0x11;
	s6 =	sadd.s32 @!p0 $0x11B8D, s6;
	_ =	swait.eq @!p0 [sflag:s5], $0x1  }
0xb2: {  	s4 =	sor.u32 @!p0 s4, s6;
	[sflag:s5] =	ssyncadd.s32 @!p0 $0xFFFFFFFF  }
0xb3: {  	s25 =	simm.s32 $0x1B8E;
	s24 =	sld [smem:$0x3FFE];
	[sflag:s4] =	ssyncadd.remote.s32 @!p0 $0x1  }
0xb4: {  	s26 =	simm.s32 $execute0_lowered;
	[smem:$0x3FD2] =	sst s25  }
0xb5: {  	s5 =	sshll.u32 s26, $0x1;
	_ =	strace $0x80000049;
	[dreg:$0x1] =	wrdreg $0xFFFFFFFF  }
0xb6: {  	s28 =	simm.s32 $_size_execute0_lowered;
	s3 =	sadd.s32 s3, s5;
	[dreg:$0x0] =	wrdreg $0x0  }
0xb7: {  	s5 =	sshll.u32 s28, $0x1;
	[dreg:$0x2] =	wrdreg s3  }
0xb8: {  	[dreg:$0x3] =	wrdreg s5  }
0xb9: {  	[dreg:$0x4] =	wrdreg $0xC0  }
0xba: {  	_ =	task [dreg:s22], $0x5FFFF  }
0xbb: {  	[dreg:$0x1] =	wrdreg $0xFFFFFFFF  }
0xbc: {  	[dreg:$0x0] =	wrdreg $0x60  }
0xbd: {  	[dreg:$0x2] =	wrdreg s24  }
0xbe: {  	[dreg:$0x3] =	wrdreg $0x9  }
0xbf: {  	_ =	task.clear_ibuf [dreg:s22], $0x4FFFF;
	_ =	strace $0x90000049  }
0xc0: {  	s29 =	simm.s32 $0x9;
	_ =	strace $0x8000004B  }
0xc1: {  	_ =	swait.ge [sflag:s29], $0x1  }
0xc2: {  	[sflag:s29] =	ssyncadd.s32 $0xFFFFFFFF  }
0xc3: {  	_ =	strace $0x9000004B  }
0xc4: {  	_ =	sfence  }
0xc5: {  	s30 =	sld [smem:$0x0];
	_ =	sdelay $0x2  }
0xc6: {  	s31 =	sshll.u32 s1, $0xD;
	s1 =	sshrl.u32 s1, $0x2  }
0xc7: {  	s4 =	sand.u32 $0x4000, s31;
	s1 =	sadd.s32 s1, s30  }
0xc8: {  	s0 =	sor.u32 s4, s0;
	s1 =	sshll.u32 s1, $0x11  }
0xc9: {  	s0 =	sor.u32 s1, s0  }
0xca: {  	s0 =	sadd.s32 $0x8F2B, s0  }
0xcb: {  	[sflag:s0] =	ssyncadd.remote.s32 $0x1  }
0xcc: {  	_ =	sfence.sel $0xFFFF  }
0xcd: {  	[dreg:$0x0] =	wrdreg $0xFFFFFFFF;
	(pc) =	sbr.abs _section_cstart, $3  }
0xce: {  	[dreg:$0x1] =	wrdreg $0xFFFFFFFF  }
0xcf: {  	_ =	task.clear_ibuf [dreg:s22], $0x2FFFF;
	_ =	strace $0x9FFFFFFF  }
0xd0: {  	(tm) =	ssettm $0x7FFFFFFF  }
0xd1: {  	_ =	shalt  }
tec
execute0_lowered:
.L_overlay_start_1:
0x0: {  	(tag) =	ssettag $0x1  }
0x1: {  	s0 =	srdreg.scid;
	s5 =	stileid.u32  }
0x2: {  	s1 =	sand.u32 $0x1, s0;
	s23 =	smul.u32 $0x780, s5  }
0x3: {  	s2 =	smul.u32 $0x3C0, s1;
	_ =	sdelay $0x1  }
0x4: {  	s0 =	sadd.s32 s2, s23  }
0x5: {  	s2 =	sshrl.u32 s0, $0x3  }
0x6: {  	s0 =	rddreg [dreg:$0x0];
	s3 =	smul.u32 $0x280, s2;
	s2 =	simm.s32 $0x0  }
0x7: {  	s24 =	simm.s32 $0xC00;
	[smem:$0x7FF] =	sst s2  }
0x8: {  	s25 =	simm.s32 $0x1400;
	_ =	strace $0x8000004A;
	[dreg:$0x3] =	wrdreg s24  }
0x9: {  	s26 =	simm.s32 $0x1800;
	[dreg:$0x4] =	wrdreg s25  }
0xa: {  	s4 =	simm.s32 $0x2000;
	[dreg:$0x5] =	wrdreg s26  }
0xb: {  	s6 =	simm.s32 $0x2800;
	[dreg:$0x6] =	wrdreg s4  }
0xc: {  	s7 =	simm.s32 $0x2C00;
	[dreg:$0x7] =	wrdreg s6  }
0xd: {  	s8 =	simm.s32 $0x3400;
	[dreg:$0x8] =	wrdreg s7  }
0xe: {  	s9 =	simm.s32 $0x3C00;
	[dreg:$0x9] =	wrdreg s8  }
0xf: {  	s10 =	simm.s32 $0x4000;
	[dreg:$0xa] =	wrdreg s9  }
0x10: {  	s11 =	simm.s32 $0x4800;
	[dreg:$0xb] =	wrdreg s10  }
0x11: {  	s12 =	simm.s32 $0x5000;
	[dreg:$0xc] =	wrdreg s11  }
0x12: {  	s13 =	simm.s32 $0x5400;
	s14 =	simm.s32 $0x6400;
	[dreg:$0xd] =	wrdreg s12  }
0x13: {  	s15 =	simm.s32 $0x6800;
	s16 =	simm.s32 $0x7000;
	[dreg:$0xe] =	wrdreg s13  }
0x14: {  	s17 =	simm.s32 $0x7800;
	s18 =	simm.s32 $0x7C00;
	[dreg:$0x10] =	wrdreg s14  }
0x15: {  	s19 =	simm.s32 $0x8400;
	s21 =	simm.s32 $0x8C00;
	[dreg:$0x11] =	wrdreg s15  }
0x16: {  	s22 =	simm.s32 $0x9000;
	s28 =	simm.s32 $0x12400;
	[dreg:$0x12] =	wrdreg s16  }
0x17: {  	s29 =	simm.s32 $0x12C00;
	s30 =	simm.s32 $0x1;
	[dreg:$0x13] =	wrdreg s17  }
0x18: {  	s31 =	simm.s32 $0x0;
	s5 =	sshll.u32 s5, $0x8;
	[dreg:$0x14] =	wrdreg s18  }
0x19: {  	s3 =	sadd.s32 s3, s0;
	s4 =	simm.s32 $0x5C00;
	[dreg:$0x15] =	wrdreg s19  }
0x1a: {  	s6 =	sshll.u32 s1, $0x7;
	s1 =	ssub.s32 $0x2, s1;
	[dreg:$0x16] =	wrdreg s21  }
0x1b: {  	[dreg:$0x17] =	wrdreg s22;
	s24 =	simm.s32 $0x9800;
	s7 =	simm.s32 $0xA000  }
0x1c: {  	s25 =	simm.s32 $0xA400;
	s26 =	simm.s32 $0xAC00;
	s8 =	simm.s32 $0x2  }
0x1d: {  	s9 =	simm.s32 $0x400;
	s10 =	simm.s32 $0xB400;
	s11 =	simm.s32 $0xB800  }
0x1e: {  	s12 =	simm.s32 $0xC000;
	s13 =	simm.s32 $0xC800;
	s14 =	simm.s32 $0xCC00  }
0x1f: {  	s15 =	simm.s32 $0xD400;
	s16 =	simm.s32 $0xDC00;
	s17 =	simm.s32 $0xE000  }
0x20: {  	s18 =	simm.s32 $0xE800;
	s19 =	simm.s32 $0xF000;
	[dreg:$0xf] =	wrdreg s4  }
0x21: {  	s21 =	simm.s32 $0xFC00;
	s22 =	simm.s32 $0x10400;
	[dreg:$0x18] =	wrdreg s24  }
0x22: {  	s3 =	sadd.s32 $0x4B2000, s3;
	s5 =	sor.u32 s6, s5;
	[dreg:$0x19] =	wrdreg s7  }
0x23: {  	s20 =	sshrl.u32 s1, $0x1;
	s6 =	sadd.s32 $0x196C00, s0;
	[dreg:$0x1a] =	wrdreg s25  }
0x24: {  	[dreg:$0x1b] =	wrdreg s26;
	s24 =	simm.s32 $0x11000;
	s25 =	simm.s32 $0x11800  }
0x25: {  	s26 =	simm.s32 $0x11C00;
	[dreg:$0x2] =	wrdreg s3;
	s5 =	sadd.s32 s5, s0  }
0x26: {  	v2 =	vlaneseq.u32;
	s3 =	sadd.s32 $0x196A00, s0;
	s1 =	ssub.s32 s1, s20;
	s23 =	sadd.s32 $0x10000, s5  }
0x27: {  	vm0 =	vmmov $0xffff;
	vm1 =	vmmov $0xff;
	v1 =	vshrl.u32 v2, $0x3;
	s20 =	simm.s32 $0xF400;
	s1 =	smax.u32 s1, $0x1;
	[dreg:$0x1c] =	wrdreg s23  }
0x28: {  	v0 =	vand.u32 $0x7, v2;
	v2 =	vor.u32 $0x8, v2;
	v1 =	vmul.u32 $0x8, v1;
	s5 =	sadd.s32 $0x196B00, s0;
	[dreg:$0x1d] =	wrdreg s1;
	s23 =	simm.s32 $0x10800  }
.LBB2_1:
0x29: {  	s0 =	rddreg [dreg:$0x1c]  }
0x2a: {  	[tilespmem:s2], [sflag:$0x2] =	stream.linear.gather [hbm4b:s0+s2], $0x400, $0x38;
	[tilespmem:$0x13000] =	vst v63  }
0x2b: {  	_ =	swait.ge [sflag:s8], $0x400  }
0x2c: {  	[sflag:s8] =	ssyncset.done $0x0  }
0x2d: {  	s1 =	simm.s32 $0x40;
	s0 =	simm.s32 $0x0;
	[sflag:s8] =	ssyncadd.s32 $0xFFFFFC00  }
.LBB2_2:
0x2e: {  	v3 =	vld [tilespmem:s1+$0xFFFFFFC0];
	_ =	sdelay $0x4  }
0x2f: {  	v4 =	vshrl.u32 v3, $0x3  }
0x30: {  	v4 =	vmul.u32 $0x28, v4  }
0x31: {  	v3 =	vand.u32 $0x7, v3  }
0x32: {  	v3 =	vor.u32 v3, v4  }
0x33: {  	v4 =	vperm.xlane v3, v0;
	_ =	sdelay $0x1  }
0x34: {  	v4 =	vadd.s32 v1, v4;
	_ =	sdelay $0x3  }
0x35: {  	v3 =	vperm.xlane v3, v2  }
0x36: {  	[tilespmem:s9], [sflag:$0x1] =	stream.indirect_vreg.gather [hbm4b:s3+s2], $0x80, v4, vm0, $0xb8;
	[tilespmem:$0x13000] =	vst v63  }
0x37: {  	s4 =	rddreg [dreg:$0x3];
	v3 =	vadd.s32 v1, v3  }
0x38: {  	[tilespmem:s4], [sflag:$0x1] =	stream.indirect_vreg.gather [hbm4b:s5+s2], $0x80, v4, vm0, $0xb8;
	[tilespmem:$0x13000] =	vst v63  }
0x39: {  	s7 =	rddreg [dreg:$0x4]  }
0x3a: {  	[tilespmem:s7], [sflag:$0x1] =	stream.indirect_vreg.gather [hbm4b:s6+s2], $0x80, v4, vm1, $0xb8;
	[tilespmem:$0x13000] =	vst v63  }
0x3b: {  	s4 =	rddreg [dreg:$0x5]  }
0x3c: {  	[tilespmem:s4], [sflag:$0x1] =	stream.indirect_vreg.gather [hbm4b:s3+s2], $0x80, v3, vm0, $0xb8;
	[tilespmem:$0x13000] =	vst v63  }
0x3d: {  	s7 =	rddreg [dreg:$0x6]  }
0x3e: {  	[tilespmem:s7], [sflag:$0x1] =	stream.indirect_vreg.gather [hbm4b:s5+s2], $0x80, v3, vm0, $0xb8;
	[tilespmem:$0x13000] =	vst v63  }
0x3f: {  	s4 =	rddreg [dreg:$0x7]  }
0x40: {  	[tilespmem:s4], [sflag:$0x1] =	stream.indirect_vreg.gather [hbm4b:s6+s2], $0x80, v3, vm1, $0xb8;
	[tilespmem:$0x13000] =	vst v63  }
0x41: {  	v3 =	vld [tilespmem:s1+$0xFFFFFFD0];
	_ =	sdelay $0x4  }
0x42: {  	v57 =	vshrl.u32 v3, $0x3  }
0x43: {  	v4 =	vmul.u32 $0x28, v57  }
0x44: {  	v3 =	vand.u32 $0x7, v3  }
0x45: {  	v3 =	vor.u32 v3, v4  }
0x46: {  	v4 =	vperm.xlane v3, v0;
	_ =	sdelay $0x1  }
0x47: {  	v4 =	vadd.s32 v1, v4;
	_ =	sdelay $0x3  }
0x48: {  	s4 =	rddreg [dreg:$0x8];
	v3 =	vperm.xlane v3, v2  }
0x49: {  	[tilespmem:s4], [sflag:$0x1] =	stream.indirect_vreg.gather [hbm4b:s3+s2], $0x80, v4, vm0, $0xb8;
	[tilespmem:$0x13000] =	vst v63  }
0x4a: {  	s7 =	rddreg [dreg:$0x9];
	v3 =	vadd.s32 v1, v3  }
0x4b: {  	[tilespmem:s7], [sflag:$0x1] =	stream.indirect_vreg.gather [hbm4b:s5+s2], $0x80, v4, vm0, $0xb8;
	[tilespmem:$0x13000] =	vst v63  }
0x4c: {  	s4 =	rddreg [dreg:$0xa]  }
0x4d: {  	[tilespmem:s4], [sflag:$0x1] =	stream.indirect_vreg.gather [hbm4b:s6+s2], $0x80, v4, vm1, $0xb8;
	[tilespmem:$0x13000] =	vst v63  }
0x4e: {  	s7 =	rddreg [dreg:$0xb]  }
0x4f: {  	[tilespmem:s7], [sflag:$0x1] =	stream.indirect_vreg.gather [hbm4b:s3+s2], $0x80, v3, vm0, $0xb8;
	[tilespmem:$0x13000] =	vst v63  }
0x50: {  	s4 =	rddreg [dreg:$0xc]  }
0x51: {  	[tilespmem:s4], [sflag:$0x1] =	stream.indirect_vreg.gather [hbm4b:s5+s2], $0x80, v3, vm0, $0xb8;
	[tilespmem:$0x13000] =	vst v63  }
0x52: {  	s7 =	rddreg [dreg:$0xd]  }
0x53: {  	[tilespmem:s7], [sflag:$0x1] =	stream.indirect_vreg.gather [hbm4b:s6+s2], $0x80, v3, vm1, $0xb8;
	[tilespmem:$0x13000] =	vst v63  }
0x54: {  	v3 =	vld [tilespmem:s1+$0xFFFFFFE0];
	_ =	sdelay $0x4  }
0x55: {  	v58 =	vshrl.u32 v3, $0x3  }
0x56: {  	v4 =	vmul.u32 $0x28, v58  }
0x57: {  	v3 =	vand.u32 $0x7, v3  }
0x58: {  	v3 =	vor.u32 v3, v4  }
0x59: {  	v4 =	vperm.xlane v3, v0;
	_ =	sdelay $0x1  }
0x5a: {  	v4 =	vadd.s32 v1, v4;
	_ =	sdelay $0x3  }
0x5b: {  	s4 =	rddreg [dreg:$0xe];
	v3 =	vperm.xlane v3, v2  }
0x5c: {  	[tilespmem:s4], [sflag:$0x1] =	stream.indirect_vreg.gather [hbm4b:s3+s2], $0x80, v4, vm0, $0xb8;
	[tilespmem:$0x13000] =	vst v63  }
0x5d: {  	s7 =	rddreg [dreg:$0xf];
	v3 =	vadd.s32 v1, v3  }
0x5e: {  	[tilespmem:s7], [sflag:$0x1] =	stream.indirect_vreg.gather [hbm4b:s5+s2], $0x80, v4, vm0, $0xb8;
	[tilespmem:$0x13000] =	vst v63  }
0x5f: {  	s4 =	rddreg [dreg:$0x10]  }
0x60: {  	[tilespmem:s4], [sflag:$0x1] =	stream.indirect_vreg.gather [hbm4b:s6+s2], $0x80, v4, vm1, $0xb8;
	[tilespmem:$0x13000] =	vst v63  }
0x61: {  	s7 =	rddreg [dreg:$0x11]  }
0x62: {  	[tilespmem:s7], [sflag:$0x1] =	stream.indirect_vreg.gather [hbm4b:s3+s2], $0x80, v3, vm0, $0xb8;
	[tilespmem:$0x13000] =	vst v63  }
0x63: {  	s4 =	rddreg [dreg:$0x12]  }
0x64: {  	[tilespmem:s4], [sflag:$0x1] =	stream.indirect_vreg.gather [hbm4b:s5+s2], $0x80, v3, vm0, $0xb8;
	[tilespmem:$0x13000] =	vst v63  }
0x65: {  	s7 =	rddreg [dreg:$0x13]  }
0x66: {  	[tilespmem:s7], [sflag:$0x1] =	stream.indirect_vreg.gather [hbm4b:s6+s2], $0x80, v3, vm1, $0xb8;
	[tilespmem:$0x13000] =	vst v63  }
0x67: {  	v3 =	vld [tilespmem:s1+$0xFFFFFFF0];
	_ =	sdelay $0x4  }
0x68: {  	v59 =	vshrl.u32 v3, $0x3  }
0x69: {  	v4 =	vmul.u32 $0x28, v59  }
0x6a: {  	v3 =	vand.u32 $0x7, v3  }
0x6b: {  	v3 =	vor.u32 v3, v4  }
0x6c: {  	v4 =	vperm.xlane v3, v0;
	_ =	sdelay $0x1  }
0x6d: {  	v4 =	vadd.s32 v1, v4;
	_ =	sdelay $0x3  }
0x6e: {  	s4 =	rddreg [dreg:$0x14];
	v3 =	vperm.xlane v3, v2  }
0x6f: {  	[tilespmem:s4], [sflag:$0x1] =	stream.indirect_vreg.gather [hbm4b:s3+s2], $0x80, v4, vm0, $0xb8;
	[tilespmem:$0x13000] =	vst v63  }
0x70: {  	s7 =	rddreg [dreg:$0x15];
	v3 =	vadd.s32 v1, v3  }
0x71: {  	[tilespmem:s7], [sflag:$0x1] =	stream.indirect_vreg.gather [hbm4b:s5+s2], $0x80, v4, vm0, $0xb8;
	[tilespmem:$0x13000] =	vst v63  }
0x72: {  	s4 =	rddreg [dreg:$0x16]  }
0x73: {  	[tilespmem:s4], [sflag:$0x1] =	stream.indirect_vreg.gather [hbm4b:s6+s2], $0x80, v4, vm1, $0xb8;
	[tilespmem:$0x13000] =	vst v63  }
0x74: {  	s7 =	rddreg [dreg:$0x17]  }
0x75: {  	[tilespmem:s7], [sflag:$0x1] =	stream.indirect_vreg.gather [hbm4b:s3+s2], $0x80, v3, vm0, $0xb8;
	[tilespmem:$0x13000] =	vst v63  }
0x76: {  	s4 =	rddreg [dreg:$0x18]  }
0x77: {  	[tilespmem:s4], [sflag:$0x1] =	stream.indirect_vreg.gather [hbm4b:s5+s2], $0x80, v3, vm0, $0xb8;
	[tilespmem:$0x13000] =	vst v63  }
0x78: {  	s7 =	rddreg [dreg:$0x19]  }
0x79: {  	[tilespmem:s7], [sflag:$0x1] =	stream.indirect_vreg.gather [hbm4b:s6+s2], $0x80, v3, vm1, $0xb8;
	[tilespmem:$0x13000] =	vst v63  }
0x7a: {  	v3 =	vld [tilespmem:s1+$0x0];
	_ =	sdelay $0x4  }
0x7b: {  	v60 =	vshrl.u32 v3, $0x3  }
0x7c: {  	v4 =	vmul.u32 $0x28, v60  }
0x7d: {  	v3 =	vand.u32 $0x7, v3  }
0x7e: {  	v3 =	vor.u32 v3, v4  }
0x7f: {  	v4 =	vperm.xlane v3, v0;
	_ =	sdelay $0x1  }
0x80: {  	v4 =	vadd.s32 v1, v4;
	_ =	sdelay $0x3  }
0x81: {  	s4 =	rddreg [dreg:$0x1a];
	v3 =	vperm.xlane v3, v2  }
0x82: {  	[tilespmem:s4], [sflag:$0x1] =	stream.indirect_vreg.gather [hbm4b:s3+s2], $0x80, v4, vm0, $0xb8;
	[tilespmem:$0x13000] =	vst v63  }
0x83: {  	s7 =	rddreg [dreg:$0x1b];
	v3 =	vadd.s32 v1, v3  }
0x84: {  	[tilespmem:s7], [sflag:$0x1] =	stream.indirect_vreg.gather [hbm4b:s5+s2], $0x80, v4, vm0, $0xb8;
	[tilespmem:$0x13000] =	vst v63  }
0x85: {  	_ = 	snop  }
0x86: {  	[tilespmem:s10], [sflag:$0x1] =	stream.indirect_vreg.gather [hbm4b:s6+s2], $0x80, v4, vm1, $0xb8;
	[tilespmem:$0x13000] =	vst v63  }
0x87: {  	_ = 	snop  }
0x88: {  	[tilespmem:s11], [sflag:$0x1] =	stream.indirect_vreg.gather [hbm4b:s3+s2], $0x80, v3, vm0, $0xb8;
	[tilespmem:$0x13000] =	vst v63  }
0x89: {  	_ = 	snop  }
0x8a: {  	[tilespmem:s12], [sflag:$0x1] =	stream.indirect_vreg.gather [hbm4b:s5+s2], $0x80, v3, vm0, $0xb8;
	[tilespmem:$0x13000] =	vst v63  }
0x8b: {  	_ = 	snop  }
0x8c: {  	[tilespmem:s13], [sflag:$0x1] =	stream.indirect_vreg.gather [hbm4b:s6+s2], $0x80, v3, vm1, $0xb8;
	[tilespmem:$0x13000] =	vst v63  }
0x8d: {  	v3 =	vld [tilespmem:s1+$0x10];
	_ =	sdelay $0x4  }
0x8e: {  	v61 =	vshrl.u32 v3, $0x3  }
0x8f: {  	v4 =	vmul.u32 $0x28, v61  }
0x90: {  	v3 =	vand.u32 $0x7, v3  }
0x91: {  	v3 =	vor.u32 v3, v4  }
0x92: {  	v4 =	vperm.xlane v3, v0;
	_ =	sdelay $0x1  }
0x93: {  	v4 =	vadd.s32 v1, v4;
	_ =	sdelay $0x3  }
0x94: {  	v3 =	vperm.xlane v3, v2  }
0x95: {  	[tilespmem:s14], [sflag:$0x1] =	stream.indirect_vreg.gather [hbm4b:s3+s2], $0x80, v4, vm0, $0xb8;
	[tilespmem:$0x13000] =	vst v63  }
0x96: {  	v3 =	vadd.s32 v1, v3  }
0x97: {  	[tilespmem:s15], [sflag:$0x1] =	stream.indirect_vreg.gather [hbm4b:s5+s2], $0x80, v4, vm0, $0xb8;
	[tilespmem:$0x13000] =	vst v63  }
0x98: {  	_ = 	snop  }
0x99: {  	[tilespmem:s16], [sflag:$0x1] =	stream.indirect_vreg.gather [hbm4b:s6+s2], $0x80, v4, vm1, $0xb8;
	[tilespmem:$0x13000] =	vst v63  }
0x9a: {  	_ = 	snop  }
0x9b: {  	[tilespmem:s17], [sflag:$0x1] =	stream.indirect_vreg.gather [hbm4b:s3+s2], $0x80, v3, vm0, $0xb8;
	[tilespmem:$0x13000] =	vst v63  }
0x9c: {  	_ = 	snop  }
0x9d: {  	[tilespmem:s18], [sflag:$0x1] =	stream.indirect_vreg.gather [hbm4b:s5+s2], $0x80, v3, vm0, $0xb8;
	[tilespmem:$0x13000] =	vst v63  }
0x9e: {  	_ = 	snop  }
0x9f: {  	[tilespmem:s19], [sflag:$0x1] =	stream.indirect_vreg.gather [hbm4b:s6+s2], $0x80, v3, vm1, $0xb8;
	[tilespmem:$0x13000] =	vst v63  }
0xa0: {  	v3 =	vld [tilespmem:s1+$0x20];
	_ =	sdelay $0x4  }
0xa1: {  	v62 =	vshrl.u32 v3, $0x3  }
0xa2: {  	v4 =	vmul.u32 $0x28, v62  }
0xa3: {  	v3 =	vand.u32 $0x7, v3  }
0xa4: {  	v3 =	vor.u32 v3, v4  }
0xa5: {  	v4 =	vperm.xlane v3, v0;
	_ =	sdelay $0x1  }
0xa6: {  	v4 =	vadd.s32 v1, v4;
	_ =	sdelay $0x3  }
0xa7: {  	v3 =	vperm.xlane v3, v2  }
0xa8: {  	[tilespmem:s20], [sflag:$0x1] =	stream.indirect_vreg.gather [hbm4b:s3+s2], $0x80, v4, vm0, $0xb8;
	[tilespmem:$0x13000] =	vst v63  }
0xa9: {  	v3 =	vadd.s32 v1, v3  }
0xaa: {  	[tilespmem:s21], [sflag:$0x1] =	stream.indirect_vreg.gather [hbm4b:s5+s2], $0x80, v4, vm0, $0xb8;
	[tilespmem:$0x13000] =	vst v63  }
0xab: {  	_ = 	snop  }
0xac: {  	[tilespmem:s22], [sflag:$0x1] =	stream.indirect_vreg.gather [hbm4b:s6+s2], $0x80, v4, vm1, $0xb8;
	[tilespmem:$0x13000] =	vst v63  }
0xad: {  	_ = 	snop  }
0xae: {  	[tilespmem:s23], [sflag:$0x1] =	stream.indirect_vreg.gather [hbm4b:s3+s2], $0x80, v3, vm0, $0xb8;
	[tilespmem:$0x13000] =	vst v63  }
0xaf: {  	_ = 	snop  }
0xb0: {  	[tilespmem:s24], [sflag:$0x1] =	stream.indirect_vreg.gather [hbm4b:s5+s2], $0x80, v3, vm0, $0xb8;
	[tilespmem:$0x13000] =	vst v63  }
0xb1: {  	_ = 	snop  }
0xb2: {  	[tilespmem:s25], [sflag:$0x1] =	stream.indirect_vreg.gather [hbm4b:s6+s2], $0x80, v3, vm1, $0xb8;
	[tilespmem:$0x13000] =	vst v63  }
0xb3: {  	v3 =	vld.msk [tilespmem:s1+$0x30], $0xff;
	_ =	sdelay $0x4  }
0xb4: {  	v63 =	vshrl.u32 v3, $0x3  }
0xb5: {  	v4 =	vmul.u32 $0x28, v63  }
0xb6: {  	v3 =	vand.u32 $0x7, v3  }
0xb7: {  	v3 =	vor.u32 v3, v4  }
0xb8: {  	v3 =	vperm.xlane v3, v0;
	_ =	sdelay $0x1  }
0xb9: {  	v3 =	vadd.s32 v1, v3;
	_ =	sdelay $0x4  }
0xba: {  	[tilespmem:s26], [sflag:$0x1] =	stream.indirect_vreg.gather [hbm4b:s3+s2], $0x80, v3, vm0, $0xb8;
	[tilespmem:$0x13000] =	vst v63  }
0xbb: {  	_ = 	snop  }
0xbc: {  	[tilespmem:s28], [sflag:$0x1] =	stream.indirect_vreg.gather [hbm4b:s5+s2], $0x80, v3, vm0, $0xb8;
	[tilespmem:$0x13000] =	vst v63  }
0xbd: {  	_ = 	snop  }
0xbe: {  	[tilespmem:s29], [sflag:$0x1] =	stream.indirect_vreg.gather [hbm4b:s6+s2], $0x80, v3, vm1, $0xb8;
	[tilespmem:$0x13000] =	vst v63  }
0xbf: {  	_ =	swait.ge [sflag:s30], $0x12C00  }
0xc0: {  	p0 =	sne.s32 s0, $0x10680;
	s7 =	rddreg [dreg:$0x2];
	[sflag:s30] =	ssyncset.done $0x0  }
.Ltmp0:
0xc1: {  	[sflag:s30] =	ssyncadd.s32 $0xFFFED400;
	s4 =	sadd.s32 s0, s7;
	(pc) =	sbr.rel @p0 .LBB2_2-.Ltmp0, $4  }
0xc2: {  	[hbm4b:s4+s2] =	stream.linear.scatter [tilespmem:s9], [sflag:$0x2], $0x12C00, $0x38;
	[tilespmem:$0x13000] =	vst v63  }
0xc3: {  	_ =	swait.ge [sflag:s8], $0x12C00  }
0xc4: {  	[sflag:s8] =	ssyncset.done $0x0  }
0xc5: {  	s1 =	sadd.s32 $0x80, s1;
	s0 =	sadd.s32 $0x2580, s0;
	[sflag:s8] =	ssyncadd.s32 $0xFFFED400  }
0xc6: {  	s31 =	sadd.s32 $0x1, s31;
	s0 =	rddreg [dreg:$0x1d]  }
0xc7: {  	p0 =	sne.s32 s31, s0  }
.Ltmp1:
0xc8: {  	_ = 	snop;
	(pc) =	sbr.rel @p0 .LBB2_1-.Ltmp1, $1  }
0xc9: {  	_ =	sdelay $0x3  }
0xca: {  	_ =	sfence.sel $0x180000  }
0xcb: {  	[bflag:$0x0] =	sbarrier.arrive $0xFFFF  }
0xcc: {  	_ =	strace $0x9000004A  }
0xcd: {  	s0 =	stileid.u32;
	[bflag:$0x2] =	sbarrier.arrive $0xFFFF  }
0xce: {  	p0 =	sne.s32 s0, $0x0;
	s0 =	rddreg [dreg:$0x1]  }
0xcf: {  	s0 =	sadd.s32 @!p0 $0x100000, s0  }
0xd0: {  	[sflag:s0] =	ssyncadd.tile.s32 @!p0 $0x1;
	_ =	shalt  }
.Lfunc_end2:
_tile_overlayer_lowered:
.L_overlay_start_2:
0xd1: {  	(tag) =	ssettag $0x2  }
0xd2: {  	s0 =	rddreg [dreg:$0x0];
	s2 =	stileid.u32  }
0xd3: {  	s1 =	rddreg [dreg:$0x1];
	p0 =	sne.s32 s2, $0x0  }
0xd4: {  	s3 =	rddreg [dreg:$0x2];
	[bflag:$0x3] =	sbarrier.arrive $0xFFFF;
	s2 =	simm.s32 @!p0 $0x1C02  }
0xd5: {  	[timem:s3], [sflag:s2] =	dma.local @!p0 [hbm:s0], s1  }
0xd6: {  	s0 =	simm.s32 @!p0 $0x2  }
0xd7: {  	_ =	swait.ge @!p0 [sflag:s0], s1  }
0xd8: {  	s1 =	ssub.s32 @!p0 $0x0, s1;
	[sflag:s0] =	ssyncset.done @!p0 $0x0  }
0xd9: {  	[sflag:s0] =	ssyncadd.s32 @!p0 s1  }
0xda: {  	[bflag:$0x3] =	sbarrier.arrive $0xFFFF  }
0xdb: {  	_ =	shalt  }

// kernel: kernel.25.cloned.1.call-start
scs
__scs_entry_jumppad:
0x0: {  	(pc) =	sbr.rel $0x88, $3  }
0x1: {  	(tag) =	ssettag $0x0;
	lr =	simm.s32 $0x1  }
0x2: {  	[smem:$0x3F7F] =	sst lr;
	_ =	strace $0xD0000000  }
0x3: {  	_ = 	snop  }
0x4: {  	_ = 	snop  }
0x5: {  	_ = 	snop  }
0x6: {  	_ = 	snop  }
0x7: {  	_ = 	snop  }
__scs_overlays_trampoline_lowered:
0x8: {  	[smem:$0x3F8E] =	sst s0  }
0x9: {  	[smem:$0x3F8F] =	sst s1  }
0xa: {  	[smem:$0x3F90] =	sst s2  }
0xb: {  	[smem:$0x3F91] =	sst s3  }
0xc: {  	[smem:$0x3F92] =	sst s4  }
0xd: {  	[smem:$0x3F93] =	sst s5  }
0xe: {  	[smem:$0x3F94] =	sst s6  }
0xf: {  	[smem:$0x3F95] =	sst s7  }
0x10: {  	[smem:$0x3F96] =	sst s8  }
0x11: {  	[smem:$0x3F97] =	sst s9;
	s0 =	simm.s32 @!p0 $0x0  }
0x12: {  	s1 =	sld [smem:$0x3F7D];
	s0 =	simm.s32 @p0 $0x1  }
0x13: {  	[smem:$0x3F98] =	sst s0;
	s0 =	simm.s32 @!p1 $0x0  }
0x14: {  	s2 =	sld [smem:$0x3F7C];
	s0 =	simm.s32 @p1 $0x1  }
0x15: {  	[smem:$0x3F99] =	sst s0;
	s0 =	simm.s32 @!p2 $0x0  }
0x16: {  	s3 =	sld [smem:$0x3FDB];
	s0 =	simm.s32 @p2 $0x1  }
0x17: {  	s4 =	simm.s32 $0x1BF5;
	[smem:$0x3F9B] =	sst s0  }
0x18: {  	s0 =	sld [smem:$0x3F7E];
	_ =	swait.ge [sflag:s4], $0x0  }
0x19: {  	s7 =	sld [smem:$0x3F7F]  }
0x1a: {  	s8 =	sadd.s32 $0xFFFFE003, lr  }
0x1b: {  	s9 =	sadd.s32 $0xFFFFFEF7, lr;
	s5 =	simm.s32 $0xFFFFFFFF;
	p2 =	slt.u32 s8, $0xFFFFF086  }
0x1c: {  	p1 =	slt.u32 s9, $0xF7A;
	s5 =	simm.s32 @!p2 $0x0  }
0x1d: {  	s5 =	simm.s32 @p1 $0x1;
	p0 =	seq.s32 s7, s2  }
0x1e: {  	s7 =	smul.u32 @!p0 $0xF7A, s2;
	p2 =	seq.s32 @!p0 s5, $0x0  }
0x1f: {  	s9 =	smul.u32 $0xF7A, s1;
	s8 =	simm.s32 @!p0 $0x1BF5;
	p2 =	por !p2, p0  }
0x20: {  	[sflag:s8] =	ssyncset.s32 @!p0 $0xFFFFF086;
	s6 =	sadd.s32 @!p0 s3, s7;
	s7 =	simm.s32 @!p0 $0x108  }
0x21: {  	s3 =	sadd.s32 s3, s9;
	s6 =	sadd.s32 @!p0 $0x88, s6;
	s7 =	simm.s32 @p2 $0x1082  }
0x22: {  	[simem:s7], [sflag:s8] =	dma.local @!p0 [hbm:s6], $0xF7A  }
0x23: {  	s9 =	sor.u32 $0xD0000000, s2;
	s6 =	simm.s32 $0x108;
	_ =	swait.ge @!p0 [sflag:s8], $0x0  }
0x24: {  	s3 =	sadd.s32 $0x88, s3;
	s6 =	simm.s32 @!p1 $0x1082;
	[sflag:s4] =	ssyncset.s32 $0xFFFFF086  }
0x25: {  	[simem:s6], [sflag:s4] =	dma.local [hbm:s3], $0xF7A  }
0x26: {  	[smem:$0x3F7F] =	sst s1;
	(tag) =	ssettag s2;
	_ =	strace s9  }
0x27: {  	s1 =	sld [smem:$0x3F8F]  }
0x28: {  	s2 =	sld [smem:$0x3F90]  }
0x29: {  	s4 =	sld [smem:$0x3F92]  }
0x2a: {  	p0 =	seq.s32 s5, $0x0;
	s5 =	sld [smem:$0x3F93]  }
0x2b: {  	s6 =	sld [smem:$0x3F94]  }
0x2c: {  	s7 =	sld [smem:$0x3F95]  }
0x2d: {  	s3 =	simm.s32 $0x108;
	s8 =	sld [smem:$0x3F96]  }
0x2e: {  	s3 =	simm.s32 @!p0 $0x1082;
	s9 =	sld [smem:$0x3F97]  }
0x2f: {  	lr =	sadd.s32 s0, s3;
	s0 =	sld [smem:$0x3F8E]  }
0x30: {  	s3 =	sld [smem:$0x3F91]  }
0x31: {  	[smem:$0x3F9A] =	sst s10  }
0x32: {  	s10 =	sld [smem:$0x3F98];
	_ =	sdelay $0x3  }
0x33: {  	p0 =	seq.s32 s10, $0x1;
	s10 =	sld [smem:$0x3F9A];
	_ =	sdelay $0x3  }
0x34: {  	[smem:$0x3F9A] =	sst s10  }
0x35: {  	s10 =	sld [smem:$0x3F99];
	_ =	sdelay $0x3  }
0x36: {  	p1 =	seq.s32 s10, $0x1;
	s10 =	sld [smem:$0x3F9A];
	_ =	sdelay $0x3  }
0x37: {  	[smem:$0x3F9A] =	sst s10  }
0x38: {  	s10 =	sld [smem:$0x3F9B]  }
0x39: {  	_ = 	snop;
	(pc) =	sbr.ind lr, $3  }
0x3a: {  	_ = 	snop  }
0x3b: {  	_ = 	snop  }
0x3c: {  	p2 =	seq.s32 s10, $0x1;
	s10 =	sld [smem:$0x3F9A]  }
0x3d: {  	_ =	shalt  }
0x3e: {  	_ =	shalt  }
0x3f: {  	_ =	shalt  }
0x40: {  	_ =	shalt  }
0x41: {  	_ =	shalt  }
0x42: {  	_ =	shalt  }
0x43: {  	_ =	shalt  }
0x44: {  	_ =	shalt  }
0x45: {  	_ =	shalt  }
0x46: {  	_ =	shalt  }
0x47: {  	_ =	shalt  }
0x48: {  	_ =	shalt  }
0x49: {  	_ =	shalt  }
0x4a: {  	_ =	shalt  }
0x4b: {  	_ =	shalt  }
0x4c: {  	_ =	shalt  }
0x4d: {  	_ =	shalt  }
0x4e: {  	_ =	shalt  }
0x4f: {  	_ =	shalt  }
0x50: {  	_ =	shalt  }
0x51: {  	_ =	shalt  }
0x52: {  	_ =	shalt  }
0x53: {  	_ =	shalt  }
0x54: {  	_ =	shalt  }
0x55: {  	_ =	shalt  }
0x56: {  	_ =	shalt  }
0x57: {  	_ =	shalt  }
0x58: {  	_ =	shalt  }
0x59: {  	_ =	shalt  }
0x5a: {  	_ =	shalt  }
0x5b: {  	_ =	shalt  }
0x5c: {  	_ =	shalt  }
0x5d: {  	_ =	shalt  }
0x5e: {  	_ =	shalt  }
0x5f: {  	_ =	shalt  }
0x60: {  	_ =	shalt  }
0x61: {  	_ =	shalt  }
0x62: {  	_ =	shalt  }
0x63: {  	_ =	shalt  }
0x64: {  	_ =	shalt  }
0x65: {  	_ =	shalt  }
0x66: {  	_ =	shalt  }
0x67: {  	_ =	shalt  }
0x68: {  	_ =	shalt  }
0x69: {  	_ =	shalt  }
0x6a: {  	_ =	shalt  }
0x6b: {  	_ =	shalt  }
0x6c: {  	_ =	shalt  }
0x6d: {  	_ =	shalt  }
0x6e: {  	_ =	shalt  }
0x6f: {  	_ =	shalt  }
0x70: {  	_ =	shalt  }
0x71: {  	_ =	shalt  }
0x72: {  	_ =	shalt  }
0x73: {  	_ =	shalt  }
0x74: {  	_ =	shalt  }
0x75: {  	_ =	shalt  }
0x76: {  	_ =	shalt  }
0x77: {  	_ =	shalt  }
0x78: {  	_ =	shalt  }
0x79: {  	_ =	shalt  }
0x7a: {  	_ =	shalt  }
0x7b: {  	_ =	shalt  }
0x7c: {  	_ =	shalt  }
0x7d: {  	_ =	shalt  }
0x7e: {  	_ =	shalt  }
0x7f: {  	_ =	shalt  }
0x80: {  	_ =	shalt  }
0x81: {  	_ =	shalt  }
0x82: {  	_ =	shalt  }
0x83: {  	_ =	shalt  }
0x84: {  	_ =	shalt  }
0x85: {  	_ =	shalt  }
0x86: {  	_ =	shalt  }
0x87: {  	_ =	shalt  }
.Lfunc_end0:
.L_simem_size_0:
called_computation.1_lowered:
.L_overlay_start_0:
0x88: {  	s2 =	sld [smem:$0x3FD9]  }
0x89: {  	s3 =	sld [smem:$0x3FFE];
	_ =	sdelay $0x1  }
0x8a: {  	s1 =	srdreg.scid  }
0x8b: {  	s0 =	sand.u32 $0x1, s1  }
0x8c: {  	s16 =	sshll.u32 s0, $0xA;
	s2 =	sadd.s32 s3, s2  }
0x8d: {  	s2 =	sadd.s32 s2, s16  }
0x8e: {  	[smem:$0x3FA6] =	sst s2  }
0x8f: {  	_ = 	snop  }
0x90: {  	(tm) =	ssettm $0x1  }
0x91: {  	s17 =	sld [smem:$0x3FFB];
	_ =	sdelay $0x3  }
0x92: {  	_ =	strace s17  }
0x93: {  	s2 =	sld [smem:$0x3FFC];
	_ =	sdelay $0x3  }
0x94: {  	_ =	strace s2  }
0x95: {  	s2 =	sld [smem:$0x3FFD];
	_ =	sdelay $0x3  }
0x96: {  	_ =	strace s2  }
0x97: {  	_ =	strace $0x8FFFFFFF  }
0x98: {  	s18 =	sld [smem:$0x3FDB];
	_ =	sdelay $0x1  }
0x99: {  	s19 =	simm.s32 $_scs_section_size  }
0x9a: {  	s4 =	simm.s32 $_size__tile_overlayer_lowered;
	s5 =	simm.s32 $_tile_overlayer_lowered  }
0x9b: {  	s22 =	simm.s32 $0x1BFF;
	s21 =	sshll.u32 s5, $0x1;
	s2 =	sadd.s32 s19, s18  }
0x9c: {  	s6 =	simm.s32 $0x0;
	s20 =	sshll.u32 s4, $0x1;
	s4 =	sadd.s32 s21, s2  }
0x9d: {  	[timem:s6], [sflag:s22] =	dma.local [hbm:s4], s20  }
0x9e: {  	_ =	swait.ge [sflag:s22], s20  }
0x9f: {  	s3 =	ssub.s32 $0x0, s20;
	[sflag:s22] =	ssyncset.done $0x0  }
0xa0: {  	[sflag:s22] =	ssyncadd.s32 s3;
	_ =	sdelay $0x1  }
0xa1: {  	s23 =	simm.s32 $0x1B8B  }
0xa2: {  	_ =	swait.ge [sflag:s23], $0x1  }
0xa3: {  	[sflag:s23] =	ssyncset.done $0x0  }
0xa4: {  	s25 =	simm.s32 $0x1B8E;
	s24 =	sld [smem:$0x3FFE];
	[sflag:s23] =	ssyncadd.s32 $0xFFFFFFFF  }
0xa5: {  	s26 =	simm.s32 $execute0_lowered;
	[smem:$0x3FD2] =	sst s25  }
0xa6: {  	s4 =	sshll.u32 s26, $0x1;
	_ =	strace $0x80000046;
	[dreg:$0x1] =	wrdreg $0xFFFFFFFF  }
0xa7: {  	s28 =	simm.s32 $_size_execute0_lowered;
	s2 =	sadd.s32 s2, s4;
	[dreg:$0x0] =	wrdreg $0x0  }
0xa8: {  	s4 =	sshll.u32 s28, $0x1;
	[dreg:$0x2] =	wrdreg s2  }
0xa9: {  	[dreg:$0x3] =	wrdreg s4  }
0xaa: {  	[dreg:$0x4] =	wrdreg $0xC0  }
0xab: {  	_ =	task [dreg:s6], $0x5FFFF  }
0xac: {  	[dreg:$0x1] =	wrdreg $0xFFFFFFFF  }
0xad: {  	[dreg:$0x0] =	wrdreg $0x60  }
0xae: {  	[dreg:$0x2] =	wrdreg s24  }
0xaf: {  	[dreg:$0x3] =	wrdreg $0xA  }
0xb0: {  	_ =	task.clear_ibuf [dreg:s6], $0x4FFFF;
	_ =	strace $0x90000046  }
0xb1: {  	s29 =	simm.s32 $0xA;
	_ =	strace $0x80000048  }
0xb2: {  	_ =	swait.ge [sflag:s29], $0x1  }
0xb3: {  	[sflag:s29] =	ssyncadd.s32 $0xFFFFFFFF  }
0xb4: {  	_ =	strace $0x90000048  }
0xb5: {  	_ =	sfence  }
0xb6: {  	s30 =	sld [smem:$0x0];
	_ =	sdelay $0x2  }
0xb7: {  	s31 =	sshll.u32 s1, $0xD;
	s1 =	sshrl.u32 s1, $0x2  }
0xb8: {  	s3 =	sand.u32 $0x4000, s31;
	s1 =	sadd.s32 s1, s30  }
0xb9: {  	s0 =	sor.u32 s3, s0;
	s1 =	sshll.u32 s1, $0x11  }
0xba: {  	s0 =	sor.u32 s1, s0  }
0xbb: {  	s0 =	sadd.s32 $0x8F2B, s0  }
0xbc: {  	[sflag:s0] =	ssyncadd.remote.s32 $0x1  }
0xbd: {  	_ =	sfence.sel $0xFFFF  }
0xbe: {  	[dreg:$0x0] =	wrdreg $0xFFFFFFFF;
	(pc) =	sbr.abs _section_cstart, $3  }
0xbf: {  	[dreg:$0x1] =	wrdreg $0xFFFFFFFF  }
0xc0: {  	_ =	task.clear_ibuf [dreg:s6], $0x2FFFF;
	_ =	strace $0x9FFFFFFF  }
0xc1: {  	(tm) =	ssettm $0x7FFFFFFF  }
tec
execute0_lowered:
.L_overlay_start_1:
0x0: {  	(tag) =	ssettag $0x1  }
0x1: {  	s0 =	srdreg.scid;
	s5 =	stileid.u32  }
0x2: {  	s1 =	sand.u32 $0x1, s0;
	s23 =	smul.u32 $0x780, s5  }
0x3: {  	s2 =	smul.u32 $0x3C0, s1;
	_ =	sdelay $0x1  }
0x4: {  	s0 =	sadd.s32 s2, s23  }
0x5: {  	s2 =	sshrl.u32 s0, $0x3  }
0x6: {  	s0 =	rddreg [dreg:$0x0];
	s3 =	smul.u32 $0x280, s2;
	s2 =	simm.s32 $0x0  }
0x7: {  	s24 =	simm.s32 $0xC00;
	[smem:$0x7FF] =	sst s2  }
0x8: {  	s25 =	simm.s32 $0x1400;
	_ =	strace $0x80000047;
	[dreg:$0x3] =	wrdreg s24  }
0x9: {  	s26 =	simm.s32 $0x1800;
	[dreg:$0x4] =	wrdreg s25  }
0xa: {  	s4 =	simm.s32 $0x2000;
	[dreg:$0x5] =	wrdreg s26  }
0xb: {  	s6 =	simm.s32 $0x2800;
	[dreg:$0x6] =	wrdreg s4  }
0xc: {  	s7 =	simm.s32 $0x2C00;
	[dreg:$0x7] =	wrdreg s6  }
0xd: {  	s8 =	simm.s32 $0x3400;
	[dreg:$0x8] =	wrdreg s7  }
0xe: {  	s9 =	simm.s32 $0x3C00;
	[dreg:$0x9] =	wrdreg s8  }
0xf: {  	s10 =	simm.s32 $0x4000;
	[dreg:$0xa] =	wrdreg s9  }
0x10: {  	s11 =	simm.s32 $0x4800;
	[dreg:$0xb] =	wrdreg s10  }
0x11: {  	s12 =	simm.s32 $0x5000;
	[dreg:$0xc] =	wrdreg s11  }
0x12: {  	s13 =	simm.s32 $0x5400;
	s14 =	simm.s32 $0x6400;
	[dreg:$0xd] =	wrdreg s12  }
0x13: {  	s15 =	simm.s32 $0x6800;
	s16 =	simm.s32 $0x7000;
	[dreg:$0xe] =	wrdreg s13  }
0x14: {  	s17 =	simm.s32 $0x7800;
	s18 =	simm.s32 $0x7C00;
	[dreg:$0x10] =	wrdreg s14  }
0x15: {  	s19 =	simm.s32 $0x8400;
	s21 =	simm.s32 $0x8C00;
	[dreg:$0x11] =	wrdreg s15  }
0x16: {  	s22 =	simm.s32 $0x9000;
	s28 =	simm.s32 $0x12400;
	[dreg:$0x12] =	wrdreg s16  }
0x17: {  	s29 =	simm.s32 $0x12C00;
	s30 =	simm.s32 $0x1;
	[dreg:$0x13] =	wrdreg s17  }
0x18: {  	s31 =	simm.s32 $0x0;
	s5 =	sshll.u32 s5, $0x8;
	[dreg:$0x14] =	wrdreg s18  }
0x19: {  	s3 =	sadd.s32 s3, s0;
	s4 =	simm.s32 $0x5C00;
	[dreg:$0x15] =	wrdreg s19  }
0x1a: {  	s6 =	sshll.u32 s1, $0x7;
	s1 =	ssub.s32 $0x2, s1;
	[dreg:$0x16] =	wrdreg s21  }
0x1b: {  	[dreg:$0x17] =	wrdreg s22;
	s24 =	simm.s32 $0x9800;
	s7 =	simm.s32 $0xA000  }
0x1c: {  	s25 =	simm.s32 $0xA400;
	s26 =	simm.s32 $0xAC00;
	s8 =	simm.s32 $0x2  }
0x1d: {  	s9 =	simm.s32 $0x400;
	s10 =	simm.s32 $0xB400;
	s11 =	simm.s32 $0xB800  }
0x1e: {  	s12 =	simm.s32 $0xC000;
	s13 =	simm.s32 $0xC800;
	s14 =	simm.s32 $0xCC00  }
0x1f: {  	s15 =	simm.s32 $0xD400;
	s16 =	simm.s32 $0xDC00;
	s17 =	simm.s32 $0xE000  }
0x20: {  	s18 =	simm.s32 $0xE800;
	s19 =	simm.s32 $0xF000;
	[dreg:$0xf] =	wrdreg s4  }
0x21: {  	s21 =	simm.s32 $0xFC00;
	s22 =	simm.s32 $0x10400;
	[dreg:$0x18] =	wrdreg s24  }
0x22: {  	s3 =	sadd.s32 $0x25A000, s3;
	s5 =	sor.u32 s6, s5;
	[dreg:$0x19] =	wrdreg s7  }
0x23: {  	s20 =	sshrl.u32 s1, $0x1;
	s6 =	sadd.s32 $0x196C00, s0;
	[dreg:$0x1a] =	wrdreg s25  }
0x24: {  	[dreg:$0x1b] =	wrdreg s26;
	s24 =	simm.s32 $0x11000;
	s25 =	simm.s32 $0x11800  }
0x25: {  	s26 =	simm.s32 $0x11C00;
	[dreg:$0x2] =	wrdreg s3;
	s5 =	sadd.s32 s5, s0  }
0x26: {  	v2 =	vlaneseq.u32;
	s3 =	sadd.s32 $0x196A00, s0;
	s1 =	ssub.s32 s1, s20;
	s23 =	sadd.s32 $0xF000, s5  }
0x27: {  	vm0 =	vmmov $0xffff;
	vm1 =	vmmov $0xff;
	v1 =	vshrl.u32 v2, $0x3;
	s20 =	simm.s32 $0xF400;
	s1 =	smax.u32 s1, $0x1;
	[dreg:$0x1c] =	wrdreg s23  }
0x28: {  	v0 =	vand.u32 $0x7, v2;
	v2 =	vor.u32 $0x8, v2;
	v1 =	vmul.u32 $0x8, v1;
	s5 =	sadd.s32 $0x196B00, s0;
	[dreg:$0x1d] =	wrdreg s1;
	s23 =	simm.s32 $0x10800  }
.LBB2_1:
0x29: {  	s0 =	rddreg [dreg:$0x1c]  }
0x2a: {  	[tilespmem:s2], [sflag:$0x2] =	stream.linear.gather [hbm4b:s0+s2], $0x400, $0x38;
	[tilespmem:$0x13000] =	vst v63  }
0x2b: {  	_ =	swait.ge [sflag:s8], $0x400  }
0x2c: {  	[sflag:s8] =	ssyncset.done $0x0  }
0x2d: {  	s1 =	simm.s32 $0x40;
	s0 =	simm.s32 $0x0;
	[sflag:s8] =	ssyncadd.s32 $0xFFFFFC00  }
.LBB2_2:
0x2e: {  	v3 =	vld [tilespmem:s1+$0xFFFFFFC0];
	_ =	sdelay $0x4  }
0x2f: {  	v4 =	vshrl.u32 v3, $0x3  }
0x30: {  	v4 =	vmul.u32 $0x28, v4  }
0x31: {  	v3 =	vand.u32 $0x7, v3  }
0x32: {  	v3 =	vor.u32 v3, v4  }
0x33: {  	v4 =	vperm.xlane v3, v0;
	_ =	sdelay $0x1  }
0x34: {  	v4 =	vadd.s32 v1, v4;
	_ =	sdelay $0x3  }
0x35: {  	v3 =	vperm.xlane v3, v2  }
0x36: {  	[tilespmem:s9], [sflag:$0x1] =	stream.indirect_vreg.gather [hbm4b:s3+s2], $0x80, v4, vm0, $0xb8;
	[tilespmem:$0x13000] =	vst v63  }
0x37: {  	s4 =	rddreg [dreg:$0x3];
	v3 =	vadd.s32 v1, v3  }
0x38: {  	[tilespmem:s4], [sflag:$0x1] =	stream.indirect_vreg.gather [hbm4b:s5+s2], $0x80, v4, vm0, $0xb8;
	[tilespmem:$0x13000] =	vst v63  }
0x39: {  	s7 =	rddreg [dreg:$0x4]  }
0x3a: {  	[tilespmem:s7], [sflag:$0x1] =	stream.indirect_vreg.gather [hbm4b:s6+s2], $0x80, v4, vm1, $0xb8;
	[tilespmem:$0x13000] =	vst v63  }
0x3b: {  	s4 =	rddreg [dreg:$0x5]  }
0x3c: {  	[tilespmem:s4], [sflag:$0x1] =	stream.indirect_vreg.gather [hbm4b:s3+s2], $0x80, v3, vm0, $0xb8;
	[tilespmem:$0x13000] =	vst v63  }
0x3d: {  	s7 =	rddreg [dreg:$0x6]  }
0x3e: {  	[tilespmem:s7], [sflag:$0x1] =	stream.indirect_vreg.gather [hbm4b:s5+s2], $0x80, v3, vm0, $0xb8;
	[tilespmem:$0x13000] =	vst v63  }
0x3f: {  	s4 =	rddreg [dreg:$0x7]  }
0x40: {  	[tilespmem:s4], [sflag:$0x1] =	stream.indirect_vreg.gather [hbm4b:s6+s2], $0x80, v3, vm1, $0xb8;
	[tilespmem:$0x13000] =	vst v63  }
0x41: {  	v3 =	vld [tilespmem:s1+$0xFFFFFFD0];
	_ =	sdelay $0x4  }
0x42: {  	v57 =	vshrl.u32 v3, $0x3  }
0x43: {  	v4 =	vmul.u32 $0x28, v57  }
0x44: {  	v3 =	vand.u32 $0x7, v3  }
0x45: {  	v3 =	vor.u32 v3, v4  }
0x46: {  	v4 =	vperm.xlane v3, v0;
	_ =	sdelay $0x1  }
0x47: {  	v4 =	vadd.s32 v1, v4;
	_ =	sdelay $0x3  }
0x48: {  	s4 =	rddreg [dreg:$0x8];
	v3 =	vperm.xlane v3, v2  }
0x49: {  	[tilespmem:s4], [sflag:$0x1] =	stream.indirect_vreg.gather [hbm4b:s3+s2], $0x80, v4, vm0, $0xb8;
	[tilespmem:$0x13000] =	vst v63  }
0x4a: {  	s7 =	rddreg [dreg:$0x9];
	v3 =	vadd.s32 v1, v3  }
0x4b: {  	[tilespmem:s7], [sflag:$0x1] =	stream.indirect_vreg.gather [hbm4b:s5+s2], $0x80, v4, vm0, $0xb8;
	[tilespmem:$0x13000] =	vst v63  }
0x4c: {  	s4 =	rddreg [dreg:$0xa]  }
0x4d: {  	[tilespmem:s4], [sflag:$0x1] =	stream.indirect_vreg.gather [hbm4b:s6+s2], $0x80, v4, vm1, $0xb8;
	[tilespmem:$0x13000] =	vst v63  }
0x4e: {  	s7 =	rddreg [dreg:$0xb]  }
0x4f: {  	[tilespmem:s7], [sflag:$0x1] =	stream.indirect_vreg.gather [hbm4b:s3+s2], $0x80, v3, vm0, $0xb8;
	[tilespmem:$0x13000] =	vst v63  }
0x50: {  	s4 =	rddreg [dreg:$0xc]  }
0x51: {  	[tilespmem:s4], [sflag:$0x1] =	stream.indirect_vreg.gather [hbm4b:s5+s2], $0x80, v3, vm0, $0xb8;
	[tilespmem:$0x13000] =	vst v63  }
0x52: {  	s7 =	rddreg [dreg:$0xd]  }
0x53: {  	[tilespmem:s7], [sflag:$0x1] =	stream.indirect_vreg.gather [hbm4b:s6+s2], $0x80, v3, vm1, $0xb8;
	[tilespmem:$0x13000] =	vst v63  }
0x54: {  	v3 =	vld [tilespmem:s1+$0xFFFFFFE0];
	_ =	sdelay $0x4  }
0x55: {  	v58 =	vshrl.u32 v3, $0x3  }
0x56: {  	v4 =	vmul.u32 $0x28, v58  }
0x57: {  	v3 =	vand.u32 $0x7, v3  }
0x58: {  	v3 =	vor.u32 v3, v4  }
0x59: {  	v4 =	vperm.xlane v3, v0;
	_ =	sdelay $0x1  }
0x5a: {  	v4 =	vadd.s32 v1, v4;
	_ =	sdelay $0x3  }
0x5b: {  	s4 =	rddreg [dreg:$0xe];
	v3 =	vperm.xlane v3, v2  }
0x5c: {  	[tilespmem:s4], [sflag:$0x1] =	stream.indirect_vreg.gather [hbm4b:s3+s2], $0x80, v4, vm0, $0xb8;
	[tilespmem:$0x13000] =	vst v63  }
0x5d: {  	s7 =	rddreg [dreg:$0xf];
	v3 =	vadd.s32 v1, v3  }
0x5e: {  	[tilespmem:s7], [sflag:$0x1] =	stream.indirect_vreg.gather [hbm4b:s5+s2], $0x80, v4, vm0, $0xb8;
	[tilespmem:$0x13000] =	vst v63  }
0x5f: {  	s4 =	rddreg [dreg:$0x10]  }
0x60: {  	[tilespmem:s4], [sflag:$0x1] =	stream.indirect_vreg.gather [hbm4b:s6+s2], $0x80, v4, vm1, $0xb8;
	[tilespmem:$0x13000] =	vst v63  }
0x61: {  	s7 =	rddreg [dreg:$0x11]  }
0x62: {  	[tilespmem:s7], [sflag:$0x1] =	stream.indirect_vreg.gather [hbm4b:s3+s2], $0x80, v3, vm0, $0xb8;
	[tilespmem:$0x13000] =	vst v63  }
0x63: {  	s4 =	rddreg [dreg:$0x12]  }
0x64: {  	[tilespmem:s4], [sflag:$0x1] =	stream.indirect_vreg.gather [hbm4b:s5+s2], $0x80, v3, vm0, $0xb8;
	[tilespmem:$0x13000] =	vst v63  }
0x65: {  	s7 =	rddreg [dreg:$0x13]  }
0x66: {  	[tilespmem:s7], [sflag:$0x1] =	stream.indirect_vreg.gather [hbm4b:s6+s2], $0x80, v3, vm1, $0xb8;
	[tilespmem:$0x13000] =	vst v63  }
0x67: {  	v3 =	vld [tilespmem:s1+$0xFFFFFFF0];
	_ =	sdelay $0x4  }
0x68: {  	v59 =	vshrl.u32 v3, $0x3  }
0x69: {  	v4 =	vmul.u32 $0x28, v59  }
0x6a: {  	v3 =	vand.u32 $0x7, v3  }
0x6b: {  	v3 =	vor.u32 v3, v4  }
0x6c: {  	v4 =	vperm.xlane v3, v0;
	_ =	sdelay $0x1  }
0x6d: {  	v4 =	vadd.s32 v1, v4;
	_ =	sdelay $0x3  }
0x6e: {  	s4 =	rddreg [dreg:$0x14];
	v3 =	vperm.xlane v3, v2  }
0x6f: {  	[tilespmem:s4], [sflag:$0x1] =	stream.indirect_vreg.gather [hbm4b:s3+s2], $0x80, v4, vm0, $0xb8;
	[tilespmem:$0x13000] =	vst v63  }
0x70: {  	s7 =	rddreg [dreg:$0x15];
	v3 =	vadd.s32 v1, v3  }
0x71: {  	[tilespmem:s7], [sflag:$0x1] =	stream.indirect_vreg.gather [hbm4b:s5+s2], $0x80, v4, vm0, $0xb8;
	[tilespmem:$0x13000] =	vst v63  }
0x72: {  	s4 =	rddreg [dreg:$0x16]  }
0x73: {  	[tilespmem:s4], [sflag:$0x1] =	stream.indirect_vreg.gather [hbm4b:s6+s2], $0x80, v4, vm1, $0xb8;
	[tilespmem:$0x13000] =	vst v63  }
0x74: {  	s7 =	rddreg [dreg:$0x17]  }
0x75: {  	[tilespmem:s7], [sflag:$0x1] =	stream.indirect_vreg.gather [hbm4b:s3+s2], $0x80, v3, vm0, $0xb8;
	[tilespmem:$0x13000] =	vst v63  }
0x76: {  	s4 =	rddreg [dreg:$0x18]  }
0x77: {  	[tilespmem:s4], [sflag:$0x1] =	stream.indirect_vreg.gather [hbm4b:s5+s2], $0x80, v3, vm0, $0xb8;
	[tilespmem:$0x13000] =	vst v63  }
0x78: {  	s7 =	rddreg [dreg:$0x19]  }
0x79: {  	[tilespmem:s7], [sflag:$0x1] =	stream.indirect_vreg.gather [hbm4b:s6+s2], $0x80, v3, vm1, $0xb8;
	[tilespmem:$0x13000] =	vst v63  }
0x7a: {  	v3 =	vld [tilespmem:s1+$0x0];
	_ =	sdelay $0x4  }
0x7b: {  	v60 =	vshrl.u32 v3, $0x3  }
0x7c: {  	v4 =	vmul.u32 $0x28, v60  }
0x7d: {  	v3 =	vand.u32 $0x7, v3  }
0x7e: {  	v3 =	vor.u32 v3, v4  }
0x7f: {  	v4 =	vperm.xlane v3, v0;
	_ =	sdelay $0x1  }
0x80: {  	v4 =	vadd.s32 v1, v4;
	_ =	sdelay $0x3  }
0x81: {  	s4 =	rddreg [dreg:$0x1a];
	v3 =	vperm.xlane v3, v2  }
0x82: {  	[tilespmem:s4], [sflag:$0x1] =	stream.indirect_vreg.gather [hbm4b:s3+s2], $0x80, v4, vm0, $0xb8;
	[tilespmem:$0x13000] =	vst v63  }
0x83: {  	s7 =	rddreg [dreg:$0x1b];
	v3 =	vadd.s32 v1, v3  }
0x84: {  	[tilespmem:s7], [sflag:$0x1] =	stream.indirect_vreg.gather [hbm4b:s5+s2], $0x80, v4, vm0, $0xb8;
	[tilespmem:$0x13000] =	vst v63  }
0x85: {  	_ = 	snop  }
0x86: {  	[tilespmem:s10], [sflag:$0x1] =	stream.indirect_vreg.gather [hbm4b:s6+s2], $0x80, v4, vm1, $0xb8;
	[tilespmem:$0x13000] =	vst v63  }
0x87: {  	_ = 	snop  }
0x88: {  	[tilespmem:s11], [sflag:$0x1] =	stream.indirect_vreg.gather [hbm4b:s3+s2], $0x80, v3, vm0, $0xb8;
	[tilespmem:$0x13000] =	vst v63  }
0x89: {  	_ = 	snop  }
0x8a: {  	[tilespmem:s12], [sflag:$0x1] =	stream.indirect_vreg.gather [hbm4b:s5+s2], $0x80, v3, vm0, $0xb8;
	[tilespmem:$0x13000] =	vst v63  }
0x8b: {  	_ = 	snop  }
0x8c: {  	[tilespmem:s13], [sflag:$0x1] =	stream.indirect_vreg.gather [hbm4b:s6+s2], $0x80, v3, vm1, $0xb8;
	[tilespmem:$0x13000] =	vst v63  }
0x8d: {  	v3 =	vld [tilespmem:s1+$0x10];
	_ =	sdelay $0x4  }
0x8e: {  	v61 =	vshrl.u32 v3, $0x3  }
0x8f: {  	v4 =	vmul.u32 $0x28, v61  }
0x90: {  	v3 =	vand.u32 $0x7, v3  }
0x91: {  	v3 =	vor.u32 v3, v4  }
0x92: {  	v4 =	vperm.xlane v3, v0;
	_ =	sdelay $0x1  }
0x93: {  	v4 =	vadd.s32 v1, v4;
	_ =	sdelay $0x3  }
0x94: {  	v3 =	vperm.xlane v3, v2  }
0x95: {  	[tilespmem:s14], [sflag:$0x1] =	stream.indirect_vreg.gather [hbm4b:s3+s2], $0x80, v4, vm0, $0xb8;
	[tilespmem:$0x13000] =	vst v63  }
0x96: {  	v3 =	vadd.s32 v1, v3  }
0x97: {  	[tilespmem:s15], [sflag:$0x1] =	stream.indirect_vreg.gather [hbm4b:s5+s2], $0x80, v4, vm0, $0xb8;
	[tilespmem:$0x13000] =	vst v63  }
0x98: {  	_ = 	snop  }
0x99: {  	[tilespmem:s16], [sflag:$0x1] =	stream.indirect_vreg.gather [hbm4b:s6+s2], $0x80, v4, vm1, $0xb8;
	[tilespmem:$0x13000] =	vst v63  }
0x9a: {  	_ = 	snop  }
0x9b: {  	[tilespmem:s17], [sflag:$0x1] =	stream.indirect_vreg.gather [hbm4b:s3+s2], $0x80, v3, vm0, $0xb8;
	[tilespmem:$0x13000] =	vst v63  }
0x9c: {  	_ = 	snop  }
0x9d: {  	[tilespmem:s18], [sflag:$0x1] =	stream.indirect_vreg.gather [hbm4b:s5+s2], $0x80, v3, vm0, $0xb8;
	[tilespmem:$0x13000] =	vst v63  }
0x9e: {  	_ = 	snop  }
0x9f: {  	[tilespmem:s19], [sflag:$0x1] =	stream.indirect_vreg.gather [hbm4b:s6+s2], $0x80, v3, vm1, $0xb8;
	[tilespmem:$0x13000] =	vst v63  }
0xa0: {  	v3 =	vld [tilespmem:s1+$0x20];
	_ =	sdelay $0x4  }
0xa1: {  	v62 =	vshrl.u32 v3, $0x3  }
0xa2: {  	v4 =	vmul.u32 $0x28, v62  }
0xa3: {  	v3 =	vand.u32 $0x7, v3  }
0xa4: {  	v3 =	vor.u32 v3, v4  }
0xa5: {  	v4 =	vperm.xlane v3, v0;
	_ =	sdelay $0x1  }
0xa6: {  	v4 =	vadd.s32 v1, v4;
	_ =	sdelay $0x3  }
0xa7: {  	v3 =	vperm.xlane v3, v2  }
0xa8: {  	[tilespmem:s20], [sflag:$0x1] =	stream.indirect_vreg.gather [hbm4b:s3+s2], $0x80, v4, vm0, $0xb8;
	[tilespmem:$0x13000] =	vst v63  }
0xa9: {  	v3 =	vadd.s32 v1, v3  }
0xaa: {  	[tilespmem:s21], [sflag:$0x1] =	stream.indirect_vreg.gather [hbm4b:s5+s2], $0x80, v4, vm0, $0xb8;
	[tilespmem:$0x13000] =	vst v63  }
0xab: {  	_ = 	snop  }
0xac: {  	[tilespmem:s22], [sflag:$0x1] =	stream.indirect_vreg.gather [hbm4b:s6+s2], $0x80, v4, vm1, $0xb8;
	[tilespmem:$0x13000] =	vst v63  }
0xad: {  	_ = 	snop  }
0xae: {  	[tilespmem:s23], [sflag:$0x1] =	stream.indirect_vreg.gather [hbm4b:s3+s2], $0x80, v3, vm0, $0xb8;
	[tilespmem:$0x13000] =	vst v63  }
0xaf: {  	_ = 	snop  }
0xb0: {  	[tilespmem:s24], [sflag:$0x1] =	stream.indirect_vreg.gather [hbm4b:s5+s2], $0x80, v3, vm0, $0xb8;
	[tilespmem:$0x13000] =	vst v63  }
0xb1: {  	_ = 	snop  }
0xb2: {  	[tilespmem:s25], [sflag:$0x1] =	stream.indirect_vreg.gather [hbm4b:s6+s2], $0x80, v3, vm1, $0xb8;
	[tilespmem:$0x13000] =	vst v63  }
0xb3: {  	v3 =	vld.msk [tilespmem:s1+$0x30], $0xff;
	_ =	sdelay $0x4  }
0xb4: {  	v63 =	vshrl.u32 v3, $0x3  }
0xb5: {  	v4 =	vmul.u32 $0x28, v63  }
0xb6: {  	v3 =	vand.u32 $0x7, v3  }
0xb7: {  	v3 =	vor.u32 v3, v4  }
0xb8: {  	v3 =	vperm.xlane v3, v0;
	_ =	sdelay $0x1  }
0xb9: {  	v3 =	vadd.s32 v1, v3;
	_ =	sdelay $0x4  }
0xba: {  	[tilespmem:s26], [sflag:$0x1] =	stream.indirect_vreg.gather [hbm4b:s3+s2], $0x80, v3, vm0, $0xb8;
	[tilespmem:$0x13000] =	vst v63  }
0xbb: {  	_ = 	snop  }
0xbc: {  	[tilespmem:s28], [sflag:$0x1] =	stream.indirect_vreg.gather [hbm4b:s5+s2], $0x80, v3, vm0, $0xb8;
	[tilespmem:$0x13000] =	vst v63  }
0xbd: {  	_ = 	snop  }
0xbe: {  	[tilespmem:s29], [sflag:$0x1] =	stream.indirect_vreg.gather [hbm4b:s6+s2], $0x80, v3, vm1, $0xb8;
	[tilespmem:$0x13000] =	vst v63  }
0xbf: {  	_ =	swait.ge [sflag:s30], $0x12C00  }
0xc0: {  	p0 =	sne.s32 s0, $0x10680;
	s7 =	rddreg [dreg:$0x2];
	[sflag:s30] =	ssyncset.done $0x0  }
.Ltmp0:
0xc1: {  	[sflag:s30] =	ssyncadd.s32 $0xFFFED400;
	s4 =	sadd.s32 s0, s7;
	(pc) =	sbr.rel @p0 .LBB2_2-.Ltmp0, $4  }
0xc2: {  	[hbm4b:s4+s2] =	stream.linear.scatter [tilespmem:s9], [sflag:$0x2], $0x12C00, $0x38;
	[tilespmem:$0x13000] =	vst v63  }
0xc3: {  	_ =	swait.ge [sflag:s8], $0x12C00  }
0xc4: {  	[sflag:s8] =	ssyncset.done $0x0  }
0xc5: {  	s1 =	sadd.s32 $0x80, s1;
	s0 =	sadd.s32 $0x2580, s0;
	[sflag:s8] =	ssyncadd.s32 $0xFFFED400  }
0xc6: {  	s31 =	sadd.s32 $0x1, s31;
	s0 =	rddreg [dreg:$0x1d]  }
0xc7: {  	p0 =	sne.s32 s31, s0  }
.Ltmp1:
0xc8: {  	_ = 	snop;
	(pc) =	sbr.rel @p0 .LBB2_1-.Ltmp1, $1  }
0xc9: {  	_ =	sdelay $0x3  }
0xca: {  	_ =	sfence.sel $0x180000  }
0xcb: {  	[bflag:$0x0] =	sbarrier.arrive $0xFFFF  }
0xcc: {  	_ =	strace $0x90000047  }
0xcd: {  	s0 =	stileid.u32;
	[bflag:$0x2] =	sbarrier.arrive $0xFFFF  }
0xce: {  	p0 =	sne.s32 s0, $0x0;
	s0 =	rddreg [dreg:$0x1]  }
0xcf: {  	s0 =	sadd.s32 @!p0 $0x100000, s0  }
0xd0: {  	[sflag:s0] =	ssyncadd.tile.s32 @!p0 $0x1;
	_ =	shalt  }
.Lfunc_end2:
_tile_overlayer_lowered:
.L_overlay_start_2:
0xd1: {  	(tag) =	ssettag $0x2  }
0xd2: {  	s0 =	rddreg [dreg:$0x0];
	s2 =	stileid.u32  }
0xd3: {  	s1 =	rddreg [dreg:$0x1];
	p0 =	sne.s32 s2, $0x0  }
0xd4: {  	s3 =	rddreg [dreg:$0x2];
	[bflag:$0x3] =	sbarrier.arrive $0xFFFF;
	s2 =	simm.s32 @!p0 $0x1C02  }
0xd5: {  	[timem:s3], [sflag:s2] =	dma.local @!p0 [hbm:s0], s1  }
0xd6: {  	s0 =	simm.s32 @!p0 $0x2  }
0xd7: {  	_ =	swait.ge @!p0 [sflag:s0], s1  }
0xd8: {  	s1 =	ssub.s32 @!p0 $0x0, s1;
	[sflag:s0] =	ssyncset.done @!p0 $0x0  }
0xd9: {  	[sflag:s0] =	ssyncadd.s32 @!p0 s1  }
0xda: {  	[bflag:$0x3] =	sbarrier.arrive $0xFFFF  }
0xdb: {  	_ =	shalt  }

// kernel: kernel.28.cloned.1.call-start
scs
__scs_entry_jumppad:
0x0: {  	(pc) =	sbr.rel $0x88, $3  }
0x1: {  	(tag) =	ssettag $0x0;
	lr =	simm.s32 $0x1  }
0x2: {  	[smem:$0x3F7F] =	sst lr;
	_ =	strace $0xD0000000  }
0x3: {  	_ = 	snop  }
0x4: {  	_ = 	snop  }
0x5: {  	_ = 	snop  }
0x6: {  	_ = 	snop  }
0x7: {  	_ = 	snop  }
__scs_overlays_trampoline_lowered:
0x8: {  	[smem:$0x3F8E] =	sst s0  }
0x9: {  	[smem:$0x3F8F] =	sst s1  }
0xa: {  	[smem:$0x3F90] =	sst s2  }
0xb: {  	[smem:$0x3F91] =	sst s3  }
0xc: {  	[smem:$0x3F92] =	sst s4  }
0xd: {  	[smem:$0x3F93] =	sst s5  }
0xe: {  	[smem:$0x3F94] =	sst s6  }
0xf: {  	[smem:$0x3F95] =	sst s7  }
0x10: {  	[smem:$0x3F96] =	sst s8  }
0x11: {  	[smem:$0x3F97] =	sst s9;
	s0 =	simm.s32 @!p0 $0x0  }
0x12: {  	s1 =	sld [smem:$0x3F7D];
	s0 =	simm.s32 @p0 $0x1  }
0x13: {  	[smem:$0x3F98] =	sst s0;
	s0 =	simm.s32 @!p1 $0x0  }
0x14: {  	s2 =	sld [smem:$0x3F7C];
	s0 =	simm.s32 @p1 $0x1  }
0x15: {  	[smem:$0x3F99] =	sst s0;
	s0 =	simm.s32 @!p2 $0x0  }
0x16: {  	s3 =	sld [smem:$0x3FDB];
	s0 =	simm.s32 @p2 $0x1  }
0x17: {  	s4 =	simm.s32 $0x1BF5;
	[smem:$0x3F9B] =	sst s0  }
0x18: {  	s0 =	sld [smem:$0x3F7E];
	_ =	swait.ge [sflag:s4], $0x0  }
0x19: {  	s7 =	sld [smem:$0x3F7F]  }
0x1a: {  	s8 =	sadd.s32 $0xFFFFE003, lr  }
0x1b: {  	s9 =	sadd.s32 $0xFFFFFEF7, lr;
	s5 =	simm.s32 $0xFFFFFFFF;
	p2 =	slt.u32 s8, $0xFFFFF086  }
0x1c: {  	p1 =	slt.u32 s9, $0xF7A;
	s5 =	simm.s32 @!p2 $0x0  }
0x1d: {  	s5 =	simm.s32 @p1 $0x1;
	p0 =	seq.s32 s7, s2  }
0x1e: {  	s7 =	smul.u32 @!p0 $0xF7A, s2;
	p2 =	seq.s32 @!p0 s5, $0x0  }
0x1f: {  	s9 =	smul.u32 $0xF7A, s1;
	s8 =	simm.s32 @!p0 $0x1BF5;
	p2 =	por !p2, p0  }
0x20: {  	[sflag:s8] =	ssyncset.s32 @!p0 $0xFFFFF086;
	s6 =	sadd.s32 @!p0 s3, s7;
	s7 =	simm.s32 @!p0 $0x108  }
0x21: {  	s3 =	sadd.s32 s3, s9;
	s6 =	sadd.s32 @!p0 $0x88, s6;
	s7 =	simm.s32 @p2 $0x1082  }
0x22: {  	[simem:s7], [sflag:s8] =	dma.local @!p0 [hbm:s6], $0xF7A  }
0x23: {  	s9 =	sor.u32 $0xD0000000, s2;
	s6 =	simm.s32 $0x108;
	_ =	swait.ge @!p0 [sflag:s8], $0x0  }
0x24: {  	s3 =	sadd.s32 $0x88, s3;
	s6 =	simm.s32 @!p1 $0x1082;
	[sflag:s4] =	ssyncset.s32 $0xFFFFF086  }
0x25: {  	[simem:s6], [sflag:s4] =	dma.local [hbm:s3], $0xF7A  }
0x26: {  	[smem:$0x3F7F] =	sst s1;
	(tag) =	ssettag s2;
	_ =	strace s9  }
0x27: {  	s1 =	sld [smem:$0x3F8F]  }
0x28: {  	s2 =	sld [smem:$0x3F90]  }
0x29: {  	s4 =	sld [smem:$0x3F92]  }
0x2a: {  	p0 =	seq.s32 s5, $0x0;
	s5 =	sld [smem:$0x3F93]  }
0x2b: {  	s6 =	sld [smem:$0x3F94]  }
0x2c: {  	s7 =	sld [smem:$0x3F95]  }
0x2d: {  	s3 =	simm.s32 $0x108;
	s8 =	sld [smem:$0x3F96]  }
0x2e: {  	s3 =	simm.s32 @!p0 $0x1082;
	s9 =	sld [smem:$0x3F97]  }
0x2f: {  	lr =	sadd.s32 s0, s3;
	s0 =	sld [smem:$0x3F8E]  }
0x30: {  	s3 =	sld [smem:$0x3F91]  }
0x31: {  	[smem:$0x3F9A] =	sst s10  }
0x32: {  	s10 =	sld [smem:$0x3F98];
	_ =	sdelay $0x3  }
0x33: {  	p0 =	seq.s32 s10, $0x1;
	s10 =	sld [smem:$0x3F9A];
	_ =	sdelay $0x3  }
0x34: {  	[smem:$0x3F9A] =	sst s10  }
0x35: {  	s10 =	sld [smem:$0x3F99];
	_ =	sdelay $0x3  }
0x36: {  	p1 =	seq.s32 s10, $0x1;
	s10 =	sld [smem:$0x3F9A];
	_ =	sdelay $0x3  }
0x37: {  	[smem:$0x3F9A] =	sst s10  }
0x38: {  	s10 =	sld [smem:$0x3F9B]  }
0x39: {  	_ = 	snop;
	(pc) =	sbr.ind lr, $3  }
0x3a: {  	_ = 	snop  }
0x3b: {  	_ = 	snop  }
0x3c: {  	p2 =	seq.s32 s10, $0x1;
	s10 =	sld [smem:$0x3F9A]  }
0x3d: {  	_ =	shalt  }
0x3e: {  	_ =	shalt  }
0x3f: {  	_ =	shalt  }
0x40: {  	_ =	shalt  }
0x41: {  	_ =	shalt  }
0x42: {  	_ =	shalt  }
0x43: {  	_ =	shalt  }
0x44: {  	_ =	shalt  }
0x45: {  	_ =	shalt  }
0x46: {  	_ =	shalt  }
0x47: {  	_ =	shalt  }
0x48: {  	_ =	shalt  }
0x49: {  	_ =	shalt  }
0x4a: {  	_ =	shalt  }
0x4b: {  	_ =	shalt  }
0x4c: {  	_ =	shalt  }
0x4d: {  	_ =	shalt  }
0x4e: {  	_ =	shalt  }
0x4f: {  	_ =	shalt  }
0x50: {  	_ =	shalt  }
0x51: {  	_ =	shalt  }
0x52: {  	_ =	shalt  }
0x53: {  	_ =	shalt  }
0x54: {  	_ =	shalt  }
0x55: {  	_ =	shalt  }
0x56: {  	_ =	shalt  }
0x57: {  	_ =	shalt  }
0x58: {  	_ =	shalt  }
0x59: {  	_ =	shalt  }
0x5a: {  	_ =	shalt  }
0x5b: {  	_ =	shalt  }
0x5c: {  	_ =	shalt  }
0x5d: {  	_ =	shalt  }
0x5e: {  	_ =	shalt  }
0x5f: {  	_ =	shalt  }
0x60: {  	_ =	shalt  }
0x61: {  	_ =	shalt  }
0x62: {  	_ =	shalt  }
0x63: {  	_ =	shalt  }
0x64: {  	_ =	shalt  }
0x65: {  	_ =	shalt  }
0x66: {  	_ =	shalt  }
0x67: {  	_ =	shalt  }
0x68: {  	_ =	shalt  }
0x69: {  	_ =	shalt  }
0x6a: {  	_ =	shalt  }
0x6b: {  	_ =	shalt  }
0x6c: {  	_ =	shalt  }
0x6d: {  	_ =	shalt  }
0x6e: {  	_ =	shalt  }
0x6f: {  	_ =	shalt  }
0x70: {  	_ =	shalt  }
0x71: {  	_ =	shalt  }
0x72: {  	_ =	shalt  }
0x73: {  	_ =	shalt  }
0x74: {  	_ =	shalt  }
0x75: {  	_ =	shalt  }
0x76: {  	_ =	shalt  }
0x77: {  	_ =	shalt  }
0x78: {  	_ =	shalt  }
0x79: {  	_ =	shalt  }
0x7a: {  	_ =	shalt  }
0x7b: {  	_ =	shalt  }
0x7c: {  	_ =	shalt  }
0x7d: {  	_ =	shalt  }
0x7e: {  	_ =	shalt  }
0x7f: {  	_ =	shalt  }
0x80: {  	_ =	shalt  }
0x81: {  	_ =	shalt  }
0x82: {  	_ =	shalt  }
0x83: {  	_ =	shalt  }
0x84: {  	_ =	shalt  }
0x85: {  	_ =	shalt  }
0x86: {  	_ =	shalt  }
0x87: {  	_ =	shalt  }
.Lfunc_end0:
.L_simem_size_0:
called_computation.2_lowered:
.L_overlay_start_0:
0x88: {  	s2 =	sld [smem:$0x3FD9]  }
0x89: {  	s3 =	sld [smem:$0x3FFE];
	_ =	sdelay $0x1  }
0x8a: {  	s1 =	srdreg.scid  }
0x8b: {  	s0 =	sand.u32 $0x1, s1  }
0x8c: {  	s16 =	sshll.u32 s0, $0xA;
	s2 =	sadd.s32 s3, s2  }
0x8d: {  	s2 =	sadd.s32 s2, s16  }
0x8e: {  	[smem:$0x3FA6] =	sst s2  }
0x8f: {  	_ = 	snop  }
0x90: {  	(tm) =	ssettm $0x1  }
0x91: {  	s17 =	sld [smem:$0x3FFB];
	_ =	sdelay $0x3  }
0x92: {  	_ =	strace s17  }
0x93: {  	s2 =	sld [smem:$0x3FFC];
	_ =	sdelay $0x3  }
0x94: {  	_ =	strace s2  }
0x95: {  	s2 =	sld [smem:$0x3FFD];
	_ =	sdelay $0x3  }
0x96: {  	_ =	strace s2  }
0x97: {  	_ =	strace $0x8FFFFFFF  }
0x98: {  	s18 =	sld [smem:$0x3FDB];
	_ =	sdelay $0x1  }
0x99: {  	s19 =	simm.s32 $_scs_section_size  }
0x9a: {  	s4 =	simm.s32 $_size__tile_overlayer_lowered;
	s5 =	simm.s32 $_tile_overlayer_lowered  }
0x9b: {  	s22 =	simm.s32 $0x1BFF;
	s21 =	sshll.u32 s5, $0x1;
	s2 =	sadd.s32 s19, s18  }
0x9c: {  	s6 =	simm.s32 $0x0;
	s20 =	sshll.u32 s4, $0x1;
	s4 =	sadd.s32 s21, s2  }
0x9d: {  	[timem:s6], [sflag:s22] =	dma.local [hbm:s4], s20  }
0x9e: {  	_ =	swait.ge [sflag:s22], s20  }
0x9f: {  	s3 =	ssub.s32 $0x0, s20;
	[sflag:s22] =	ssyncset.done $0x0  }
0xa0: {  	[sflag:s22] =	ssyncadd.s32 s3;
	_ =	sdelay $0x1  }
0xa1: {  	s23 =	simm.s32 $0x1B8B  }
0xa2: {  	_ =	swait.ge [sflag:s23], $0x1  }
0xa3: {  	[sflag:s23] =	ssyncset.done $0x0  }
0xa4: {  	s25 =	simm.s32 $0x1B8E;
	s24 =	sld [smem:$0x3FFE];
	[sflag:s23] =	ssyncadd.s32 $0xFFFFFFFF  }
0xa5: {  	s26 =	simm.s32 $execute0_lowered;
	[smem:$0x3FD2] =	sst s25  }
0xa6: {  	s4 =	sshll.u32 s26, $0x1;
	_ =	strace $0x8000004C;
	[dreg:$0x1] =	wrdreg $0xFFFFFFFF  }
0xa7: {  	s28 =	simm.s32 $_size_execute0_lowered;
	s2 =	sadd.s32 s2, s4;
	[dreg:$0x0] =	wrdreg $0x0  }
0xa8: {  	s4 =	sshll.u32 s28, $0x1;
	[dreg:$0x2] =	wrdreg s2  }
0xa9: {  	[dreg:$0x3] =	wrdreg s4  }
0xaa: {  	[dreg:$0x4] =	wrdreg $0xC0  }
0xab: {  	_ =	task [dreg:s6], $0x5FFFF  }
0xac: {  	[dreg:$0x1] =	wrdreg $0xFFFFFFFF  }
0xad: {  	[dreg:$0x0] =	wrdreg $0x60  }
0xae: {  	[dreg:$0x2] =	wrdreg s24  }
0xaf: {  	[dreg:$0x3] =	wrdreg $0x50000  }
0xb0: {  	[dreg:$0x4] =	wrdreg $0x9  }
0xb1: {  	_ =	task.clear_ibuf [dreg:s6], $0x5FFFF;
	_ =	strace $0x9000004C  }
0xb2: {  	s29 =	simm.s32 $0x9;
	_ =	strace $0x8000004E  }
0xb3: {  	_ =	swait.ge [sflag:s29], $0x1  }
0xb4: {  	[sflag:s29] =	ssyncadd.s32 $0xFFFFFFFF  }
0xb5: {  	_ =	strace $0x9000004E  }
0xb6: {  	_ =	sfence  }
0xb7: {  	s30 =	sld [smem:$0x0];
	_ =	sdelay $0x2  }
0xb8: {  	s31 =	sshll.u32 s1, $0xD;
	s1 =	sshrl.u32 s1, $0x2  }
0xb9: {  	s3 =	sand.u32 $0x4000, s31;
	s1 =	sadd.s32 s1, s30  }
0xba: {  	s0 =	sor.u32 s3, s0;
	s1 =	sshll.u32 s1, $0x11  }
0xbb: {  	s0 =	sor.u32 s1, s0  }
0xbc: {  	s0 =	sadd.s32 $0x8F2B, s0  }
0xbd: {  	[sflag:s0] =	ssyncadd.remote.s32 $0x1  }
0xbe: {  	_ =	sfence.sel $0xFFFF  }
0xbf: {  	[dreg:$0x0] =	wrdreg $0xFFFFFFFF;
	(pc) =	sbr.abs _section_cstart, $3  }
0xc0: {  	[dreg:$0x1] =	wrdreg $0xFFFFFFFF  }
0xc1: {  	_ =	task.clear_ibuf [dreg:s6], $0x2FFFF;
	_ =	strace $0x9FFFFFFF  }
0xc2: {  	(tm) =	ssettm $0x7FFFFFFF  }
0xc3: {  	_ =	shalt  }
tec
execute0_lowered:
.L_overlay_start_1:
0x0: {  	(tag) =	ssettag $0x1  }
0x1: {  	s5 =	rddreg [dreg:$0x0]  }
0x2: {  	s2 =	rddreg [dreg:$0x1]  }
0x3: {  	s0 =	rddreg [dreg:$0x2];
	s3 =	simm.s32 $0x0;
	s1 =	stileid.u32  }
0x4: {  	s6 =	srdreg.scid;
	s15 =	simm.s32 $0x400;
	s16 =	simm.s32 $0x1000  }
0x5: {  	s17 =	simm.s32 $0x80;
	s18 =	simm.s32 $0x8;
	s19 =	simm.s32 $0x100  }
0x6: {  	s20 =	simm.s32 $0x0;
	[smem:$0x7FF] =	sst s3;
	s4 =	smul.u32 $0xF000, s1  }
0x7: {  	s6 =	sand.u32 $0x1, s6;
	s7 =	smul.u32 $0x27800, s1;
	s25 =	sshll.u32 s1, $0x8  }
0x8: {  	s12 =	smul.u32 $0x4F000, s1;
	s13 =	sshll.u32 s1, $0x6;
	_ =	strace $0x8000004D  }
0x9: {  	s9 =	sshll.u32 s6, $0xA;
	s10 =	sadd.s32 s25, s5;
	s28 =	ssub.s32 $0x2, s6  }
0xa: {  	s30 =	sshll.u32 s6, $0x7;
	s13 =	sor.u32 $0x1C01, s13;
	s8 =	sadd.s32 s4, s5  }
0xb: {  	s26 =	sor.u32 s9, s7;
	s11 =	sshrl.u32 s28, $0x1;
	s4 =	sadd.s32 $0x89000, s5  }
0xc: {  	s29 =	sshrl.u32 s12, $0x2;
	s6 =	sadd.s32 $0xD200, s10;
	s12 =	simm.s32 $0x800  }
0xd: {  	s9 =	sshrl.u32 s26, $0x3;
	s11 =	ssub.s32 s28, s11;
	s14 =	sadd.s32 s29, s2  }
0xe: {  	s31 =	sadd.s32 s30, s8;
	s9 =	sadd.s32 s9, s5;
	s5 =	sadd.s32 $0xFB600, s10  }
0xf: {  	s8 =	smax.u32 s11, $0x1;
	s10 =	sadd.s32 $0x70A000, s31;
	s11 =	simm.s32 $0x1  }
0x10: {  	s14 =	sshrl.u32 s14, $0x3;
	s7 =	sadd.s32 $0x8B800, s9;
	s9 =	sadd.s32 $0x174600, s31  }
.LBB2_1:
0x11: {  	[tilespmem:s3], [sflag:$0x1] =	stream.linear.gather [hbm4b:s5+s3], $0x780, $0x38;
	[tilespmem:$0x18C00] =	vst v63  }
0x12: {  	_ =	swait.ge [sflag:s11], $0x780  }
0x13: {  	[sflag:s11] =	ssyncset.done $0x0  }
0x14: {  	[sflag:s11] =	ssyncadd.s32 $0xFFFFF880  }
0x15: {  	[tilespmem:s12], [sflag:$0x1] =	stream.linear.gather [hbm4b:s6+s3], $0x780, $0x38;
	[tilespmem:$0x18C00] =	vst v63  }
0x16: {  	_ =	swait.ge [sflag:s11], $0x780  }
0x17: {  	[sflag:s11] =	ssyncset.done $0x0  }
0x18: {  	[sflag:s11] =	ssyncadd.s32 $0xFFFFF880  }
0x19: {  	[spmem:s14], [sflag:s13] =	dma.local [hbm:s4], $0x2780  }
0x1a: {  	_ =	swait.ge [sflag:s11], $0x2780  }
0x1b: {  	[sflag:s11] =	ssyncset.done $0x0  }
0x1c: {  	[sflag:s11] =	ssyncadd.s32 $0xFFFFD880  }
0x1d: {  	[bflag:$0x0] =	sbarrier.arrive $0xFFFF  }
0x1e: {  	[tilespmem:s16], [sflag:$0x1] =	stream.strided.gather [hbm4b:s9+s15], $0x4000, s12, s15, $0x38;
	[tilespmem:$0x18C00] =	vst v63  }
0x1f: {  	_ =	swait.ge [sflag:s11], $0x4000  }
0x20: {  	[sflag:s11] =	ssyncset.done $0x0  }
0x21: {  	s21 =	simm.s32 $0x0;
	[sflag:s11] =	ssyncadd.s32 $0xFFFFC000  }
0x22: {  	[spmem:s2] =	stream.indirect.scatter.add.f32 [tilespmem:s16], [sflag:$0x1], $0x80, s21, s17, $0xb8;
	[tilespmem:$0x18C00] =	vst v63  }
0x23: {  	_ =	swait.ge [sflag:s11], $0x4000  }
0x24: {  	s22 =	smov.u32 s9;
	s21 =	simm.s32 $0x200;
	[sflag:s11] =	ssyncset.done $0x0  }
.LBB2_2:
0x25: {  	p0 =	sne.s32 s21, $0x1C00;
	[sflag:s11] =	ssyncadd.s32 $0xFFFFC000;
	s22 =	sadd.s32 $0x1000, s22  }
0x26: {  	[tilespmem:s16], [sflag:$0x1] =	stream.strided.gather [hbm4b:s22+s15], $0x4000, s12, s15, $0x38;
	[tilespmem:$0x18C00] =	vst v63  }
0x27: {  	s23 =	smov.u32 s21;
	s21 =	sadd.s32 $0x200, s21;
	_ =	swait.ge [sflag:s11], $0x4000  }
.Ltmp0:
0x28: {  	[sflag:s11] =	ssyncset.done $0x0;
	(pc) =	sbr.rel @p0 .LBB2_2-.Ltmp0, $4  }
0x29: {  	s23 =	sshra.s32 s23, $0x2;
	[sflag:s11] =	ssyncadd.s32 $0xFFFFC000  }
0x2a: {  	[spmem:s2] =	stream.indirect.scatter.add.f32 [tilespmem:s16], [sflag:$0x1], $0x80, s23, s17, $0xb8;
	[tilespmem:$0x18C00] =	vst v63  }
0x2b: {  	_ =	swait.ge [sflag:s11], $0x4000  }
0x2c: {  	[sflag:s11] =	ssyncset.done $0x0  }
0x2d: {  	[sflag:s11] =	ssyncadd.s32 $0xFFFFC000  }
0x2e: {  	[tilespmem:s16], [sflag:$0x1] =	stream.strided.gather [hbm4b:s10+s15], $0x4000, s12, s15, $0x38;
	[tilespmem:$0x18C00] =	vst v63  }
0x2f: {  	_ =	swait.ge [sflag:s11], $0x4000  }
0x30: {  	[sflag:s11] =	ssyncset.done $0x0  }
0x31: {  	s21 =	simm.s32 $0x800;
	[sflag:s11] =	ssyncadd.s32 $0xFFFFC000  }
0x32: {  	[spmem:s2] =	stream.indirect.scatter.add.f32 [tilespmem:s16], [sflag:$0x1], $0x80, s21, s17, $0xb8;
	[tilespmem:$0x18C00] =	vst v63  }
0x33: {  	_ =	swait.ge [sflag:s11], $0x4000  }
0x34: {  	s22 =	smov.u32 s10;
	s21 =	simm.s32 $0x200;
	[sflag:s11] =	ssyncset.done $0x0  }
.LBB2_4:
0x35: {  	p0 =	sne.s32 s21, $0x1C00;
	[sflag:s11] =	ssyncadd.s32 $0xFFFFC000;
	s22 =	sadd.s32 $0x1000, s22  }
0x36: {  	[tilespmem:s16], [sflag:$0x1] =	stream.strided.gather [hbm4b:s22+s15], $0x4000, s12, s15, $0x38;
	[tilespmem:$0x18C00] =	vst v63  }
0x37: {  	s23 =	smov.u32 s21;
	s21 =	sadd.s32 $0x200, s21;
	_ =	swait.ge [sflag:s11], $0x4000  }
.Ltmp1:
0x38: {  	s23 =	sshra.s32 s23, $0x2;
	[sflag:s11] =	ssyncset.done $0x0;
	(pc) =	sbr.rel @p0 .LBB2_4-.Ltmp1, $4  }
0x39: {  	s23 =	sadd.s32 $0x800, s23;
	[sflag:s11] =	ssyncadd.s32 $0xFFFFC000  }
0x3a: {  	[spmem:s2] =	stream.indirect.scatter.add.f32 [tilespmem:s16], [sflag:$0x1], $0x80, s23, s17, $0xb8;
	[tilespmem:$0x18C00] =	vst v63  }
0x3b: {  	_ =	swait.ge [sflag:s11], $0x4000  }
0x3c: {  	[sflag:s11] =	ssyncset.done $0x0  }
0x3d: {  	s20 =	sadd.s32 $0x1, s20  }
0x3e: {  	[sflag:s11] =	ssyncadd.s32 $0xFFFFC000;
	p0 =	sne.s32 s20, s8  }
.Ltmp2:
0x3f: {  	[bflag:$0x0] =	sbarrier.arrive $0xFFFF;
	(pc) =	sbr.rel @p0 .LBB2_1-.Ltmp2, $4  }
0x40: {  	[hbm:s7@s19], [sflag:s13] =	dma.strided [spmem:s14@s17], $0x2780, s18, $0x10   }
0x41: {  	_ =	swait.ge [sflag:s11], $0x2780  }
0x42: {  	[sflag:s11] =	ssyncset.done $0x0  }
0x43: {  	[sflag:s11] =	ssyncadd.s32 $0xFFFFD880  }
0x44: {  	_ =	sfence.sel $0x180000  }
0x45: {  	[bflag:$0x0] =	sbarrier.arrive $0xFFFF  }
0x46: {  	p0 =	sne.s32 s1, $0x0;
	_ =	strace $0x9000004D  }
0x47: {  	s0 =	sadd.s32 @!p0 $0x100000, s0;
	[bflag:$0x2] =	sbarrier.arrive $0xFFFF  }
0x48: {  	[sflag:s0] =	ssyncadd.tile.s32 @!p0 $0x1;
	_ =	shalt  }
.Lfunc_end2:
_tile_overlayer_lowered:
.L_overlay_start_2:
0x49: {  	(tag) =	ssettag $0x2  }
0x4a: {  	s0 =	rddreg [dreg:$0x0];
	s2 =	stileid.u32  }
0x4b: {  	s1 =	rddreg [dreg:$0x1];
	p0 =	sne.s32 s2, $0x0  }
0x4c: {  	s3 =	rddreg [dreg:$0x2];
	[bflag:$0x3] =	sbarrier.arrive $0xFFFF;
	s2 =	simm.s32 @!p0 $0x1C01  }
0x4d: {  	[timem:s3], [sflag:s2] =	dma.local @!p0 [hbm:s0], s1  }
0x4e: {  	s0 =	simm.s32 @!p0 $0x1  }
0x4f: {  	_ =	swait.ge @!p0 [sflag:s0], s1  }
0x50: {  	s1 =	ssub.s32 @!p0 $0x0, s1;
	[sflag:s0] =	ssyncset.done @!p0 $0x0  }
0x51: {  	[sflag:s0] =	ssyncadd.s32 @!p0 s1  }
0x52: {  	[bflag:$0x3] =	sbarrier.arrive $0xFFFF  }
0x53: {  	_ =	shalt  }

// kernel: kernel.31.cloned.1.call-start
scs
__scs_entry_jumppad:
0x0: {  	(pc) =	sbr.rel $0x88, $3  }
0x1: {  	(tag) =	ssettag $0x0;
	lr =	simm.s32 $0x1  }
0x2: {  	[smem:$0x3F7F] =	sst lr;
	_ =	strace $0xD0000000  }
0x3: {  	_ = 	snop  }
0x4: {  	_ = 	snop  }
0x5: {  	_ = 	snop  }
0x6: {  	_ = 	snop  }
0x7: {  	_ = 	snop  }
__scs_overlays_trampoline_lowered:
0x8: {  	[smem:$0x3F8E] =	sst s0  }
0x9: {  	[smem:$0x3F8F] =	sst s1  }
0xa: {  	[smem:$0x3F90] =	sst s2  }
0xb: {  	[smem:$0x3F91] =	sst s3  }
0xc: {  	[smem:$0x3F92] =	sst s4  }
0xd: {  	[smem:$0x3F93] =	sst s5  }
0xe: {  	[smem:$0x3F94] =	sst s6  }
0xf: {  	[smem:$0x3F95] =	sst s7  }
0x10: {  	[smem:$0x3F96] =	sst s8  }
0x11: {  	[smem:$0x3F97] =	sst s9;
	s0 =	simm.s32 @!p0 $0x0  }
0x12: {  	s1 =	sld [smem:$0x3F7D];
	s0 =	simm.s32 @p0 $0x1  }
0x13: {  	[smem:$0x3F98] =	sst s0;
	s0 =	simm.s32 @!p1 $0x0  }
0x14: {  	s2 =	sld [smem:$0x3F7C];
	s0 =	simm.s32 @p1 $0x1  }
0x15: {  	[smem:$0x3F99] =	sst s0;
	s0 =	simm.s32 @!p2 $0x0  }
0x16: {  	s3 =	sld [smem:$0x3FDB];
	s0 =	simm.s32 @p2 $0x1  }
0x17: {  	s4 =	simm.s32 $0x1BF5;
	[smem:$0x3F9B] =	sst s0  }
0x18: {  	s0 =	sld [smem:$0x3F7E];
	_ =	swait.ge [sflag:s4], $0x0  }
0x19: {  	s7 =	sld [smem:$0x3F7F]  }
0x1a: {  	s8 =	sadd.s32 $0xFFFFE003, lr  }
0x1b: {  	s9 =	sadd.s32 $0xFFFFFEF7, lr;
	s5 =	simm.s32 $0xFFFFFFFF;
	p2 =	slt.u32 s8, $0xFFFFF086  }
0x1c: {  	p1 =	slt.u32 s9, $0xF7A;
	s5 =	simm.s32 @!p2 $0x0  }
0x1d: {  	s5 =	simm.s32 @p1 $0x1;
	p0 =	seq.s32 s7, s2  }
0x1e: {  	s7 =	smul.u32 @!p0 $0xF7A, s2;
	p2 =	seq.s32 @!p0 s5, $0x0  }
0x1f: {  	s9 =	smul.u32 $0xF7A, s1;
	s8 =	simm.s32 @!p0 $0x1BF5;
	p2 =	por !p2, p0  }
0x20: {  	[sflag:s8] =	ssyncset.s32 @!p0 $0xFFFFF086;
	s6 =	sadd.s32 @!p0 s3, s7;
	s7 =	simm.s32 @!p0 $0x108  }
0x21: {  	s3 =	sadd.s32 s3, s9;
	s6 =	sadd.s32 @!p0 $0x88, s6;
	s7 =	simm.s32 @p2 $0x1082  }
0x22: {  	[simem:s7], [sflag:s8] =	dma.local @!p0 [hbm:s6], $0xF7A  }
0x23: {  	s9 =	sor.u32 $0xD0000000, s2;
	s6 =	simm.s32 $0x108;
	_ =	swait.ge @!p0 [sflag:s8], $0x0  }
0x24: {  	s3 =	sadd.s32 $0x88, s3;
	s6 =	simm.s32 @!p1 $0x1082;
	[sflag:s4] =	ssyncset.s32 $0xFFFFF086  }
0x25: {  	[simem:s6], [sflag:s4] =	dma.local [hbm:s3], $0xF7A  }
0x26: {  	[smem:$0x3F7F] =	sst s1;
	(tag) =	ssettag s2;
	_ =	strace s9  }
0x27: {  	s1 =	sld [smem:$0x3F8F]  }
0x28: {  	s2 =	sld [smem:$0x3F90]  }
0x29: {  	s4 =	sld [smem:$0x3F92]  }
0x2a: {  	p0 =	seq.s32 s5, $0x0;
	s5 =	sld [smem:$0x3F93]  }
0x2b: {  	s6 =	sld [smem:$0x3F94]  }
0x2c: {  	s7 =	sld [smem:$0x3F95]  }
0x2d: {  	s3 =	simm.s32 $0x108;
	s8 =	sld [smem:$0x3F96]  }
0x2e: {  	s3 =	simm.s32 @!p0 $0x1082;
	s9 =	sld [smem:$0x3F97]  }
0x2f: {  	lr =	sadd.s32 s0, s3;
	s0 =	sld [smem:$0x3F8E]  }
0x30: {  	s3 =	sld [smem:$0x3F91]  }
0x31: {  	[smem:$0x3F9A] =	sst s10  }
0x32: {  	s10 =	sld [smem:$0x3F98];
	_ =	sdelay $0x3  }
0x33: {  	p0 =	seq.s32 s10, $0x1;
	s10 =	sld [smem:$0x3F9A];
	_ =	sdelay $0x3  }
0x34: {  	[smem:$0x3F9A] =	sst s10  }
0x35: {  	s10 =	sld [smem:$0x3F99];
	_ =	sdelay $0x3  }
0x36: {  	p1 =	seq.s32 s10, $0x1;
	s10 =	sld [smem:$0x3F9A];
	_ =	sdelay $0x3  }
0x37: {  	[smem:$0x3F9A] =	sst s10  }
0x38: {  	s10 =	sld [smem:$0x3F9B]  }
0x39: {  	_ = 	snop;
	(pc) =	sbr.ind lr, $3  }
0x3a: {  	_ = 	snop  }
0x3b: {  	_ = 	snop  }
0x3c: {  	p2 =	seq.s32 s10, $0x1;
	s10 =	sld [smem:$0x3F9A]  }
0x3d: {  	_ =	shalt  }
0x3e: {  	_ =	shalt  }
0x3f: {  	_ =	shalt  }
0x40: {  	_ =	shalt  }
0x41: {  	_ =	shalt  }
0x42: {  	_ =	shalt  }
0x43: {  	_ =	shalt  }
0x44: {  	_ =	shalt  }
0x45: {  	_ =	shalt  }
0x46: {  	_ =	shalt  }
0x47: {  	_ =	shalt  }
0x48: {  	_ =	shalt  }
0x49: {  	_ =	shalt  }
0x4a: {  	_ =	shalt  }
0x4b: {  	_ =	shalt  }
0x4c: {  	_ =	shalt  }
0x4d: {  	_ =	shalt  }
0x4e: {  	_ =	shalt  }
0x4f: {  	_ =	shalt  }
0x50: {  	_ =	shalt  }
0x51: {  	_ =	shalt  }
0x52: {  	_ =	shalt  }
0x53: {  	_ =	shalt  }
0x54: {  	_ =	shalt  }
0x55: {  	_ =	shalt  }
0x56: {  	_ =	shalt  }
0x57: {  	_ =	shalt  }
0x58: {  	_ =	shalt  }
0x59: {  	_ =	shalt  }
0x5a: {  	_ =	shalt  }
0x5b: {  	_ =	shalt  }
0x5c: {  	_ =	shalt  }
0x5d: {  	_ =	shalt  }
0x5e: {  	_ =	shalt  }
0x5f: {  	_ =	shalt  }
0x60: {  	_ =	shalt  }
0x61: {  	_ =	shalt  }
0x62: {  	_ =	shalt  }
0x63: {  	_ =	shalt  }
0x64: {  	_ =	shalt  }
0x65: {  	_ =	shalt  }
0x66: {  	_ =	shalt  }
0x67: {  	_ =	shalt  }
0x68: {  	_ =	shalt  }
0x69: {  	_ =	shalt  }
0x6a: {  	_ =	shalt  }
0x6b: {  	_ =	shalt  }
0x6c: {  	_ =	shalt  }
0x6d: {  	_ =	shalt  }
0x6e: {  	_ =	shalt  }
0x6f: {  	_ =	shalt  }
0x70: {  	_ =	shalt  }
0x71: {  	_ =	shalt  }
0x72: {  	_ =	shalt  }
0x73: {  	_ =	shalt  }
0x74: {  	_ =	shalt  }
0x75: {  	_ =	shalt  }
0x76: {  	_ =	shalt  }
0x77: {  	_ =	shalt  }
0x78: {  	_ =	shalt  }
0x79: {  	_ =	shalt  }
0x7a: {  	_ =	shalt  }
0x7b: {  	_ =	shalt  }
0x7c: {  	_ =	shalt  }
0x7d: {  	_ =	shalt  }
0x7e: {  	_ =	shalt  }
0x7f: {  	_ =	shalt  }
0x80: {  	_ =	shalt  }
0x81: {  	_ =	shalt  }
0x82: {  	_ =	shalt  }
0x83: {  	_ =	shalt  }
0x84: {  	_ =	shalt  }
0x85: {  	_ =	shalt  }
0x86: {  	_ =	shalt  }
0x87: {  	_ =	shalt  }
.Lfunc_end0:
.L_simem_size_0:
called_computation.3_lowered:
.L_overlay_start_0:
0x88: {  	s2 =	sld [smem:$0x3FD9]  }
0x89: {  	s3 =	sld [smem:$0x3FFE];
	_ =	sdelay $0x1  }
0x8a: {  	s1 =	srdreg.scid  }
0x8b: {  	s0 =	sand.u32 $0x1, s1  }
0x8c: {  	s17 =	sshll.u32 s0, $0xA;
	s2 =	sadd.s32 s3, s2  }
0x8d: {  	s2 =	sadd.s32 s2, s17  }
0x8e: {  	[smem:$0x3FA6] =	sst s2  }
0x8f: {  	_ = 	snop  }
0x90: {  	(tm) =	ssettm $0x1  }
0x91: {  	s18 =	sld [smem:$0x3FFB];
	_ =	sdelay $0x3  }
0x92: {  	_ =	strace s18  }
0x93: {  	s2 =	sld [smem:$0x3FFC];
	_ =	sdelay $0x3  }
0x94: {  	_ =	strace s2  }
0x95: {  	s2 =	sld [smem:$0x3FFD];
	_ =	sdelay $0x3  }
0x96: {  	_ =	strace s2  }
0x97: {  	_ =	strace $0x8FFFFFFF  }
0x98: {  	s19 =	sld [smem:$0x3FDB];
	_ =	sdelay $0x1  }
0x99: {  	s20 =	simm.s32 $_scs_section_size  }
0x9a: {  	s4 =	simm.s32 $_size__tile_overlayer_lowered;
	s5 =	simm.s32 $_tile_overlayer_lowered  }
0x9b: {  	s6 =	simm.s32 $0x1BFF;
	s21 =	sshll.u32 s5, $0x1;
	s3 =	sadd.s32 s20, s19  }
0x9c: {  	s22 =	simm.s32 $0x0;
	s4 =	sshll.u32 s4, $0x1;
	s5 =	sadd.s32 s21, s3  }
0x9d: {  	[timem:s22], [sflag:s6] =	dma.local [hbm:s5], s4  }
0x9e: {  	_ =	swait.ge [sflag:s6], s4  }
0x9f: {  	s4 =	ssub.s32 $0x0, s4;
	[sflag:s6] =	ssyncset.done $0x0  }
0xa0: {  	[sflag:s6] =	ssyncadd.s32 s4;
	_ =	sdelay $0x1  }
0xa1: {  	s23 =	simm.s32 $0x1B8B  }
0xa2: {  	_ =	swait.ge [sflag:s23], $0x1  }
0xa3: {  	[sflag:s23] =	ssyncset.done $0x0  }
0xa4: {  	[sflag:s23] =	ssyncadd.s32 $0xFFFFFFFF  }
0xa5: {  	s4 =	sld [smem:$0x0]  }
0xa6: {  	s5 =	sand.u32 $0xFFFFFFFE, s1  }
0xa7: {  	p0 =	sne.s32 s1, s5  }
0xa8: {  	s5 =	sshll.u32 @p0 s5, $0xE  }
0xa9: {  	s5 =	sadd.s32 @p0 $0x11B8D, s5;
	s6 =	sshll.u32 @p0 s4, $0x11  }
0xaa: {  	s5 =	sor.u32 @p0 s6, s5  }
0xab: {  	[sflag:s5] =	ssyncadd.remote.s32 @p0 $0x1;
	_ =	sdelay $0x1  }
0xac: {  	s5 =	simm.s32 @p0 $0x1B8D  }
0xad: {  	_ =	swait.eq @p0 [sflag:s5], $0x1  }
0xae: {  	[sflag:s5] =	ssyncadd.s32 @p0 $0xFFFFFFFF  }
0xaf: {  	s6 =	sshll.u32 @!p0 s1, $0xE  }
0xb0: {  	s6 =	sor.u32 @!p0 $0x4000, s6;
	s5 =	simm.s32 @!p0 $0x1B8D  }
0xb1: {  	s4 =	sshll.u32 @!p0 s4, $0x11;
	s6 =	sadd.s32 @!p0 $0x11B8D, s6;
	_ =	swait.eq @!p0 [sflag:s5], $0x1  }
0xb2: {  	s4 =	sor.u32 @!p0 s4, s6;
	[sflag:s5] =	ssyncadd.s32 @!p0 $0xFFFFFFFF  }
0xb3: {  	s25 =	simm.s32 $0x1B8E;
	s24 =	sld [smem:$0x3FFE];
	[sflag:s4] =	ssyncadd.remote.s32 @!p0 $0x1  }
0xb4: {  	s26 =	simm.s32 $execute0_lowered;
	[smem:$0x3FD2] =	sst s25  }
0xb5: {  	s5 =	sshll.u32 s26, $0x1;
	_ =	strace $0x80000052;
	[dreg:$0x1] =	wrdreg $0xFFFFFFFF  }
0xb6: {  	s28 =	simm.s32 $_size_execute0_lowered;
	s3 =	sadd.s32 s3, s5;
	[dreg:$0x0] =	wrdreg $0x0  }
0xb7: {  	s5 =	sshll.u32 s28, $0x1;
	[dreg:$0x2] =	wrdreg s3  }
0xb8: {  	[dreg:$0x3] =	wrdreg s5  }
0xb9: {  	[dreg:$0x4] =	wrdreg $0xC0  }
0xba: {  	_ =	task [dreg:s22], $0x5FFFF  }
0xbb: {  	[dreg:$0x1] =	wrdreg $0xFFFFFFFF  }
0xbc: {  	[dreg:$0x0] =	wrdreg $0x60  }
0xbd: {  	[dreg:$0x2] =	wrdreg s24  }
0xbe: {  	[dreg:$0x3] =	wrdreg $0x9  }
0xbf: {  	_ =	task.clear_ibuf [dreg:s22], $0x4FFFF;
	_ =	strace $0x90000052  }
0xc0: {  	s29 =	simm.s32 $0x9;
	_ =	strace $0x80000054  }
0xc1: {  	_ =	swait.ge [sflag:s29], $0x1  }
0xc2: {  	[sflag:s29] =	ssyncadd.s32 $0xFFFFFFFF  }
0xc3: {  	_ =	strace $0x90000054  }
0xc4: {  	_ =	sfence  }
0xc5: {  	s30 =	sld [smem:$0x0];
	_ =	sdelay $0x2  }
0xc6: {  	s31 =	sshll.u32 s1, $0xD;
	s1 =	sshrl.u32 s1, $0x2  }
0xc7: {  	s4 =	sand.u32 $0x4000, s31;
	s1 =	sadd.s32 s1, s30  }
0xc8: {  	s0 =	sor.u32 s4, s0;
	s1 =	sshll.u32 s1, $0x11  }
0xc9: {  	s0 =	sor.u32 s1, s0  }
0xca: {  	s0 =	sadd.s32 $0x8F2B, s0  }
0xcb: {  	[sflag:s0] =	ssyncadd.remote.s32 $0x1  }
0xcc: {  	_ =	sfence.sel $0xFFFF  }
0xcd: {  	[dreg:$0x0] =	wrdreg $0xFFFFFFFF;
	(pc) =	sbr.abs _section_cstart, $3  }
0xce: {  	[dreg:$0x1] =	wrdreg $0xFFFFFFFF  }
0xcf: {  	_ =	task.clear_ibuf [dreg:s22], $0x2FFFF;
	_ =	strace $0x9FFFFFFF  }
0xd0: {  	(tm) =	ssettm $0x7FFFFFFF  }
0xd1: {  	_ =	shalt  }
tec
execute0_lowered:
.L_overlay_start_1:
0x0: {  	(tag) =	ssettag $0x1  }
0x1: {  	s4 =	rddreg [dreg:$0x0]  }
0x2: {  	s0 =	rddreg [dreg:$0x1]  }
0x3: {  	s1 =	simm.s32 $0x0;
	s5 =	srdreg.scid;
	s2 =	stileid.u32  }
0x4: {  	s10 =	simm.s32 $0x1400;
	s11 =	simm.s32 $0x1C00;
	s12 =	simm.s32 $0x2400  }
0x5: {  	s13 =	simm.s32 $0x2C00;
	s14 =	simm.s32 $0x3400;
	s15 =	simm.s32 $0x3C00  }
0x6: {  	s16 =	simm.s32 $0x4400;
	s17 =	simm.s32 $0x4C00;
	s18 =	simm.s32 $0x5400  }
0x7: {  	s19 =	simm.s32 $0x5C00;
	s20 =	simm.s32 $0x6400;
	s21 =	simm.s32 $0x6C00  }
0x8: {  	s22 =	simm.s32 $0x7400;
	s23 =	simm.s32 $0x1;
	s24 =	simm.s32 $0x0  }
0x9: {  	[smem:$0x7FF] =	sst s1;
	s3 =	sadd.s32 $0x8B800, s4;
	s5 =	sand.u32 $0x1, s5  }
0xa: {  	s6 =	sshll.u32 s2, $0x8;
	s7 =	smul.u32 $0xF000, s2;
	_ =	strace $0x80000053  }
0xb: {  	s8 =	sshll.u32 s5, $0x7;
	s9 =	ssub.s32 $0x2, s5;
	s5 =	smul.u32 $0x7800, s5  }
0xc: {  	s6 =	sor.u32 s8, s6;
	s7 =	sadd.s32 s7, s4;
	s30 =	sshrl.u32 s9, $0x1  }
0xd: {  	v2 =	vlaneseq.u32;
	s8 =	simm.s32 $0x400;
	s4 =	sadd.s32 s6, s4;
	s31 =	ssub.s32 s9, s30  }
0xe: {  	vm0 =	vmmov $0xffff;
	v1 =	vshrl.u32 v2, $0x3;
	s7 =	sadd.s32 s5, s7;
	s9 =	simm.s32 $0xC00;
	s4 =	sadd.s32 $0x10000, s4  }
0xf: {  	v0 =	vand.u32 $0x7, v2;
	v2 =	vor.u32 $0x8, v2;
	v1 =	vmul.u32 $0x8, v1;
	s5 =	smax.u32 s31, $0x1;
	s6 =	sadd.s32 $0x264600, s7;
	s7 =	simm.s32 $0x2  }
.LBB2_1:
0x10: {  	[tilespmem:s1], [sflag:$0x2] =	stream.linear.gather [hbm4b:s4+s1], $0x400, $0x38;
	[tilespmem:$0x7C00] =	vst v63  }
0x11: {  	_ =	swait.ge [sflag:s7], $0x400  }
0x12: {  	[sflag:s7] =	ssyncset.done $0x0  }
0x13: {  	s25 =	simm.s32 $0x40;
	s26 =	simm.s32 $0x0;
	[sflag:s7] =	ssyncadd.s32 $0xFFFFFC00  }
.LBB2_2:
0x14: {  	v3 =	vld [tilespmem:s25+$0xFFFFFFC0];
	_ =	sdelay $0x4  }
0x15: {  	v4 =	vshll.u32 v3, $0x1  }
0x16: {  	v3 =	vand.u32 $0x7, v3;
	v4 =	vand.u32 $0xFFFFFFF0, v4  }
0x17: {  	v3 =	vor.u32 v3, v4  }
0x18: {  	v4 =	vperm.xlane v3, v0;
	_ =	sdelay $0x1  }
0x19: {  	v3 =	vperm.xlane v3, v2;
	v4 =	vadd.s32 v1, v4;
	_ =	sdelay $0x1  }
0x1a: {  	v3 =	vadd.s32 v1, v3;
	_ =	sdelay $0x2  }
0x1b: {  	[tilespmem:s8], [sflag:$0x1] =	stream.indirect_vreg.gather [hbm4b:s3+s1], $0x80, v4, vm0, $0xb8;
	[tilespmem:$0x7C00] =	vst v63  }
0x1c: {  	_ = 	snop  }
0x1d: {  	[tilespmem:s9], [sflag:$0x1] =	stream.indirect_vreg.gather [hbm4b:s3+s1], $0x80, v3, vm0, $0xb8;
	[tilespmem:$0x7C00] =	vst v63  }
0x1e: {  	v3 =	vld [tilespmem:s25+$0xFFFFFFD0];
	_ =	sdelay $0x4  }
0x1f: {  	v57 =	vshll.u32 v3, $0x1  }
0x20: {  	v3 =	vand.u32 $0x7, v3;
	v4 =	vand.u32 $0xFFFFFFF0, v57  }
0x21: {  	v3 =	vor.u32 v3, v4  }
0x22: {  	v4 =	vperm.xlane v3, v0;
	_ =	sdelay $0x1  }
0x23: {  	v3 =	vperm.xlane v3, v2;
	v4 =	vadd.s32 v1, v4;
	_ =	sdelay $0x1  }
0x24: {  	v3 =	vadd.s32 v1, v3;
	_ =	sdelay $0x2  }
0x25: {  	[tilespmem:s10], [sflag:$0x1] =	stream.indirect_vreg.gather [hbm4b:s3+s1], $0x80, v4, vm0, $0xb8;
	[tilespmem:$0x7C00] =	vst v63  }
0x26: {  	_ = 	snop  }
0x27: {  	[tilespmem:s11], [sflag:$0x1] =	stream.indirect_vreg.gather [hbm4b:s3+s1], $0x80, v3, vm0, $0xb8;
	[tilespmem:$0x7C00] =	vst v63  }
0x28: {  	v3 =	vld [tilespmem:s25+$0xFFFFFFE0];
	_ =	sdelay $0x4  }
0x29: {  	v58 =	vshll.u32 v3, $0x1  }
0x2a: {  	v3 =	vand.u32 $0x7, v3;
	v4 =	vand.u32 $0xFFFFFFF0, v58  }
0x2b: {  	v3 =	vor.u32 v3, v4  }
0x2c: {  	v4 =	vperm.xlane v3, v0;
	_ =	sdelay $0x1  }
0x2d: {  	v3 =	vperm.xlane v3, v2;
	v4 =	vadd.s32 v1, v4;
	_ =	sdelay $0x1  }
0x2e: {  	v3 =	vadd.s32 v1, v3;
	_ =	sdelay $0x2  }
0x2f: {  	[tilespmem:s12], [sflag:$0x1] =	stream.indirect_vreg.gather [hbm4b:s3+s1], $0x80, v4, vm0, $0xb8;
	[tilespmem:$0x7C00] =	vst v63  }
0x30: {  	_ = 	snop  }
0x31: {  	[tilespmem:s13], [sflag:$0x1] =	stream.indirect_vreg.gather [hbm4b:s3+s1], $0x80, v3, vm0, $0xb8;
	[tilespmem:$0x7C00] =	vst v63  }
0x32: {  	v3 =	vld [tilespmem:s25+$0xFFFFFFF0];
	_ =	sdelay $0x4  }
0x33: {  	v59 =	vshll.u32 v3, $0x1  }
0x34: {  	v3 =	vand.u32 $0x7, v3;
	v4 =	vand.u32 $0xFFFFFFF0, v59  }
0x35: {  	v3 =	vor.u32 v3, v4  }
0x36: {  	v4 =	vperm.xlane v3, v0;
	_ =	sdelay $0x1  }
0x37: {  	v3 =	vperm.xlane v3, v2;
	v4 =	vadd.s32 v1, v4;
	_ =	sdelay $0x1  }
0x38: {  	v3 =	vadd.s32 v1, v3;
	_ =	sdelay $0x2  }
0x39: {  	[tilespmem:s14], [sflag:$0x1] =	stream.indirect_vreg.gather [hbm4b:s3+s1], $0x80, v4, vm0, $0xb8;
	[tilespmem:$0x7C00] =	vst v63  }
0x3a: {  	_ = 	snop  }
0x3b: {  	[tilespmem:s15], [sflag:$0x1] =	stream.indirect_vreg.gather [hbm4b:s3+s1], $0x80, v3, vm0, $0xb8;
	[tilespmem:$0x7C00] =	vst v63  }
0x3c: {  	v3 =	vld [tilespmem:s25+$0x0];
	_ =	sdelay $0x4  }
0x3d: {  	v60 =	vshll.u32 v3, $0x1  }
0x3e: {  	v3 =	vand.u32 $0x7, v3;
	v4 =	vand.u32 $0xFFFFFFF0, v60  }
0x3f: {  	v3 =	vor.u32 v3, v4  }
0x40: {  	v4 =	vperm.xlane v3, v0;
	_ =	sdelay $0x1  }
0x41: {  	v3 =	vperm.xlane v3, v2;
	v4 =	vadd.s32 v1, v4;
	_ =	sdelay $0x1  }
0x42: {  	v3 =	vadd.s32 v1, v3;
	_ =	sdelay $0x2  }
0x43: {  	[tilespmem:s16], [sflag:$0x1] =	stream.indirect_vreg.gather [hbm4b:s3+s1], $0x80, v4, vm0, $0xb8;
	[tilespmem:$0x7C00] =	vst v63  }
0x44: {  	_ = 	snop  }
0x45: {  	[tilespmem:s17], [sflag:$0x1] =	stream.indirect_vreg.gather [hbm4b:s3+s1], $0x80, v3, vm0, $0xb8;
	[tilespmem:$0x7C00] =	vst v63  }
0x46: {  	v3 =	vld [tilespmem:s25+$0x10];
	_ =	sdelay $0x4  }
0x47: {  	v61 =	vshll.u32 v3, $0x1  }
0x48: {  	v3 =	vand.u32 $0x7, v3;
	v4 =	vand.u32 $0xFFFFFFF0, v61  }
0x49: {  	v3 =	vor.u32 v3, v4  }
0x4a: {  	v4 =	vperm.xlane v3, v0;
	_ =	sdelay $0x1  }
0x4b: {  	v3 =	vperm.xlane v3, v2;
	v4 =	vadd.s32 v1, v4;
	_ =	sdelay $0x1  }
0x4c: {  	v3 =	vadd.s32 v1, v3;
	_ =	sdelay $0x2  }
0x4d: {  	[tilespmem:s18], [sflag:$0x1] =	stream.indirect_vreg.gather [hbm4b:s3+s1], $0x80, v4, vm0, $0xb8;
	[tilespmem:$0x7C00] =	vst v63  }
0x4e: {  	_ = 	snop  }
0x4f: {  	[tilespmem:s19], [sflag:$0x1] =	stream.indirect_vreg.gather [hbm4b:s3+s1], $0x80, v3, vm0, $0xb8;
	[tilespmem:$0x7C00] =	vst v63  }
0x50: {  	v3 =	vld [tilespmem:s25+$0x20];
	_ =	sdelay $0x4  }
0x51: {  	v62 =	vshll.u32 v3, $0x1  }
0x52: {  	v3 =	vand.u32 $0x7, v3;
	v4 =	vand.u32 $0xFFFFFFF0, v62  }
0x53: {  	v3 =	vor.u32 v3, v4  }
0x54: {  	v4 =	vperm.xlane v3, v0;
	_ =	sdelay $0x1  }
0x55: {  	v3 =	vperm.xlane v3, v2;
	v4 =	vadd.s32 v1, v4;
	_ =	sdelay $0x1  }
0x56: {  	v3 =	vadd.s32 v1, v3;
	_ =	sdelay $0x2  }
0x57: {  	[tilespmem:s20], [sflag:$0x1] =	stream.indirect_vreg.gather [hbm4b:s3+s1], $0x80, v4, vm0, $0xb8;
	[tilespmem:$0x7C00] =	vst v63  }
0x58: {  	_ = 	snop  }
0x59: {  	[tilespmem:s21], [sflag:$0x1] =	stream.indirect_vreg.gather [hbm4b:s3+s1], $0x80, v3, vm0, $0xb8;
	[tilespmem:$0x7C00] =	vst v63  }
0x5a: {  	v3 =	vld.msk [tilespmem:s25+$0x30], $0xff;
	_ =	sdelay $0x4  }
0x5b: {  	v63 =	vshll.u32 v3, $0x1  }
0x5c: {  	v3 =	vand.u32 $0x7, v3;
	v4 =	vand.u32 $0xFFFFFFF0, v63  }
0x5d: {  	v3 =	vor.u32 v3, v4  }
0x5e: {  	v3 =	vperm.xlane v3, v0;
	_ =	sdelay $0x1  }
0x5f: {  	v3 =	vadd.s32 v1, v3;
	_ =	sdelay $0x4  }
0x60: {  	[tilespmem:s22], [sflag:$0x1] =	stream.indirect_vreg.gather [hbm4b:s3+s1], $0x80, v3, vm0, $0xb8;
	[tilespmem:$0x7C00] =	vst v63  }
0x61: {  	_ =	swait.ge [sflag:s23], $0x7800  }
0x62: {  	p0 =	sne.s32 s26, $0x6900;
	[sflag:s23] =	ssyncset.done $0x0  }
.Ltmp0:
0x63: {  	s28 =	sadd.s32 s26, s6;
	[sflag:s23] =	ssyncadd.s32 $0xFFFF8800;
	(pc) =	sbr.rel @p0 .LBB2_2-.Ltmp0, $4  }
0x64: {  	[hbm4b:s28+s1] =	stream.linear.scatter [tilespmem:s8], [sflag:$0x2], $0x7800, $0x38;
	[tilespmem:$0x7C00] =	vst v63  }
0x65: {  	_ =	swait.ge [sflag:s7], $0x7800  }
0x66: {  	[sflag:s7] =	ssyncset.done $0x0  }
0x67: {  	s26 =	sadd.s32 $0xF00, s26;
	s25 =	sadd.s32 $0x80, s25;
	[sflag:s7] =	ssyncadd.s32 $0xFFFF8800  }
0x68: {  	s24 =	sadd.s32 $0x1, s24  }
0x69: {  	p0 =	sne.s32 s24, s5  }
.Ltmp1:
0x6a: {  	_ = 	snop;
	(pc) =	sbr.rel @p0 .LBB2_1-.Ltmp1, $1  }
0x6b: {  	_ =	sdelay $0x3  }
0x6c: {  	_ =	sfence.sel $0x180000  }
0x6d: {  	[bflag:$0x0] =	sbarrier.arrive $0xFFFF  }
0x6e: {  	p0 =	sne.s32 s2, $0x0;
	_ =	strace $0x90000053  }
0x6f: {  	s0 =	sadd.s32 @!p0 $0x100000, s0;
	[bflag:$0x2] =	sbarrier.arrive $0xFFFF  }
0x70: {  	[sflag:s0] =	ssyncadd.tile.s32 @!p0 $0x1;
	_ =	shalt  }
.Lfunc_end2:
_tile_overlayer_lowered:
.L_overlay_start_2:
0x71: {  	(tag) =	ssettag $0x2  }
0x72: {  	s0 =	rddreg [dreg:$0x0];
	s2 =	stileid.u32  }
0x73: {  	s1 =	rddreg [dreg:$0x1];
	p0 =	sne.s32 s2, $0x0  }
0x74: {  	s3 =	rddreg [dreg:$0x2];
	[bflag:$0x3] =	sbarrier.arrive $0xFFFF;
	s2 =	simm.s32 @!p0 $0x1C02  }
0x75: {  	[timem:s3], [sflag:s2] =	dma.local @!p0 [hbm:s0], s1  }
0x76: {  	s0 =	simm.s32 @!p0 $0x2  }
0x77: {  	_ =	swait.ge @!p0 [sflag:s0], s1  }
0x78: {  	s1 =	ssub.s32 @!p0 $0x0, s1;
	[sflag:s0] =	ssyncset.done @!p0 $0x0  }
0x79: {  	[sflag:s0] =	ssyncadd.s32 @!p0 s1  }
0x7a: {  	[bflag:$0x3] =	sbarrier.arrive $0xFFFF  }
0x7b: {  	_ =	shalt  }

// kernel: kernel.34.cloned.1.call-start
scs
__scs_entry_jumppad:
0x0: {  	(pc) =	sbr.rel $0x88, $3  }
0x1: {  	(tag) =	ssettag $0x0;
	lr =	simm.s32 $0x1  }
0x2: {  	[smem:$0x3F7F] =	sst lr;
	_ =	strace $0xD0000000  }
0x3: {  	_ = 	snop  }
0x4: {  	_ = 	snop  }
0x5: {  	_ = 	snop  }
0x6: {  	_ = 	snop  }
0x7: {  	_ = 	snop  }
__scs_overlays_trampoline_lowered:
0x8: {  	[smem:$0x3F8E] =	sst s0  }
0x9: {  	[smem:$0x3F8F] =	sst s1  }
0xa: {  	[smem:$0x3F90] =	sst s2  }
0xb: {  	[smem:$0x3F91] =	sst s3  }
0xc: {  	[smem:$0x3F92] =	sst s4  }
0xd: {  	[smem:$0x3F93] =	sst s5  }
0xe: {  	[smem:$0x3F94] =	sst s6  }
0xf: {  	[smem:$0x3F95] =	sst s7  }
0x10: {  	[smem:$0x3F96] =	sst s8  }
0x11: {  	[smem:$0x3F97] =	sst s9;
	s0 =	simm.s32 @!p0 $0x0  }
0x12: {  	s1 =	sld [smem:$0x3F7D];
	s0 =	simm.s32 @p0 $0x1  }
0x13: {  	[smem:$0x3F98] =	sst s0;
	s0 =	simm.s32 @!p1 $0x0  }
0x14: {  	s2 =	sld [smem:$0x3F7C];
	s0 =	simm.s32 @p1 $0x1  }
0x15: {  	[smem:$0x3F99] =	sst s0;
	s0 =	simm.s32 @!p2 $0x0  }
0x16: {  	s3 =	sld [smem:$0x3FDB];
	s0 =	simm.s32 @p2 $0x1  }
0x17: {  	s4 =	simm.s32 $0x1BF5;
	[smem:$0x3F9B] =	sst s0  }
0x18: {  	s0 =	sld [smem:$0x3F7E];
	_ =	swait.ge [sflag:s4], $0x0  }
0x19: {  	s7 =	sld [smem:$0x3F7F]  }
0x1a: {  	s8 =	sadd.s32 $0xFFFFE003, lr  }
0x1b: {  	s9 =	sadd.s32 $0xFFFFFEF7, lr;
	s5 =	simm.s32 $0xFFFFFFFF;
	p2 =	slt.u32 s8, $0xFFFFF086  }
0x1c: {  	p1 =	slt.u32 s9, $0xF7A;
	s5 =	simm.s32 @!p2 $0x0  }
0x1d: {  	s5 =	simm.s32 @p1 $0x1;
	p0 =	seq.s32 s7, s2  }
0x1e: {  	s7 =	smul.u32 @!p0 $0xF7A, s2;
	p2 =	seq.s32 @!p0 s5, $0x0  }
0x1f: {  	s9 =	smul.u32 $0xF7A, s1;
	s8 =	simm.s32 @!p0 $0x1BF5;
	p2 =	por !p2, p0  }
0x20: {  	[sflag:s8] =	ssyncset.s32 @!p0 $0xFFFFF086;
	s6 =	sadd.s32 @!p0 s3, s7;
	s7 =	simm.s32 @!p0 $0x108  }
0x21: {  	s3 =	sadd.s32 s3, s9;
	s6 =	sadd.s32 @!p0 $0x88, s6;
	s7 =	simm.s32 @p2 $0x1082  }
0x22: {  	[simem:s7], [sflag:s8] =	dma.local @!p0 [hbm:s6], $0xF7A  }
0x23: {  	s9 =	sor.u32 $0xD0000000, s2;
	s6 =	simm.s32 $0x108;
	_ =	swait.ge @!p0 [sflag:s8], $0x0  }
0x24: {  	s3 =	sadd.s32 $0x88, s3;
	s6 =	simm.s32 @!p1 $0x1082;
	[sflag:s4] =	ssyncset.s32 $0xFFFFF086  }
0x25: {  	[simem:s6], [sflag:s4] =	dma.local [hbm:s3], $0xF7A  }
0x26: {  	[smem:$0x3F7F] =	sst s1;
	(tag) =	ssettag s2;
	_ =	strace s9  }
0x27: {  	s1 =	sld [smem:$0x3F8F]  }
0x28: {  	s2 =	sld [smem:$0x3F90]  }
0x29: {  	s4 =	sld [smem:$0x3F92]  }
0x2a: {  	p0 =	seq.s32 s5, $0x0;
	s5 =	sld [smem:$0x3F93]  }
0x2b: {  	s6 =	sld [smem:$0x3F94]  }
0x2c: {  	s7 =	sld [smem:$0x3F95]  }
0x2d: {  	s3 =	simm.s32 $0x108;
	s8 =	sld [smem:$0x3F96]  }
0x2e: {  	s3 =	simm.s32 @!p0 $0x1082;
	s9 =	sld [smem:$0x3F97]  }
0x2f: {  	lr =	sadd.s32 s0, s3;
	s0 =	sld [smem:$0x3F8E]  }
0x30: {  	s3 =	sld [smem:$0x3F91]  }
0x31: {  	[smem:$0x3F9A] =	sst s10  }
0x32: {  	s10 =	sld [smem:$0x3F98];
	_ =	sdelay $0x3  }
0x33: {  	p0 =	seq.s32 s10, $0x1;
	s10 =	sld [smem:$0x3F9A];
	_ =	sdelay $0x3  }
0x34: {  	[smem:$0x3F9A] =	sst s10  }
0x35: {  	s10 =	sld [smem:$0x3F99];
	_ =	sdelay $0x3  }
0x36: {  	p1 =	seq.s32 s10, $0x1;
	s10 =	sld [smem:$0x3F9A];
	_ =	sdelay $0x3  }
0x37: {  	[smem:$0x3F9A] =	sst s10  }
0x38: {  	s10 =	sld [smem:$0x3F9B]  }
0x39: {  	_ = 	snop;
	(pc) =	sbr.ind lr, $3  }
0x3a: {  	_ = 	snop  }
0x3b: {  	_ = 	snop  }
0x3c: {  	p2 =	seq.s32 s10, $0x1;
	s10 =	sld [smem:$0x3F9A]  }
0x3d: {  	_ =	shalt  }
0x3e: {  	_ =	shalt  }
0x3f: {  	_ =	shalt  }
0x40: {  	_ =	shalt  }
0x41: {  	_ =	shalt  }
0x42: {  	_ =	shalt  }
0x43: {  	_ =	shalt  }
0x44: {  	_ =	shalt  }
0x45: {  	_ =	shalt  }
0x46: {  	_ =	shalt  }
0x47: {  	_ =	shalt  }
0x48: {  	_ =	shalt  }
0x49: {  	_ =	shalt  }
0x4a: {  	_ =	shalt  }
0x4b: {  	_ =	shalt  }
0x4c: {  	_ =	shalt  }
0x4d: {  	_ =	shalt  }
0x4e: {  	_ =	shalt  }
0x4f: {  	_ =	shalt  }
0x50: {  	_ =	shalt  }
0x51: {  	_ =	shalt  }
0x52: {  	_ =	shalt  }
0x53: {  	_ =	shalt  }
0x54: {  	_ =	shalt  }
0x55: {  	_ =	shalt  }
0x56: {  	_ =	shalt  }
0x57: {  	_ =	shalt  }
0x58: {  	_ =	shalt  }
0x59: {  	_ =	shalt  }
0x5a: {  	_ =	shalt  }
0x5b: {  	_ =	shalt  }
0x5c: {  	_ =	shalt  }
0x5d: {  	_ =	shalt  }
0x5e: {  	_ =	shalt  }
0x5f: {  	_ =	shalt  }
0x60: {  	_ =	shalt  }
0x61: {  	_ =	shalt  }
0x62: {  	_ =	shalt  }
0x63: {  	_ =	shalt  }
0x64: {  	_ =	shalt  }
0x65: {  	_ =	shalt  }
0x66: {  	_ =	shalt  }
0x67: {  	_ =	shalt  }
0x68: {  	_ =	shalt  }
0x69: {  	_ =	shalt  }
0x6a: {  	_ =	shalt  }
0x6b: {  	_ =	shalt  }
0x6c: {  	_ =	shalt  }
0x6d: {  	_ =	shalt  }
0x6e: {  	_ =	shalt  }
0x6f: {  	_ =	shalt  }
0x70: {  	_ =	shalt  }
0x71: {  	_ =	shalt  }
0x72: {  	_ =	shalt  }
0x73: {  	_ =	shalt  }
0x74: {  	_ =	shalt  }
0x75: {  	_ =	shalt  }
0x76: {  	_ =	shalt  }
0x77: {  	_ =	shalt  }
0x78: {  	_ =	shalt  }
0x79: {  	_ =	shalt  }
0x7a: {  	_ =	shalt  }
0x7b: {  	_ =	shalt  }
0x7c: {  	_ =	shalt  }
0x7d: {  	_ =	shalt  }
0x7e: {  	_ =	shalt  }
0x7f: {  	_ =	shalt  }
0x80: {  	_ =	shalt  }
0x81: {  	_ =	shalt  }
0x82: {  	_ =	shalt  }
0x83: {  	_ =	shalt  }
0x84: {  	_ =	shalt  }
0x85: {  	_ =	shalt  }
0x86: {  	_ =	shalt  }
0x87: {  	_ =	shalt  }
.Lfunc_end0:
.L_simem_size_0:
called_computation.4_lowered:
.L_overlay_start_0:
0x88: {  	s2 =	sld [smem:$0x3FD9]  }
0x89: {  	s3 =	sld [smem:$0x3FFE];
	_ =	sdelay $0x1  }
0x8a: {  	s1 =	srdreg.scid  }
0x8b: {  	s0 =	sand.u32 $0x1, s1  }
0x8c: {  	s16 =	sshll.u32 s0, $0xA;
	s2 =	sadd.s32 s3, s2  }
0x8d: {  	s2 =	sadd.s32 s2, s16  }
0x8e: {  	[smem:$0x3FA6] =	sst s2  }
0x8f: {  	_ = 	snop  }
0x90: {  	(tm) =	ssettm $0x1  }
0x91: {  	s17 =	sld [smem:$0x3FFB];
	_ =	sdelay $0x3  }
0x92: {  	_ =	strace s17  }
0x93: {  	s2 =	sld [smem:$0x3FFC];
	_ =	sdelay $0x3  }
0x94: {  	_ =	strace s2  }
0x95: {  	s2 =	sld [smem:$0x3FFD];
	_ =	sdelay $0x3  }
0x96: {  	_ =	strace s2  }
0x97: {  	_ =	strace $0x8FFFFFFF  }
0x98: {  	s18 =	sld [smem:$0x3FDB];
	_ =	sdelay $0x1  }
0x99: {  	s19 =	simm.s32 $_scs_section_size  }
0x9a: {  	s4 =	simm.s32 $_size__tile_overlayer_lowered;
	s5 =	simm.s32 $_tile_overlayer_lowered  }
0x9b: {  	s22 =	simm.s32 $0x1BFF;
	s21 =	sshll.u32 s5, $0x1;
	s2 =	sadd.s32 s19, s18  }
0x9c: {  	s6 =	simm.s32 $0x0;
	s20 =	sshll.u32 s4, $0x1;
	s4 =	sadd.s32 s21, s2  }
0x9d: {  	[timem:s6], [sflag:s22] =	dma.local [hbm:s4], s20  }
0x9e: {  	_ =	swait.ge [sflag:s22], s20  }
0x9f: {  	s3 =	ssub.s32 $0x0, s20;
	[sflag:s22] =	ssyncset.done $0x0  }
0xa0: {  	[sflag:s22] =	ssyncadd.s32 s3;
	_ =	sdelay $0x1  }
0xa1: {  	s23 =	simm.s32 $0x1B8B  }
0xa2: {  	_ =	swait.ge [sflag:s23], $0x1  }
0xa3: {  	[sflag:s23] =	ssyncset.done $0x0  }
0xa4: {  	s25 =	simm.s32 $0x1B8E;
	s24 =	sld [smem:$0x3FFE];
	[sflag:s23] =	ssyncadd.s32 $0xFFFFFFFF  }
0xa5: {  	s26 =	simm.s32 $execute0_lowered;
	[smem:$0x3FD2] =	sst s25  }
0xa6: {  	s4 =	sshll.u32 s26, $0x1;
	_ =	strace $0x8000004F;
	[dreg:$0x1] =	wrdreg $0xFFFFFFFF  }
0xa7: {  	s28 =	simm.s32 $_size_execute0_lowered;
	s2 =	sadd.s32 s2, s4;
	[dreg:$0x0] =	wrdreg $0x0  }
0xa8: {  	s4 =	sshll.u32 s28, $0x1;
	[dreg:$0x2] =	wrdreg s2  }
0xa9: {  	[dreg:$0x3] =	wrdreg s4  }
0xaa: {  	[dreg:$0x4] =	wrdreg $0xC0  }
0xab: {  	_ =	task [dreg:s6], $0x5FFFF  }
0xac: {  	[dreg:$0x1] =	wrdreg $0xFFFFFFFF  }
0xad: {  	[dreg:$0x0] =	wrdreg $0x60  }
0xae: {  	[dreg:$0x2] =	wrdreg s24  }
0xaf: {  	[dreg:$0x3] =	wrdreg $0xA  }
0xb0: {  	_ =	task.clear_ibuf [dreg:s6], $0x4FFFF;
	_ =	strace $0x9000004F  }
0xb1: {  	s29 =	simm.s32 $0xA;
	_ =	strace $0x80000051  }
0xb2: {  	_ =	swait.ge [sflag:s29], $0x1  }
0xb3: {  	[sflag:s29] =	ssyncadd.s32 $0xFFFFFFFF  }
0xb4: {  	_ =	strace $0x90000051  }
0xb5: {  	_ =	sfence  }
0xb6: {  	s30 =	sld [smem:$0x0];
	_ =	sdelay $0x2  }
0xb7: {  	s31 =	sshll.u32 s1, $0xD;
	s1 =	sshrl.u32 s1, $0x2  }
0xb8: {  	s3 =	sand.u32 $0x4000, s31;
	s1 =	sadd.s32 s1, s30  }
0xb9: {  	s0 =	sor.u32 s3, s0;
	s1 =	sshll.u32 s1, $0x11  }
0xba: {  	s0 =	sor.u32 s1, s0  }
0xbb: {  	s0 =	sadd.s32 $0x8F2B, s0  }
0xbc: {  	[sflag:s0] =	ssyncadd.remote.s32 $0x1  }
0xbd: {  	_ =	sfence.sel $0xFFFF  }
0xbe: {  	[dreg:$0x0] =	wrdreg $0xFFFFFFFF;
	(pc) =	sbr.abs _section_cstart, $3  }
0xbf: {  	[dreg:$0x1] =	wrdreg $0xFFFFFFFF  }
0xc0: {  	_ =	task.clear_ibuf [dreg:s6], $0x2FFFF;
	_ =	strace $0x9FFFFFFF  }
0xc1: {  	(tm) =	ssettm $0x7FFFFFFF  }
tec
execute0_lowered:
.L_overlay_start_1:
0x0: {  	(tag) =	ssettag $0x1  }
0x1: {  	s4 =	rddreg [dreg:$0x0]  }
0x2: {  	s0 =	rddreg [dreg:$0x1]  }
0x3: {  	s1 =	simm.s32 $0x0;
	s5 =	srdreg.scid;
	s2 =	stileid.u32  }
0x4: {  	s10 =	simm.s32 $0x1400;
	s11 =	simm.s32 $0x1C00;
	s12 =	simm.s32 $0x2400  }
0x5: {  	s13 =	simm.s32 $0x2C00;
	s14 =	simm.s32 $0x3400;
	s15 =	simm.s32 $0x3C00  }
0x6: {  	s16 =	simm.s32 $0x4400;
	s17 =	simm.s32 $0x4C00;
	s18 =	simm.s32 $0x5400  }
0x7: {  	s19 =	simm.s32 $0x5C00;
	s20 =	simm.s32 $0x6400;
	s21 =	simm.s32 $0x6C00  }
0x8: {  	s22 =	simm.s32 $0x7400;
	s23 =	simm.s32 $0x1;
	s24 =	simm.s32 $0x0  }
0x9: {  	[smem:$0x7FF] =	sst s1;
	s3 =	sadd.s32 $0x8B800, s4;
	s5 =	sand.u32 $0x1, s5  }
0xa: {  	s6 =	sshll.u32 s2, $0x8;
	s7 =	smul.u32 $0xF000, s2;
	_ =	strace $0x80000050  }
0xb: {  	s8 =	sshll.u32 s5, $0x7;
	s9 =	ssub.s32 $0x2, s5;
	s5 =	smul.u32 $0x7800, s5  }
0xc: {  	s6 =	sor.u32 s8, s6;
	s7 =	sadd.s32 s7, s4;
	s30 =	sshrl.u32 s9, $0x1  }
0xd: {  	v2 =	vlaneseq.u32;
	s8 =	simm.s32 $0x400;
	s4 =	sadd.s32 s6, s4;
	s31 =	ssub.s32 s9, s30  }
0xe: {  	vm0 =	vmmov $0xffff;
	v1 =	vshrl.u32 v2, $0x3;
	s7 =	sadd.s32 s5, s7;
	s9 =	simm.s32 $0xC00;
	s4 =	sadd.s32 $0xF000, s4  }
0xf: {  	v0 =	vand.u32 $0x7, v2;
	v2 =	vor.u32 $0x8, v2;
	v1 =	vmul.u32 $0x8, v1;
	s5 =	smax.u32 s31, $0x1;
	s6 =	sadd.s32 $0x174600, s7;
	s7 =	simm.s32 $0x2  }
.LBB2_1:
0x10: {  	[tilespmem:s1], [sflag:$0x2] =	stream.linear.gather [hbm4b:s4+s1], $0x400, $0x38;
	[tilespmem:$0x7C00] =	vst v63  }
0x11: {  	_ =	swait.ge [sflag:s7], $0x400  }
0x12: {  	[sflag:s7] =	ssyncset.done $0x0  }
0x13: {  	s25 =	simm.s32 $0x40;
	s26 =	simm.s32 $0x0;
	[sflag:s7] =	ssyncadd.s32 $0xFFFFFC00  }
.LBB2_2:
0x14: {  	v3 =	vld [tilespmem:s25+$0xFFFFFFC0];
	_ =	sdelay $0x4  }
0x15: {  	v4 =	vshll.u32 v3, $0x1  }
0x16: {  	v3 =	vand.u32 $0x7, v3;
	v4 =	vand.u32 $0xFFFFFFF0, v4  }
0x17: {  	v3 =	vor.u32 v3, v4  }
0x18: {  	v4 =	vperm.xlane v3, v0;
	_ =	sdelay $0x1  }
0x19: {  	v3 =	vperm.xlane v3, v2;
	v4 =	vadd.s32 v1, v4;
	_ =	sdelay $0x1  }
0x1a: {  	v3 =	vadd.s32 v1, v3;
	_ =	sdelay $0x2  }
0x1b: {  	[tilespmem:s8], [sflag:$0x1] =	stream.indirect_vreg.gather [hbm4b:s3+s1], $0x80, v4, vm0, $0xb8;
	[tilespmem:$0x7C00] =	vst v63  }
0x1c: {  	_ = 	snop  }
0x1d: {  	[tilespmem:s9], [sflag:$0x1] =	stream.indirect_vreg.gather [hbm4b:s3+s1], $0x80, v3, vm0, $0xb8;
	[tilespmem:$0x7C00] =	vst v63  }
0x1e: {  	v3 =	vld [tilespmem:s25+$0xFFFFFFD0];
	_ =	sdelay $0x4  }
0x1f: {  	v57 =	vshll.u32 v3, $0x1  }
0x20: {  	v3 =	vand.u32 $0x7, v3;
	v4 =	vand.u32 $0xFFFFFFF0, v57  }
0x21: {  	v3 =	vor.u32 v3, v4  }
0x22: {  	v4 =	vperm.xlane v3, v0;
	_ =	sdelay $0x1  }
0x23: {  	v3 =	vperm.xlane v3, v2;
	v4 =	vadd.s32 v1, v4;
	_ =	sdelay $0x1  }
0x24: {  	v3 =	vadd.s32 v1, v3;
	_ =	sdelay $0x2  }
0x25: {  	[tilespmem:s10], [sflag:$0x1] =	stream.indirect_vreg.gather [hbm4b:s3+s1], $0x80, v4, vm0, $0xb8;
	[tilespmem:$0x7C00] =	vst v63  }
0x26: {  	_ = 	snop  }
0x27: {  	[tilespmem:s11], [sflag:$0x1] =	stream.indirect_vreg.gather [hbm4b:s3+s1], $0x80, v3, vm0, $0xb8;
	[tilespmem:$0x7C00] =	vst v63  }
0x28: {  	v3 =	vld [tilespmem:s25+$0xFFFFFFE0];
	_ =	sdelay $0x4  }
0x29: {  	v58 =	vshll.u32 v3, $0x1  }
0x2a: {  	v3 =	vand.u32 $0x7, v3;
	v4 =	vand.u32 $0xFFFFFFF0, v58  }
0x2b: {  	v3 =	vor.u32 v3, v4  }
0x2c: {  	v4 =	vperm.xlane v3, v0;
	_ =	sdelay $0x1  }
0x2d: {  	v3 =	vperm.xlane v3, v2;
	v4 =	vadd.s32 v1, v4;
	_ =	sdelay $0x1  }
0x2e: {  	v3 =	vadd.s32 v1, v3;
	_ =	sdelay $0x2  }
0x2f: {  	[tilespmem:s12], [sflag:$0x1] =	stream.indirect_vreg.gather [hbm4b:s3+s1], $0x80, v4, vm0, $0xb8;
	[tilespmem:$0x7C00] =	vst v63  }
0x30: {  	_ = 	snop  }
0x31: {  	[tilespmem:s13], [sflag:$0x1] =	stream.indirect_vreg.gather [hbm4b:s3+s1], $0x80, v3, vm0, $0xb8;
	[tilespmem:$0x7C00] =	vst v63  }
0x32: {  	v3 =	vld [tilespmem:s25+$0xFFFFFFF0];
	_ =	sdelay $0x4  }
0x33: {  	v59 =	vshll.u32 v3, $0x1  }
0x34: {  	v3 =	vand.u32 $0x7, v3;
	v4 =	vand.u32 $0xFFFFFFF0, v59  }
0x35: {  	v3 =	vor.u32 v3, v4  }
0x36: {  	v4 =	vperm.xlane v3, v0;
	_ =	sdelay $0x1  }
0x37: {  	v3 =	vperm.xlane v3, v2;
	v4 =	vadd.s32 v1, v4;
	_ =	sdelay $0x1  }
0x38: {  	v3 =	vadd.s32 v1, v3;
	_ =	sdelay $0x2  }
0x39: {  	[tilespmem:s14], [sflag:$0x1] =	stream.indirect_vreg.gather [hbm4b:s3+s1], $0x80, v4, vm0, $0xb8;
	[tilespmem:$0x7C00] =	vst v63  }
0x3a: {  	_ = 	snop  }
0x3b: {  	[tilespmem:s15], [sflag:$0x1] =	stream.indirect_vreg.gather [hbm4b:s3+s1], $0x80, v3, vm0, $0xb8;
	[tilespmem:$0x7C00] =	vst v63  }
0x3c: {  	v3 =	vld [tilespmem:s25+$0x0];
	_ =	sdelay $0x4  }
0x3d: {  	v60 =	vshll.u32 v3, $0x1  }
0x3e: {  	v3 =	vand.u32 $0x7, v3;
	v4 =	vand.u32 $0xFFFFFFF0, v60  }
0x3f: {  	v3 =	vor.u32 v3, v4  }
0x40: {  	v4 =	vperm.xlane v3, v0;
	_ =	sdelay $0x1  }
0x41: {  	v3 =	vperm.xlane v3, v2;
	v4 =	vadd.s32 v1, v4;
	_ =	sdelay $0x1  }
0x42: {  	v3 =	vadd.s32 v1, v3;
	_ =	sdelay $0x2  }
0x43: {  	[tilespmem:s16], [sflag:$0x1] =	stream.indirect_vreg.gather [hbm4b:s3+s1], $0x80, v4, vm0, $0xb8;
	[tilespmem:$0x7C00] =	vst v63  }
0x44: {  	_ = 	snop  }
0x45: {  	[tilespmem:s17], [sflag:$0x1] =	stream.indirect_vreg.gather [hbm4b:s3+s1], $0x80, v3, vm0, $0xb8;
	[tilespmem:$0x7C00] =	vst v63  }
0x46: {  	v3 =	vld [tilespmem:s25+$0x10];
	_ =	sdelay $0x4  }
0x47: {  	v61 =	vshll.u32 v3, $0x1  }
0x48: {  	v3 =	vand.u32 $0x7, v3;
	v4 =	vand.u32 $0xFFFFFFF0, v61  }
0x49: {  	v3 =	vor.u32 v3, v4  }
0x4a: {  	v4 =	vperm.xlane v3, v0;
	_ =	sdelay $0x1  }
0x4b: {  	v3 =	vperm.xlane v3, v2;
	v4 =	vadd.s32 v1, v4;
	_ =	sdelay $0x1  }
0x4c: {  	v3 =	vadd.s32 v1, v3;
	_ =	sdelay $0x2  }
0x4d: {  	[tilespmem:s18], [sflag:$0x1] =	stream.indirect_vreg.gather [hbm4b:s3+s1], $0x80, v4, vm0, $0xb8;
	[tilespmem:$0x7C00] =	vst v63  }
0x4e: {  	_ = 	snop  }
0x4f: {  	[tilespmem:s19], [sflag:$0x1] =	stream.indirect_vreg.gather [hbm4b:s3+s1], $0x80, v3, vm0, $0xb8;
	[tilespmem:$0x7C00] =	vst v63  }
0x50: {  	v3 =	vld [tilespmem:s25+$0x20];
	_ =	sdelay $0x4  }
0x51: {  	v62 =	vshll.u32 v3, $0x1  }
0x52: {  	v3 =	vand.u32 $0x7, v3;
	v4 =	vand.u32 $0xFFFFFFF0, v62  }
0x53: {  	v3 =	vor.u32 v3, v4  }
0x54: {  	v4 =	vperm.xlane v3, v0;
	_ =	sdelay $0x1  }
0x55: {  	v3 =	vperm.xlane v3, v2;
	v4 =	vadd.s32 v1, v4;
	_ =	sdelay $0x1  }
0x56: {  	v3 =	vadd.s32 v1, v3;
	_ =	sdelay $0x2  }
0x57: {  	[tilespmem:s20], [sflag:$0x1] =	stream.indirect_vreg.gather [hbm4b:s3+s1], $0x80, v4, vm0, $0xb8;
	[tilespmem:$0x7C00] =	vst v63  }
0x58: {  	_ = 	snop  }
0x59: {  	[tilespmem:s21], [sflag:$0x1] =	stream.indirect_vreg.gather [hbm4b:s3+s1], $0x80, v3, vm0, $0xb8;
	[tilespmem:$0x7C00] =	vst v63  }
0x5a: {  	v3 =	vld.msk [tilespmem:s25+$0x30], $0xff;
	_ =	sdelay $0x4  }
0x5b: {  	v63 =	vshll.u32 v3, $0x1  }
0x5c: {  	v3 =	vand.u32 $0x7, v3;
	v4 =	vand.u32 $0xFFFFFFF0, v63  }
0x5d: {  	v3 =	vor.u32 v3, v4  }
0x5e: {  	v3 =	vperm.xlane v3, v0;
	_ =	sdelay $0x1  }
0x5f: {  	v3 =	vadd.s32 v1, v3;
	_ =	sdelay $0x4  }
0x60: {  	[tilespmem:s22], [sflag:$0x1] =	stream.indirect_vreg.gather [hbm4b:s3+s1], $0x80, v3, vm0, $0xb8;
	[tilespmem:$0x7C00] =	vst v63  }
0x61: {  	_ =	swait.ge [sflag:s23], $0x7800  }
0x62: {  	p0 =	sne.s32 s26, $0x6900;
	[sflag:s23] =	ssyncset.done $0x0  }
.Ltmp0:
0x63: {  	s28 =	sadd.s32 s26, s6;
	[sflag:s23] =	ssyncadd.s32 $0xFFFF8800;
	(pc) =	sbr.rel @p0 .LBB2_2-.Ltmp0, $4  }
0x64: {  	[hbm4b:s28+s1] =	stream.linear.scatter [tilespmem:s8], [sflag:$0x2], $0x7800, $0x38;
	[tilespmem:$0x7C00] =	vst v63  }
0x65: {  	_ =	swait.ge [sflag:s7], $0x7800  }
0x66: {  	[sflag:s7] =	ssyncset.done $0x0  }
0x67: {  	s26 =	sadd.s32 $0xF00, s26;
	s25 =	sadd.s32 $0x80, s25;
	[sflag:s7] =	ssyncadd.s32 $0xFFFF8800  }
0x68: {  	s24 =	sadd.s32 $0x1, s24  }
0x69: {  	p0 =	sne.s32 s24, s5  }
.Ltmp1:
0x6a: {  	_ = 	snop;
	(pc) =	sbr.rel @p0 .LBB2_1-.Ltmp1, $1  }
0x6b: {  	_ =	sdelay $0x3  }
0x6c: {  	_ =	sfence.sel $0x180000  }
0x6d: {  	[bflag:$0x0] =	sbarrier.arrive $0xFFFF  }
0x6e: {  	p0 =	sne.s32 s2, $0x0;
	_ =	strace $0x90000050  }
0x6f: {  	s0 =	sadd.s32 @!p0 $0x100000, s0;
	[bflag:$0x2] =	sbarrier.arrive $0xFFFF  }
0x70: {  	[sflag:s0] =	ssyncadd.tile.s32 @!p0 $0x1;
	_ =	shalt  }
.Lfunc_end2:
_tile_overlayer_lowered:
.L_overlay_start_2:
0x71: {  	(tag) =	ssettag $0x2  }
0x72: {  	s0 =	rddreg [dreg:$0x0];
	s2 =	stileid.u32  }
0x73: {  	s1 =	rddreg [dreg:$0x1];
	p0 =	sne.s32 s2, $0x0  }
0x74: {  	s3 =	rddreg [dreg:$0x2];
	[bflag:$0x3] =	sbarrier.arrive $0xFFFF;
	s2 =	simm.s32 @!p0 $0x1C02  }
0x75: {  	[timem:s3], [sflag:s2] =	dma.local @!p0 [hbm:s0], s1  }
0x76: {  	s0 =	simm.s32 @!p0 $0x2  }
0x77: {  	_ =	swait.ge @!p0 [sflag:s0], s1  }
0x78: {  	s1 =	ssub.s32 @!p0 $0x0, s1;
	[sflag:s0] =	ssyncset.done @!p0 $0x0  }
0x79: {  	[sflag:s0] =	ssyncadd.s32 @!p0 s1  }
0x7a: {  	[bflag:$0x3] =	sbarrier.arrive $0xFFFF  }
0x7b: {  	_ =	shalt  }

// kernel: kernel.37.cloned.1.call-start
scs
__scs_entry_jumppad:
0x0: {  	(pc) =	sbr.rel $0x88, $3  }
0x1: {  	(tag) =	ssettag $0x0;
	lr =	simm.s32 $0x1  }
0x2: {  	[smem:$0x3F7F] =	sst lr;
	_ =	strace $0xD0000000  }
0x3: {  	_ = 	snop  }
0x4: {  	_ = 	snop  }
0x5: {  	_ = 	snop  }
0x6: {  	_ = 	snop  }
0x7: {  	_ = 	snop  }
__scs_overlays_trampoline_lowered:
0x8: {  	[smem:$0x3F8E] =	sst s0  }
0x9: {  	[smem:$0x3F8F] =	sst s1  }
0xa: {  	[smem:$0x3F90] =	sst s2  }
0xb: {  	[smem:$0x3F91] =	sst s3  }
0xc: {  	[smem:$0x3F92] =	sst s4  }
0xd: {  	[smem:$0x3F93] =	sst s5  }
0xe: {  	[smem:$0x3F94] =	sst s6  }
0xf: {  	[smem:$0x3F95] =	sst s7  }
0x10: {  	[smem:$0x3F96] =	sst s8  }
0x11: {  	[smem:$0x3F97] =	sst s9;
	s0 =	simm.s32 @!p0 $0x0  }
0x12: {  	s1 =	sld [smem:$0x3F7D];
	s0 =	simm.s32 @p0 $0x1  }
0x13: {  	[smem:$0x3F98] =	sst s0;
	s0 =	simm.s32 @!p1 $0x0  }
0x14: {  	s2 =	sld [smem:$0x3F7C];
	s0 =	simm.s32 @p1 $0x1  }
0x15: {  	[smem:$0x3F99] =	sst s0;
	s0 =	simm.s32 @!p2 $0x0  }
0x16: {  	s3 =	sld [smem:$0x3FDB];
	s0 =	simm.s32 @p2 $0x1  }
0x17: {  	s4 =	simm.s32 $0x1BF5;
	[smem:$0x3F9B] =	sst s0  }
0x18: {  	s0 =	sld [smem:$0x3F7E];
	_ =	swait.ge [sflag:s4], $0x0  }
0x19: {  	s7 =	sld [smem:$0x3F7F]  }
0x1a: {  	s8 =	sadd.s32 $0xFFFFE003, lr  }
0x1b: {  	s9 =	sadd.s32 $0xFFFFFEF7, lr;
	s5 =	simm.s32 $0xFFFFFFFF;
	p2 =	slt.u32 s8, $0xFFFFF086  }
0x1c: {  	p1 =	slt.u32 s9, $0xF7A;
	s5 =	simm.s32 @!p2 $0x0  }
0x1d: {  	s5 =	simm.s32 @p1 $0x1;
	p0 =	seq.s32 s7, s2  }
0x1e: {  	s7 =	smul.u32 @!p0 $0xF7A, s2;
	p2 =	seq.s32 @!p0 s5, $0x0  }
0x1f: {  	s9 =	smul.u32 $0xF7A, s1;
	s8 =	simm.s32 @!p0 $0x1BF5;
	p2 =	por !p2, p0  }
0x20: {  	[sflag:s8] =	ssyncset.s32 @!p0 $0xFFFFF086;
	s6 =	sadd.s32 @!p0 s3, s7;
	s7 =	simm.s32 @!p0 $0x108  }
0x21: {  	s3 =	sadd.s32 s3, s9;
	s6 =	sadd.s32 @!p0 $0x88, s6;
	s7 =	simm.s32 @p2 $0x1082  }
0x22: {  	[simem:s7], [sflag:s8] =	dma.local @!p0 [hbm:s6], $0xF7A  }
0x23: {  	s9 =	sor.u32 $0xD0000000, s2;
	s6 =	simm.s32 $0x108;
	_ =	swait.ge @!p0 [sflag:s8], $0x0  }
0x24: {  	s3 =	sadd.s32 $0x88, s3;
	s6 =	simm.s32 @!p1 $0x1082;
	[sflag:s4] =	ssyncset.s32 $0xFFFFF086  }
0x25: {  	[simem:s6], [sflag:s4] =	dma.local [hbm:s3], $0xF7A  }
0x26: {  	[smem:$0x3F7F] =	sst s1;
	(tag) =	ssettag s2;
	_ =	strace s9  }
0x27: {  	s1 =	sld [smem:$0x3F8F]  }
0x28: {  	s2 =	sld [smem:$0x3F90]  }
0x29: {  	s4 =	sld [smem:$0x3F92]  }
0x2a: {  	p0 =	seq.s32 s5, $0x0;
	s5 =	sld [smem:$0x3F93]  }
0x2b: {  	s6 =	sld [smem:$0x3F94]  }
0x2c: {  	s7 =	sld [smem:$0x3F95]  }
0x2d: {  	s3 =	simm.s32 $0x108;
	s8 =	sld [smem:$0x3F96]  }
0x2e: {  	s3 =	simm.s32 @!p0 $0x1082;
	s9 =	sld [smem:$0x3F97]  }
0x2f: {  	lr =	sadd.s32 s0, s3;
	s0 =	sld [smem:$0x3F8E]  }
0x30: {  	s3 =	sld [smem:$0x3F91]  }
0x31: {  	[smem:$0x3F9A] =	sst s10  }
0x32: {  	s10 =	sld [smem:$0x3F98];
	_ =	sdelay $0x3  }
0x33: {  	p0 =	seq.s32 s10, $0x1;
	s10 =	sld [smem:$0x3F9A];
	_ =	sdelay $0x3  }
0x34: {  	[smem:$0x3F9A] =	sst s10  }
0x35: {  	s10 =	sld [smem:$0x3F99];
	_ =	sdelay $0x3  }
0x36: {  	p1 =	seq.s32 s10, $0x1;
	s10 =	sld [smem:$0x3F9A];
	_ =	sdelay $0x3  }
0x37: {  	[smem:$0x3F9A] =	sst s10  }
0x38: {  	s10 =	sld [smem:$0x3F9B]  }
0x39: {  	_ = 	snop;
	(pc) =	sbr.ind lr, $3  }
0x3a: {  	_ = 	snop  }
0x3b: {  	_ = 	snop  }
0x3c: {  	p2 =	seq.s32 s10, $0x1;
	s10 =	sld [smem:$0x3F9A]  }
0x3d: {  	_ =	shalt  }
0x3e: {  	_ =	shalt  }
0x3f: {  	_ =	shalt  }
0x40: {  	_ =	shalt  }
0x41: {  	_ =	shalt  }
0x42: {  	_ =	shalt  }
0x43: {  	_ =	shalt  }
0x44: {  	_ =	shalt  }
0x45: {  	_ =	shalt  }
0x46: {  	_ =	shalt  }
0x47: {  	_ =	shalt  }
0x48: {  	_ =	shalt  }
0x49: {  	_ =	shalt  }
0x4a: {  	_ =	shalt  }
0x4b: {  	_ =	shalt  }
0x4c: {  	_ =	shalt  }
0x4d: {  	_ =	shalt  }
0x4e: {  	_ =	shalt  }
0x4f: {  	_ =	shalt  }
0x50: {  	_ =	shalt  }
0x51: {  	_ =	shalt  }
0x52: {  	_ =	shalt  }
0x53: {  	_ =	shalt  }
0x54: {  	_ =	shalt  }
0x55: {  	_ =	shalt  }
0x56: {  	_ =	shalt  }
0x57: {  	_ =	shalt  }
0x58: {  	_ =	shalt  }
0x59: {  	_ =	shalt  }
0x5a: {  	_ =	shalt  }
0x5b: {  	_ =	shalt  }
0x5c: {  	_ =	shalt  }
0x5d: {  	_ =	shalt  }
0x5e: {  	_ =	shalt  }
0x5f: {  	_ =	shalt  }
0x60: {  	_ =	shalt  }
0x61: {  	_ =	shalt  }
0x62: {  	_ =	shalt  }
0x63: {  	_ =	shalt  }
0x64: {  	_ =	shalt  }
0x65: {  	_ =	shalt  }
0x66: {  	_ =	shalt  }
0x67: {  	_ =	shalt  }
0x68: {  	_ =	shalt  }
0x69: {  	_ =	shalt  }
0x6a: {  	_ =	shalt  }
0x6b: {  	_ =	shalt  }
0x6c: {  	_ =	shalt  }
0x6d: {  	_ =	shalt  }
0x6e: {  	_ =	shalt  }
0x6f: {  	_ =	shalt  }
0x70: {  	_ =	shalt  }
0x71: {  	_ =	shalt  }
0x72: {  	_ =	shalt  }
0x73: {  	_ =	shalt  }
0x74: {  	_ =	shalt  }
0x75: {  	_ =	shalt  }
0x76: {  	_ =	shalt  }
0x77: {  	_ =	shalt  }
0x78: {  	_ =	shalt  }
0x79: {  	_ =	shalt  }
0x7a: {  	_ =	shalt  }
0x7b: {  	_ =	shalt  }
0x7c: {  	_ =	shalt  }
0x7d: {  	_ =	shalt  }
0x7e: {  	_ =	shalt  }
0x7f: {  	_ =	shalt  }
0x80: {  	_ =	shalt  }
0x81: {  	_ =	shalt  }
0x82: {  	_ =	shalt  }
0x83: {  	_ =	shalt  }
0x84: {  	_ =	shalt  }
0x85: {  	_ =	shalt  }
0x86: {  	_ =	shalt  }
0x87: {  	_ =	shalt  }
.Lfunc_end0:
.L_simem_size_0:
called_computation.5_lowered:
.L_overlay_start_0:
0x88: {  	s2 =	sld [smem:$0x3FD9]  }
0x89: {  	s3 =	sld [smem:$0x3FFE];
	_ =	sdelay $0x1  }
0x8a: {  	s1 =	srdreg.scid  }
0x8b: {  	s0 =	sand.u32 $0x1, s1  }
0x8c: {  	s16 =	sshll.u32 s0, $0xA;
	s2 =	sadd.s32 s3, s2  }
0x8d: {  	s2 =	sadd.s32 s2, s16  }
0x8e: {  	[smem:$0x3FA6] =	sst s2  }
0x8f: {  	_ = 	snop  }
0x90: {  	(tm) =	ssettm $0x1  }
0x91: {  	s17 =	sld [smem:$0x3FFB];
	_ =	sdelay $0x3  }
0x92: {  	_ =	strace s17  }
0x93: {  	s2 =	sld [smem:$0x3FFC];
	_ =	sdelay $0x3  }
0x94: {  	_ =	strace s2  }
0x95: {  	s2 =	sld [smem:$0x3FFD];
	_ =	sdelay $0x3  }
0x96: {  	_ =	strace s2  }
0x97: {  	_ =	strace $0x8FFFFFFF  }
0x98: {  	s18 =	sld [smem:$0x3FDB];
	_ =	sdelay $0x1  }
0x99: {  	s19 =	simm.s32 $_scs_section_size  }
0x9a: {  	s4 =	simm.s32 $_size__tile_overlayer_lowered;
	s5 =	simm.s32 $_tile_overlayer_lowered  }
0x9b: {  	s22 =	simm.s32 $0x1BFF;
	s21 =	sshll.u32 s5, $0x1;
	s2 =	sadd.s32 s19, s18  }
0x9c: {  	s6 =	simm.s32 $0x0;
	s20 =	sshll.u32 s4, $0x1;
	s4 =	sadd.s32 s21, s2  }
0x9d: {  	[timem:s6], [sflag:s22] =	dma.local [hbm:s4], s20  }
0x9e: {  	_ =	swait.ge [sflag:s22], s20  }
0x9f: {  	s3 =	ssub.s32 $0x0, s20;
	[sflag:s22] =	ssyncset.done $0x0  }
0xa0: {  	[sflag:s22] =	ssyncadd.s32 s3;
	_ =	sdelay $0x1  }
0xa1: {  	s23 =	simm.s32 $0x1B8B  }
0xa2: {  	_ =	swait.ge [sflag:s23], $0x1  }
0xa3: {  	[sflag:s23] =	ssyncset.done $0x0  }
0xa4: {  	s25 =	simm.s32 $0x1B8E;
	s24 =	sld [smem:$0x3FFE];
	[sflag:s23] =	ssyncadd.s32 $0xFFFFFFFF  }
0xa5: {  	s26 =	simm.s32 $execute0_lowered;
	[smem:$0x3FD2] =	sst s25  }
0xa6: {  	s4 =	sshll.u32 s26, $0x1;
	_ =	strace $0x80000055;
	[dreg:$0x1] =	wrdreg $0xFFFFFFFF  }
0xa7: {  	s28 =	simm.s32 $_size_execute0_lowered;
	s2 =	sadd.s32 s2, s4;
	[dreg:$0x0] =	wrdreg $0x0  }
0xa8: {  	s4 =	sshll.u32 s28, $0x1;
	[dreg:$0x2] =	wrdreg s2  }
0xa9: {  	[dreg:$0x3] =	wrdreg s4  }
0xaa: {  	[dreg:$0x4] =	wrdreg $0xC0  }
0xab: {  	_ =	task [dreg:s6], $0x5FFFF  }
0xac: {  	[dreg:$0x1] =	wrdreg $0xFFFFFFFF  }
0xad: {  	[dreg:$0x0] =	wrdreg $0x60  }
0xae: {  	[dreg:$0x2] =	wrdreg s24  }
0xaf: {  	[dreg:$0x3] =	wrdreg $0x50000  }
0xb0: {  	[dreg:$0x4] =	wrdreg $0x9  }
0xb1: {  	_ =	task.clear_ibuf [dreg:s6], $0x5FFFF;
	_ =	strace $0x90000055  }
0xb2: {  	s29 =	simm.s32 $0x9;
	_ =	strace $0x80000057  }
0xb3: {  	_ =	swait.ge [sflag:s29], $0x1  }
0xb4: {  	[sflag:s29] =	ssyncadd.s32 $0xFFFFFFFF  }
0xb5: {  	_ =	strace $0x90000057  }
0xb6: {  	_ =	sfence  }
0xb7: {  	s30 =	sld [smem:$0x0];
	_ =	sdelay $0x2  }
0xb8: {  	s31 =	sshll.u32 s1, $0xD;
	s1 =	sshrl.u32 s1, $0x2  }
0xb9: {  	s3 =	sand.u32 $0x4000, s31;
	s1 =	sadd.s32 s1, s30  }
0xba: {  	s0 =	sor.u32 s3, s0;
	s1 =	sshll.u32 s1, $0x11  }
0xbb: {  	s0 =	sor.u32 s1, s0  }
0xbc: {  	s0 =	sadd.s32 $0x8F2B, s0  }
0xbd: {  	[sflag:s0] =	ssyncadd.remote.s32 $0x1  }
0xbe: {  	_ =	sfence.sel $0xFFFF  }
0xbf: {  	[dreg:$0x0] =	wrdreg $0xFFFFFFFF;
	(pc) =	sbr.abs _section_cstart, $3  }
0xc0: {  	[dreg:$0x1] =	wrdreg $0xFFFFFFFF  }
0xc1: {  	_ =	task.clear_ibuf [dreg:s6], $0x2FFFF;
	_ =	strace $0x9FFFFFFF  }
0xc2: {  	(tm) =	ssettm $0x7FFFFFFF  }
0xc3: {  	_ =	shalt  }
tec
execute0_lowered:
.L_overlay_start_1:
0x0: {  	(tag) =	ssettag $0x1  }
0x1: {  	s5 =	rddreg [dreg:$0x0]  }
0x2: {  	s2 =	rddreg [dreg:$0x1]  }
0x3: {  	s0 =	rddreg [dreg:$0x2];
	s3 =	simm.s32 $0x0;
	s1 =	stileid.u32  }
0x4: {  	s6 =	srdreg.scid;
	s15 =	simm.s32 $0x400;
	s16 =	simm.s32 $0x1000  }
0x5: {  	s17 =	simm.s32 $0x80;
	s18 =	simm.s32 $0x8;
	s19 =	simm.s32 $0x100  }
0x6: {  	s20 =	simm.s32 $0x0;
	[smem:$0x7FF] =	sst s3;
	s4 =	smul.u32 $0xF000, s1  }
0x7: {  	s6 =	sand.u32 $0x1, s6;
	s7 =	smul.u32 $0x27800, s1;
	s25 =	sshll.u32 s1, $0x8  }
0x8: {  	s12 =	smul.u32 $0x4F000, s1;
	s13 =	sshll.u32 s1, $0x6;
	_ =	strace $0x80000056  }
0x9: {  	s9 =	sshll.u32 s6, $0xA;
	s10 =	sadd.s32 s25, s5;
	s28 =	ssub.s32 $0x2, s6  }
0xa: {  	s30 =	sshll.u32 s6, $0x7;
	s13 =	sor.u32 $0x1C01, s13;
	s8 =	sadd.s32 s4, s5  }
0xb: {  	s26 =	sor.u32 s9, s7;
	s11 =	sshrl.u32 s28, $0x1;
	s4 =	sadd.s32 $0x89000, s5  }
0xc: {  	s29 =	sshrl.u32 s12, $0x2;
	s6 =	sadd.s32 $0xD200, s10;
	s12 =	simm.s32 $0x800  }
0xd: {  	s9 =	sshrl.u32 s26, $0x3;
	s11 =	ssub.s32 s28, s11;
	s14 =	sadd.s32 s29, s2  }
0xe: {  	s31 =	sadd.s32 s30, s8;
	s9 =	sadd.s32 s9, s5;
	s5 =	sadd.s32 $0xFB600, s10  }
0xf: {  	s8 =	smax.u32 s11, $0x1;
	s10 =	sadd.s32 $0x354600, s31;
	s11 =	simm.s32 $0x1  }
0x10: {  	s14 =	sshrl.u32 s14, $0x3;
	s7 =	sadd.s32 $0x264600, s9;
	s9 =	sadd.s32 $0x174600, s31  }
.LBB2_1:
0x11: {  	[tilespmem:s3], [sflag:$0x1] =	stream.linear.gather [hbm4b:s5+s3], $0x780, $0x38;
	[tilespmem:$0x18C00] =	vst v63  }
0x12: {  	_ =	swait.ge [sflag:s11], $0x780  }
0x13: {  	[sflag:s11] =	ssyncset.done $0x0  }
0x14: {  	[sflag:s11] =	ssyncadd.s32 $0xFFFFF880  }
0x15: {  	[tilespmem:s12], [sflag:$0x1] =	stream.linear.gather [hbm4b:s6+s3], $0x780, $0x38;
	[tilespmem:$0x18C00] =	vst v63  }
0x16: {  	_ =	swait.ge [sflag:s11], $0x780  }
0x17: {  	[sflag:s11] =	ssyncset.done $0x0  }
0x18: {  	[sflag:s11] =	ssyncadd.s32 $0xFFFFF880  }
0x19: {  	[spmem:s14], [sflag:s13] =	dma.local [hbm:s4], $0x2780  }
0x1a: {  	_ =	swait.ge [sflag:s11], $0x2780  }
0x1b: {  	[sflag:s11] =	ssyncset.done $0x0  }
0x1c: {  	[sflag:s11] =	ssyncadd.s32 $0xFFFFD880  }
0x1d: {  	[bflag:$0x0] =	sbarrier.arrive $0xFFFF  }
0x1e: {  	[tilespmem:s16], [sflag:$0x1] =	stream.strided.gather [hbm4b:s9+s15], $0x4000, s12, s15, $0x38;
	[tilespmem:$0x18C00] =	vst v63  }
0x1f: {  	_ =	swait.ge [sflag:s11], $0x4000  }
0x20: {  	[sflag:s11] =	ssyncset.done $0x0  }
0x21: {  	s21 =	simm.s32 $0x0;
	[sflag:s11] =	ssyncadd.s32 $0xFFFFC000  }
0x22: {  	[spmem:s2] =	stream.indirect.scatter.add.f32 [tilespmem:s16], [sflag:$0x1], $0x80, s21, s17, $0xb8;
	[tilespmem:$0x18C00] =	vst v63  }
0x23: {  	_ =	swait.ge [sflag:s11], $0x4000  }
0x24: {  	s22 =	smov.u32 s9;
	s21 =	simm.s32 $0x200;
	[sflag:s11] =	ssyncset.done $0x0  }
.LBB2_2:
0x25: {  	p0 =	sne.s32 s21, $0x1C00;
	[sflag:s11] =	ssyncadd.s32 $0xFFFFC000;
	s22 =	sadd.s32 $0x1000, s22  }
0x26: {  	[tilespmem:s16], [sflag:$0x1] =	stream.strided.gather [hbm4b:s22+s15], $0x4000, s12, s15, $0x38;
	[tilespmem:$0x18C00] =	vst v63  }
0x27: {  	s23 =	smov.u32 s21;
	s21 =	sadd.s32 $0x200, s21;
	_ =	swait.ge [sflag:s11], $0x4000  }
.Ltmp0:
0x28: {  	[sflag:s11] =	ssyncset.done $0x0;
	(pc) =	sbr.rel @p0 .LBB2_2-.Ltmp0, $4  }
0x29: {  	s23 =	sshra.s32 s23, $0x2;
	[sflag:s11] =	ssyncadd.s32 $0xFFFFC000  }
0x2a: {  	[spmem:s2] =	stream.indirect.scatter.add.f32 [tilespmem:s16], [sflag:$0x1], $0x80, s23, s17, $0xb8;
	[tilespmem:$0x18C00] =	vst v63  }
0x2b: {  	_ =	swait.ge [sflag:s11], $0x4000  }
0x2c: {  	[sflag:s11] =	ssyncset.done $0x0  }
0x2d: {  	[sflag:s11] =	ssyncadd.s32 $0xFFFFC000  }
0x2e: {  	[tilespmem:s16], [sflag:$0x1] =	stream.strided.gather [hbm4b:s10+s15], $0x4000, s12, s15, $0x38;
	[tilespmem:$0x18C00] =	vst v63  }
0x2f: {  	_ =	swait.ge [sflag:s11], $0x4000  }
0x30: {  	[sflag:s11] =	ssyncset.done $0x0  }
0x31: {  	s21 =	simm.s32 $0x800;
	[sflag:s11] =	ssyncadd.s32 $0xFFFFC000  }
0x32: {  	[spmem:s2] =	stream.indirect.scatter.add.f32 [tilespmem:s16], [sflag:$0x1], $0x80, s21, s17, $0xb8;
	[tilespmem:$0x18C00] =	vst v63  }
0x33: {  	_ =	swait.ge [sflag:s11], $0x4000  }
0x34: {  	s22 =	smov.u32 s10;
	s21 =	simm.s32 $0x200;
	[sflag:s11] =	ssyncset.done $0x0  }
.LBB2_4:
0x35: {  	p0 =	sne.s32 s21, $0x1C00;
	[sflag:s11] =	ssyncadd.s32 $0xFFFFC000;
	s22 =	sadd.s32 $0x1000, s22  }
0x36: {  	[tilespmem:s16], [sflag:$0x1] =	stream.strided.gather [hbm4b:s22+s15], $0x4000, s12, s15, $0x38;
	[tilespmem:$0x18C00] =	vst v63  }
0x37: {  	s23 =	smov.u32 s21;
	s21 =	sadd.s32 $0x200, s21;
	_ =	swait.ge [sflag:s11], $0x4000  }
.Ltmp1:
0x38: {  	s23 =	sshra.s32 s23, $0x2;
	[sflag:s11] =	ssyncset.done $0x0;
	(pc) =	sbr.rel @p0 .LBB2_4-.Ltmp1, $4  }
0x39: {  	s23 =	sadd.s32 $0x800, s23;
	[sflag:s11] =	ssyncadd.s32 $0xFFFFC000  }
0x3a: {  	[spmem:s2] =	stream.indirect.scatter.add.f32 [tilespmem:s16], [sflag:$0x1], $0x80, s23, s17, $0xb8;
	[tilespmem:$0x18C00] =	vst v63  }
0x3b: {  	_ =	swait.ge [sflag:s11], $0x4000  }
0x3c: {  	[sflag:s11] =	ssyncset.done $0x0  }
0x3d: {  	s20 =	sadd.s32 $0x1, s20  }
0x3e: {  	[sflag:s11] =	ssyncadd.s32 $0xFFFFC000;
	p0 =	sne.s32 s20, s8  }
.Ltmp2:
0x3f: {  	[bflag:$0x0] =	sbarrier.arrive $0xFFFF;
	(pc) =	sbr.rel @p0 .LBB2_1-.Ltmp2, $4  }
0x40: {  	[hbm:s7@s19], [sflag:s13] =	dma.strided [spmem:s14@s17], $0x2780, s18, $0x10   }
0x41: {  	_ =	swait.ge [sflag:s11], $0x2780  }
0x42: {  	[sflag:s11] =	ssyncset.done $0x0  }
0x43: {  	[sflag:s11] =	ssyncadd.s32 $0xFFFFD880  }
0x44: {  	_ =	sfence.sel $0x180000  }
0x45: {  	[bflag:$0x0] =	sbarrier.arrive $0xFFFF  }
0x46: {  	p0 =	sne.s32 s1, $0x0;
	_ =	strace $0x90000056  }
0x47: {  	s0 =	sadd.s32 @!p0 $0x100000, s0;
	[bflag:$0x2] =	sbarrier.arrive $0xFFFF  }
0x48: {  	[sflag:s0] =	ssyncadd.tile.s32 @!p0 $0x1;
	_ =	shalt  }
.Lfunc_end2:
_tile_overlayer_lowered:
.L_overlay_start_2:
0x49: {  	(tag) =	ssettag $0x2  }
0x4a: {  	s0 =	rddreg [dreg:$0x0];
	s2 =	stileid.u32  }
0x4b: {  	s1 =	rddreg [dreg:$0x1];
	p0 =	sne.s32 s2, $0x0  }
0x4c: {  	s3 =	rddreg [dreg:$0x2];
	[bflag:$0x3] =	sbarrier.arrive $0xFFFF;
	s2 =	simm.s32 @!p0 $0x1C01  }
0x4d: {  	[timem:s3], [sflag:s2] =	dma.local @!p0 [hbm:s0], s1  }
0x4e: {  	s0 =	simm.s32 @!p0 $0x1  }
0x4f: {  	_ =	swait.ge @!p0 [sflag:s0], s1  }
0x50: {  	s1 =	ssub.s32 @!p0 $0x0, s1;
	[sflag:s0] =	ssyncset.done @!p0 $0x0  }
0x51: {  	[sflag:s0] =	ssyncadd.s32 @!p0 s1  }
0x52: {  	[bflag:$0x3] =	sbarrier.arrive $0xFFFF  }
0x53: {  	_ =	shalt  }

// kernel: kernel.40.cloned.1.call-start
scs
__scs_entry_jumppad:
0x0: {  	(pc) =	sbr.rel $0x88, $3  }
0x1: {  	(tag) =	ssettag $0x0;
	lr =	simm.s32 $0x1  }
0x2: {  	[smem:$0x3F7F] =	sst lr;
	_ =	strace $0xD0000000  }
0x3: {  	_ = 	snop  }
0x4: {  	_ = 	snop  }
0x5: {  	_ = 	snop  }
0x6: {  	_ = 	snop  }
0x7: {  	_ = 	snop  }
__scs_overlays_trampoline_lowered:
0x8: {  	[smem:$0x3F8E] =	sst s0  }
0x9: {  	[smem:$0x3F8F] =	sst s1  }
0xa: {  	[smem:$0x3F90] =	sst s2  }
0xb: {  	[smem:$0x3F91] =	sst s3  }
0xc: {  	[smem:$0x3F92] =	sst s4  }
0xd: {  	[smem:$0x3F93] =	sst s5  }
0xe: {  	[smem:$0x3F94] =	sst s6  }
0xf: {  	[smem:$0x3F95] =	sst s7  }
0x10: {  	[smem:$0x3F96] =	sst s8  }
0x11: {  	[smem:$0x3F97] =	sst s9;
	s0 =	simm.s32 @!p0 $0x0  }
0x12: {  	s1 =	sld [smem:$0x3F7D];
	s0 =	simm.s32 @p0 $0x1  }
0x13: {  	[smem:$0x3F98] =	sst s0;
	s0 =	simm.s32 @!p1 $0x0  }
0x14: {  	s2 =	sld [smem:$0x3F7C];
	s0 =	simm.s32 @p1 $0x1  }
0x15: {  	[smem:$0x3F99] =	sst s0;
	s0 =	simm.s32 @!p2 $0x0  }
0x16: {  	s3 =	sld [smem:$0x3FDB];
	s0 =	simm.s32 @p2 $0x1  }
0x17: {  	s4 =	simm.s32 $0x1BF5;
	[smem:$0x3F9B] =	sst s0  }
0x18: {  	s0 =	sld [smem:$0x3F7E];
	_ =	swait.ge [sflag:s4], $0x0  }
0x19: {  	s7 =	sld [smem:$0x3F7F]  }
0x1a: {  	s8 =	sadd.s32 $0xFFFFE003, lr  }
0x1b: {  	s9 =	sadd.s32 $0xFFFFFEF7, lr;
	s5 =	simm.s32 $0xFFFFFFFF;
	p2 =	slt.u32 s8, $0xFFFFF086  }
0x1c: {  	p1 =	slt.u32 s9, $0xF7A;
	s5 =	simm.s32 @!p2 $0x0  }
0x1d: {  	s5 =	simm.s32 @p1 $0x1;
	p0 =	seq.s32 s7, s2  }
0x1e: {  	s7 =	smul.u32 @!p0 $0xF7A, s2;
	p2 =	seq.s32 @!p0 s5, $0x0  }
0x1f: {  	s9 =	smul.u32 $0xF7A, s1;
	s8 =	simm.s32 @!p0 $0x1BF5;
	p2 =	por !p2, p0  }
0x20: {  	[sflag:s8] =	ssyncset.s32 @!p0 $0xFFFFF086;
	s6 =	sadd.s32 @!p0 s3, s7;
	s7 =	simm.s32 @!p0 $0x108  }
0x21: {  	s3 =	sadd.s32 s3, s9;
	s6 =	sadd.s32 @!p0 $0x88, s6;
	s7 =	simm.s32 @p2 $0x1082  }
0x22: {  	[simem:s7], [sflag:s8] =	dma.local @!p0 [hbm:s6], $0xF7A  }
0x23: {  	s9 =	sor.u32 $0xD0000000, s2;
	s6 =	simm.s32 $0x108;
	_ =	swait.ge @!p0 [sflag:s8], $0x0  }
0x24: {  	s3 =	sadd.s32 $0x88, s3;
	s6 =	simm.s32 @!p1 $0x1082;
	[sflag:s4] =	ssyncset.s32 $0xFFFFF086  }
0x25: {  	[simem:s6], [sflag:s4] =	dma.local [hbm:s3], $0xF7A  }
0x26: {  	[smem:$0x3F7F] =	sst s1;
	(tag) =	ssettag s2;
	_ =	strace s9  }
0x27: {  	s1 =	sld [smem:$0x3F8F]  }
0x28: {  	s2 =	sld [smem:$0x3F90]  }
0x29: {  	s4 =	sld [smem:$0x3F92]  }
0x2a: {  	p0 =	seq.s32 s5, $0x0;
	s5 =	sld [smem:$0x3F93]  }
0x2b: {  	s6 =	sld [smem:$0x3F94]  }
0x2c: {  	s7 =	sld [smem:$0x3F95]  }
0x2d: {  	s3 =	simm.s32 $0x108;
	s8 =	sld [smem:$0x3F96]  }
0x2e: {  	s3 =	simm.s32 @!p0 $0x1082;
	s9 =	sld [smem:$0x3F97]  }
0x2f: {  	lr =	sadd.s32 s0, s3;
	s0 =	sld [smem:$0x3F8E]  }
0x30: {  	s3 =	sld [smem:$0x3F91]  }
0x31: {  	[smem:$0x3F9A] =	sst s10  }
0x32: {  	s10 =	sld [smem:$0x3F98];
	_ =	sdelay $0x3  }
0x33: {  	p0 =	seq.s32 s10, $0x1;
	s10 =	sld [smem:$0x3F9A];
	_ =	sdelay $0x3  }
0x34: {  	[smem:$0x3F9A] =	sst s10  }
0x35: {  	s10 =	sld [smem:$0x3F99];
	_ =	sdelay $0x3  }
0x36: {  	p1 =	seq.s32 s10, $0x1;
	s10 =	sld [smem:$0x3F9A];
	_ =	sdelay $0x3  }
0x37: {  	[smem:$0x3F9A] =	sst s10  }
0x38: {  	s10 =	sld [smem:$0x3F9B]  }
0x39: {  	_ = 	snop;
	(pc) =	sbr.ind lr, $3  }
0x3a: {  	_ = 	snop  }
0x3b: {  	_ = 	snop  }
0x3c: {  	p2 =	seq.s32 s10, $0x1;
	s10 =	sld [smem:$0x3F9A]  }
0x3d: {  	_ =	shalt  }
0x3e: {  	_ =	shalt  }
0x3f: {  	_ =	shalt  }
0x40: {  	_ =	shalt  }
0x41: {  	_ =	shalt  }
0x42: {  	_ =	shalt  }
0x43: {  	_ =	shalt  }
0x44: {  	_ =	shalt  }
0x45: {  	_ =	shalt  }
0x46: {  	_ =	shalt  }
0x47: {  	_ =	shalt  }
0x48: {  	_ =	shalt  }
0x49: {  	_ =	shalt  }
0x4a: {  	_ =	shalt  }
0x4b: {  	_ =	shalt  }
0x4c: {  	_ =	shalt  }
0x4d: {  	_ =	shalt  }
0x4e: {  	_ =	shalt  }
0x4f: {  	_ =	shalt  }
0x50: {  	_ =	shalt  }
0x51: {  	_ =	shalt  }
0x52: {  	_ =	shalt  }
0x53: {  	_ =	shalt  }
0x54: {  	_ =	shalt  }
0x55: {  	_ =	shalt  }
0x56: {  	_ =	shalt  }
0x57: {  	_ =	shalt  }
0x58: {  	_ =	shalt  }
0x59: {  	_ =	shalt  }
0x5a: {  	_ =	shalt  }
0x5b: {  	_ =	shalt  }
0x5c: {  	_ =	shalt  }
0x5d: {  	_ =	shalt  }
0x5e: {  	_ =	shalt  }
0x5f: {  	_ =	shalt  }
0x60: {  	_ =	shalt  }
0x61: {  	_ =	shalt  }
0x62: {  	_ =	shalt  }
0x63: {  	_ =	shalt  }
0x64: {  	_ =	shalt  }
0x65: {  	_ =	shalt  }
0x66: {  	_ =	shalt  }
0x67: {  	_ =	shalt  }
0x68: {  	_ =	shalt  }
0x69: {  	_ =	shalt  }
0x6a: {  	_ =	shalt  }
0x6b: {  	_ =	shalt  }
0x6c: {  	_ =	shalt  }
0x6d: {  	_ =	shalt  }
0x6e: {  	_ =	shalt  }
0x6f: {  	_ =	shalt  }
0x70: {  	_ =	shalt  }
0x71: {  	_ =	shalt  }
0x72: {  	_ =	shalt  }
0x73: {  	_ =	shalt  }
0x74: {  	_ =	shalt  }
0x75: {  	_ =	shalt  }
0x76: {  	_ =	shalt  }
0x77: {  	_ =	shalt  }
0x78: {  	_ =	shalt  }
0x79: {  	_ =	shalt  }
0x7a: {  	_ =	shalt  }
0x7b: {  	_ =	shalt  }
0x7c: {  	_ =	shalt  }
0x7d: {  	_ =	shalt  }
0x7e: {  	_ =	shalt  }
0x7f: {  	_ =	shalt  }
0x80: {  	_ =	shalt  }
0x81: {  	_ =	shalt  }
0x82: {  	_ =	shalt  }
0x83: {  	_ =	shalt  }
0x84: {  	_ =	shalt  }
0x85: {  	_ =	shalt  }
0x86: {  	_ =	shalt  }
0x87: {  	_ =	shalt  }
.Lfunc_end0:
.L_simem_size_0:
called_computation.6_lowered:
.L_overlay_start_0:
0x88: {  	s2 =	sld [smem:$0x3FD9]  }
0x89: {  	s3 =	sld [smem:$0x3FFE];
	_ =	sdelay $0x1  }
0x8a: {  	s1 =	srdreg.scid  }
0x8b: {  	s0 =	sand.u32 $0x1, s1  }
0x8c: {  	s17 =	sshll.u32 s0, $0xA;
	s2 =	sadd.s32 s3, s2  }
0x8d: {  	s2 =	sadd.s32 s2, s17  }
0x8e: {  	[smem:$0x3FA6] =	sst s2  }
0x8f: {  	_ = 	snop  }
0x90: {  	(tm) =	ssettm $0x1  }
0x91: {  	s18 =	sld [smem:$0x3FFB];
	_ =	sdelay $0x3  }
0x92: {  	_ =	strace s18  }
0x93: {  	s2 =	sld [smem:$0x3FFC];
	_ =	sdelay $0x3  }
0x94: {  	_ =	strace s2  }
0x95: {  	s2 =	sld [smem:$0x3FFD];
	_ =	sdelay $0x3  }
0x96: {  	_ =	strace s2  }
0x97: {  	_ =	strace $0x8FFFFFFF  }
0x98: {  	s19 =	sld [smem:$0x3FDB];
	_ =	sdelay $0x1  }
0x99: {  	s20 =	simm.s32 $_scs_section_size  }
0x9a: {  	s4 =	simm.s32 $_size__tile_overlayer_lowered;
	s5 =	simm.s32 $_tile_overlayer_lowered  }
0x9b: {  	s6 =	simm.s32 $0x1BFF;
	s21 =	sshll.u32 s5, $0x1;
	s3 =	sadd.s32 s20, s19  }
0x9c: {  	s22 =	simm.s32 $0x0;
	s4 =	sshll.u32 s4, $0x1;
	s5 =	sadd.s32 s21, s3  }
0x9d: {  	[timem:s22], [sflag:s6] =	dma.local [hbm:s5], s4  }
0x9e: {  	_ =	swait.ge [sflag:s6], s4  }
0x9f: {  	s4 =	ssub.s32 $0x0, s4;
	[sflag:s6] =	ssyncset.done $0x0  }
0xa0: {  	[sflag:s6] =	ssyncadd.s32 s4;
	_ =	sdelay $0x1  }
0xa1: {  	s23 =	simm.s32 $0x1B8B  }
0xa2: {  	_ =	swait.ge [sflag:s23], $0x1  }
0xa3: {  	[sflag:s23] =	ssyncset.done $0x0  }
0xa4: {  	[sflag:s23] =	ssyncadd.s32 $0xFFFFFFFF  }
0xa5: {  	s4 =	sld [smem:$0x0]  }
0xa6: {  	s5 =	sand.u32 $0xFFFFFFFE, s1  }
0xa7: {  	p0 =	sne.s32 s1, s5  }
0xa8: {  	s5 =	sshll.u32 @p0 s5, $0xE  }
0xa9: {  	s5 =	sadd.s32 @p0 $0x11B8D, s5;
	s6 =	sshll.u32 @p0 s4, $0x11  }
0xaa: {  	s5 =	sor.u32 @p0 s6, s5  }
0xab: {  	[sflag:s5] =	ssyncadd.remote.s32 @p0 $0x1;
	_ =	sdelay $0x1  }
0xac: {  	s5 =	simm.s32 @p0 $0x1B8D  }
0xad: {  	_ =	swait.eq @p0 [sflag:s5], $0x1  }
0xae: {  	[sflag:s5] =	ssyncadd.s32 @p0 $0xFFFFFFFF  }
0xaf: {  	s6 =	sshll.u32 @!p0 s1, $0xE  }
0xb0: {  	s6 =	sor.u32 @!p0 $0x4000, s6;
	s5 =	simm.s32 @!p0 $0x1B8D  }
0xb1: {  	s4 =	sshll.u32 @!p0 s4, $0x11;
	s6 =	sadd.s32 @!p0 $0x11B8D, s6;
	_ =	swait.eq @!p0 [sflag:s5], $0x1  }
0xb2: {  	s4 =	sor.u32 @!p0 s4, s6;
	[sflag:s5] =	ssyncadd.s32 @!p0 $0xFFFFFFFF  }
0xb3: {  	s25 =	simm.s32 $0x1B8E;
	s24 =	sld [smem:$0x3FFE];
	[sflag:s4] =	ssyncadd.remote.s32 @!p0 $0x1  }
0xb4: {  	s26 =	simm.s32 $execute0_lowered;
	[smem:$0x3FD2] =	sst s25  }
0xb5: {  	s5 =	sshll.u32 s26, $0x1;
	_ =	strace $0x8000005B;
	[dreg:$0x1] =	wrdreg $0xFFFFFFFF  }
0xb6: {  	s28 =	simm.s32 $_size_execute0_lowered;
	s3 =	sadd.s32 s3, s5;
	[dreg:$0x0] =	wrdreg $0x0  }
0xb7: {  	s5 =	sshll.u32 s28, $0x1;
	[dreg:$0x2] =	wrdreg s3  }
0xb8: {  	[dreg:$0x3] =	wrdreg s5  }
0xb9: {  	[dreg:$0x4] =	wrdreg $0xC0  }
0xba: {  	_ =	task [dreg:s22], $0x5FFFF  }
0xbb: {  	[dreg:$0x1] =	wrdreg $0xFFFFFFFF  }
0xbc: {  	[dreg:$0x0] =	wrdreg $0x60  }
0xbd: {  	[dreg:$0x2] =	wrdreg s24  }
0xbe: {  	[dreg:$0x3] =	wrdreg $0x9  }
0xbf: {  	_ =	task.clear_ibuf [dreg:s22], $0x4FFFF;
	_ =	strace $0x9000005B  }
0xc0: {  	s29 =	simm.s32 $0x9;
	_ =	strace $0x8000005D  }
0xc1: {  	_ =	swait.ge [sflag:s29], $0x1  }
0xc2: {  	[sflag:s29] =	ssyncadd.s32 $0xFFFFFFFF  }
0xc3: {  	_ =	strace $0x9000005D  }
0xc4: {  	_ =	sfence  }
0xc5: {  	s30 =	sld [smem:$0x0];
	_ =	sdelay $0x2  }
0xc6: {  	s31 =	sshll.u32 s1, $0xD;
	s1 =	sshrl.u32 s1, $0x2  }
0xc7: {  	s4 =	sand.u32 $0x4000, s31;
	s1 =	sadd.s32 s1, s30  }
0xc8: {  	s0 =	sor.u32 s4, s0;
	s1 =	sshll.u32 s1, $0x11  }
0xc9: {  	s0 =	sor.u32 s1, s0  }
0xca: {  	s0 =	sadd.s32 $0x8F2B, s0  }
0xcb: {  	[sflag:s0] =	ssyncadd.remote.s32 $0x1  }
0xcc: {  	_ =	sfence.sel $0xFFFF  }
0xcd: {  	[dreg:$0x0] =	wrdreg $0xFFFFFFFF;
	(pc) =	sbr.abs _section_cstart, $3  }
0xce: {  	[dreg:$0x1] =	wrdreg $0xFFFFFFFF  }
0xcf: {  	_ =	task.clear_ibuf [dreg:s22], $0x2FFFF;
	_ =	strace $0x9FFFFFFF  }
0xd0: {  	(tm) =	ssettm $0x7FFFFFFF  }
0xd1: {  	_ =	shalt  }
tec
execute0_lowered:
.L_overlay_start_1:
0x0: {  	(tag) =	ssettag $0x1  }
0x1: {  	s4 =	rddreg [dreg:$0x0]  }
0x2: {  	s0 =	rddreg [dreg:$0x1]  }
0x3: {  	s1 =	simm.s32 $0x0;
	s5 =	srdreg.scid;
	s2 =	stileid.u32  }
0x4: {  	s10 =	simm.s32 $0x1400;
	s11 =	simm.s32 $0x1C00;
	s12 =	simm.s32 $0x2400  }
0x5: {  	s13 =	simm.s32 $0x2C00;
	s14 =	simm.s32 $0x3400;
	s15 =	simm.s32 $0x3C00  }
0x6: {  	s16 =	simm.s32 $0x4400;
	s17 =	simm.s32 $0x4C00;
	s18 =	simm.s32 $0x5400  }
0x7: {  	s19 =	simm.s32 $0x5C00;
	s20 =	simm.s32 $0x6400;
	s21 =	simm.s32 $0x6C00  }
0x8: {  	s22 =	simm.s32 $0x7400;
	s23 =	simm.s32 $0x1;
	s24 =	simm.s32 $0x0  }
0x9: {  	[smem:$0x7FF] =	sst s1;
	s3 =	sadd.s32 $0x8B800, s4;
	s5 =	sand.u32 $0x1, s5  }
0xa: {  	s6 =	sshll.u32 s2, $0x8;
	s7 =	smul.u32 $0xF000, s2;
	_ =	strace $0x8000005C  }
0xb: {  	s8 =	sshll.u32 s5, $0x7;
	s9 =	ssub.s32 $0x2, s5;
	s5 =	smul.u32 $0x7800, s5  }
0xc: {  	s6 =	sor.u32 s8, s6;
	s7 =	sadd.s32 s7, s4;
	s30 =	sshrl.u32 s9, $0x1  }
0xd: {  	v2 =	vlaneseq.u32;
	s8 =	simm.s32 $0x400;
	s4 =	sadd.s32 s6, s4;
	s31 =	ssub.s32 s9, s30  }
0xe: {  	vm0 =	vmmov $0xffff;
	v1 =	vshrl.u32 v2, $0x3;
	s7 =	sadd.s32 s5, s7;
	s9 =	simm.s32 $0xC00;
	s4 =	sadd.s32 $0x10000, s4  }
0xf: {  	v0 =	vand.u32 $0x7, v2;
	v2 =	vor.u32 $0x8, v2;
	v1 =	vmul.u32 $0x8, v1;
	s5 =	smax.u32 s31, $0x1;
	s6 =	sadd.s32 $0x264600, s7;
	s7 =	simm.s32 $0x2  }
.LBB2_1:
0x10: {  	[tilespmem:s1], [sflag:$0x2] =	stream.linear.gather [hbm4b:s4+s1], $0x400, $0x38;
	[tilespmem:$0x7C00] =	vst v63  }
0x11: {  	_ =	swait.ge [sflag:s7], $0x400  }
0x12: {  	[sflag:s7] =	ssyncset.done $0x0  }
0x13: {  	s25 =	simm.s32 $0x40;
	s26 =	simm.s32 $0x0;
	[sflag:s7] =	ssyncadd.s32 $0xFFFFFC00  }
.LBB2_2:
0x14: {  	v3 =	vld [tilespmem:s25+$0xFFFFFFC0];
	_ =	sdelay $0x4  }
0x15: {  	v4 =	vshll.u32 v3, $0x1  }
0x16: {  	v3 =	vand.u32 $0x7, v3;
	v4 =	vand.u32 $0xFFFFFFF0, v4  }
0x17: {  	v3 =	vor.u32 v3, v4  }
0x18: {  	v4 =	vperm.xlane v3, v0;
	_ =	sdelay $0x1  }
0x19: {  	v3 =	vperm.xlane v3, v2;
	v4 =	vadd.s32 v1, v4;
	_ =	sdelay $0x1  }
0x1a: {  	v3 =	vadd.s32 v1, v3;
	_ =	sdelay $0x2  }
0x1b: {  	[tilespmem:s8], [sflag:$0x1] =	stream.indirect_vreg.gather [hbm4b:s3+s1], $0x80, v4, vm0, $0xb8;
	[tilespmem:$0x7C00] =	vst v63  }
0x1c: {  	_ = 	snop  }
0x1d: {  	[tilespmem:s9], [sflag:$0x1] =	stream.indirect_vreg.gather [hbm4b:s3+s1], $0x80, v3, vm0, $0xb8;
	[tilespmem:$0x7C00] =	vst v63  }
0x1e: {  	v3 =	vld [tilespmem:s25+$0xFFFFFFD0];
	_ =	sdelay $0x4  }
0x1f: {  	v57 =	vshll.u32 v3, $0x1  }
0x20: {  	v3 =	vand.u32 $0x7, v3;
	v4 =	vand.u32 $0xFFFFFFF0, v57  }
0x21: {  	v3 =	vor.u32 v3, v4  }
0x22: {  	v4 =	vperm.xlane v3, v0;
	_ =	sdelay $0x1  }
0x23: {  	v3 =	vperm.xlane v3, v2;
	v4 =	vadd.s32 v1, v4;
	_ =	sdelay $0x1  }
0x24: {  	v3 =	vadd.s32 v1, v3;
	_ =	sdelay $0x2  }
0x25: {  	[tilespmem:s10], [sflag:$0x1] =	stream.indirect_vreg.gather [hbm4b:s3+s1], $0x80, v4, vm0, $0xb8;
	[tilespmem:$0x7C00] =	vst v63  }
0x26: {  	_ = 	snop  }
0x27: {  	[tilespmem:s11], [sflag:$0x1] =	stream.indirect_vreg.gather [hbm4b:s3+s1], $0x80, v3, vm0, $0xb8;
	[tilespmem:$0x7C00] =	vst v63  }
0x28: {  	v3 =	vld [tilespmem:s25+$0xFFFFFFE0];
	_ =	sdelay $0x4  }
0x29: {  	v58 =	vshll.u32 v3, $0x1  }
0x2a: {  	v3 =	vand.u32 $0x7, v3;
	v4 =	vand.u32 $0xFFFFFFF0, v58  }
0x2b: {  	v3 =	vor.u32 v3, v4  }
0x2c: {  	v4 =	vperm.xlane v3, v0;
	_ =	sdelay $0x1  }
0x2d: {  	v3 =	vperm.xlane v3, v2;
	v4 =	vadd.s32 v1, v4;
	_ =	sdelay $0x1  }
0x2e: {  	v3 =	vadd.s32 v1, v3;
	_ =	sdelay $0x2  }
0x2f: {  	[tilespmem:s12], [sflag:$0x1] =	stream.indirect_vreg.gather [hbm4b:s3+s1], $0x80, v4, vm0, $0xb8;
	[tilespmem:$0x7C00] =	vst v63  }
0x30: {  	_ = 	snop  }
0x31: {  	[tilespmem:s13], [sflag:$0x1] =	stream.indirect_vreg.gather [hbm4b:s3+s1], $0x80, v3, vm0, $0xb8;
	[tilespmem:$0x7C00] =	vst v63  }
0x32: {  	v3 =	vld [tilespmem:s25+$0xFFFFFFF0];
	_ =	sdelay $0x4  }
0x33: {  	v59 =	vshll.u32 v3, $0x1  }
0x34: {  	v3 =	vand.u32 $0x7, v3;
	v4 =	vand.u32 $0xFFFFFFF0, v59  }
0x35: {  	v3 =	vor.u32 v3, v4  }
0x36: {  	v4 =	vperm.xlane v3, v0;
	_ =	sdelay $0x1  }
0x37: {  	v3 =	vperm.xlane v3, v2;
	v4 =	vadd.s32 v1, v4;
	_ =	sdelay $0x1  }
0x38: {  	v3 =	vadd.s32 v1, v3;
	_ =	sdelay $0x2  }
0x39: {  	[tilespmem:s14], [sflag:$0x1] =	stream.indirect_vreg.gather [hbm4b:s3+s1], $0x80, v4, vm0, $0xb8;
	[tilespmem:$0x7C00] =	vst v63  }
0x3a: {  	_ = 	snop  }
0x3b: {  	[tilespmem:s15], [sflag:$0x1] =	stream.indirect_vreg.gather [hbm4b:s3+s1], $0x80, v3, vm0, $0xb8;
	[tilespmem:$0x7C00] =	vst v63  }
0x3c: {  	v3 =	vld [tilespmem:s25+$0x0];
	_ =	sdelay $0x4  }
0x3d: {  	v60 =	vshll.u32 v3, $0x1  }
0x3e: {  	v3 =	vand.u32 $0x7, v3;
	v4 =	vand.u32 $0xFFFFFFF0, v60  }
0x3f: {  	v3 =	vor.u32 v3, v4  }
0x40: {  	v4 =	vperm.xlane v3, v0;
	_ =	sdelay $0x1  }
0x41: {  	v3 =	vperm.xlane v3, v2;
	v4 =	vadd.s32 v1, v4;
	_ =	sdelay $0x1  }
0x42: {  	v3 =	vadd.s32 v1, v3;
	_ =	sdelay $0x2  }
0x43: {  	[tilespmem:s16], [sflag:$0x1] =	stream.indirect_vreg.gather [hbm4b:s3+s1], $0x80, v4, vm0, $0xb8;
	[tilespmem:$0x7C00] =	vst v63  }
0x44: {  	_ = 	snop  }
0x45: {  	[tilespmem:s17], [sflag:$0x1] =	stream.indirect_vreg.gather [hbm4b:s3+s1], $0x80, v3, vm0, $0xb8;
	[tilespmem:$0x7C00] =	vst v63  }
0x46: {  	v3 =	vld [tilespmem:s25+$0x10];
	_ =	sdelay $0x4  }
0x47: {  	v61 =	vshll.u32 v3, $0x1  }
0x48: {  	v3 =	vand.u32 $0x7, v3;
	v4 =	vand.u32 $0xFFFFFFF0, v61  }
0x49: {  	v3 =	vor.u32 v3, v4  }
0x4a: {  	v4 =	vperm.xlane v3, v0;
	_ =	sdelay $0x1  }
0x4b: {  	v3 =	vperm.xlane v3, v2;
	v4 =	vadd.s32 v1, v4;
	_ =	sdelay $0x1  }
0x4c: {  	v3 =	vadd.s32 v1, v3;
	_ =	sdelay $0x2  }
0x4d: {  	[tilespmem:s18], [sflag:$0x1] =	stream.indirect_vreg.gather [hbm4b:s3+s1], $0x80, v4, vm0, $0xb8;
	[tilespmem:$0x7C00] =	vst v63  }
0x4e: {  	_ = 	snop  }
0x4f: {  	[tilespmem:s19], [sflag:$0x1] =	stream.indirect_vreg.gather [hbm4b:s3+s1], $0x80, v3, vm0, $0xb8;
	[tilespmem:$0x7C00] =	vst v63  }
0x50: {  	v3 =	vld [tilespmem:s25+$0x20];
	_ =	sdelay $0x4  }
0x51: {  	v62 =	vshll.u32 v3, $0x1  }
0x52: {  	v3 =	vand.u32 $0x7, v3;
	v4 =	vand.u32 $0xFFFFFFF0, v62  }
0x53: {  	v3 =	vor.u32 v3, v4  }
0x54: {  	v4 =	vperm.xlane v3, v0;
	_ =	sdelay $0x1  }
0x55: {  	v3 =	vperm.xlane v3, v2;
	v4 =	vadd.s32 v1, v4;
	_ =	sdelay $0x1  }
0x56: {  	v3 =	vadd.s32 v1, v3;
	_ =	sdelay $0x2  }
0x57: {  	[tilespmem:s20], [sflag:$0x1] =	stream.indirect_vreg.gather [hbm4b:s3+s1], $0x80, v4, vm0, $0xb8;
	[tilespmem:$0x7C00] =	vst v63  }
0x58: {  	_ = 	snop  }
0x59: {  	[tilespmem:s21], [sflag:$0x1] =	stream.indirect_vreg.gather [hbm4b:s3+s1], $0x80, v3, vm0, $0xb8;
	[tilespmem:$0x7C00] =	vst v63  }
0x5a: {  	v3 =	vld.msk [tilespmem:s25+$0x30], $0xff;
	_ =	sdelay $0x4  }
0x5b: {  	v63 =	vshll.u32 v3, $0x1  }
0x5c: {  	v3 =	vand.u32 $0x7, v3;
	v4 =	vand.u32 $0xFFFFFFF0, v63  }
0x5d: {  	v3 =	vor.u32 v3, v4  }
0x5e: {  	v3 =	vperm.xlane v3, v0;
	_ =	sdelay $0x1  }
0x5f: {  	v3 =	vadd.s32 v1, v3;
	_ =	sdelay $0x4  }
0x60: {  	[tilespmem:s22], [sflag:$0x1] =	stream.indirect_vreg.gather [hbm4b:s3+s1], $0x80, v3, vm0, $0xb8;
	[tilespmem:$0x7C00] =	vst v63  }
0x61: {  	_ =	swait.ge [sflag:s23], $0x7800  }
0x62: {  	p0 =	sne.s32 s26, $0x6900;
	[sflag:s23] =	ssyncset.done $0x0  }
.Ltmp0:
0x63: {  	s28 =	sadd.s32 s26, s6;
	[sflag:s23] =	ssyncadd.s32 $0xFFFF8800;
	(pc) =	sbr.rel @p0 .LBB2_2-.Ltmp0, $4  }
0x64: {  	[hbm4b:s28+s1] =	stream.linear.scatter [tilespmem:s8], [sflag:$0x2], $0x7800, $0x38;
	[tilespmem:$0x7C00] =	vst v63  }
0x65: {  	_ =	swait.ge [sflag:s7], $0x7800  }
0x66: {  	[sflag:s7] =	ssyncset.done $0x0  }
0x67: {  	s26 =	sadd.s32 $0xF00, s26;
	s25 =	sadd.s32 $0x80, s25;
	[sflag:s7] =	ssyncadd.s32 $0xFFFF8800  }
0x68: {  	s24 =	sadd.s32 $0x1, s24  }
0x69: {  	p0 =	sne.s32 s24, s5  }
.Ltmp1:
0x6a: {  	_ = 	snop;
	(pc) =	sbr.rel @p0 .LBB2_1-.Ltmp1, $1  }
0x6b: {  	_ =	sdelay $0x3  }
0x6c: {  	_ =	sfence.sel $0x180000  }
0x6d: {  	[bflag:$0x0] =	sbarrier.arrive $0xFFFF  }
0x6e: {  	p0 =	sne.s32 s2, $0x0;
	_ =	strace $0x9000005C  }
0x6f: {  	s0 =	sadd.s32 @!p0 $0x100000, s0;
	[bflag:$0x2] =	sbarrier.arrive $0xFFFF  }
0x70: {  	[sflag:s0] =	ssyncadd.tile.s32 @!p0 $0x1;
	_ =	shalt  }
.Lfunc_end2:
_tile_overlayer_lowered:
.L_overlay_start_2:
0x71: {  	(tag) =	ssettag $0x2  }
0x72: {  	s0 =	rddreg [dreg:$0x0];
	s2 =	stileid.u32  }
0x73: {  	s1 =	rddreg [dreg:$0x1];
	p0 =	sne.s32 s2, $0x0  }
0x74: {  	s3 =	rddreg [dreg:$0x2];
	[bflag:$0x3] =	sbarrier.arrive $0xFFFF;
	s2 =	simm.s32 @!p0 $0x1C02  }
0x75: {  	[timem:s3], [sflag:s2] =	dma.local @!p0 [hbm:s0], s1  }
0x76: {  	s0 =	simm.s32 @!p0 $0x2  }
0x77: {  	_ =	swait.ge @!p0 [sflag:s0], s1  }
0x78: {  	s1 =	ssub.s32 @!p0 $0x0, s1;
	[sflag:s0] =	ssyncset.done @!p0 $0x0  }
0x79: {  	[sflag:s0] =	ssyncadd.s32 @!p0 s1  }
0x7a: {  	[bflag:$0x3] =	sbarrier.arrive $0xFFFF  }
0x7b: {  	_ =	shalt  }

// kernel: kernel.43.cloned.1.call-start
scs
__scs_entry_jumppad:
0x0: {  	(pc) =	sbr.rel $0x88, $3  }
0x1: {  	(tag) =	ssettag $0x0;
	lr =	simm.s32 $0x1  }
0x2: {  	[smem:$0x3F7F] =	sst lr;
	_ =	strace $0xD0000000  }
0x3: {  	_ = 	snop  }
0x4: {  	_ = 	snop  }
0x5: {  	_ = 	snop  }
0x6: {  	_ = 	snop  }
0x7: {  	_ = 	snop  }
__scs_overlays_trampoline_lowered:
0x8: {  	[smem:$0x3F8E] =	sst s0  }
0x9: {  	[smem:$0x3F8F] =	sst s1  }
0xa: {  	[smem:$0x3F90] =	sst s2  }
0xb: {  	[smem:$0x3F91] =	sst s3  }
0xc: {  	[smem:$0x3F92] =	sst s4  }
0xd: {  	[smem:$0x3F93] =	sst s5  }
0xe: {  	[smem:$0x3F94] =	sst s6  }
0xf: {  	[smem:$0x3F95] =	sst s7  }
0x10: {  	[smem:$0x3F96] =	sst s8  }
0x11: {  	[smem:$0x3F97] =	sst s9;
	s0 =	simm.s32 @!p0 $0x0  }
0x12: {  	s1 =	sld [smem:$0x3F7D];
	s0 =	simm.s32 @p0 $0x1  }
0x13: {  	[smem:$0x3F98] =	sst s0;
	s0 =	simm.s32 @!p1 $0x0  }
0x14: {  	s2 =	sld [smem:$0x3F7C];
	s0 =	simm.s32 @p1 $0x1  }
0x15: {  	[smem:$0x3F99] =	sst s0;
	s0 =	simm.s32 @!p2 $0x0  }
0x16: {  	s3 =	sld [smem:$0x3FDB];
	s0 =	simm.s32 @p2 $0x1  }
0x17: {  	s4 =	simm.s32 $0x1BF5;
	[smem:$0x3F9B] =	sst s0  }
0x18: {  	s0 =	sld [smem:$0x3F7E];
	_ =	swait.ge [sflag:s4], $0x0  }
0x19: {  	s7 =	sld [smem:$0x3F7F]  }
0x1a: {  	s8 =	sadd.s32 $0xFFFFE003, lr  }
0x1b: {  	s9 =	sadd.s32 $0xFFFFFEF7, lr;
	s5 =	simm.s32 $0xFFFFFFFF;
	p2 =	slt.u32 s8, $0xFFFFF086  }
0x1c: {  	p1 =	slt.u32 s9, $0xF7A;
	s5 =	simm.s32 @!p2 $0x0  }
0x1d: {  	s5 =	simm.s32 @p1 $0x1;
	p0 =	seq.s32 s7, s2  }
0x1e: {  	s7 =	smul.u32 @!p0 $0xF7A, s2;
	p2 =	seq.s32 @!p0 s5, $0x0  }
0x1f: {  	s9 =	smul.u32 $0xF7A, s1;
	s8 =	simm.s32 @!p0 $0x1BF5;
	p2 =	por !p2, p0  }
0x20: {  	[sflag:s8] =	ssyncset.s32 @!p0 $0xFFFFF086;
	s6 =	sadd.s32 @!p0 s3, s7;
	s7 =	simm.s32 @!p0 $0x108  }
0x21: {  	s3 =	sadd.s32 s3, s9;
	s6 =	sadd.s32 @!p0 $0x88, s6;
	s7 =	simm.s32 @p2 $0x1082  }
0x22: {  	[simem:s7], [sflag:s8] =	dma.local @!p0 [hbm:s6], $0xF7A  }
0x23: {  	s9 =	sor.u32 $0xD0000000, s2;
	s6 =	simm.s32 $0x108;
	_ =	swait.ge @!p0 [sflag:s8], $0x0  }
0x24: {  	s3 =	sadd.s32 $0x88, s3;
	s6 =	simm.s32 @!p1 $0x1082;
	[sflag:s4] =	ssyncset.s32 $0xFFFFF086  }
0x25: {  	[simem:s6], [sflag:s4] =	dma.local [hbm:s3], $0xF7A  }
0x26: {  	[smem:$0x3F7F] =	sst s1;
	(tag) =	ssettag s2;
	_ =	strace s9  }
0x27: {  	s1 =	sld [smem:$0x3F8F]  }
0x28: {  	s2 =	sld [smem:$0x3F90]  }
0x29: {  	s4 =	sld [smem:$0x3F92]  }
0x2a: {  	p0 =	seq.s32 s5, $0x0;
	s5 =	sld [smem:$0x3F93]  }
0x2b: {  	s6 =	sld [smem:$0x3F94]  }
0x2c: {  	s7 =	sld [smem:$0x3F95]  }
0x2d: {  	s3 =	simm.s32 $0x108;
	s8 =	sld [smem:$0x3F96]  }
0x2e: {  	s3 =	simm.s32 @!p0 $0x1082;
	s9 =	sld [smem:$0x3F97]  }
0x2f: {  	lr =	sadd.s32 s0, s3;
	s0 =	sld [smem:$0x3F8E]  }
0x30: {  	s3 =	sld [smem:$0x3F91]  }
0x31: {  	[smem:$0x3F9A] =	sst s10  }
0x32: {  	s10 =	sld [smem:$0x3F98];
	_ =	sdelay $0x3  }
0x33: {  	p0 =	seq.s32 s10, $0x1;
	s10 =	sld [smem:$0x3F9A];
	_ =	sdelay $0x3  }
0x34: {  	[smem:$0x3F9A] =	sst s10  }
0x35: {  	s10 =	sld [smem:$0x3F99];
	_ =	sdelay $0x3  }
0x36: {  	p1 =	seq.s32 s10, $0x1;
	s10 =	sld [smem:$0x3F9A];
	_ =	sdelay $0x3  }
0x37: {  	[smem:$0x3F9A] =	sst s10  }
0x38: {  	s10 =	sld [smem:$0x3F9B]  }
0x39: {  	_ = 	snop;
	(pc) =	sbr.ind lr, $3  }
0x3a: {  	_ = 	snop  }
0x3b: {  	_ = 	snop  }
0x3c: {  	p2 =	seq.s32 s10, $0x1;
	s10 =	sld [smem:$0x3F9A]  }
0x3d: {  	_ =	shalt  }
0x3e: {  	_ =	shalt  }
0x3f: {  	_ =	shalt  }
0x40: {  	_ =	shalt  }
0x41: {  	_ =	shalt  }
0x42: {  	_ =	shalt  }
0x43: {  	_ =	shalt  }
0x44: {  	_ =	shalt  }
0x45: {  	_ =	shalt  }
0x46: {  	_ =	shalt  }
0x47: {  	_ =	shalt  }
0x48: {  	_ =	shalt  }
0x49: {  	_ =	shalt  }
0x4a: {  	_ =	shalt  }
0x4b: {  	_ =	shalt  }
0x4c: {  	_ =	shalt  }
0x4d: {  	_ =	shalt  }
0x4e: {  	_ =	shalt  }
0x4f: {  	_ =	shalt  }
0x50: {  	_ =	shalt  }
0x51: {  	_ =	shalt  }
0x52: {  	_ =	shalt  }
0x53: {  	_ =	shalt  }
0x54: {  	_ =	shalt  }
0x55: {  	_ =	shalt  }
0x56: {  	_ =	shalt  }
0x57: {  	_ =	shalt  }
0x58: {  	_ =	shalt  }
0x59: {  	_ =	shalt  }
0x5a: {  	_ =	shalt  }
0x5b: {  	_ =	shalt  }
0x5c: {  	_ =	shalt  }
0x5d: {  	_ =	shalt  }
0x5e: {  	_ =	shalt  }
0x5f: {  	_ =	shalt  }
0x60: {  	_ =	shalt  }
0x61: {  	_ =	shalt  }
0x62: {  	_ =	shalt  }
0x63: {  	_ =	shalt  }
0x64: {  	_ =	shalt  }
0x65: {  	_ =	shalt  }
0x66: {  	_ =	shalt  }
0x67: {  	_ =	shalt  }
0x68: {  	_ =	shalt  }
0x69: {  	_ =	shalt  }
0x6a: {  	_ =	shalt  }
0x6b: {  	_ =	shalt  }
0x6c: {  	_ =	shalt  }
0x6d: {  	_ =	shalt  }
0x6e: {  	_ =	shalt  }
0x6f: {  	_ =	shalt  }
0x70: {  	_ =	shalt  }
0x71: {  	_ =	shalt  }
0x72: {  	_ =	shalt  }
0x73: {  	_ =	shalt  }
0x74: {  	_ =	shalt  }
0x75: {  	_ =	shalt  }
0x76: {  	_ =	shalt  }
0x77: {  	_ =	shalt  }
0x78: {  	_ =	shalt  }
0x79: {  	_ =	shalt  }
0x7a: {  	_ =	shalt  }
0x7b: {  	_ =	shalt  }
0x7c: {  	_ =	shalt  }
0x7d: {  	_ =	shalt  }
0x7e: {  	_ =	shalt  }
0x7f: {  	_ =	shalt  }
0x80: {  	_ =	shalt  }
0x81: {  	_ =	shalt  }
0x82: {  	_ =	shalt  }
0x83: {  	_ =	shalt  }
0x84: {  	_ =	shalt  }
0x85: {  	_ =	shalt  }
0x86: {  	_ =	shalt  }
0x87: {  	_ =	shalt  }
.Lfunc_end0:
.L_simem_size_0:
called_computation.7_lowered:
.L_overlay_start_0:
0x88: {  	s2 =	sld [smem:$0x3FD9]  }
0x89: {  	s3 =	sld [smem:$0x3FFE];
	_ =	sdelay $0x1  }
0x8a: {  	s1 =	srdreg.scid  }
0x8b: {  	s0 =	sand.u32 $0x1, s1  }
0x8c: {  	s16 =	sshll.u32 s0, $0xA;
	s2 =	sadd.s32 s3, s2  }
0x8d: {  	s2 =	sadd.s32 s2, s16  }
0x8e: {  	[smem:$0x3FA6] =	sst s2  }
0x8f: {  	_ = 	snop  }
0x90: {  	(tm) =	ssettm $0x1  }
0x91: {  	s17 =	sld [smem:$0x3FFB];
	_ =	sdelay $0x3  }
0x92: {  	_ =	strace s17  }
0x93: {  	s2 =	sld [smem:$0x3FFC];
	_ =	sdelay $0x3  }
0x94: {  	_ =	strace s2  }
0x95: {  	s2 =	sld [smem:$0x3FFD];
	_ =	sdelay $0x3  }
0x96: {  	_ =	strace s2  }
0x97: {  	_ =	strace $0x8FFFFFFF  }
0x98: {  	s18 =	sld [smem:$0x3FDB];
	_ =	sdelay $0x1  }
0x99: {  	s19 =	simm.s32 $_scs_section_size  }
0x9a: {  	s4 =	simm.s32 $_size__tile_overlayer_lowered;
	s5 =	simm.s32 $_tile_overlayer_lowered  }
0x9b: {  	s22 =	simm.s32 $0x1BFF;
	s21 =	sshll.u32 s5, $0x1;
	s2 =	sadd.s32 s19, s18  }
0x9c: {  	s6 =	simm.s32 $0x0;
	s20 =	sshll.u32 s4, $0x1;
	s4 =	sadd.s32 s21, s2  }
0x9d: {  	[timem:s6], [sflag:s22] =	dma.local [hbm:s4], s20  }
0x9e: {  	_ =	swait.ge [sflag:s22], s20  }
0x9f: {  	s3 =	ssub.s32 $0x0, s20;
	[sflag:s22] =	ssyncset.done $0x0  }
0xa0: {  	[sflag:s22] =	ssyncadd.s32 s3;
	_ =	sdelay $0x1  }
0xa1: {  	s23 =	simm.s32 $0x1B8B  }
0xa2: {  	_ =	swait.ge [sflag:s23], $0x1  }
0xa3: {  	[sflag:s23] =	ssyncset.done $0x0  }
0xa4: {  	s25 =	simm.s32 $0x1B8E;
	s24 =	sld [smem:$0x3FFE];
	[sflag:s23] =	ssyncadd.s32 $0xFFFFFFFF  }
0xa5: {  	s26 =	simm.s32 $execute0_lowered;
	[smem:$0x3FD2] =	sst s25  }
0xa6: {  	s4 =	sshll.u32 s26, $0x1;
	_ =	strace $0x80000058;
	[dreg:$0x1] =	wrdreg $0xFFFFFFFF  }
0xa7: {  	s28 =	simm.s32 $_size_execute0_lowered;
	s2 =	sadd.s32 s2, s4;
	[dreg:$0x0] =	wrdreg $0x0  }
0xa8: {  	s4 =	sshll.u32 s28, $0x1;
	[dreg:$0x2] =	wrdreg s2  }
0xa9: {  	[dreg:$0x3] =	wrdreg s4  }
0xaa: {  	[dreg:$0x4] =	wrdreg $0xC0  }
0xab: {  	_ =	task [dreg:s6], $0x5FFFF  }
0xac: {  	[dreg:$0x1] =	wrdreg $0xFFFFFFFF  }
0xad: {  	[dreg:$0x0] =	wrdreg $0x60  }
0xae: {  	[dreg:$0x2] =	wrdreg s24  }
0xaf: {  	[dreg:$0x3] =	wrdreg $0xA  }
0xb0: {  	_ =	task.clear_ibuf [dreg:s6], $0x4FFFF;
	_ =	strace $0x90000058  }
0xb1: {  	s29 =	simm.s32 $0xA;
	_ =	strace $0x8000005A  }
0xb2: {  	_ =	swait.ge [sflag:s29], $0x1  }
0xb3: {  	[sflag:s29] =	ssyncadd.s32 $0xFFFFFFFF  }
0xb4: {  	_ =	strace $0x9000005A  }
0xb5: {  	_ =	sfence  }
0xb6: {  	s30 =	sld [smem:$0x0];
	_ =	sdelay $0x2  }
0xb7: {  	s31 =	sshll.u32 s1, $0xD;
	s1 =	sshrl.u32 s1, $0x2  }
0xb8: {  	s3 =	sand.u32 $0x4000, s31;
	s1 =	sadd.s32 s1, s30  }
0xb9: {  	s0 =	sor.u32 s3, s0;
	s1 =	sshll.u32 s1, $0x11  }
0xba: {  	s0 =	sor.u32 s1, s0  }
0xbb: {  	s0 =	sadd.s32 $0x8F2B, s0  }
0xbc: {  	[sflag:s0] =	ssyncadd.remote.s32 $0x1  }
0xbd: {  	_ =	sfence.sel $0xFFFF  }
0xbe: {  	[dreg:$0x0] =	wrdreg $0xFFFFFFFF;
	(pc) =	sbr.abs _section_cstart, $3  }
0xbf: {  	[dreg:$0x1] =	wrdreg $0xFFFFFFFF  }
0xc0: {  	_ =	task.clear_ibuf [dreg:s6], $0x2FFFF;
	_ =	strace $0x9FFFFFFF  }
0xc1: {  	(tm) =	ssettm $0x7FFFFFFF  }
tec
execute0_lowered:
.L_overlay_start_1:
0x0: {  	(tag) =	ssettag $0x1  }
0x1: {  	s4 =	rddreg [dreg:$0x0]  }
0x2: {  	s0 =	rddreg [dreg:$0x1]  }
0x3: {  	s1 =	simm.s32 $0x0;
	s5 =	srdreg.scid;
	s2 =	stileid.u32  }
0x4: {  	s10 =	simm.s32 $0x1400;
	s11 =	simm.s32 $0x1C00;
	s12 =	simm.s32 $0x2400  }
0x5: {  	s13 =	simm.s32 $0x2C00;
	s14 =	simm.s32 $0x3400;
	s15 =	simm.s32 $0x3C00  }
0x6: {  	s16 =	simm.s32 $0x4400;
	s17 =	simm.s32 $0x4C00;
	s18 =	simm.s32 $0x5400  }
0x7: {  	s19 =	simm.s32 $0x5C00;
	s20 =	simm.s32 $0x6400;
	s21 =	simm.s32 $0x6C00  }
0x8: {  	s22 =	simm.s32 $0x7400;
	s23 =	simm.s32 $0x1;
	s24 =	simm.s32 $0x0  }
0x9: {  	[smem:$0x7FF] =	sst s1;
	s3 =	sadd.s32 $0x8B800, s4;
	s5 =	sand.u32 $0x1, s5  }
0xa: {  	s6 =	sshll.u32 s2, $0x8;
	s7 =	smul.u32 $0xF000, s2;
	_ =	strace $0x80000059  }
0xb: {  	s8 =	sshll.u32 s5, $0x7;
	s9 =	ssub.s32 $0x2, s5;
	s5 =	smul.u32 $0x7800, s5  }
0xc: {  	s6 =	sor.u32 s8, s6;
	s7 =	sadd.s32 s7, s4;
	s30 =	sshrl.u32 s9, $0x1  }
0xd: {  	v2 =	vlaneseq.u32;
	s8 =	simm.s32 $0x400;
	s4 =	sadd.s32 s6, s4;
	s31 =	ssub.s32 s9, s30  }
0xe: {  	vm0 =	vmmov $0xffff;
	v1 =	vshrl.u32 v2, $0x3;
	s7 =	sadd.s32 s5, s7;
	s9 =	simm.s32 $0xC00;
	s4 =	sadd.s32 $0xF000, s4  }
0xf: {  	v0 =	vand.u32 $0x7, v2;
	v2 =	vor.u32 $0x8, v2;
	v1 =	vmul.u32 $0x8, v1;
	s5 =	smax.u32 s31, $0x1;
	s6 =	sadd.s32 $0x174600, s7;
	s7 =	simm.s32 $0x2  }
.LBB2_1:
0x10: {  	[tilespmem:s1], [sflag:$0x2] =	stream.linear.gather [hbm4b:s4+s1], $0x400, $0x38;
	[tilespmem:$0x7C00] =	vst v63  }
0x11: {  	_ =	swait.ge [sflag:s7], $0x400  }
0x12: {  	[sflag:s7] =	ssyncset.done $0x0  }
0x13: {  	s25 =	simm.s32 $0x40;
	s26 =	simm.s32 $0x0;
	[sflag:s7] =	ssyncadd.s32 $0xFFFFFC00  }
.LBB2_2:
0x14: {  	v3 =	vld [tilespmem:s25+$0xFFFFFFC0];
	_ =	sdelay $0x4  }
0x15: {  	v4 =	vshll.u32 v3, $0x1  }
0x16: {  	v3 =	vand.u32 $0x7, v3;
	v4 =	vand.u32 $0xFFFFFFF0, v4  }
0x17: {  	v3 =	vor.u32 v3, v4  }
0x18: {  	v4 =	vperm.xlane v3, v0;
	_ =	sdelay $0x1  }
0x19: {  	v3 =	vperm.xlane v3, v2;
	v4 =	vadd.s32 v1, v4;
	_ =	sdelay $0x1  }
0x1a: {  	v3 =	vadd.s32 v1, v3;
	_ =	sdelay $0x2  }
0x1b: {  	[tilespmem:s8], [sflag:$0x1] =	stream.indirect_vreg.gather [hbm4b:s3+s1], $0x80, v4, vm0, $0xb8;
	[tilespmem:$0x7C00] =	vst v63  }
0x1c: {  	_ = 	snop  }
0x1d: {  	[tilespmem:s9], [sflag:$0x1] =	stream.indirect_vreg.gather [hbm4b:s3+s1], $0x80, v3, vm0, $0xb8;
	[tilespmem:$0x7C00] =	vst v63  }
0x1e: {  	v3 =	vld [tilespmem:s25+$0xFFFFFFD0];
	_ =	sdelay $0x4  }
0x1f: {  	v57 =	vshll.u32 v3, $0x1  }
0x20: {  	v3 =	vand.u32 $0x7, v3;
	v4 =	vand.u32 $0xFFFFFFF0, v57  }
0x21: {  	v3 =	vor.u32 v3, v4  }
0x22: {  	v4 =	vperm.xlane v3, v0;
	_ =	sdelay $0x1  }
0x23: {  	v3 =	vperm.xlane v3, v2;
	v4 =	vadd.s32 v1, v4;
	_ =	sdelay $0x1  }
0x24: {  	v3 =	vadd.s32 v1, v3;
	_ =	sdelay $0x2  }
0x25: {  	[tilespmem:s10], [sflag:$0x1] =	stream.indirect_vreg.gather [hbm4b:s3+s1], $0x80, v4, vm0, $0xb8;
	[tilespmem:$0x7C00] =	vst v63  }
0x26: {  	_ = 	snop  }
0x27: {  	[tilespmem:s11], [sflag:$0x1] =	stream.indirect_vreg.gather [hbm4b:s3+s1], $0x80, v3, vm0, $0xb8;
	[tilespmem:$0x7C00] =	vst v63  }
0x28: {  	v3 =	vld [tilespmem:s25+$0xFFFFFFE0];
	_ =	sdelay $0x4  }
0x29: {  	v58 =	vshll.u32 v3, $0x1  }
0x2a: {  	v3 =	vand.u32 $0x7, v3;
	v4 =	vand.u32 $0xFFFFFFF0, v58  }
0x2b: {  	v3 =	vor.u32 v3, v4  }
0x2c: {  	v4 =	vperm.xlane v3, v0;
	_ =	sdelay $0x1  }
0x2d: {  	v3 =	vperm.xlane v3, v2;
	v4 =	vadd.s32 v1, v4;
	_ =	sdelay $0x1  }
0x2e: {  	v3 =	vadd.s32 v1, v3;
	_ =	sdelay $0x2  }
0x2f: {  	[tilespmem:s12], [sflag:$0x1] =	stream.indirect_vreg.gather [hbm4b:s3+s1], $0x80, v4, vm0, $0xb8;
	[tilespmem:$0x7C00] =	vst v63  }
0x30: {  	_ = 	snop  }
0x31: {  	[tilespmem:s13], [sflag:$0x1] =	stream.indirect_vreg.gather [hbm4b:s3+s1], $0x80, v3, vm0, $0xb8;
	[tilespmem:$0x7C00] =	vst v63  }
0x32: {  	v3 =	vld [tilespmem:s25+$0xFFFFFFF0];
	_ =	sdelay $0x4  }
0x33: {  	v59 =	vshll.u32 v3, $0x1  }
0x34: {  	v3 =	vand.u32 $0x7, v3;
	v4 =	vand.u32 $0xFFFFFFF0, v59  }
0x35: {  	v3 =	vor.u32 v3, v4  }
0x36: {  	v4 =	vperm.xlane v3, v0;
	_ =	sdelay $0x1  }
0x37: {  	v3 =	vperm.xlane v3, v2;
	v4 =	vadd.s32 v1, v4;
	_ =	sdelay $0x1  }
0x38: {  	v3 =	vadd.s32 v1, v3;
	_ =	sdelay $0x2  }
0x39: {  	[tilespmem:s14], [sflag:$0x1] =	stream.indirect_vreg.gather [hbm4b:s3+s1], $0x80, v4, vm0, $0xb8;
	[tilespmem:$0x7C00] =	vst v63  }
0x3a: {  	_ = 	snop  }
0x3b: {  	[tilespmem:s15], [sflag:$0x1] =	stream.indirect_vreg.gather [hbm4b:s3+s1], $0x80, v3, vm0, $0xb8;
	[tilespmem:$0x7C00] =	vst v63  }
0x3c: {  	v3 =	vld [tilespmem:s25+$0x0];
	_ =	sdelay $0x4  }
0x3d: {  	v60 =	vshll.u32 v3, $0x1  }
0x3e: {  	v3 =	vand.u32 $0x7, v3;
	v4 =	vand.u32 $0xFFFFFFF0, v60  }
0x3f: {  	v3 =	vor.u32 v3, v4  }
0x40: {  	v4 =	vperm.xlane v3, v0;
	_ =	sdelay $0x1  }
0x41: {  	v3 =	vperm.xlane v3, v2;
	v4 =	vadd.s32 v1, v4;
	_ =	sdelay $0x1  }
0x42: {  	v3 =	vadd.s32 v1, v3;
	_ =	sdelay $0x2  }
0x43: {  	[tilespmem:s16], [sflag:$0x1] =	stream.indirect_vreg.gather [hbm4b:s3+s1], $0x80, v4, vm0, $0xb8;
	[tilespmem:$0x7C00] =	vst v63  }
0x44: {  	_ = 	snop  }
0x45: {  	[tilespmem:s17], [sflag:$0x1] =	stream.indirect_vreg.gather [hbm4b:s3+s1], $0x80, v3, vm0, $0xb8;
	[tilespmem:$0x7C00] =	vst v63  }
0x46: {  	v3 =	vld [tilespmem:s25+$0x10];
	_ =	sdelay $0x4  }
0x47: {  	v61 =	vshll.u32 v3, $0x1  }
0x48: {  	v3 =	vand.u32 $0x7, v3;
	v4 =	vand.u32 $0xFFFFFFF0, v61  }
0x49: {  	v3 =	vor.u32 v3, v4  }
0x4a: {  	v4 =	vperm.xlane v3, v0;
	_ =	sdelay $0x1  }
0x4b: {  	v3 =	vperm.xlane v3, v2;
	v4 =	vadd.s32 v1, v4;
	_ =	sdelay $0x1  }
0x4c: {  	v3 =	vadd.s32 v1, v3;
	_ =	sdelay $0x2  }
0x4d: {  	[tilespmem:s18], [sflag:$0x1] =	stream.indirect_vreg.gather [hbm4b:s3+s1], $0x80, v4, vm0, $0xb8;
	[tilespmem:$0x7C00] =	vst v63  }
0x4e: {  	_ = 	snop  }
0x4f: {  	[tilespmem:s19], [sflag:$0x1] =	stream.indirect_vreg.gather [hbm4b:s3+s1], $0x80, v3, vm0, $0xb8;
	[tilespmem:$0x7C00] =	vst v63  }
0x50: {  	v3 =	vld [tilespmem:s25+$0x20];
	_ =	sdelay $0x4  }
0x51: {  	v62 =	vshll.u32 v3, $0x1  }
0x52: {  	v3 =	vand.u32 $0x7, v3;
	v4 =	vand.u32 $0xFFFFFFF0, v62  }
0x53: {  	v3 =	vor.u32 v3, v4  }
0x54: {  	v4 =	vperm.xlane v3, v0;
	_ =	sdelay $0x1  }
0x55: {  	v3 =	vperm.xlane v3, v2;
	v4 =	vadd.s32 v1, v4;
	_ =	sdelay $0x1  }
0x56: {  	v3 =	vadd.s32 v1, v3;
	_ =	sdelay $0x2  }
0x57: {  	[tilespmem:s20], [sflag:$0x1] =	stream.indirect_vreg.gather [hbm4b:s3+s1], $0x80, v4, vm0, $0xb8;
	[tilespmem:$0x7C00] =	vst v63  }
0x58: {  	_ = 	snop  }
0x59: {  	[tilespmem:s21], [sflag:$0x1] =	stream.indirect_vreg.gather [hbm4b:s3+s1], $0x80, v3, vm0, $0xb8;
	[tilespmem:$0x7C00] =	vst v63  }
0x5a: {  	v3 =	vld.msk [tilespmem:s25+$0x30], $0xff;
	_ =	sdelay $0x4  }
0x5b: {  	v63 =	vshll.u32 v3, $0x1  }
0x5c: {  	v3 =	vand.u32 $0x7, v3;
	v4 =	vand.u32 $0xFFFFFFF0, v63  }
0x5d: {  	v3 =	vor.u32 v3, v4  }
0x5e: {  	v3 =	vperm.xlane v3, v0;
	_ =	sdelay $0x1  }
0x5f: {  	v3 =	vadd.s32 v1, v3;
	_ =	sdelay $0x4  }
0x60: {  	[tilespmem:s22], [sflag:$0x1] =	stream.indirect_vreg.gather [hbm4b:s3+s1], $0x80, v3, vm0, $0xb8;
	[tilespmem:$0x7C00] =	vst v63  }
0x61: {  	_ =	swait.ge [sflag:s23], $0x7800  }
0x62: {  	p0 =	sne.s32 s26, $0x6900;
	[sflag:s23] =	ssyncset.done $0x0  }
.Ltmp0:
0x63: {  	s28 =	sadd.s32 s26, s6;
	[sflag:s23] =	ssyncadd.s32 $0xFFFF8800;
	(pc) =	sbr.rel @p0 .LBB2_2-.Ltmp0, $4  }
0x64: {  	[hbm4b:s28+s1] =	stream.linear.scatter [tilespmem:s8], [sflag:$0x2], $0x7800, $0x38;
	[tilespmem:$0x7C00] =	vst v63  }
0x65: {  	_ =	swait.ge [sflag:s7], $0x7800  }
0x66: {  	[sflag:s7] =	ssyncset.done $0x0  }
0x67: {  	s26 =	sadd.s32 $0xF00, s26;
	s25 =	sadd.s32 $0x80, s25;
	[sflag:s7] =	ssyncadd.s32 $0xFFFF8800  }
0x68: {  	s24 =	sadd.s32 $0x1, s24  }
0x69: {  	p0 =	sne.s32 s24, s5  }
.Ltmp1:
0x6a: {  	_ = 	snop;
	(pc) =	sbr.rel @p0 .LBB2_1-.Ltmp1, $1  }
0x6b: {  	_ =	sdelay $0x3  }
0x6c: {  	_ =	sfence.sel $0x180000  }
0x6d: {  	[bflag:$0x0] =	sbarrier.arrive $0xFFFF  }
0x6e: {  	p0 =	sne.s32 s2, $0x0;
	_ =	strace $0x90000059  }
0x6f: {  	s0 =	sadd.s32 @!p0 $0x100000, s0;
	[bflag:$0x2] =	sbarrier.arrive $0xFFFF  }
0x70: {  	[sflag:s0] =	ssyncadd.tile.s32 @!p0 $0x1;
	_ =	shalt  }
.Lfunc_end2:
_tile_overlayer_lowered:
.L_overlay_start_2:
0x71: {  	(tag) =	ssettag $0x2  }
0x72: {  	s0 =	rddreg [dreg:$0x0];
	s2 =	stileid.u32  }
0x73: {  	s1 =	rddreg [dreg:$0x1];
	p0 =	sne.s32 s2, $0x0  }
0x74: {  	s3 =	rddreg [dreg:$0x2];
	[bflag:$0x3] =	sbarrier.arrive $0xFFFF;
	s2 =	simm.s32 @!p0 $0x1C02  }
0x75: {  	[timem:s3], [sflag:s2] =	dma.local @!p0 [hbm:s0], s1  }
0x76: {  	s0 =	simm.s32 @!p0 $0x2  }
0x77: {  	_ =	swait.ge @!p0 [sflag:s0], s1  }
0x78: {  	s1 =	ssub.s32 @!p0 $0x0, s1;
	[sflag:s0] =	ssyncset.done @!p0 $0x0  }
0x79: {  	[sflag:s0] =	ssyncadd.s32 @!p0 s1  }
0x7a: {  	[bflag:$0x3] =	sbarrier.arrive $0xFFFF  }
0x7b: {  	_ =	shalt  }

// kernel: kernel.46.cloned.1.call-start
scs
__scs_entry_jumppad:
0x0: {  	(pc) =	sbr.rel $0x88, $3  }
0x1: {  	(tag) =	ssettag $0x0;
	lr =	simm.s32 $0x1  }
0x2: {  	[smem:$0x3F7F] =	sst lr;
	_ =	strace $0xD0000000  }
0x3: {  	_ = 	snop  }
0x4: {  	_ = 	snop  }
0x5: {  	_ = 	snop  }
0x6: {  	_ = 	snop  }
0x7: {  	_ = 	snop  }
__scs_overlays_trampoline_lowered:
0x8: {  	[smem:$0x3F8E] =	sst s0  }
0x9: {  	[smem:$0x3F8F] =	sst s1  }
0xa: {  	[smem:$0x3F90] =	sst s2  }
0xb: {  	[smem:$0x3F91] =	sst s3  }
0xc: {  	[smem:$0x3F92] =	sst s4  }
0xd: {  	[smem:$0x3F93] =	sst s5  }
0xe: {  	[smem:$0x3F94] =	sst s6  }
0xf: {  	[smem:$0x3F95] =	sst s7  }
0x10: {  	[smem:$0x3F96] =	sst s8  }
0x11: {  	[smem:$0x3F97] =	sst s9;
	s0 =	simm.s32 @!p0 $0x0  }
0x12: {  	s1 =	sld [smem:$0x3F7D];
	s0 =	simm.s32 @p0 $0x1  }
0x13: {  	[smem:$0x3F98] =	sst s0;
	s0 =	simm.s32 @!p1 $0x0  }
0x14: {  	s2 =	sld [smem:$0x3F7C];
	s0 =	simm.s32 @p1 $0x1  }
0x15: {  	[smem:$0x3F99] =	sst s0;
	s0 =	simm.s32 @!p2 $0x0  }
0x16: {  	s3 =	sld [smem:$0x3FDB];
	s0 =	simm.s32 @p2 $0x1  }
0x17: {  	s4 =	simm.s32 $0x1BF5;
	[smem:$0x3F9B] =	sst s0  }
0x18: {  	s0 =	sld [smem:$0x3F7E];
	_ =	swait.ge [sflag:s4], $0x0  }
0x19: {  	s7 =	sld [smem:$0x3F7F]  }
0x1a: {  	s8 =	sadd.s32 $0xFFFFE003, lr  }
0x1b: {  	s9 =	sadd.s32 $0xFFFFFEF7, lr;
	s5 =	simm.s32 $0xFFFFFFFF;
	p2 =	slt.u32 s8, $0xFFFFF086  }
0x1c: {  	p1 =	slt.u32 s9, $0xF7A;
	s5 =	simm.s32 @!p2 $0x0  }
0x1d: {  	s5 =	simm.s32 @p1 $0x1;
	p0 =	seq.s32 s7, s2  }
0x1e: {  	s7 =	smul.u32 @!p0 $0xF7A, s2;
	p2 =	seq.s32 @!p0 s5, $0x0  }
0x1f: {  	s9 =	smul.u32 $0xF7A, s1;
	s8 =	simm.s32 @!p0 $0x1BF5;
	p2 =	por !p2, p0  }
0x20: {  	[sflag:s8] =	ssyncset.s32 @!p0 $0xFFFFF086;
	s6 =	sadd.s32 @!p0 s3, s7;
	s7 =	simm.s32 @!p0 $0x108  }
0x21: {  	s3 =	sadd.s32 s3, s9;
	s6 =	sadd.s32 @!p0 $0x88, s6;
	s7 =	simm.s32 @p2 $0x1082  }
0x22: {  	[simem:s7], [sflag:s8] =	dma.local @!p0 [hbm:s6], $0xF7A  }
0x23: {  	s9 =	sor.u32 $0xD0000000, s2;
	s6 =	simm.s32 $0x108;
	_ =	swait.ge @!p0 [sflag:s8], $0x0  }
0x24: {  	s3 =	sadd.s32 $0x88, s3;
	s6 =	simm.s32 @!p1 $0x1082;
	[sflag:s4] =	ssyncset.s32 $0xFFFFF086  }
0x25: {  	[simem:s6], [sflag:s4] =	dma.local [hbm:s3], $0xF7A  }
0x26: {  	[smem:$0x3F7F] =	sst s1;
	(tag) =	ssettag s2;
	_ =	strace s9  }
0x27: {  	s1 =	sld [smem:$0x3F8F]  }
0x28: {  	s2 =	sld [smem:$0x3F90]  }
0x29: {  	s4 =	sld [smem:$0x3F92]  }
0x2a: {  	p0 =	seq.s32 s5, $0x0;
	s5 =	sld [smem:$0x3F93]  }
0x2b: {  	s6 =	sld [smem:$0x3F94]  }
0x2c: {  	s7 =	sld [smem:$0x3F95]  }
0x2d: {  	s3 =	simm.s32 $0x108;
	s8 =	sld [smem:$0x3F96]  }
0x2e: {  	s3 =	simm.s32 @!p0 $0x1082;
	s9 =	sld [smem:$0x3F97]  }
0x2f: {  	lr =	sadd.s32 s0, s3;
	s0 =	sld [smem:$0x3F8E]  }
0x30: {  	s3 =	sld [smem:$0x3F91]  }
0x31: {  	[smem:$0x3F9A] =	sst s10  }
0x32: {  	s10 =	sld [smem:$0x3F98];
	_ =	sdelay $0x3  }
0x33: {  	p0 =	seq.s32 s10, $0x1;
	s10 =	sld [smem:$0x3F9A];
	_ =	sdelay $0x3  }
0x34: {  	[smem:$0x3F9A] =	sst s10  }
0x35: {  	s10 =	sld [smem:$0x3F99];
	_ =	sdelay $0x3  }
0x36: {  	p1 =	seq.s32 s10, $0x1;
	s10 =	sld [smem:$0x3F9A];
	_ =	sdelay $0x3  }
0x37: {  	[smem:$0x3F9A] =	sst s10  }
0x38: {  	s10 =	sld [smem:$0x3F9B]  }
0x39: {  	_ = 	snop;
	(pc) =	sbr.ind lr, $3  }
0x3a: {  	_ = 	snop  }
0x3b: {  	_ = 	snop  }
0x3c: {  	p2 =	seq.s32 s10, $0x1;
	s10 =	sld [smem:$0x3F9A]  }
0x3d: {  	_ =	shalt  }
0x3e: {  	_ =	shalt  }
0x3f: {  	_ =	shalt  }
0x40: {  	_ =	shalt  }
0x41: {  	_ =	shalt  }
0x42: {  	_ =	shalt  }
0x43: {  	_ =	shalt  }
0x44: {  	_ =	shalt  }
0x45: {  	_ =	shalt  }
0x46: {  	_ =	shalt  }
0x47: {  	_ =	shalt  }
0x48: {  	_ =	shalt  }
0x49: {  	_ =	shalt  }
0x4a: {  	_ =	shalt  }
0x4b: {  	_ =	shalt  }
0x4c: {  	_ =	shalt  }
0x4d: {  	_ =	shalt  }
0x4e: {  	_ =	shalt  }
0x4f: {  	_ =	shalt  }
0x50: {  	_ =	shalt  }
0x51: {  	_ =	shalt  }
0x52: {  	_ =	shalt  }
0x53: {  	_ =	shalt  }
0x54: {  	_ =	shalt  }
0x55: {  	_ =	shalt  }
0x56: {  	_ =	shalt  }
0x57: {  	_ =	shalt  }
0x58: {  	_ =	shalt  }
0x59: {  	_ =	shalt  }
0x5a: {  	_ =	shalt  }
0x5b: {  	_ =	shalt  }
0x5c: {  	_ =	shalt  }
0x5d: {  	_ =	shalt  }
0x5e: {  	_ =	shalt  }
0x5f: {  	_ =	shalt  }
0x60: {  	_ =	shalt  }
0x61: {  	_ =	shalt  }
0x62: {  	_ =	shalt  }
0x63: {  	_ =	shalt  }
0x64: {  	_ =	shalt  }
0x65: {  	_ =	shalt  }
0x66: {  	_ =	shalt  }
0x67: {  	_ =	shalt  }
0x68: {  	_ =	shalt  }
0x69: {  	_ =	shalt  }
0x6a: {  	_ =	shalt  }
0x6b: {  	_ =	shalt  }
0x6c: {  	_ =	shalt  }
0x6d: {  	_ =	shalt  }
0x6e: {  	_ =	shalt  }
0x6f: {  	_ =	shalt  }
0x70: {  	_ =	shalt  }
0x71: {  	_ =	shalt  }
0x72: {  	_ =	shalt  }
0x73: {  	_ =	shalt  }
0x74: {  	_ =	shalt  }
0x75: {  	_ =	shalt  }
0x76: {  	_ =	shalt  }
0x77: {  	_ =	shalt  }
0x78: {  	_ =	shalt  }
0x79: {  	_ =	shalt  }
0x7a: {  	_ =	shalt  }
0x7b: {  	_ =	shalt  }
0x7c: {  	_ =	shalt  }
0x7d: {  	_ =	shalt  }
0x7e: {  	_ =	shalt  }
0x7f: {  	_ =	shalt  }
0x80: {  	_ =	shalt  }
0x81: {  	_ =	shalt  }
0x82: {  	_ =	shalt  }
0x83: {  	_ =	shalt  }
0x84: {  	_ =	shalt  }
0x85: {  	_ =	shalt  }
0x86: {  	_ =	shalt  }
0x87: {  	_ =	shalt  }
.Lfunc_end0:
.L_simem_size_0:
called_computation.8_lowered:
.L_overlay_start_0:
0x88: {  	s2 =	sld [smem:$0x3FD9]  }
0x89: {  	s3 =	sld [smem:$0x3FFE];
	_ =	sdelay $0x1  }
0x8a: {  	s1 =	srdreg.scid  }
0x8b: {  	s0 =	sand.u32 $0x1, s1  }
0x8c: {  	s16 =	sshll.u32 s0, $0xA;
	s2 =	sadd.s32 s3, s2  }
0x8d: {  	s2 =	sadd.s32 s2, s16  }
0x8e: {  	[smem:$0x3FA6] =	sst s2  }
0x8f: {  	_ = 	snop  }
0x90: {  	(tm) =	ssettm $0x1  }
0x91: {  	s17 =	sld [smem:$0x3FFB];
	_ =	sdelay $0x3  }
0x92: {  	_ =	strace s17  }
0x93: {  	s2 =	sld [smem:$0x3FFC];
	_ =	sdelay $0x3  }
0x94: {  	_ =	strace s2  }
0x95: {  	s2 =	sld [smem:$0x3FFD];
	_ =	sdelay $0x3  }
0x96: {  	_ =	strace s2  }
0x97: {  	_ =	strace $0x8FFFFFFF  }
0x98: {  	s18 =	sld [smem:$0x3FDB];
	_ =	sdelay $0x1  }
0x99: {  	s19 =	simm.s32 $_scs_section_size  }
0x9a: {  	s4 =	simm.s32 $_size__tile_overlayer_lowered;
	s5 =	simm.s32 $_tile_overlayer_lowered  }
0x9b: {  	s22 =	simm.s32 $0x1BFF;
	s21 =	sshll.u32 s5, $0x1;
	s2 =	sadd.s32 s19, s18  }
0x9c: {  	s6 =	simm.s32 $0x0;
	s20 =	sshll.u32 s4, $0x1;
	s4 =	sadd.s32 s21, s2  }
0x9d: {  	[timem:s6], [sflag:s22] =	dma.local [hbm:s4], s20  }
0x9e: {  	_ =	swait.ge [sflag:s22], s20  }
0x9f: {  	s3 =	ssub.s32 $0x0, s20;
	[sflag:s22] =	ssyncset.done $0x0  }
0xa0: {  	[sflag:s22] =	ssyncadd.s32 s3;
	_ =	sdelay $0x1  }
0xa1: {  	s23 =	simm.s32 $0x1B8B  }
0xa2: {  	_ =	swait.ge [sflag:s23], $0x1  }
0xa3: {  	[sflag:s23] =	ssyncset.done $0x0  }
0xa4: {  	s25 =	simm.s32 $0x1B8E;
	s24 =	sld [smem:$0x3FFE];
	[sflag:s23] =	ssyncadd.s32 $0xFFFFFFFF  }
0xa5: {  	s26 =	simm.s32 $execute0_lowered;
	[smem:$0x3FD2] =	sst s25  }
0xa6: {  	s4 =	sshll.u32 s26, $0x1;
	_ =	strace $0x8000005E;
	[dreg:$0x1] =	wrdreg $0xFFFFFFFF  }
0xa7: {  	s28 =	simm.s32 $_size_execute0_lowered;
	s2 =	sadd.s32 s2, s4;
	[dreg:$0x0] =	wrdreg $0x0  }
0xa8: {  	s4 =	sshll.u32 s28, $0x1;
	[dreg:$0x2] =	wrdreg s2  }
0xa9: {  	[dreg:$0x3] =	wrdreg s4  }
0xaa: {  	[dreg:$0x4] =	wrdreg $0xC0  }
0xab: {  	_ =	task [dreg:s6], $0x5FFFF  }
0xac: {  	[dreg:$0x1] =	wrdreg $0xFFFFFFFF  }
0xad: {  	[dreg:$0x0] =	wrdreg $0x60  }
0xae: {  	[dreg:$0x2] =	wrdreg s24  }
0xaf: {  	[dreg:$0x3] =	wrdreg $0x50000  }
0xb0: {  	[dreg:$0x4] =	wrdreg $0x9  }
0xb1: {  	_ =	task.clear_ibuf [dreg:s6], $0x5FFFF;
	_ =	strace $0x9000005E  }
0xb2: {  	s29 =	simm.s32 $0x9;
	_ =	strace $0x80000060  }
0xb3: {  	_ =	swait.ge [sflag:s29], $0x1  }
0xb4: {  	[sflag:s29] =	ssyncadd.s32 $0xFFFFFFFF  }
0xb5: {  	_ =	strace $0x90000060  }
0xb6: {  	_ =	sfence  }
0xb7: {  	s30 =	sld [smem:$0x0];
	_ =	sdelay $0x2  }
0xb8: {  	s31 =	sshll.u32 s1, $0xD;
	s1 =	sshrl.u32 s1, $0x2  }
0xb9: {  	s3 =	sand.u32 $0x4000, s31;
	s1 =	sadd.s32 s1, s30  }
0xba: {  	s0 =	sor.u32 s3, s0;
	s1 =	sshll.u32 s1, $0x11  }
0xbb: {  	s0 =	sor.u32 s1, s0  }
0xbc: {  	s0 =	sadd.s32 $0x8F2B, s0  }
0xbd: {  	[sflag:s0] =	ssyncadd.remote.s32 $0x1  }
0xbe: {  	_ =	sfence.sel $0xFFFF  }
0xbf: {  	[dreg:$0x0] =	wrdreg $0xFFFFFFFF;
	(pc) =	sbr.abs _section_cstart, $3  }
0xc0: {  	[dreg:$0x1] =	wrdreg $0xFFFFFFFF  }
0xc1: {  	_ =	task.clear_ibuf [dreg:s6], $0x2FFFF;
	_ =	strace $0x9FFFFFFF  }
0xc2: {  	(tm) =	ssettm $0x7FFFFFFF  }
0xc3: {  	_ =	shalt  }
tec
execute0_lowered:
.L_overlay_start_1:
0x0: {  	(tag) =	ssettag $0x1  }
0x1: {  	s5 =	rddreg [dreg:$0x0]  }
0x2: {  	s2 =	rddreg [dreg:$0x1]  }
0x3: {  	s0 =	rddreg [dreg:$0x2];
	s3 =	simm.s32 $0x0;
	s1 =	stileid.u32  }
0x4: {  	s6 =	srdreg.scid;
	s15 =	simm.s32 $0x400;
	s16 =	simm.s32 $0x1000  }
0x5: {  	s17 =	simm.s32 $0x80;
	s18 =	simm.s32 $0x8;
	s19 =	simm.s32 $0x100  }
0x6: {  	s20 =	simm.s32 $0x0;
	[smem:$0x7FF] =	sst s3;
	s4 =	smul.u32 $0xF000, s1  }
0x7: {  	s6 =	sand.u32 $0x1, s6;
	s7 =	smul.u32 $0x27800, s1;
	s25 =	sshll.u32 s1, $0x8  }
0x8: {  	s12 =	smul.u32 $0x4F000, s1;
	s13 =	sshll.u32 s1, $0x6;
	_ =	strace $0x8000005F  }
0x9: {  	s9 =	sshll.u32 s6, $0xA;
	s10 =	sadd.s32 s25, s5;
	s28 =	ssub.s32 $0x2, s6  }
0xa: {  	s30 =	sshll.u32 s6, $0x7;
	s13 =	sor.u32 $0x1C01, s13;
	s8 =	sadd.s32 s4, s5  }
0xb: {  	s26 =	sor.u32 s9, s7;
	s11 =	sshrl.u32 s28, $0x1;
	s4 =	sadd.s32 $0x89000, s5  }
0xc: {  	s29 =	sshrl.u32 s12, $0x2;
	s6 =	sadd.s32 $0xD200, s10;
	s12 =	simm.s32 $0x800  }
0xd: {  	s9 =	sshrl.u32 s26, $0x3;
	s11 =	ssub.s32 s28, s11;
	s14 =	sadd.s32 s29, s2  }
0xe: {  	s31 =	sadd.s32 s30, s8;
	s9 =	sadd.s32 s9, s5;
	s5 =	sadd.s32 $0xFB600, s10  }
0xf: {  	s8 =	smax.u32 s11, $0x1;
	s10 =	sadd.s32 $0x354600, s31;
	s11 =	simm.s32 $0x1  }
0x10: {  	s14 =	sshrl.u32 s14, $0x3;
	s7 =	sadd.s32 $0xEE00, s9;
	s9 =	sadd.s32 $0xFC600, s31  }
.LBB2_1:
0x11: {  	[tilespmem:s3], [sflag:$0x1] =	stream.linear.gather [hbm4b:s5+s3], $0x780, $0x38;
	[tilespmem:$0x18C00] =	vst v63  }
0x12: {  	_ =	swait.ge [sflag:s11], $0x780  }
0x13: {  	[sflag:s11] =	ssyncset.done $0x0  }
0x14: {  	[sflag:s11] =	ssyncadd.s32 $0xFFFFF880  }
0x15: {  	[tilespmem:s12], [sflag:$0x1] =	stream.linear.gather [hbm4b:s6+s3], $0x780, $0x38;
	[tilespmem:$0x18C00] =	vst v63  }
0x16: {  	_ =	swait.ge [sflag:s11], $0x780  }
0x17: {  	[sflag:s11] =	ssyncset.done $0x0  }
0x18: {  	[sflag:s11] =	ssyncadd.s32 $0xFFFFF880  }
0x19: {  	[spmem:s14], [sflag:s13] =	dma.local [hbm:s4], $0x2780  }
0x1a: {  	_ =	swait.ge [sflag:s11], $0x2780  }
0x1b: {  	[sflag:s11] =	ssyncset.done $0x0  }
0x1c: {  	[sflag:s11] =	ssyncadd.s32 $0xFFFFD880  }
0x1d: {  	[bflag:$0x0] =	sbarrier.arrive $0xFFFF  }
0x1e: {  	[tilespmem:s16], [sflag:$0x1] =	stream.strided.gather [hbm4b:s9+s15], $0x4000, s12, s15, $0x38;
	[tilespmem:$0x18C00] =	vst v63  }
0x1f: {  	_ =	swait.ge [sflag:s11], $0x4000  }
0x20: {  	[sflag:s11] =	ssyncset.done $0x0  }
0x21: {  	s21 =	simm.s32 $0x0;
	[sflag:s11] =	ssyncadd.s32 $0xFFFFC000  }
0x22: {  	[spmem:s2] =	stream.indirect.scatter.add.f32 [tilespmem:s16], [sflag:$0x1], $0x80, s21, s17, $0xb8;
	[tilespmem:$0x18C00] =	vst v63  }
0x23: {  	_ =	swait.ge [sflag:s11], $0x4000  }
0x24: {  	s22 =	smov.u32 s9;
	s21 =	simm.s32 $0x200;
	[sflag:s11] =	ssyncset.done $0x0  }
.LBB2_2:
0x25: {  	p0 =	sne.s32 s21, $0x1C00;
	[sflag:s11] =	ssyncadd.s32 $0xFFFFC000;
	s22 =	sadd.s32 $0x1000, s22  }
0x26: {  	[tilespmem:s16], [sflag:$0x1] =	stream.strided.gather [hbm4b:s22+s15], $0x4000, s12, s15, $0x38;
	[tilespmem:$0x18C00] =	vst v63  }
0x27: {  	s23 =	smov.u32 s21;
	s21 =	sadd.s32 $0x200, s21;
	_ =	swait.ge [sflag:s11], $0x4000  }
.Ltmp0:
0x28: {  	[sflag:s11] =	ssyncset.done $0x0;
	(pc) =	sbr.rel @p0 .LBB2_2-.Ltmp0, $4  }
0x29: {  	s23 =	sshra.s32 s23, $0x2;
	[sflag:s11] =	ssyncadd.s32 $0xFFFFC000  }
0x2a: {  	[spmem:s2] =	stream.indirect.scatter.add.f32 [tilespmem:s16], [sflag:$0x1], $0x80, s23, s17, $0xb8;
	[tilespmem:$0x18C00] =	vst v63  }
0x2b: {  	_ =	swait.ge [sflag:s11], $0x4000  }
0x2c: {  	[sflag:s11] =	ssyncset.done $0x0  }
0x2d: {  	[sflag:s11] =	ssyncadd.s32 $0xFFFFC000  }
0x2e: {  	[tilespmem:s16], [sflag:$0x1] =	stream.strided.gather [hbm4b:s10+s15], $0x4000, s12, s15, $0x38;
	[tilespmem:$0x18C00] =	vst v63  }
0x2f: {  	_ =	swait.ge [sflag:s11], $0x4000  }
0x30: {  	[sflag:s11] =	ssyncset.done $0x0  }
0x31: {  	s21 =	simm.s32 $0x800;
	[sflag:s11] =	ssyncadd.s32 $0xFFFFC000  }
0x32: {  	[spmem:s2] =	stream.indirect.scatter.add.f32 [tilespmem:s16], [sflag:$0x1], $0x80, s21, s17, $0xb8;
	[tilespmem:$0x18C00] =	vst v63  }
0x33: {  	_ =	swait.ge [sflag:s11], $0x4000  }
0x34: {  	s22 =	smov.u32 s10;
	s21 =	simm.s32 $0x200;
	[sflag:s11] =	ssyncset.done $0x0  }
.LBB2_4:
0x35: {  	p0 =	sne.s32 s21, $0x1C00;
	[sflag:s11] =	ssyncadd.s32 $0xFFFFC000;
	s22 =	sadd.s32 $0x1000, s22  }
0x36: {  	[tilespmem:s16], [sflag:$0x1] =	stream.strided.gather [hbm4b:s22+s15], $0x4000, s12, s15, $0x38;
	[tilespmem:$0x18C00] =	vst v63  }
0x37: {  	s23 =	smov.u32 s21;
	s21 =	sadd.s32 $0x200, s21;
	_ =	swait.ge [sflag:s11], $0x4000  }
.Ltmp1:
0x38: {  	s23 =	sshra.s32 s23, $0x2;
	[sflag:s11] =	ssyncset.done $0x0;
	(pc) =	sbr.rel @p0 .LBB2_4-.Ltmp1, $4  }
0x39: {  	s23 =	sadd.s32 $0x800, s23;
	[sflag:s11] =	ssyncadd.s32 $0xFFFFC000  }
0x3a: {  	[spmem:s2] =	stream.indirect.scatter.add.f32 [tilespmem:s16], [sflag:$0x1], $0x80, s23, s17, $0xb8;
	[tilespmem:$0x18C00] =	vst v63  }
0x3b: {  	_ =	swait.ge [sflag:s11], $0x4000  }
0x3c: {  	[sflag:s11] =	ssyncset.done $0x0  }
0x3d: {  	s20 =	sadd.s32 $0x1, s20  }
0x3e: {  	[sflag:s11] =	ssyncadd.s32 $0xFFFFC000;
	p0 =	sne.s32 s20, s8  }
.Ltmp2:
0x3f: {  	[bflag:$0x0] =	sbarrier.arrive $0xFFFF;
	(pc) =	sbr.rel @p0 .LBB2_1-.Ltmp2, $4  }
0x40: {  	[hbm:s7@s19], [sflag:s13] =	dma.strided [spmem:s14@s17], $0x2780, s18, $0x10   }
0x41: {  	_ =	swait.ge [sflag:s11], $0x2780  }
0x42: {  	[sflag:s11] =	ssyncset.done $0x0  }
0x43: {  	[sflag:s11] =	ssyncadd.s32 $0xFFFFD880  }
0x44: {  	_ =	sfence.sel $0x180000  }
0x45: {  	[bflag:$0x0] =	sbarrier.arrive $0xFFFF  }
0x46: {  	p0 =	sne.s32 s1, $0x0;
	_ =	strace $0x9000005F  }
0x47: {  	s0 =	sadd.s32 @!p0 $0x100000, s0;
	[bflag:$0x2] =	sbarrier.arrive $0xFFFF  }
0x48: {  	[sflag:s0] =	ssyncadd.tile.s32 @!p0 $0x1;
	_ =	shalt  }
.Lfunc_end2:
_tile_overlayer_lowered:
.L_overlay_start_2:
0x49: {  	(tag) =	ssettag $0x2  }
0x4a: {  	s0 =	rddreg [dreg:$0x0];
	s2 =	stileid.u32  }
0x4b: {  	s1 =	rddreg [dreg:$0x1];
	p0 =	sne.s32 s2, $0x0  }
0x4c: {  	s3 =	rddreg [dreg:$0x2];
	[bflag:$0x3] =	sbarrier.arrive $0xFFFF;
	s2 =	simm.s32 @!p0 $0x1C01  }
0x4d: {  	[timem:s3], [sflag:s2] =	dma.local @!p0 [hbm:s0], s1  }
0x4e: {  	s0 =	simm.s32 @!p0 $0x1  }
0x4f: {  	_ =	swait.ge @!p0 [sflag:s0], s1  }
0x50: {  	s1 =	ssub.s32 @!p0 $0x0, s1;
	[sflag:s0] =	ssyncset.done @!p0 $0x0  }
0x51: {  	[sflag:s0] =	ssyncadd.s32 @!p0 s1  }
0x52: {  	[bflag:$0x3] =	sbarrier.arrive $0xFFFF  }
0x53: {  	_ =	shalt  }

</sc_bundles>
